<compile_context>
chip_gen: v7x
topology: tpu7x:2x2x1
jax: 0.10.2.dev20260603
libtpu: 0.0.44.dev20260713+nightly
codegen_flags: <defaults>
</compile_context>

<pallas_src>
import functools

import jax
import jax.numpy as jnp
from jax import lax
from jax.experimental import pallas as pl
from jax.experimental.pallas import tpu as pltpu
from jax.experimental.pallas import tpu_sc as plsc

_VOCAB = 1000000
_EMBED_DIM = 64
_BATCH = 1024
_SEQ = 200

_NUM_WORKERS = 32
_CHUNK = 128
_TOTAL = _BATCH * _SEQ
_CHUNKS_PER_W = _TOTAL // (_NUM_WORKERS * _CHUNK)
_ROWS_PER_W = _CHUNKS_PER_W * _CHUNK


_VB2 = 3906
_VB2_MAIN = 3904
_TAIL_V = 999936


def _iota16():
    return lax.broadcasted_iota(jnp.int32, (16,), 0)


def _tp_block(blk, trans, n_c, n_d=_EMBED_DIM):
    it = _iota16()
    it_half = lax.shift_right_logical(it, 1)
    par64 = (it & 1) * n_d
    dvecs = [(it + s) & 15 for s in range(16)]
    nd16 = n_d // 16

    def body(m, _):
        d0 = (m & (nd16 - 1)) * 16
        c0 = lax.shift_right_logical(m, nd16.bit_length() - 1) * 16
        gcols = c0 + it
        srows = lax.shift_right_logical(c0, 1) + it_half
        for s0 in range(0, 16, 8):
            dvs = [dvecs[s0 + u] + d0 for u in range(8)]
            vs = [plsc.load_gather(blk, [dv, gcols]) for dv in dvs]
            for u in range(8):
                plsc.store_scatter(trans, [srows, par64 + dvs[u]], vs[u])
        return 0

    lax.fori_loop(0, nd16 * (n_c // 16), body, 0)


def _sc_table_body(tt_hbm, out_hbm, blk0, blk1, trans0, trans1, blk_t, trans_t,
                   sem_in, sem_out):
    nc = 2
    w = lax.axis_index("s") * nc + lax.axis_index("c")
    blks = (blk0, blk1)
    transs = (trans0, trans1)

    def src_at(g):
        return tt_hbm.at[:, pl.ds(pl.multiple_of(g * 256, 256), 256)]

    def dst_at(g):
        return out_hbm.at[pl.ds(pl.multiple_of(g * 128, 128), 128), :]

    pltpu.async_copy(src_at(w), blk0, sem_in)
    pltpu.async_copy(src_at(w + 32), blk1, sem_in)

    def pair(t, _):
        for b in range(2):
            i = 2 * t + b
            g = w + 32 * i
            pltpu.make_async_copy(src_at(g), blks[b], sem_in).wait()

            @pl.when(i >= 2)
            def _():
                pltpu.make_async_copy(
                    transs[b], dst_at(w + 32 * (i - 2)), sem_out
                ).wait()

            _tp_block(blks[b], transs[b], 256)
            pltpu.async_copy(transs[b], dst_at(g), sem_out)

            @pl.when(i + 2 < 122)
            def _():
                pltpu.async_copy(src_at(w + 32 * (i + 2)), blks[b], sem_in)
        return 0

    lax.fori_loop(0, 61, pair, 0)
    pltpu.make_async_copy(trans0, dst_at(w + 32 * 120), sem_out).wait()
    pltpu.make_async_copy(trans1, dst_at(w + 32 * 121), sem_out).wait()

    @pl.when(w < 2)
    def _():
        g = _VB2_MAIN + w
        pltpu.sync_copy(src_at(g), blk0)
        _tp_block(blk0, trans0, 256)
        pltpu.sync_copy(trans0, dst_at(g))

    @pl.when(w == 2)
    def _():
        pltpu.sync_copy(tt_hbm.at[:, pl.ds(_TAIL_V, 64)], blk_t)
        _tp_block(blk_t, trans_t, 64)
        pltpu.sync_copy(trans_t, out_hbm.at[pl.ds(_TAIL_V // 2, 32), :])


@functools.cache
def _sc_table():
    return pl.kernel(
        _sc_table_body,
        out_type=jax.ShapeDtypeStruct((_VOCAB // 2, 128), jnp.float32),
        mesh=plsc.VectorSubcoreMesh(core_axis_name="c", subcore_axis_name="s"),
        scratch_types=[
            pltpu.VMEM((_EMBED_DIM, 256), jnp.float32),
            pltpu.VMEM((_EMBED_DIM, 256), jnp.float32),
            pltpu.VMEM((128, 128), jnp.float32),
            pltpu.VMEM((128, 128), jnp.float32),
            pltpu.VMEM((_EMBED_DIM, 64), jnp.float32),
            pltpu.VMEM((32, 128), jnp.float32),
            pltpu.SemaphoreType.DMA,
            pltpu.SemaphoreType.DMA,
        ],
        compiler_params=pltpu.CompilerParams(
            use_tc_tiling_on_sc=True, needs_layout_passes=False
        ),
    )


def _sc_gatherx_body(idx_hbm, table_hbm, out_hbm, idxb, lines, lines2, rows_v,
                     rows_v2, xu, sem):
    nc = 2
    w = lax.axis_index("s") * nc + lax.axis_index("c")
    it = _iota16()
    dvecs = [(it + s) & 15 for s in range(16)]

    def unit(t, _):
        u = w + 32 * t

        @pl.when(u < 200)
        def _():
            so = u // 8
            j = u - so * 8
            pltpu.sync_copy(
                idx_hbm.at[
                    pl.ds(pl.multiple_of(so * 8, 8), 8),
                    pl.ds(pl.multiple_of(j * 128, 128), 128),
                ],
                idxb,
            )

            def fill_lines(r, lref):
                for g in range(8):
                    v = idxb[r, pl.ds(g * 16, 16)]
                    lref[pl.ds(g * 16, 16)] = lax.shift_right_logical(v, 1)

            def transpose_row(r, rref):
                def sub(m, _):
                    d0 = (m & 3) * 16
                    l0 = lax.shift_right_logical(m, 2) * 16
                    parv = (idxb[r, pl.ds(l0, 16)] & 1) * 64
                    grows = l0 + it
                    for s0 in range(0, 16, 8):
                        dvs = [dvecs[s0 + q] + d0 for q in range(8)]
                        vs = [
                            plsc.load_gather(rref, [grows, parv + dv])
                            for dv in dvs
                        ]
                        for q in range(8):
                            plsc.store_scatter(xu, [dvs[q], grows], vs[q])
                    return 0

                lax.fori_loop(0, 32, sub, 0)

            liness = (lines, lines2)
            rowss = (rows_v, rows_v2)
            fill_lines(0, lines)
            pltpu.async_copy(table_hbm.at[lines], rows_v, sem)
            fill_lines(1, lines2)
            pltpu.async_copy(table_hbm.at[lines2], rows_v2, sem)

            def pair(t, _):
                for b in range(2):
                    r = 2 * t + b
                    pltpu.make_async_copy(
                        table_hbm.at[liness[b]], rowss[b], sem
                    ).wait()
                    transpose_row(r, rowss[b])

                    @pl.when(t < 3)
                    def _():
                        fill_lines(r + 2, liness[b])
                        pltpu.async_copy(
                            table_hbm.at[liness[b]], rowss[b], sem
                        )

                    pltpu.sync_copy(
                        xu,
                        out_hbm.at[
                            so * 8 + r,
                            :,
                            pl.ds(pl.multiple_of(j * 128, 128), 128),
                        ],
                    )
                return 0

            lax.fori_loop(0, 4, pair, 0)

        return 0

    lax.fori_loop(0, 7, unit, 0)


@functools.cache
def _sc_gatherx():
    return pl.kernel(
        _sc_gatherx_body,
        out_type=jax.ShapeDtypeStruct((_SEQ, _EMBED_DIM, _BATCH), jnp.float32),
        mesh=plsc.VectorSubcoreMesh(core_axis_name="c", subcore_axis_name="s"),
        scratch_types=[
            pltpu.VMEM((8, 128), jnp.int32),
            pltpu.VMEM((128,), jnp.int32),
            pltpu.VMEM((128,), jnp.int32),
            pltpu.VMEM((128, 128), jnp.float32),
            pltpu.VMEM((128, 128), jnp.float32),
            pltpu.VMEM((_EMBED_DIM, 128), jnp.float32),
            pltpu.SemaphoreType.DMA,
        ],
        compiler_params=pltpu.CompilerParams(
            use_tc_tiling_on_sc=True, needs_layout_passes=False
        ),
    )


_QB = 2


def _tc_mask_body(mask_ref, idx_ref, attn_ref, loss_ref):
    keep = idx_ref[...] != 0
    attn_ref[...] = mask_ref[...] * keep[None].astype(jnp.float32)
    loss_ref[...] = keep


def _tc_mask(mask_t, idx_t):
    return pl.pallas_call(
        _tc_mask_body,
        grid=(_SEQ // _QB,),
        in_specs=[
            pl.BlockSpec((_QB, _SEQ, _BATCH), lambda i: (i, 0, 0)),
            pl.BlockSpec((_SEQ, _BATCH), lambda i: (0, 0)),
        ],
        out_specs=[
            pl.BlockSpec((_QB, _SEQ, _BATCH), lambda i: (i, 0, 0)),
            pl.BlockSpec((_SEQ, _BATCH), lambda i: (0, 0)),
        ],
        out_shape=[
            jax.ShapeDtypeStruct((_SEQ, _SEQ, _BATCH), jnp.float32),
            jax.ShapeDtypeStruct((_SEQ, _BATCH), jnp.bool_),
        ],
        cost_estimate=pl.CostEstimate(
            flops=2 * _SEQ * _SEQ * _BATCH,
            bytes_accessed=2 * _SEQ * _SEQ * _BATCH * 4,
            transcendentals=0,
        ),
    )(mask_t, idx_t)


def kernel(inputs, mask, table):
    mask_t = jnp.transpose(mask.reshape(_BATCH, _SEQ, _SEQ), (1, 2, 0))
    attn_t, loss_t = _tc_mask(mask_t, inputs.T)
    tl2 = _sc_table()(table.T)
    xt3 = _sc_gatherx()(inputs.T, tl2)
    attn = jnp.transpose(attn_t, (2, 0, 1)).reshape(_BATCH, 1, _SEQ, _SEQ)
    return (
        jnp.transpose(xt3, (2, 0, 1)),
        attn,
        loss_t.T,
    )

# --- scband reference (transcript-rebuilt; emitter-appended) ---
"""Pipeline reference for scband-mask-embedder-1632087573013 (READ-ONLY COPY).

The authoritative reference and input builder live on the scoring server;
editing this copy changes nothing except your own understanding.
"""

import jax, jax.numpy as jnp
import numpy as np

VOCAB = 1000000
EMBED_DIM = 64
BATCH = 1024
SEQ = 200

def setup_inputs(seed: int = 0) -> dict:
    key = jax.random.key(seed)
    k_idx, k_mask, k_tab = jax.random.split(key, 3)
    inputs = jax.random.randint(k_idx, (BATCH, SEQ), 0, VOCAB, dtype=jnp.int64 if jax.config.jax_enable_x64 else jnp.int32).astype(jnp.int32)
    mask = jax.random.uniform(k_mask, (BATCH, 1, SEQ, SEQ), dtype=jnp.float32)
    table = jax.random.normal(k_tab, (VOCAB, EMBED_DIM), dtype=jnp.float32) * 0.02
    return {"inputs": inputs, "mask": mask, "table": table}

def reference(inputs, mask, table):
    # X = embedding_layer(inputs)  -> gather rows from table
    X = jnp.take(table, inputs, axis=0)
    # loss_mask = embedding_layer.compute_mask(inputs)  (mask_zero=True -> inputs != 0)
    loss_mask = inputs != 0
    # padding_mask = cast(loss_mask[:, None, None, :], float32)
    padding_mask = loss_mask[:, jnp.newaxis, jnp.newaxis, :].astype(jnp.float32)
    # attn_mask = mask * padding_mask  (broadcast over query axis)
    attn_mask = mask * padding_mask
    return (X, attn_mask, loss_mask)

if __name__ == "__main__":
    import jax
    _d = setup_inputs()
    print(jax.jit(kernel)(*tuple(_d.values())))

</pallas_src>

<mosaic_0001>
#map = affine_map<(d0, d1) -> (0, 0)>
module attributes {stable_mosaic.version = 14 : i64} {
  func.func @_sc_table_body(%arg0: i32, %arg1: i32, %arg2: memref<64x1000000xf32, #tpu.memory_space<hbm>>, %arg3: memref<500000x128xf32, #tpu.memory_space<hbm>>, %arg4: memref<64x256xf32, #tpu.memory_space<vmem>>, %arg5: memref<64x256xf32, #tpu.memory_space<vmem>>, %arg6: memref<128x128xf32, #tpu.memory_space<vmem>>, %arg7: memref<128x128xf32, #tpu.memory_space<vmem>>, %arg8: memref<64x64xf32, #tpu.memory_space<vmem>>, %arg9: memref<32x128xf32, #tpu.memory_space<vmem>>, %arg10: memref<!tpu.dma_semaphore, #tpu.memory_space<semaphore_mem>>, %arg11: memref<!tpu.dma_semaphore, #tpu.memory_space<semaphore_mem>>) attributes {dimension_semantics = [#tpu.dimension_semantics<core_parallel>, #tpu.dimension_semantics<subcore_parallel>], iteration_bounds = array<i64: 2, 16>, scalar_prefetch = 0 : i64, scratch_operands = 8 : i64, tpu.core_type = #tpu.core_type<sc_vector_subcore>, window_params = [{transform_indices = #map}, {transform_indices = #map}]} {
    %mul3A = arith.constant 2 : i32
    %mul3A_0 = arith.muli %arg1, %mul3A : i32
    %add3A = arith.addi %mul3A_0, %arg0 : i32
    %mul3A_1 = arith.constant 256 : i32
    %mul3A_2 = arith.muli %add3A, %mul3A_1 : i32
    %multiple_of3A = tpu.assume_multiple %mul3A_2, 256 : i32
    %dma_start3A = arith.constant 0 : i32
    %dma_start3A_3 = tpu.memref_slice %arg2[%dma_start3A, %multiple_of3A] : memref<64x1000000xf32, #tpu.memory_space<hbm>> -> memref<64x256xf32, #tpu.memory_space<hbm>>
    %dma_start3A_4 = arith.constant 0 : i32
    %dma_start3A_5 = tpu.memref_slice %arg2[%dma_start3A_4, %multiple_of3A] : memref<64x1000000xf32, #tpu.memory_space<hbm>> -> memref<64x256xf32, #tpu.memory_space<hbm>>
    tpu.enqueue_dma source(%dma_start3A_5 : memref<64x256xf32, #tpu.memory_space<hbm>>) target(%arg4 : memref<64x256xf32, #tpu.memory_space<vmem>>) target_semaphore(%arg10 : memref<!tpu.dma_semaphore, #tpu.memory_space<semaphore_mem>>)
    %add3A_6 = arith.constant 32 : i32
    %add3A_7 = arith.addi %add3A, %add3A_6 : i32
    %mul3A_8 = arith.constant 256 : i32
    %mul3A_9 = arith.muli %add3A_7, %mul3A_8 : i32
    %multiple_of3A_10 = tpu.assume_multiple %mul3A_9, 256 : i32
    %dma_start3A_11 = arith.constant 0 : i32
    %dma_start3A_12 = tpu.memref_slice %arg2[%dma_start3A_11, %multiple_of3A_10] : memref<64x1000000xf32, #tpu.memory_space<hbm>> -> memref<64x256xf32, #tpu.memory_space<hbm>>
    %dma_start3A_13 = arith.constant 0 : i32
    %dma_start3A_14 = tpu.memref_slice %arg2[%dma_start3A_13, %multiple_of3A_10] : memref<64x1000000xf32, #tpu.memory_space<hbm>> -> memref<64x256xf32, #tpu.memory_space<hbm>>
    tpu.enqueue_dma source(%dma_start3A_14 : memref<64x256xf32, #tpu.memory_space<hbm>>) target(%arg5 : memref<64x256xf32, #tpu.memory_space<vmem>>) target_semaphore(%arg10 : memref<!tpu.dma_semaphore, #tpu.memory_space<semaphore_mem>>)
    %scan3A = arith.constant 0 : i32
    %scan3A_15 = arith.constant 0 : i32
    %scan3A_16 = arith.constant 61 : i32
    %scan3A_17 = arith.addi %scan3A_15, %scan3A_16 : i32
    %scan3A_18 = arith.constant 1 : i32
    %scan3A_19 = scf.for %scan3A_44 = %scan3A_15 to %scan3A_17 step %scan3A_18 iter_args(%scan3A_45 = %scan3A) -> (i32)  : i32 {
      %mul3A_46 = arith.constant 2 : i32
      %mul3A_47 = arith.muli %mul3A_46, %scan3A_44 : i32
      %add3A_48 = arith.constant 0 : i32
      %add3A_49 = arith.addi %mul3A_47, %add3A_48 : i32
      %mul3A_50 = arith.constant 32 : i32
      %mul3A_51 = arith.muli %mul3A_50, %add3A_49 : i32
      %add3A_52 = arith.addi %add3A, %mul3A_51 : i32
      %mul3A_53 = arith.constant 256 : i32
      %mul3A_54 = arith.muli %add3A_52, %mul3A_53 : i32
      %multiple_of3A_55 = tpu.assume_multiple %mul3A_54, 256 : i32
      %dma_wait3A_56 = arith.constant 0 : i32
      %dma_wait3A_57 = tpu.memref_slice %arg2[%dma_wait3A_56, %multiple_of3A_55] : memref<64x1000000xf32, #tpu.memory_space<hbm>> -> memref<64x256xf32, #tpu.memory_space<hbm>>
      %dma_wait3A_58 = arith.constant 0 : i32
      %dma_wait3A_59 = tpu.memref_slice %arg2[%dma_wait3A_58, %multiple_of3A_55] : memref<64x1000000xf32, #tpu.memory_space<hbm>> -> memref<64x256xf32, #tpu.memory_space<hbm>>
      tpu.wait_dma2 semaphore(%arg10 : memref<!tpu.dma_semaphore, #tpu.memory_space<semaphore_mem>>) src(%dma_wait3A_59 : memref<64x256xf32, #tpu.memory_space<hbm>>) dst(%arg4 : memref<64x256xf32, #tpu.memory_space<vmem>>)
      %ge3A = arith.constant 2 : i32
      %ge3A_60 = arith.cmpi sge, %add3A_49, %ge3A : i32
      %convert_element_type3A_61 = arith.extui %ge3A_60 : i1 to i32
      %cond3A_62 = arith.constant 0 : i32
      %cond3A_63 = arith.cmpi ne, %convert_element_type3A_61, %cond3A_62 : i32
      scf.if %cond3A_63 {
        %sub3A = arith.constant 2 : i32
        %sub3A_335 = arith.subi %add3A_49, %sub3A : i32
        %mul3A_336 = arith.constant 32 : i32
        %mul3A_337 = arith.muli %mul3A_336, %sub3A_335 : i32
        %add3A_338 = arith.addi %add3A, %mul3A_337 : i32
        %mul3A_339 = arith.constant 128 : i32
        %mul3A_340 = arith.muli %add3A_338, %mul3A_339 : i32
        %multiple_of3A_341 = tpu.assume_multiple %mul3A_340, 128 : i32
        %dma_wait3A_342 = arith.constant 0 : i32
        %dma_wait3A_343 = tpu.memref_slice %arg3[%multiple_of3A_341, %dma_wait3A_342] : memref<500000x128xf32, #tpu.memory_space<hbm>> -> memref<128x128xf32, #tpu.memory_space<hbm>>
        %dma_wait3A_344 = arith.constant 0 : i32
        %dma_wait3A_345 = tpu.memref_slice %arg3[%multiple_of3A_341, %dma_wait3A_344] : memref<500000x128xf32, #tpu.memory_space<hbm>> -> memref<128x128xf32, #tpu.memory_space<hbm>>
        tpu.wait_dma2 semaphore(%arg11 : memref<!tpu.dma_semaphore, #tpu.memory_space<semaphore_mem>>) src(%arg6 : memref<128x128xf32, #tpu.memory_space<vmem>>) dst(%dma_wait3A_345 : memref<128x128xf32, #tpu.memory_space<hbm>>)
      } else {
      }
      %iota3A = tpu.iota {dimensions = array<i32: 0>} : vector<16xi32>
      %shift_right_logical3A = arith.constant 1 : i32
      %shift_right_logical3A_64 = vector.broadcast %shift_right_logical3A : i32 to vector<16xi32>
      %shift_right_logical3A_65 = arith.shrui %iota3A, %shift_right_logical3A_64 : vector<16xi32>
      %and3A = arith.constant 1 : i32
      %and3A_66 = vector.broadcast %and3A : i32 to vector<16xi32>
      %and3A_67 = arith.andi %iota3A, %and3A_66 : vector<16xi32>
      %mul3A_68 = arith.constant 64 : i32
      %mul3A_69 = vector.broadcast %mul3A_68 : i32 to vector<16xi32>
      %mul3A_70 = arith.muli %and3A_67, %mul3A_69 : vector<16xi32>
      %add3A_71 = arith.constant 0 : i32
      %add3A_72 = vector.broadcast %add3A_71 : i32 to vector<16xi32>
      %add3A_73 = arith.addi %iota3A, %add3A_72 : vector<16xi32>
      %and3A_74 = arith.constant 15 : i32
      %and3A_75 = vector.broadcast %and3A_74 : i32 to vector<16xi32>
      %and3A_76 = arith.andi %add3A_73, %and3A_75 : vector<16xi32>
      %add3A_77 = arith.constant 1 : i32
      %add3A_78 = vector.broadcast %add3A_77 : i32 to vector<16xi32>
      %add3A_79 = arith.addi %iota3A, %add3A_78 : vector<16xi32>
      %and3A_80 = arith.constant 15 : i32
      %and3A_81 = vector.broadcast %and3A_80 : i32 to vector<16xi32>
      %and3A_82 = arith.andi %add3A_79, %and3A_81 : vector<16xi32>
      %add3A_83 = arith.constant 2 : i32
      %add3A_84 = vector.broadcast %add3A_83 : i32 to vector<16xi32>
      %add3A_85 = arith.addi %iota3A, %add3A_84 : vector<16xi32>
      %and3A_86 = arith.constant 15 : i32
      %and3A_87 = vector.broadcast %and3A_86 : i32 to vector<16xi32>
      %and3A_88 = arith.andi %add3A_85, %and3A_87 : vector<16xi32>
      %add3A_89 = arith.constant 3 : i32
      %add3A_90 = vector.broadcast %add3A_89 : i32 to vector<16xi32>
      %add3A_91 = arith.addi %iota3A, %add3A_90 : vector<16xi32>
      %and3A_92 = arith.constant 15 : i32
      %and3A_93 = vector.broadcast %and3A_92 : i32 to vector<16xi32>
      %and3A_94 = arith.andi %add3A_91, %and3A_93 : vector<16xi32>
      %add3A_95 = arith.constant 4 : i32
      %add3A_96 = vector.broadcast %add3A_95 : i32 to vector<16xi32>
      %add3A_97 = arith.addi %iota3A, %add3A_96 : vector<16xi32>
      %and3A_98 = arith.constant 15 : i32
      %and3A_99 = vector.broadcast %and3A_98 : i32 to vector<16xi32>
      %and3A_100 = arith.andi %add3A_97, %and3A_99 : vector<16xi32>
      %add3A_101 = arith.constant 5 : i32
      %add3A_102 = vector.broadcast %add3A_101 : i32 to vector<16xi32>
      %add3A_103 = arith.addi %iota3A, %add3A_102 : vector<16xi32>
      %and3A_104 = arith.constant 15 : i32
      %and3A_105 = vector.broadcast %and3A_104 : i32 to vector<16xi32>
      %and3A_106 = arith.andi %add3A_103, %and3A_105 : vector<16xi32>
      %add3A_107 = arith.constant 6 : i32
      %add3A_108 = vector.broadcast %add3A_107 : i32 to vector<16xi32>
      %add3A_109 = arith.addi %iota3A, %add3A_108 : vector<16xi32>
      %and3A_110 = arith.constant 15 : i32
      %and3A_111 = vector.broadcast %and3A_110 : i32 to vector<16xi32>
      %and3A_112 = arith.andi %add3A_109, %and3A_111 : vector<16xi32>
      %add3A_113 = arith.constant 7 : i32
      %add3A_114 = vector.broadcast %add3A_113 : i32 to vector<16xi32>
      %add3A_115 = arith.addi %iota3A, %add3A_114 : vector<16xi32>
      %and3A_116 = arith.constant 15 : i32
      %and3A_117 = vector.broadcast %and3A_116 : i32 to vector<16xi32>
      %and3A_118 = arith.andi %add3A_115, %and3A_117 : vector<16xi32>
      %add3A_119 = arith.constant 8 : i32
      %add3A_120 = vector.broadcast %add3A_119 : i32 to vector<16xi32>
      %add3A_121 = arith.addi %iota3A, %add3A_120 : vector<16xi32>
      %and3A_122 = arith.constant 15 : i32
      %and3A_123 = vector.broadcast %and3A_122 : i32 to vector<16xi32>
      %and3A_124 = arith.andi %add3A_121, %and3A_123 : vector<16xi32>
      %add3A_125 = arith.constant 9 : i32
      %add3A_126 = vector.broadcast %add3A_125 : i32 to vector<16xi32>
      %add3A_127 = arith.addi %iota3A, %add3A_126 : vector<16xi32>
      %and3A_128 = arith.constant 15 : i32
      %and3A_129 = vector.broadcast %and3A_128 : i32 to vector<16xi32>
      %and3A_130 = arith.andi %add3A_127, %and3A_129 : vector<16xi32>
      %add3A_131 = arith.constant 10 : i32
      %add3A_132 = vector.broadcast %add3A_131 : i32 to vector<16xi32>
      %add3A_133 = arith.addi %iota3A, %add3A_132 : vector<16xi32>
      %and3A_134 = arith.constant 15 : i32
      %and3A_135 = vector.broadcast %and3A_134 : i32 to vector<16xi32>
      %and3A_136 = arith.andi %add3A_133, %and3A_135 : vector<16xi32>
      %add3A_137 = arith.constant 11 : i32
      %add3A_138 = vector.broadcast %add3A_137 : i32 to vector<16xi32>
      %add3A_139 = arith.addi %iota3A, %add3A_138 : vector<16xi32>
      %and3A_140 = arith.constant 15 : i32
      %and3A_141 = vector.broadcast %and3A_140 : i32 to vector<16xi32>
      %and3A_142 = arith.andi %add3A_139, %and3A_141 : vector<16xi32>
      %add3A_143 = arith.constant 12 : i32
      %add3A_144 = vector.broadcast %add3A_143 : i32 to vector<16xi32>
      %add3A_145 = arith.addi %iota3A, %add3A_144 : vector<16xi32>
      %and3A_146 = arith.constant 15 : i32
      %and3A_147 = vector.broadcast %and3A_146 : i32 to vector<16xi32>
      %and3A_148 = arith.andi %add3A_145, %and3A_147 : vector<16xi32>
      %add3A_149 = arith.constant 13 : i32
      %add3A_150 = vector.broadcast %add3A_149 : i32 to vector<16xi32>
      %add3A_151 = arith.addi %iota3A, %add3A_150 : vector<16xi32>
      %and3A_152 = arith.constant 15 : i32
      %and3A_153 = vector.broadcast %and3A_152 : i32 to vector<16xi32>
      %and3A_154 = arith.andi %add3A_151, %and3A_153 : vector<16xi32>
      %add3A_155 = arith.constant 14 : i32
      %add3A_156 = vector.broadcast %add3A_155 : i32 to vector<16xi32>
      %add3A_157 = arith.addi %iota3A, %add3A_156 : vector<16xi32>
      %and3A_158 = arith.constant 15 : i32
      %and3A_159 = vector.broadcast %and3A_158 : i32 to vector<16xi32>
      %and3A_160 = arith.andi %add3A_157, %and3A_159 : vector<16xi32>
      %add3A_161 = arith.constant 15 : i32
      %add3A_162 = vector.broadcast %add3A_161 : i32 to vector<16xi32>
      %add3A_163 = arith.addi %iota3A, %add3A_162 : vector<16xi32>
      %and3A_164 = arith.constant 15 : i32
      %and3A_165 = vector.broadcast %and3A_164 : i32 to vector<16xi32>
      %and3A_166 = arith.andi %add3A_163, %and3A_165 : vector<16xi32>
      %scan3A_167 = arith.constant 0 : i32
      %scan3A_168 = arith.constant 0 : i32
      %scan3A_169 = arith.constant 64 : i32
      %scan3A_170 = arith.addi %scan3A_168, %scan3A_169 : i32
      %scan3A_171 = arith.constant 1 : i32
      %scan3A_172 = scf.for %scan3A_335 = %scan3A_168 to %scan3A_170 step %scan3A_171 iter_args(%scan3A_336 = %scan3A_167) -> (i32)  : i32 {
        %and3A_337 = arith.constant 3 : i32
        %and3A_338 = arith.andi %scan3A_335, %and3A_337 : i32
        %mul3A_339 = arith.constant 16 : i32
        %mul3A_340 = arith.muli %and3A_338, %mul3A_339 : i32
        %shift_right_logical3A_341 = arith.constant 2 : i32
        %shift_right_logical3A_342 = arith.shrui %scan3A_335, %shift_right_logical3A_341 : i32
        %mul3A_343 = arith.constant 16 : i32
        %mul3A_344 = arith.muli %shift_right_logical3A_342, %mul3A_343 : i32
        %add3A_345 = vector.broadcast %mul3A_344 : i32 to vector<16xi32>
        %add3A_346 = arith.addi %add3A_345, %iota3A : vector<16xi32>
        %shift_right_logical3A_347 = arith.constant 1 : i32
        %shift_right_logical3A_348 = arith.shrui %mul3A_344, %shift_right_logical3A_347 : i32
        %add3A_349 = vector.broadcast %shift_right_logical3A_348 : i32 to vector<16xi32>
        %add3A_350 = arith.addi %add3A_349, %shift_right_logical3A_65 : vector<16xi32>
        %add3A_351 = vector.broadcast %mul3A_340 : i32 to vector<16xi32>
        %add3A_352 = arith.addi %and3A_76, %add3A_351 : vector<16xi32>
        %add3A_353 = vector.broadcast %mul3A_340 : i32 to vector<16xi32>
        %add3A_354 = arith.addi %and3A_82, %add3A_353 : vector<16xi32>
        %add3A_355 = vector.broadcast %mul3A_340 : i32 to vector<16xi32>
        %add3A_356 = arith.addi %and3A_88, %add3A_355 : vector<16xi32>
        %add3A_357 = vector.broadcast %mul3A_340 : i32 to vector<16xi32>
        %add3A_358 = arith.addi %and3A_94, %add3A_357 : vector<16xi32>
        %add3A_359 = vector.broadcast %mul3A_340 : i32 to vector<16xi32>
        %add3A_360 = arith.addi %and3A_100, %add3A_359 : vector<16xi32>
        %add3A_361 = vector.broadcast %mul3A_340 : i32 to vector<16xi32>
        %add3A_362 = arith.addi %and3A_106, %add3A_361 : vector<16xi32>
        %add3A_363 = vector.broadcast %mul3A_340 : i32 to vector<16xi32>
        %add3A_364 = arith.addi %and3A_112, %add3A_363 : vector<16xi32>
        %add3A_365 = vector.broadcast %mul3A_340 : i32 to vector<16xi32>
        %add3A_366 = arith.addi %and3A_118, %add3A_365 : vector<16xi32>
        %gather3A = tpu.vector_load_idx %arg4[%add3A_352, %add3A_346] : memref<64x256xf32, #tpu.memory_space<vmem>>[vector<16xi32>, vector<16xi32>], vector<16xf32>,
        %gather3A_367 = tpu.vector_load_idx %arg4[%add3A_354, %add3A_346] : memref<64x256xf32, #tpu.memory_space<vmem>>[vector<16xi32>, vector<16xi32>], vector<16xf32>,
        %gather3A_368 = tpu.vector_load_idx %arg4[%add3A_356, %add3A_346] : memref<64x256xf32, #tpu.memory_space<vmem>>[vector<16xi32>, vector<16xi32>], vector<16xf32>,
        %gather3A_369 = tpu.vector_load_idx %arg4[%add3A_358, %add3A_346] : memref<64x256xf32, #tpu.memory_space<vmem>>[vector<16xi32>, vector<16xi32>], vector<16xf32>,
        %gather3A_370 = tpu.vector_load_idx %arg4[%add3A_360, %add3A_346] : memref<64x256xf32, #tpu.memory_space<vmem>>[vector<16xi32>, vector<16xi32>], vector<16xf32>,
        %gather3A_371 = tpu.vector_load_idx %arg4[%add3A_362, %add3A_346] : memref<64x256xf32, #tpu.memory_space<vmem>>[vector<16xi32>, vector<16xi32>], vector<16xf32>,
        %gather3A_372 = tpu.vector_load_idx %arg4[%add3A_364, %add3A_346] : memref<64x256xf32, #tpu.memory_space<vmem>>[vector<16xi32>, vector<16xi32>], vector<16xf32>,
        %gather3A_373 = tpu.vector_load_idx %arg4[%add3A_366, %add3A_346] : memref<64x256xf32, #tpu.memory_space<vmem>>[vector<16xi32>, vector<16xi32>], vector<16xf32>,
        %add3A_374 = arith.addi %mul3A_70, %add3A_352 : vector<16xi32>
        tpu.vector_store_idx %arg6[%add3A_350, %add3A_374], %gather3A : memref<128x128xf32, #tpu.memory_space<vmem>>[vector<16xi32>, vector<16xi32>], vector<16xf32>,
        %add3A_375 = arith.addi %mul3A_70, %add3A_354 : vector<16xi32>
        tpu.vector_store_idx %arg6[%add3A_350, %add3A_375], %gather3A_367 : memref<128x128xf32, #tpu.memory_space<vmem>>[vector<16xi32>, vector<16xi32>], vector<16xf32>,
        %add3A_376 = arith.addi %mul3A_70, %add3A_356 : vector<16xi32>
        tpu.vector_store_idx %arg6[%add3A_350, %add3A_376], %gather3A_368 : memref<128x128xf32, #tpu.memory_space<vmem>>[vector<16xi32>, vector<16xi32>], vector<16xf32>,
        %add3A_377 = arith.addi %mul3A_70, %add3A_358 : vector<16xi32>
        tpu.vector_store_idx %arg6[%add3A_350, %add3A_377], %gather3A_369 : memref<128x128xf32, #tpu.memory_space<vmem>>[vector<16xi32>, vector<16xi32>], vector<16xf32>,
        %add3A_378 = arith.addi %mul3A_70, %add3A_360 : vector<16xi32>
        tpu.vector_store_idx %arg6[%add3A_350, %add3A_378], %gather3A_370 : memref<128x128xf32, #tpu.memory_space<vmem>>[vector<16xi32>, vector<16xi32>], vector<16xf32>,
        %add3A_379 = arith.addi %mul3A_70, %add3A_362 : vector<16xi32>
        tpu.vector_store_idx %arg6[%add3A_350, %add3A_379], %gather3A_371 : memref<128x128xf32, #tpu.memory_space<vmem>>[vector<16xi32>, vector<16xi32>], vector<16xf32>,
        %add3A_380 = arith.addi %mul3A_70, %add3A_364 : vector<16xi32>
        tpu.vector_store_idx %arg6[%add3A_350, %add3A_380], %gather3A_372 : memref<128x128xf32, #tpu.memory_space<vmem>>[vector<16xi32>, vector<16xi32>], vector<16xf32>,
        %add3A_381 = arith.addi %mul3A_70, %add3A_366 : vector<16xi32>
        tpu.vector_store_idx %arg6[%add3A_350, %add3A_381], %gather3A_373 : memref<128x128xf32, #tpu.memory_space<vmem>>[vector<16xi32>, vector<16xi32>], vector<16xf32>,
        %add3A_382 = vector.broadcast %mul3A_340 : i32 to vector<16xi32>
        %add3A_383 = arith.addi %and3A_124, %add3A_382 : vector<16xi32>
        %add3A_384 = vector.broadcast %mul3A_340 : i32 to vector<16xi32>
        %add3A_385 = arith.addi %and3A_130, %add3A_384 : vector<16xi32>
        %add3A_386 = vector.broadcast %mul3A_340 : i32 to vector<16xi32>
        %add3A_387 = arith.addi %and3A_136, %add3A_386 : vector<16xi32>
        %add3A_388 = vector.broadcast %mul3A_340 : i32 to vector<16xi32>
        %add3A_389 = arith.addi %and3A_142, %add3A_388 : vector<16xi32>
        %add3A_390 = vector.broadcast %mul3A_340 : i32 to vector<16xi32>
        %add3A_391 = arith.addi %and3A_148, %add3A_390 : vector<16xi32>
        %add3A_392 = vector.broadcast %mul3A_340 : i32 to vector<16xi32>
        %add3A_393 = arith.addi %and3A_154, %add3A_392 : vector<16xi32>
        %add3A_394 = vector.broadcast %mul3A_340 : i32 to vector<16xi32>
        %add3A_395 = arith.addi %and3A_160, %add3A_394 : vector<16xi32>
        %add3A_396 = vector.broadcast %mul3A_340 : i32 to vector<16xi32>
        %add3A_397 = arith.addi %and3A_166, %add3A_396 : vector<16xi32>
        %gather3A_398 = tpu.vector_load_idx %arg4[%add3A_383, %add3A_346] : memref<64x256xf32, #tpu.memory_space<vmem>>[vector<16xi32>, vector<16xi32>], vector<16xf32>,
        %gather3A_399 = tpu.vector_load_idx %arg4[%add3A_385, %add3A_346] : memref<64x256xf32, #tpu.memory_space<vmem>>[vector<16xi32>, vector<16xi32>], vector<16xf32>,
        %gather3A_400 = tpu.vector_load_idx %arg4[%add3A_387, %add3A_346] : memref<64x256xf32, #tpu.memory_space<vmem>>[vector<16xi32>, vector<16xi32>], vector<16xf32>,
        %gather3A_401 = tpu.vector_load_idx %arg4[%add3A_389, %add3A_346] : memref<64x256xf32, #tpu.memory_space<vmem>>[vector<16xi32>, vector<16xi32>], vector<16xf32>,
        %gather3A_402 = tpu.vector_load_idx %arg4[%add3A_391, %add3A_346] : memref<64x256xf32, #tpu.memory_space<vmem>>[vector<16xi32>, vector<16xi32>], vector<16xf32>,
        %gather3A_403 = tpu.vector_load_idx %arg4[%add3A_393, %add3A_346] : memref<64x256xf32, #tpu.memory_space<vmem>>[vector<16xi32>, vector<16xi32>], vector<16xf32>,
        %gather3A_404 = tpu.vector_load_idx %arg4[%add3A_395, %add3A_346] : memref<64x256xf32, #tpu.memory_space<vmem>>[vector<16xi32>, vector<16xi32>], vector<16xf32>,
        %gather3A_405 = tpu.vector_load_idx %arg4[%add3A_397, %add3A_346] : memref<64x256xf32, #tpu.memory_space<vmem>>[vector<16xi32>, vector<16xi32>], vector<16xf32>,
        %add3A_406 = arith.addi %mul3A_70, %add3A_383 : vector<16xi32>
        tpu.vector_store_idx %arg6[%add3A_350, %add3A_406], %gather3A_398 : memref<128x128xf32, #tpu.memory_space<vmem>>[vector<16xi32>, vector<16xi32>], vector<16xf32>,
        %add3A_407 = arith.addi %mul3A_70, %add3A_385 : vector<16xi32>
        tpu.vector_store_idx %arg6[%add3A_350, %add3A_407], %gather3A_399 : memref<128x128xf32, #tpu.memory_space<vmem>>[vector<16xi32>, vector<16xi32>], vector<16xf32>,
        %add3A_408 = arith.addi %mul3A_70, %add3A_387 : vector<16xi32>
        tpu.vector_store_idx %arg6[%add3A_350, %add3A_408], %gather3A_400 : memref<128x128xf32, #tpu.memory_space<vmem>>[vector<16xi32>, vector<16xi32>], vector<16xf32>,
        %add3A_409 = arith.addi %mul3A_70, %add3A_389 : vector<16xi32>
        tpu.vector_store_idx %arg6[%add3A_350, %add3A_409], %gather3A_401 : memref<128x128xf32, #tpu.memory_space<vmem>>[vector<16xi32>, vector<16xi32>], vector<16xf32>,
        %add3A_410 = arith.addi %mul3A_70, %add3A_391 : vector<16xi32>
        tpu.vector_store_idx %arg6[%add3A_350, %add3A_410], %gather3A_402 : memref<128x128xf32, #tpu.memory_space<vmem>>[vector<16xi32>, vector<16xi32>], vector<16xf32>,
        %add3A_411 = arith.addi %mul3A_70, %add3A_393 : vector<16xi32>
        tpu.vector_store_idx %arg6[%add3A_350, %add3A_411], %gather3A_403 : memref<128x128xf32, #tpu.memory_space<vmem>>[vector<16xi32>, vector<16xi32>], vector<16xf32>,
        %add3A_412 = arith.addi %mul3A_70, %add3A_395 : vector<16xi32>
        tpu.vector_store_idx %arg6[%add3A_350, %add3A_412], %gather3A_404 : memref<128x128xf32, #tpu.memory_space<vmem>>[vector<16xi32>, vector<16xi32>], vector<16xf32>,
        %add3A_413 = arith.addi %mul3A_70, %add3A_397 : vector<16xi32>
        tpu.vector_store_idx %arg6[%add3A_350, %add3A_413], %gather3A_405 : memref<128x128xf32, #tpu.memory_space<vmem>>[vector<16xi32>, vector<16xi32>], vector<16xf32>,
        %scan3A_414 = arith.constant 0 : i32
        scf.yield %scan3A_414 : i32
      }
      %scan3A_173 = arith.constant 64 : i32
      %mul3A_174 = arith.constant 128 : i32
      %mul3A_175 = arith.muli %add3A_52, %mul3A_174 : i32
      %multiple_of3A_176 = tpu.assume_multiple %mul3A_175, 128 : i32
      %dma_start3A_177 = arith.constant 0 : i32
      %dma_start3A_178 = tpu.memref_slice %arg3[%multiple_of3A_176, %dma_start3A_177] : memref<500000x128xf32, #tpu.memory_space<hbm>> -> memref<128x128xf32, #tpu.memory_space<hbm>>
      %dma_start3A_179 = arith.constant 0 : i32
      %dma_start3A_180 = tpu.memref_slice %arg3[%multiple_of3A_176, %dma_start3A_179] : memref<500000x128xf32, #tpu.memory_space<hbm>> -> memref<128x128xf32, #tpu.memory_space<hbm>>
      tpu.enqueue_dma source(%arg6 : memref<128x128xf32, #tpu.memory_space<vmem>>) target(%dma_start3A_180 : memref<128x128xf32, #tpu.memory_space<hbm>>) target_semaphore(%arg11 : memref<!tpu.dma_semaphore, #tpu.memory_space<semaphore_mem>>)
      %add3A_181 = arith.constant 2 : i32
      %add3A_182 = arith.addi %add3A_49, %add3A_181 : i32
      %lt3A_183 = arith.constant 122 : i32
      %lt3A_184 = arith.cmpi slt, %add3A_182, %lt3A_183 : i32
      %convert_element_type3A_185 = arith.extui %lt3A_184 : i1 to i32
      %cond3A_186 = arith.constant 0 : i32
      %cond3A_187 = arith.cmpi ne, %convert_element_type3A_185, %cond3A_186 : i32
      scf.if %cond3A_187 {
        %add3A_335 = arith.constant 2 : i32
        %add3A_336 = arith.addi %add3A_49, %add3A_335 : i32
        %mul3A_337 = arith.constant 32 : i32
        %mul3A_338 = arith.muli %mul3A_337, %add3A_336 : i32
        %add3A_339 = arith.addi %add3A, %mul3A_338 : i32
        %mul3A_340 = arith.constant 256 : i32
        %mul3A_341 = arith.muli %add3A_339, %mul3A_340 : i32
        %multiple_of3A_342 = tpu.assume_multiple %mul3A_341, 256 : i32
        %dma_start3A_343 = arith.constant 0 : i32
        %dma_start3A_344 = tpu.memref_slice %arg2[%dma_start3A_343, %multiple_of3A_342] : memref<64x1000000xf32, #tpu.memory_space<hbm>> -> memref<64x256xf32, #tpu.memory_space<hbm>>
        %dma_start3A_345 = arith.constant 0 : i32
        %dma_start3A_346 = tpu.memref_slice %arg2[%dma_start3A_345, %multiple_of3A_342] : memref<64x1000000xf32, #tpu.memory_space<hbm>> -> memref<64x256xf32, #tpu.memory_space<hbm>>
        tpu.enqueue_dma source(%dma_start3A_346 : memref<64x256xf32, #tpu.memory_space<hbm>>) target(%arg4 : memref<64x256xf32, #tpu.memory_space<vmem>>) target_semaphore(%arg10 : memref<!tpu.dma_semaphore, #tpu.memory_space<semaphore_mem>>)
      } else {
      }
      %mul3A_188 = arith.constant 2 : i32
      %mul3A_189 = arith.muli %mul3A_188, %scan3A_44 : i32
      %add3A_190 = arith.constant 1 : i32
      %add3A_191 = arith.addi %mul3A_189, %add3A_190 : i32
      %mul3A_192 = arith.constant 32 : i32
      %mul3A_193 = arith.muli %mul3A_192, %add3A_191 : i32
      %add3A_194 = arith.addi %add3A, %mul3A_193 : i32
      %mul3A_195 = arith.constant 256 : i32
      %mul3A_196 = arith.muli %add3A_194, %mul3A_195 : i32
      %multiple_of3A_197 = tpu.assume_multiple %mul3A_196, 256 : i32
      %dma_wait3A_198 = arith.constant 0 : i32
      %dma_wait3A_199 = tpu.memref_slice %arg2[%dma_wait3A_198, %multiple_of3A_197] : memref<64x1000000xf32, #tpu.memory_space<hbm>> -> memref<64x256xf32, #tpu.memory_space<hbm>>
      %dma_wait3A_200 = arith.constant 0 : i32
      %dma_wait3A_201 = tpu.memref_slice %arg2[%dma_wait3A_200, %multiple_of3A_197] : memref<64x1000000xf32, #tpu.memory_space<hbm>> -> memref<64x256xf32, #tpu.memory_space<hbm>>
      tpu.wait_dma2 semaphore(%arg10 : memref<!tpu.dma_semaphore, #tpu.memory_space<semaphore_mem>>) src(%dma_wait3A_201 : memref<64x256xf32, #tpu.memory_space<hbm>>) dst(%arg5 : memref<64x256xf32, #tpu.memory_space<vmem>>)
      %ge3A_202 = arith.constant 2 : i32
      %ge3A_203 = arith.cmpi sge, %add3A_191, %ge3A_202 : i32
      %convert_element_type3A_204 = arith.extui %ge3A_203 : i1 to i32
      %cond3A_205 = arith.constant 0 : i32
      %cond3A_206 = arith.cmpi ne, %convert_element_type3A_204, %cond3A_205 : i32
      scf.if %cond3A_206 {
        %sub3A = arith.constant 2 : i32
        %sub3A_335 = arith.subi %add3A_191, %sub3A : i32
        %mul3A_336 = arith.constant 32 : i32
        %mul3A_337 = arith.muli %mul3A_336, %sub3A_335 : i32
        %add3A_338 = arith.addi %add3A, %mul3A_337 : i32
        %mul3A_339 = arith.constant 128 : i32
        %mul3A_340 = arith.muli %add3A_338, %mul3A_339 : i32
        %multiple_of3A_341 = tpu.assume_multiple %mul3A_340, 128 : i32
        %dma_wait3A_342 = arith.constant 0 : i32
        %dma_wait3A_343 = tpu.memref_slice %arg3[%multiple_of3A_341, %dma_wait3A_342] : memref<500000x128xf32, #tpu.memory_space<hbm>> -> memref<128x128xf32, #tpu.memory_space<hbm>>
        %dma_wait3A_344 = arith.constant 0 : i32
        %dma_wait3A_345 = tpu.memref_slice %arg3[%multiple_of3A_341, %dma_wait3A_344] : memref<500000x128xf32, #tpu.memory_space<hbm>> -> memref<128x128xf32, #tpu.memory_space<hbm>>
        tpu.wait_dma2 semaphore(%arg11 : memref<!tpu.dma_semaphore, #tpu.memory_space<semaphore_mem>>) src(%arg7 : memref<128x128xf32, #tpu.memory_space<vmem>>) dst(%dma_wait3A_345 : memref<128x128xf32, #tpu.memory_space<hbm>>)
      } else {
      }
      %iota3A_207 = tpu.iota {dimensions = array<i32: 0>} : vector<16xi32>
      %shift_right_logical3A_208 = arith.constant 1 : i32
      %shift_right_logical3A_209 = vector.broadcast %shift_right_logical3A_208 : i32 to vector<16xi32>
      %shift_right_logical3A_210 = arith.shrui %iota3A_207, %shift_right_logical3A_209 : vector<16xi32>
      %and3A_211 = arith.constant 1 : i32
      %and3A_212 = vector.broadcast %and3A_211 : i32 to vector<16xi32>
      %and3A_213 = arith.andi %iota3A_207, %and3A_212 : vector<16xi32>
      %mul3A_214 = arith.constant 64 : i32
      %mul3A_215 = vector.broadcast %mul3A_214 : i32 to vector<16xi32>
      %mul3A_216 = arith.muli %and3A_213, %mul3A_215 : vector<16xi32>
      %add3A_217 = arith.constant 0 : i32
      %add3A_218 = vector.broadcast %add3A_217 : i32 to vector<16xi32>
      %add3A_219 = arith.addi %iota3A_207, %add3A_218 : vector<16xi32>
      %and3A_220 = arith.constant 15 : i32
      %and3A_221 = vector.broadcast %and3A_220 : i32 to vector<16xi32>
      %and3A_222 = arith.andi %add3A_219, %and3A_221 : vector<16xi32>
      %add3A_223 = arith.constant 1 : i32
      %add3A_224 = vector.broadcast %add3A_223 : i32 to vector<16xi32>
      %add3A_225 = arith.addi %iota3A_207, %add3A_224 : vector<16xi32>
      %and3A_226 = arith.constant 15 : i32
      %and3A_227 = vector.broadcast %and3A_226 : i32 to vector<16xi32>
      %and3A_228 = arith.andi %add3A_225, %and3A_227 : vector<16xi32>
      %add3A_229 = arith.constant 2 : i32
      %add3A_230 = vector.broadcast %add3A_229 : i32 to vector<16xi32>
      %add3A_231 = arith.addi %iota3A_207, %add3A_230 : vector<16xi32>
      %and3A_232 = arith.constant 15 : i32
      %and3A_233 = vector.broadcast %and3A_232 : i32 to vector<16xi32>
      %and3A_234 = arith.andi %add3A_231, %and3A_233 : vector<16xi32>
      %add3A_235 = arith.constant 3 : i32
      %add3A_236 = vector.broadcast %add3A_235 : i32 to vector<16xi32>
      %add3A_237 = arith.addi %iota3A_207, %add3A_236 : vector<16xi32>
      %and3A_238 = arith.constant 15 : i32
      %and3A_239 = vector.broadcast %and3A_238 : i32 to vector<16xi32>
      %and3A_240 = arith.andi %add3A_237, %and3A_239 : vector<16xi32>
      %add3A_241 = arith.constant 4 : i32
      %add3A_242 = vector.broadcast %add3A_241 : i32 to vector<16xi32>
      %add3A_243 = arith.addi %iota3A_207, %add3A_242 : vector<16xi32>
      %and3A_244 = arith.constant 15 : i32
      %and3A_245 = vector.broadcast %and3A_244 : i32 to vector<16xi32>
      %and3A_246 = arith.andi %add3A_243, %and3A_245 : vector<16xi32>
      %add3A_247 = arith.constant 5 : i32
      %add3A_248 = vector.broadcast %add3A_247 : i32 to vector<16xi32>
      %add3A_249 = arith.addi %iota3A_207, %add3A_248 : vector<16xi32>
      %and3A_250 = arith.constant 15 : i32
      %and3A_251 = vector.broadcast %and3A_250 : i32 to vector<16xi32>
      %and3A_252 = arith.andi %add3A_249, %and3A_251 : vector<16xi32>
      %add3A_253 = arith.constant 6 : i32
      %add3A_254 = vector.broadcast %add3A_253 : i32 to vector<16xi32>
      %add3A_255 = arith.addi %iota3A_207, %add3A_254 : vector<16xi32>
      %and3A_256 = arith.constant 15 : i32
      %and3A_257 = vector.broadcast %and3A_256 : i32 to vector<16xi32>
      %and3A_258 = arith.andi %add3A_255, %and3A_257 : vector<16xi32>
      %add3A_259 = arith.constant 7 : i32
      %add3A_260 = vector.broadcast %add3A_259 : i32 to vector<16xi32>
      %add3A_261 = arith.addi %iota3A_207, %add3A_260 : vector<16xi32>
      %and3A_262 = arith.constant 15 : i32
      %and3A_263 = vector.broadcast %and3A_262 : i32 to vector<16xi32>
      %and3A_264 = arith.andi %add3A_261, %and3A_263 : vector<16xi32>
      %add3A_265 = arith.constant 8 : i32
      %add3A_266 = vector.broadcast %add3A_265 : i32 to vector<16xi32>
      %add3A_267 = arith.addi %iota3A_207, %add3A_266 : vector<16xi32>
      %and3A_268 = arith.constant 15 : i32
      %and3A_269 = vector.broadcast %and3A_268 : i32 to vector<16xi32>
      %and3A_270 = arith.andi %add3A_267, %and3A_269 : vector<16xi32>
      %add3A_271 = arith.constant 9 : i32
      %add3A_272 = vector.broadcast %add3A_271 : i32 to vector<16xi32>
      %add3A_273 = arith.addi %iota3A_207, %add3A_272 : vector<16xi32>
      %and3A_274 = arith.constant 15 : i32
      %and3A_275 = vector.broadcast %and3A_274 : i32 to vector<16xi32>
      %and3A_276 = arith.andi %add3A_273, %and3A_275 : vector<16xi32>
      %add3A_277 = arith.constant 10 : i32
      %add3A_278 = vector.broadcast %add3A_277 : i32 to vector<16xi32>
      %add3A_279 = arith.addi %iota3A_207, %add3A_278 : vector<16xi32>
      %and3A_280 = arith.constant 15 : i32
      %and3A_281 = vector.broadcast %and3A_280 : i32 to vector<16xi32>
      %and3A_282 = arith.andi %add3A_279, %and3A_281 : vector<16xi32>
      %add3A_283 = arith.constant 11 : i32
      %add3A_284 = vector.broadcast %add3A_283 : i32 to vector<16xi32>
      %add3A_285 = arith.addi %iota3A_207, %add3A_284 : vector<16xi32>
      %and3A_286 = arith.constant 15 : i32
      %and3A_287 = vector.broadcast %and3A_286 : i32 to vector<16xi32>
      %and3A_288 = arith.andi %add3A_285, %and3A_287 : vector<16xi32>
      %add3A_289 = arith.constant 12 : i32
      %add3A_290 = vector.broadcast %add3A_289 : i32 to vector<16xi32>
      %add3A_291 = arith.addi %iota3A_207, %add3A_290 : vector<16xi32>
      %and3A_292 = arith.constant 15 : i32
      %and3A_293 = vector.broadcast %and3A_292 : i32 to vector<16xi32>
      %and3A_294 = arith.andi %add3A_291, %and3A_293 : vector<16xi32>
      %add3A_295 = arith.constant 13 : i32
      %add3A_296 = vector.broadcast %add3A_295 : i32 to vector<16xi32>
      %add3A_297 = arith.addi %iota3A_207, %add3A_296 : vector<16xi32>
      %and3A_298 = arith.constant 15 : i32
      %and3A_299 = vector.broadcast %and3A_298 : i32 to vector<16xi32>
      %and3A_300 = arith.andi %add3A_297, %and3A_299 : vector<16xi32>
      %add3A_301 = arith.constant 14 : i32
      %add3A_302 = vector.broadcast %add3A_301 : i32 to vector<16xi32>
      %add3A_303 = arith.addi %iota3A_207, %add3A_302 : vector<16xi32>
      %and3A_304 = arith.constant 15 : i32
      %and3A_305 = vector.broadcast %and3A_304 : i32 to vector<16xi32>
      %and3A_306 = arith.andi %add3A_303, %and3A_305 : vector<16xi32>
      %add3A_307 = arith.constant 15 : i32
      %add3A_308 = vector.broadcast %add3A_307 : i32 to vector<16xi32>
      %add3A_309 = arith.addi %iota3A_207, %add3A_308 : vector<16xi32>
      %and3A_310 = arith.constant 15 : i32
      %and3A_311 = vector.broadcast %and3A_310 : i32 to vector<16xi32>
      %and3A_312 = arith.andi %add3A_309, %and3A_311 : vector<16xi32>
      %scan3A_313 = arith.constant 0 : i32
      %scan3A_314 = arith.constant 0 : i32
      %scan3A_315 = arith.constant 64 : i32
      %scan3A_316 = arith.addi %scan3A_314, %scan3A_315 : i32
      %scan3A_317 = arith.constant 1 : i32
      %scan3A_318 = scf.for %scan3A_335 = %scan3A_314 to %scan3A_316 step %scan3A_317 iter_args(%scan3A_336 = %scan3A_313) -> (i32)  : i32 {
        %and3A_337 = arith.constant 3 : i32
        %and3A_338 = arith.andi %scan3A_335, %and3A_337 : i32
        %mul3A_339 = arith.constant 16 : i32
        %mul3A_340 = arith.muli %and3A_338, %mul3A_339 : i32
        %shift_right_logical3A_341 = arith.constant 2 : i32
        %shift_right_logical3A_342 = arith.shrui %scan3A_335, %shift_right_logical3A_341 : i32
        %mul3A_343 = arith.constant 16 : i32
        %mul3A_344 = arith.muli %shift_right_logical3A_342, %mul3A_343 : i32
        %add3A_345 = vector.broadcast %mul3A_344 : i32 to vector<16xi32>
        %add3A_346 = arith.addi %add3A_345, %iota3A_207 : vector<16xi32>
        %shift_right_logical3A_347 = arith.constant 1 : i32
        %shift_right_logical3A_348 = arith.shrui %mul3A_344, %shift_right_logical3A_347 : i32
        %add3A_349 = vector.broadcast %shift_right_logical3A_348 : i32 to vector<16xi32>
        %add3A_350 = arith.addi %add3A_349, %shift_right_logical3A_210 : vector<16xi32>
        %add3A_351 = vector.broadcast %mul3A_340 : i32 to vector<16xi32>
        %add3A_352 = arith.addi %and3A_222, %add3A_351 : vector<16xi32>
        %add3A_353 = vector.broadcast %mul3A_340 : i32 to vector<16xi32>
        %add3A_354 = arith.addi %and3A_228, %add3A_353 : vector<16xi32>
        %add3A_355 = vector.broadcast %mul3A_340 : i32 to vector<16xi32>
        %add3A_356 = arith.addi %and3A_234, %add3A_355 : vector<16xi32>
        %add3A_357 = vector.broadcast %mul3A_340 : i32 to vector<16xi32>
        %add3A_358 = arith.addi %and3A_240, %add3A_357 : vector<16xi32>
        %add3A_359 = vector.broadcast %mul3A_340 : i32 to vector<16xi32>
        %add3A_360 = arith.addi %and3A_246, %add3A_359 : vector<16xi32>
        %add3A_361 = vector.broadcast %mul3A_340 : i32 to vector<16xi32>
        %add3A_362 = arith.addi %and3A_252, %add3A_361 : vector<16xi32>
        %add3A_363 = vector.broadcast %mul3A_340 : i32 to vector<16xi32>
        %add3A_364 = arith.addi %and3A_258, %add3A_363 : vector<16xi32>
        %add3A_365 = vector.broadcast %mul3A_340 : i32 to vector<16xi32>
        %add3A_366 = arith.addi %and3A_264, %add3A_365 : vector<16xi32>
        %gather3A = tpu.vector_load_idx %arg5[%add3A_352, %add3A_346] : memref<64x256xf32, #tpu.memory_space<vmem>>[vector<16xi32>, vector<16xi32>], vector<16xf32>,
        %gather3A_367 = tpu.vector_load_idx %arg5[%add3A_354, %add3A_346] : memref<64x256xf32, #tpu.memory_space<vmem>>[vector<16xi32>, vector<16xi32>], vector<16xf32>,
        %gather3A_368 = tpu.vector_load_idx %arg5[%add3A_356, %add3A_346] : memref<64x256xf32, #tpu.memory_space<vmem>>[vector<16xi32>, vector<16xi32>], vector<16xf32>,
        %gather3A_369 = tpu.vector_load_idx %arg5[%add3A_358, %add3A_346] : memref<64x256xf32, #tpu.memory_space<vmem>>[vector<16xi32>, vector<16xi32>], vector<16xf32>,
        %gather3A_370 = tpu.vector_load_idx %arg5[%add3A_360, %add3A_346] : memref<64x256xf32, #tpu.memory_space<vmem>>[vector<16xi32>, vector<16xi32>], vector<16xf32>,
        %gather3A_371 = tpu.vector_load_idx %arg5[%add3A_362, %add3A_346] : memref<64x256xf32, #tpu.memory_space<vmem>>[vector<16xi32>, vector<16xi32>], vector<16xf32>,
        %gather3A_372 = tpu.vector_load_idx %arg5[%add3A_364, %add3A_346] : memref<64x256xf32, #tpu.memory_space<vmem>>[vector<16xi32>, vector<16xi32>], vector<16xf32>,
        %gather3A_373 = tpu.vector_load_idx %arg5[%add3A_366, %add3A_346] : memref<64x256xf32, #tpu.memory_space<vmem>>[vector<16xi32>, vector<16xi32>], vector<16xf32>,
        %add3A_374 = arith.addi %mul3A_216, %add3A_352 : vector<16xi32>
        tpu.vector_store_idx %arg7[%add3A_350, %add3A_374], %gather3A : memref<128x128xf32, #tpu.memory_space<vmem>>[vector<16xi32>, vector<16xi32>], vector<16xf32>,
        %add3A_375 = arith.addi %mul3A_216, %add3A_354 : vector<16xi32>
        tpu.vector_store_idx %arg7[%add3A_350, %add3A_375], %gather3A_367 : memref<128x128xf32, #tpu.memory_space<vmem>>[vector<16xi32>, vector<16xi32>], vector<16xf32>,
        %add3A_376 = arith.addi %mul3A_216, %add3A_356 : vector<16xi32>
        tpu.vector_store_idx %arg7[%add3A_350, %add3A_376], %gather3A_368 : memref<128x128xf32, #tpu.memory_space<vmem>>[vector<16xi32>, vector<16xi32>], vector<16xf32>,
        %add3A_377 = arith.addi %mul3A_216, %add3A_358 : vector<16xi32>
        tpu.vector_store_idx %arg7[%add3A_350, %add3A_377], %gather3A_369 : memref<128x128xf32, #tpu.memory_space<vmem>>[vector<16xi32>, vector<16xi32>], vector<16xf32>,
        %add3A_378 = arith.addi %mul3A_216, %add3A_360 : vector<16xi32>
        tpu.vector_store_idx %arg7[%add3A_350, %add3A_378], %gather3A_370 : memref<128x128xf32, #tpu.memory_space<vmem>>[vector<16xi32>, vector<16xi32>], vector<16xf32>,
        %add3A_379 = arith.addi %mul3A_216, %add3A_362 : vector<16xi32>
        tpu.vector_store_idx %arg7[%add3A_350, %add3A_379], %gather3A_371 : memref<128x128xf32, #tpu.memory_space<vmem>>[vector<16xi32>, vector<16xi32>], vector<16xf32>,
        %add3A_380 = arith.addi %mul3A_216, %add3A_364 : vector<16xi32>
        tpu.vector_store_idx %arg7[%add3A_350, %add3A_380], %gather3A_372 : memref<128x128xf32, #tpu.memory_space<vmem>>[vector<16xi32>, vector<16xi32>], vector<16xf32>,
        %add3A_381 = arith.addi %mul3A_216, %add3A_366 : vector<16xi32>
        tpu.vector_store_idx %arg7[%add3A_350, %add3A_381], %gather3A_373 : memref<128x128xf32, #tpu.memory_space<vmem>>[vector<16xi32>, vector<16xi32>], vector<16xf32>,
        %add3A_382 = vector.broadcast %mul3A_340 : i32 to vector<16xi32>
        %add3A_383 = arith.addi %and3A_270, %add3A_382 : vector<16xi32>
        %add3A_384 = vector.broadcast %mul3A_340 : i32 to vector<16xi32>
        %add3A_385 = arith.addi %and3A_276, %add3A_384 : vector<16xi32>
        %add3A_386 = vector.broadcast %mul3A_340 : i32 to vector<16xi32>
        %add3A_387 = arith.addi %and3A_282, %add3A_386 : vector<16xi32>
        %add3A_388 = vector.broadcast %mul3A_340 : i32 to vector<16xi32>
        %add3A_389 = arith.addi %and3A_288, %add3A_388 : vector<16xi32>
        %add3A_390 = vector.broadcast %mul3A_340 : i32 to vector<16xi32>
        %add3A_391 = arith.addi %and3A_294, %add3A_390 : vector<16xi32>
        %add3A_392 = vector.broadcast %mul3A_340 : i32 to vector<16xi32>
        %add3A_393 = arith.addi %and3A_300, %add3A_392 : vector<16xi32>
        %add3A_394 = vector.broadcast %mul3A_340 : i32 to vector<16xi32>
        %add3A_395 = arith.addi %and3A_306, %add3A_394 : vector<16xi32>
        %add3A_396 = vector.broadcast %mul3A_340 : i32 to vector<16xi32>
        %add3A_397 = arith.addi %and3A_312, %add3A_396 : vector<16xi32>
        %gather3A_398 = tpu.vector_load_idx %arg5[%add3A_383, %add3A_346] : memref<64x256xf32, #tpu.memory_space<vmem>>[vector<16xi32>, vector<16xi32>], vector<16xf32>,
        %gather3A_399 = tpu.vector_load_idx %arg5[%add3A_385, %add3A_346] : memref<64x256xf32, #tpu.memory_space<vmem>>[vector<16xi32>, vector<16xi32>], vector<16xf32>,
        %gather3A_400 = tpu.vector_load_idx %arg5[%add3A_387, %add3A_346] : memref<64x256xf32, #tpu.memory_space<vmem>>[vector<16xi32>, vector<16xi32>], vector<16xf32>,
        %gather3A_401 = tpu.vector_load_idx %arg5[%add3A_389, %add3A_346] : memref<64x256xf32, #tpu.memory_space<vmem>>[vector<16xi32>, vector<16xi32>], vector<16xf32>,
        %gather3A_402 = tpu.vector_load_idx %arg5[%add3A_391, %add3A_346] : memref<64x256xf32, #tpu.memory_space<vmem>>[vector<16xi32>, vector<16xi32>], vector<16xf32>,
        %gather3A_403 = tpu.vector_load_idx %arg5[%add3A_393, %add3A_346] : memref<64x256xf32, #tpu.memory_space<vmem>>[vector<16xi32>, vector<16xi32>], vector<16xf32>,
        %gather3A_404 = tpu.vector_load_idx %arg5[%add3A_395, %add3A_346] : memref<64x256xf32, #tpu.memory_space<vmem>>[vector<16xi32>, vector<16xi32>], vector<16xf32>,
        %gather3A_405 = tpu.vector_load_idx %arg5[%add3A_397, %add3A_346] : memref<64x256xf32, #tpu.memory_space<vmem>>[vector<16xi32>, vector<16xi32>], vector<16xf32>,
        %add3A_406 = arith.addi %mul3A_216, %add3A_383 : vector<16xi32>
        tpu.vector_store_idx %arg7[%add3A_350, %add3A_406], %gather3A_398 : memref<128x128xf32, #tpu.memory_space<vmem>>[vector<16xi32>, vector<16xi32>], vector<16xf32>,
        %add3A_407 = arith.addi %mul3A_216, %add3A_385 : vector<16xi32>
        tpu.vector_store_idx %arg7[%add3A_350, %add3A_407], %gather3A_399 : memref<128x128xf32, #tpu.memory_space<vmem>>[vector<16xi32>, vector<16xi32>], vector<16xf32>,
        %add3A_408 = arith.addi %mul3A_216, %add3A_387 : vector<16xi32>
        tpu.vector_store_idx %arg7[%add3A_350, %add3A_408], %gather3A_400 : memref<128x128xf32, #tpu.memory_space<vmem>>[vector<16xi32>, vector<16xi32>], vector<16xf32>,
        %add3A_409 = arith.addi %mul3A_216, %add3A_389 : vector<16xi32>
        tpu.vector_store_idx %arg7[%add3A_350, %add3A_409], %gather3A_401 : memref<128x128xf32, #tpu.memory_space<vmem>>[vector<16xi32>, vector<16xi32>], vector<16xf32>,
        %add3A_410 = arith.addi %mul3A_216, %add3A_391 : vector<16xi32>
        tpu.vector_store_idx %arg7[%add3A_350, %add3A_410], %gather3A_402 : memref<128x128xf32, #tpu.memory_space<vmem>>[vector<16xi32>, vector<16xi32>], vector<16xf32>,
        %add3A_411 = arith.addi %mul3A_216, %add3A_393 : vector<16xi32>
        tpu.vector_store_idx %arg7[%add3A_350, %add3A_411], %gather3A_403 : memref<128x128xf32, #tpu.memory_space<vmem>>[vector<16xi32>, vector<16xi32>], vector<16xf32>,
        %add3A_412 = arith.addi %mul3A_216, %add3A_395 : vector<16xi32>
        tpu.vector_store_idx %arg7[%add3A_350, %add3A_412], %gather3A_404 : memref<128x128xf32, #tpu.memory_space<vmem>>[vector<16xi32>, vector<16xi32>], vector<16xf32>,
        %add3A_413 = arith.addi %mul3A_216, %add3A_397 : vector<16xi32>
        tpu.vector_store_idx %arg7[%add3A_350, %add3A_413], %gather3A_405 : memref<128x128xf32, #tpu.memory_space<vmem>>[vector<16xi32>, vector<16xi32>], vector<16xf32>,
        %scan3A_414 = arith.constant 0 : i32
        scf.yield %scan3A_414 : i32
      }
      %scan3A_319 = arith.constant 64 : i32
      %mul3A_320 = arith.constant 128 : i32
      %mul3A_321 = arith.muli %add3A_194, %mul3A_320 : i32
      %multiple_of3A_322 = tpu.assume_multiple %mul3A_321, 128 : i32
      %dma_start3A_323 = arith.constant 0 : i32
      %dma_start3A_324 = tpu.memref_slice %arg3[%multiple_of3A_322, %dma_start3A_323] : memref<500000x128xf32, #tpu.memory_space<hbm>> -> memref<128x128xf32, #tpu.memory_space<hbm>>
      %dma_start3A_325 = arith.constant 0 : i32
      %dma_start3A_326 = tpu.memref_slice %arg3[%multiple_of3A_322, %dma_start3A_325] : memref<500000x128xf32, #tpu.memory_space<hbm>> -> memref<128x128xf32, #tpu.memory_space<hbm>>
      tpu.enqueue_dma source(%arg7 : memref<128x128xf32, #tpu.memory_space<vmem>>) target(%dma_start3A_326 : memref<128x128xf32, #tpu.memory_space<hbm>>) target_semaphore(%arg11 : memref<!tpu.dma_semaphore, #tpu.memory_space<semaphore_mem>>)
      %add3A_327 = arith.constant 2 : i32
      %add3A_328 = arith.addi %add3A_191, %add3A_327 : i32
      %lt3A_329 = arith.constant 122 : i32
      %lt3A_330 = arith.cmpi slt, %add3A_328, %lt3A_329 : i32
      %convert_element_type3A_331 = arith.extui %lt3A_330 : i1 to i32
      %cond3A_332 = arith.constant 0 : i32
      %cond3A_333 = arith.cmpi ne, %convert_element_type3A_331, %cond3A_332 : i32
      scf.if %cond3A_333 {
        %add3A_335 = arith.constant 2 : i32
        %add3A_336 = arith.addi %add3A_191, %add3A_335 : i32
        %mul3A_337 = arith.constant 32 : i32
        %mul3A_338 = arith.muli %mul3A_337, %add3A_336 : i32
        %add3A_339 = arith.addi %add3A, %mul3A_338 : i32
        %mul3A_340 = arith.constant 256 : i32
        %mul3A_341 = arith.muli %add3A_339, %mul3A_340 : i32
        %multiple_of3A_342 = tpu.assume_multiple %mul3A_341, 256 : i32
        %dma_start3A_343 = arith.constant 0 : i32
        %dma_start3A_344 = tpu.memref_slice %arg2[%dma_start3A_343, %multiple_of3A_342] : memref<64x1000000xf32, #tpu.memory_space<hbm>> -> memref<64x256xf32, #tpu.memory_space<hbm>>
        %dma_start3A_345 = arith.constant 0 : i32
        %dma_start3A_346 = tpu.memref_slice %arg2[%dma_start3A_345, %multiple_of3A_342] : memref<64x1000000xf32, #tpu.memory_space<hbm>> -> memref<64x256xf32, #tpu.memory_space<hbm>>
        tpu.enqueue_dma source(%dma_start3A_346 : memref<64x256xf32, #tpu.memory_space<hbm>>) target(%arg5 : memref<64x256xf32, #tpu.memory_space<vmem>>) target_semaphore(%arg10 : memref<!tpu.dma_semaphore, #tpu.memory_space<semaphore_mem>>)
      } else {
      }
      %scan3A_334 = arith.constant 0 : i32
      scf.yield %scan3A_334 : i32
    }
    %scan3A_20 = arith.constant 61 : i32
    %add3A_21 = arith.constant 3840 : i32
    %add3A_22 = arith.addi %add3A, %add3A_21 : i32
    %mul3A_23 = arith.constant 128 : i32
    %mul3A_24 = arith.muli %add3A_22, %mul3A_23 : i32
    %multiple_of3A_25 = tpu.assume_multiple %mul3A_24, 128 : i32
    %dma_wait3A = arith.constant 0 : i32
    %dma_wait3A_26 = tpu.memref_slice %arg3[%multiple_of3A_25, %dma_wait3A] : memref<500000x128xf32, #tpu.memory_space<hbm>> -> memref<128x128xf32, #tpu.memory_space<hbm>>
    %dma_wait3A_27 = arith.constant 0 : i32
    %dma_wait3A_28 = tpu.memref_slice %arg3[%multiple_of3A_25, %dma_wait3A_27] : memref<500000x128xf32, #tpu.memory_space<hbm>> -> memref<128x128xf32, #tpu.memory_space<hbm>>
    tpu.wait_dma2 semaphore(%arg11 : memref<!tpu.dma_semaphore, #tpu.memory_space<semaphore_mem>>) src(%arg6 : memref<128x128xf32, #tpu.memory_space<vmem>>) dst(%dma_wait3A_28 : memref<128x128xf32, #tpu.memory_space<hbm>>)
    %add3A_29 = arith.constant 3872 : i32
    %add3A_30 = arith.addi %add3A, %add3A_29 : i32
    %mul3A_31 = arith.constant 128 : i32
    %mul3A_32 = arith.muli %add3A_30, %mul3A_31 : i32
    %multiple_of3A_33 = tpu.assume_multiple %mul3A_32, 128 : i32
    %dma_wait3A_34 = arith.constant 0 : i32
    %dma_wait3A_35 = tpu.memref_slice %arg3[%multiple_of3A_33, %dma_wait3A_34] : memref<500000x128xf32, #tpu.memory_space<hbm>> -> memref<128x128xf32, #tpu.memory_space<hbm>>
    %dma_wait3A_36 = arith.constant 0 : i32
    %dma_wait3A_37 = tpu.memref_slice %arg3[%multiple_of3A_33, %dma_wait3A_36] : memref<500000x128xf32, #tpu.memory_space<hbm>> -> memref<128x128xf32, #tpu.memory_space<hbm>>
    tpu.wait_dma2 semaphore(%arg11 : memref<!tpu.dma_semaphore, #tpu.memory_space<semaphore_mem>>) src(%arg7 : memref<128x128xf32, #tpu.memory_space<vmem>>) dst(%dma_wait3A_37 : memref<128x128xf32, #tpu.memory_space<hbm>>)
    %lt3A = arith.constant 2 : i32
    %lt3A_38 = arith.cmpi slt, %add3A, %lt3A : i32
    %convert_element_type3A = arith.extui %lt3A_38 : i1 to i32
    %cond3A = arith.constant 0 : i32
    %cond3A_39 = arith.cmpi ne, %convert_element_type3A, %cond3A : i32
    scf.if %cond3A_39 {
      %add3A_44 = arith.constant 3904 : i32
      %add3A_45 = arith.addi %add3A_44, %add3A : i32
      %mul3A_46 = arith.constant 256 : i32
      %mul3A_47 = arith.muli %add3A_45, %mul3A_46 : i32
      %multiple_of3A_48 = tpu.assume_multiple %mul3A_47, 256 : i32
      "tpu.region"() ({
        %run_scoped3A = tpu.sem_alloc : memref<!tpu.dma_semaphore, #tpu.memory_space<semaphore_mem>>
        %dma_start3A_162 = arith.constant 0 : i32
        %dma_start3A_163 = tpu.memref_slice %arg2[%dma_start3A_162, %multiple_of3A_48] : memref<64x1000000xf32, #tpu.memory_space<hbm>> -> memref<64x256xf32, #tpu.memory_space<hbm>>
        %dma_start3A_164 = arith.constant 0 : i32
        %dma_start3A_165 = tpu.memref_slice %arg2[%dma_start3A_164, %multiple_of3A_48] : memref<64x1000000xf32, #tpu.memory_space<hbm>> -> memref<64x256xf32, #tpu.memory_space<hbm>>
        tpu.enqueue_dma source(%dma_start3A_165 : memref<64x256xf32, #tpu.memory_space<hbm>>) target(%arg4 : memref<64x256xf32, #tpu.memory_space<vmem>>) target_semaphore(%run_scoped3A : memref<!tpu.dma_semaphore, #tpu.memory_space<semaphore_mem>>)
        %dma_wait3A_166 = arith.constant 0 : i32
        %dma_wait3A_167 = tpu.memref_slice %arg2[%dma_wait3A_166, %multiple_of3A_48] : memref<64x1000000xf32, #tpu.memory_space<hbm>> -> memref<64x256xf32, #tpu.memory_space<hbm>>
        %dma_wait3A_168 = arith.constant 0 : i32
        %dma_wait3A_169 = tpu.memref_slice %arg2[%dma_wait3A_168, %multiple_of3A_48] : memref<64x1000000xf32, #tpu.memory_space<hbm>> -> memref<64x256xf32, #tpu.memory_space<hbm>>
        tpu.wait_dma2 semaphore(%run_scoped3A : memref<!tpu.dma_semaphore, #tpu.memory_space<semaphore_mem>>) src(%dma_wait3A_169 : memref<64x256xf32, #tpu.memory_space<hbm>>) dst(%arg4 : memref<64x256xf32, #tpu.memory_space<vmem>>)
        tpu.yield
      }) : () -> ()
      %iota3A = tpu.iota {dimensions = array<i32: 0>} : vector<16xi32>
      %shift_right_logical3A = arith.constant 1 : i32
      %shift_right_logical3A_49 = vector.broadcast %shift_right_logical3A : i32 to vector<16xi32>
      %shift_right_logical3A_50 = arith.shrui %iota3A, %shift_right_logical3A_49 : vector<16xi32>
      %and3A = arith.constant 1 : i32
      %and3A_51 = vector.broadcast %and3A : i32 to vector<16xi32>
      %and3A_52 = arith.andi %iota3A, %and3A_51 : vector<16xi32>
      %mul3A_53 = arith.constant 64 : i32
      %mul3A_54 = vector.broadcast %mul3A_53 : i32 to vector<16xi32>
      %mul3A_55 = arith.muli %and3A_52, %mul3A_54 : vector<16xi32>
      %add3A_56 = arith.constant 0 : i32
      %add3A_57 = vector.broadcast %add3A_56 : i32 to vector<16xi32>
      %add3A_58 = arith.addi %iota3A, %add3A_57 : vector<16xi32>
      %and3A_59 = arith.constant 15 : i32
      %and3A_60 = vector.broadcast %and3A_59 : i32 to vector<16xi32>
      %and3A_61 = arith.andi %add3A_58, %and3A_60 : vector<16xi32>
      %add3A_62 = arith.constant 1 : i32
      %add3A_63 = vector.broadcast %add3A_62 : i32 to vector<16xi32>
      %add3A_64 = arith.addi %iota3A, %add3A_63 : vector<16xi32>
      %and3A_65 = arith.constant 15 : i32
      %and3A_66 = vector.broadcast %and3A_65 : i32 to vector<16xi32>
      %and3A_67 = arith.andi %add3A_64, %and3A_66 : vector<16xi32>
      %add3A_68 = arith.constant 2 : i32
      %add3A_69 = vector.broadcast %add3A_68 : i32 to vector<16xi32>
      %add3A_70 = arith.addi %iota3A, %add3A_69 : vector<16xi32>
      %and3A_71 = arith.constant 15 : i32
      %and3A_72 = vector.broadcast %and3A_71 : i32 to vector<16xi32>
      %and3A_73 = arith.andi %add3A_70, %and3A_72 : vector<16xi32>
      %add3A_74 = arith.constant 3 : i32
      %add3A_75 = vector.broadcast %add3A_74 : i32 to vector<16xi32>
      %add3A_76 = arith.addi %iota3A, %add3A_75 : vector<16xi32>
      %and3A_77 = arith.constant 15 : i32
      %and3A_78 = vector.broadcast %and3A_77 : i32 to vector<16xi32>
      %and3A_79 = arith.andi %add3A_76, %and3A_78 : vector<16xi32>
      %add3A_80 = arith.constant 4 : i32
      %add3A_81 = vector.broadcast %add3A_80 : i32 to vector<16xi32>
      %add3A_82 = arith.addi %iota3A, %add3A_81 : vector<16xi32>
      %and3A_83 = arith.constant 15 : i32
      %and3A_84 = vector.broadcast %and3A_83 : i32 to vector<16xi32>
      %and3A_85 = arith.andi %add3A_82, %and3A_84 : vector<16xi32>
      %add3A_86 = arith.constant 5 : i32
      %add3A_87 = vector.broadcast %add3A_86 : i32 to vector<16xi32>
      %add3A_88 = arith.addi %iota3A, %add3A_87 : vector<16xi32>
      %and3A_89 = arith.constant 15 : i32
      %and3A_90 = vector.broadcast %and3A_89 : i32 to vector<16xi32>
      %and3A_91 = arith.andi %add3A_88, %and3A_90 : vector<16xi32>
      %add3A_92 = arith.constant 6 : i32
      %add3A_93 = vector.broadcast %add3A_92 : i32 to vector<16xi32>
      %add3A_94 = arith.addi %iota3A, %add3A_93 : vector<16xi32>
      %and3A_95 = arith.constant 15 : i32
      %and3A_96 = vector.broadcast %and3A_95 : i32 to vector<16xi32>
      %and3A_97 = arith.andi %add3A_94, %and3A_96 : vector<16xi32>
      %add3A_98 = arith.constant 7 : i32
      %add3A_99 = vector.broadcast %add3A_98 : i32 to vector<16xi32>
      %add3A_100 = arith.addi %iota3A, %add3A_99 : vector<16xi32>
      %and3A_101 = arith.constant 15 : i32
      %and3A_102 = vector.broadcast %and3A_101 : i32 to vector<16xi32>
      %and3A_103 = arith.andi %add3A_100, %and3A_102 : vector<16xi32>
      %add3A_104 = arith.constant 8 : i32
      %add3A_105 = vector.broadcast %add3A_104 : i32 to vector<16xi32>
      %add3A_106 = arith.addi %iota3A, %add3A_105 : vector<16xi32>
      %and3A_107 = arith.constant 15 : i32
      %and3A_108 = vector.broadcast %and3A_107 : i32 to vector<16xi32>
      %and3A_109 = arith.andi %add3A_106, %and3A_108 : vector<16xi32>
      %add3A_110 = arith.constant 9 : i32
      %add3A_111 = vector.broadcast %add3A_110 : i32 to vector<16xi32>
      %add3A_112 = arith.addi %iota3A, %add3A_111 : vector<16xi32>
      %and3A_113 = arith.constant 15 : i32
      %and3A_114 = vector.broadcast %and3A_113 : i32 to vector<16xi32>
      %and3A_115 = arith.andi %add3A_112, %and3A_114 : vector<16xi32>
      %add3A_116 = arith.constant 10 : i32
      %add3A_117 = vector.broadcast %add3A_116 : i32 to vector<16xi32>
      %add3A_118 = arith.addi %iota3A, %add3A_117 : vector<16xi32>
      %and3A_119 = arith.constant 15 : i32
      %and3A_120 = vector.broadcast %and3A_119 : i32 to vector<16xi32>
      %and3A_121 = arith.andi %add3A_118, %and3A_120 : vector<16xi32>
      %add3A_122 = arith.constant 11 : i32
      %add3A_123 = vector.broadcast %add3A_122 : i32 to vector<16xi32>
      %add3A_124 = arith.addi %iota3A, %add3A_123 : vector<16xi32>
      %and3A_125 = arith.constant 15 : i32
      %and3A_126 = vector.broadcast %and3A_125 : i32 to vector<16xi32>
      %and3A_127 = arith.andi %add3A_124, %and3A_126 : vector<16xi32>
      %add3A_128 = arith.constant 12 : i32
      %add3A_129 = vector.broadcast %add3A_128 : i32 to vector<16xi32>
      %add3A_130 = arith.addi %iota3A, %add3A_129 : vector<16xi32>
      %and3A_131 = arith.constant 15 : i32
      %and3A_132 = vector.broadcast %and3A_131 : i32 to vector<16xi32>
      %and3A_133 = arith.andi %add3A_130, %and3A_132 : vector<16xi32>
      %add3A_134 = arith.constant 13 : i32
      %add3A_135 = vector.broadcast %add3A_134 : i32 to vector<16xi32>
      %add3A_136 = arith.addi %iota3A, %add3A_135 : vector<16xi32>
      %and3A_137 = arith.constant 15 : i32
      %and3A_138 = vector.broadcast %and3A_137 : i32 to vector<16xi32>
      %and3A_139 = arith.andi %add3A_136, %and3A_138 : vector<16xi32>
      %add3A_140 = arith.constant 14 : i32
      %add3A_141 = vector.broadcast %add3A_140 : i32 to vector<16xi32>
      %add3A_142 = arith.addi %iota3A, %add3A_141 : vector<16xi32>
      %and3A_143 = arith.constant 15 : i32
      %and3A_144 = vector.broadcast %and3A_143 : i32 to vector<16xi32>
      %and3A_145 = arith.andi %add3A_142, %and3A_144 : vector<16xi32>
      %add3A_146 = arith.constant 15 : i32
      %add3A_147 = vector.broadcast %add3A_146 : i32 to vector<16xi32>
      %add3A_148 = arith.addi %iota3A, %add3A_147 : vector<16xi32>
      %and3A_149 = arith.constant 15 : i32
      %and3A_150 = vector.broadcast %and3A_149 : i32 to vector<16xi32>
      %and3A_151 = arith.andi %add3A_148, %and3A_150 : vector<16xi32>
      %scan3A_152 = arith.constant 0 : i32
      %scan3A_153 = arith.constant 0 : i32
      %scan3A_154 = arith.constant 64 : i32
      %scan3A_155 = arith.addi %scan3A_153, %scan3A_154 : i32
      %scan3A_156 = arith.constant 1 : i32
      %scan3A_157 = scf.for %scan3A_162 = %scan3A_153 to %scan3A_155 step %scan3A_156 iter_args(%scan3A_163 = %scan3A_152) -> (i32)  : i32 {
        %and3A_164 = arith.constant 3 : i32
        %and3A_165 = arith.andi %scan3A_162, %and3A_164 : i32
        %mul3A_166 = arith.constant 16 : i32
        %mul3A_167 = arith.muli %and3A_165, %mul3A_166 : i32
        %shift_right_logical3A_168 = arith.constant 2 : i32
        %shift_right_logical3A_169 = arith.shrui %scan3A_162, %shift_right_logical3A_168 : i32
        %mul3A_170 = arith.constant 16 : i32
        %mul3A_171 = arith.muli %shift_right_logical3A_169, %mul3A_170 : i32
        %add3A_172 = vector.broadcast %mul3A_171 : i32 to vector<16xi32>
        %add3A_173 = arith.addi %add3A_172, %iota3A : vector<16xi32>
        %shift_right_logical3A_174 = arith.constant 1 : i32
        %shift_right_logical3A_175 = arith.shrui %mul3A_171, %shift_right_logical3A_174 : i32
        %add3A_176 = vector.broadcast %shift_right_logical3A_175 : i32 to vector<16xi32>
        %add3A_177 = arith.addi %add3A_176, %shift_right_logical3A_50 : vector<16xi32>
        %add3A_178 = vector.broadcast %mul3A_167 : i32 to vector<16xi32>
        %add3A_179 = arith.addi %and3A_61, %add3A_178 : vector<16xi32>
        %add3A_180 = vector.broadcast %mul3A_167 : i32 to vector<16xi32>
        %add3A_181 = arith.addi %and3A_67, %add3A_180 : vector<16xi32>
        %add3A_182 = vector.broadcast %mul3A_167 : i32 to vector<16xi32>
        %add3A_183 = arith.addi %and3A_73, %add3A_182 : vector<16xi32>
        %add3A_184 = vector.broadcast %mul3A_167 : i32 to vector<16xi32>
        %add3A_185 = arith.addi %and3A_79, %add3A_184 : vector<16xi32>
        %add3A_186 = vector.broadcast %mul3A_167 : i32 to vector<16xi32>
        %add3A_187 = arith.addi %and3A_85, %add3A_186 : vector<16xi32>
        %add3A_188 = vector.broadcast %mul3A_167 : i32 to vector<16xi32>
        %add3A_189 = arith.addi %and3A_91, %add3A_188 : vector<16xi32>
        %add3A_190 = vector.broadcast %mul3A_167 : i32 to vector<16xi32>
        %add3A_191 = arith.addi %and3A_97, %add3A_190 : vector<16xi32>
        %add3A_192 = vector.broadcast %mul3A_167 : i32 to vector<16xi32>
        %add3A_193 = arith.addi %and3A_103, %add3A_192 : vector<16xi32>
        %gather3A = tpu.vector_load_idx %arg4[%add3A_179, %add3A_173] : memref<64x256xf32, #tpu.memory_space<vmem>>[vector<16xi32>, vector<16xi32>], vector<16xf32>,
        %gather3A_194 = tpu.vector_load_idx %arg4[%add3A_181, %add3A_173] : memref<64x256xf32, #tpu.memory_space<vmem>>[vector<16xi32>, vector<16xi32>], vector<16xf32>,
        %gather3A_195 = tpu.vector_load_idx %arg4[%add3A_183, %add3A_173] : memref<64x256xf32, #tpu.memory_space<vmem>>[vector<16xi32>, vector<16xi32>], vector<16xf32>,
        %gather3A_196 = tpu.vector_load_idx %arg4[%add3A_185, %add3A_173] : memref<64x256xf32, #tpu.memory_space<vmem>>[vector<16xi32>, vector<16xi32>], vector<16xf32>,
        %gather3A_197 = tpu.vector_load_idx %arg4[%add3A_187, %add3A_173] : memref<64x256xf32, #tpu.memory_space<vmem>>[vector<16xi32>, vector<16xi32>], vector<16xf32>,
        %gather3A_198 = tpu.vector_load_idx %arg4[%add3A_189, %add3A_173] : memref<64x256xf32, #tpu.memory_space<vmem>>[vector<16xi32>, vector<16xi32>], vector<16xf32>,
        %gather3A_199 = tpu.vector_load_idx %arg4[%add3A_191, %add3A_173] : memref<64x256xf32, #tpu.memory_space<vmem>>[vector<16xi32>, vector<16xi32>], vector<16xf32>,
        %gather3A_200 = tpu.vector_load_idx %arg4[%add3A_193, %add3A_173] : memref<64x256xf32, #tpu.memory_space<vmem>>[vector<16xi32>, vector<16xi32>], vector<16xf32>,
        %add3A_201 = arith.addi %mul3A_55, %add3A_179 : vector<16xi32>
        tpu.vector_store_idx %arg6[%add3A_177, %add3A_201], %gather3A : memref<128x128xf32, #tpu.memory_space<vmem>>[vector<16xi32>, vector<16xi32>], vector<16xf32>,
        %add3A_202 = arith.addi %mul3A_55, %add3A_181 : vector<16xi32>
        tpu.vector_store_idx %arg6[%add3A_177, %add3A_202], %gather3A_194 : memref<128x128xf32, #tpu.memory_space<vmem>>[vector<16xi32>, vector<16xi32>], vector<16xf32>,
        %add3A_203 = arith.addi %mul3A_55, %add3A_183 : vector<16xi32>
        tpu.vector_store_idx %arg6[%add3A_177, %add3A_203], %gather3A_195 : memref<128x128xf32, #tpu.memory_space<vmem>>[vector<16xi32>, vector<16xi32>], vector<16xf32>,
        %add3A_204 = arith.addi %mul3A_55, %add3A_185 : vector<16xi32>
        tpu.vector_store_idx %arg6[%add3A_177, %add3A_204], %gather3A_196 : memref<128x128xf32, #tpu.memory_space<vmem>>[vector<16xi32>, vector<16xi32>], vector<16xf32>,
        %add3A_205 = arith.addi %mul3A_55, %add3A_187 : vector<16xi32>
        tpu.vector_store_idx %arg6[%add3A_177, %add3A_205], %gather3A_197 : memref<128x128xf32, #tpu.memory_space<vmem>>[vector<16xi32>, vector<16xi32>], vector<16xf32>,
        %add3A_206 = arith.addi %mul3A_55, %add3A_189 : vector<16xi32>
        tpu.vector_store_idx %arg6[%add3A_177, %add3A_206], %gather3A_198 : memref<128x128xf32, #tpu.memory_space<vmem>>[vector<16xi32>, vector<16xi32>], vector<16xf32>,
        %add3A_207 = arith.addi %mul3A_55, %add3A_191 : vector<16xi32>
        tpu.vector_store_idx %arg6[%add3A_177, %add3A_207], %gather3A_199 : memref<128x128xf32, #tpu.memory_space<vmem>>[vector<16xi32>, vector<16xi32>], vector<16xf32>,
        %add3A_208 = arith.addi %mul3A_55, %add3A_193 : vector<16xi32>
        tpu.vector_store_idx %arg6[%add3A_177, %add3A_208], %gather3A_200 : memref<128x128xf32, #tpu.memory_space<vmem>>[vector<16xi32>, vector<16xi32>], vector<16xf32>,
        %add3A_209 = vector.broadcast %mul3A_167 : i32 to vector<16xi32>
        %add3A_210 = arith.addi %and3A_109, %add3A_209 : vector<16xi32>
        %add3A_211 = vector.broadcast %mul3A_167 : i32 to vector<16xi32>
        %add3A_212 = arith.addi %and3A_115, %add3A_211 : vector<16xi32>
        %add3A_213 = vector.broadcast %mul3A_167 : i32 to vector<16xi32>
        %add3A_214 = arith.addi %and3A_121, %add3A_213 : vector<16xi32>
        %add3A_215 = vector.broadcast %mul3A_167 : i32 to vector<16xi32>
        %add3A_216 = arith.addi %and3A_127, %add3A_215 : vector<16xi32>
        %add3A_217 = vector.broadcast %mul3A_167 : i32 to vector<16xi32>
        %add3A_218 = arith.addi %and3A_133, %add3A_217 : vector<16xi32>
        %add3A_219 = vector.broadcast %mul3A_167 : i32 to vector<16xi32>
        %add3A_220 = arith.addi %and3A_139, %add3A_219 : vector<16xi32>
        %add3A_221 = vector.broadcast %mul3A_167 : i32 to vector<16xi32>
        %add3A_222 = arith.addi %and3A_145, %add3A_221 : vector<16xi32>
        %add3A_223 = vector.broadcast %mul3A_167 : i32 to vector<16xi32>
        %add3A_224 = arith.addi %and3A_151, %add3A_223 : vector<16xi32>
        %gather3A_225 = tpu.vector_load_idx %arg4[%add3A_210, %add3A_173] : memref<64x256xf32, #tpu.memory_space<vmem>>[vector<16xi32>, vector<16xi32>], vector<16xf32>,
        %gather3A_226 = tpu.vector_load_idx %arg4[%add3A_212, %add3A_173] : memref<64x256xf32, #tpu.memory_space<vmem>>[vector<16xi32>, vector<16xi32>], vector<16xf32>,
        %gather3A_227 = tpu.vector_load_idx %arg4[%add3A_214, %add3A_173] : memref<64x256xf32, #tpu.memory_space<vmem>>[vector<16xi32>, vector<16xi32>], vector<16xf32>,
        %gather3A_228 = tpu.vector_load_idx %arg4[%add3A_216, %add3A_173] : memref<64x256xf32, #tpu.memory_space<vmem>>[vector<16xi32>, vector<16xi32>], vector<16xf32>,
        %gather3A_229 = tpu.vector_load_idx %arg4[%add3A_218, %add3A_173] : memref<64x256xf32, #tpu.memory_space<vmem>>[vector<16xi32>, vector<16xi32>], vector<16xf32>,
        %gather3A_230 = tpu.vector_load_idx %arg4[%add3A_220, %add3A_173] : memref<64x256xf32, #tpu.memory_space<vmem>>[vector<16xi32>, vector<16xi32>], vector<16xf32>,
        %gather3A_231 = tpu.vector_load_idx %arg4[%add3A_222, %add3A_173] : memref<64x256xf32, #tpu.memory_space<vmem>>[vector<16xi32>, vector<16xi32>], vector<16xf32>,
        %gather3A_232 = tpu.vector_load_idx %arg4[%add3A_224, %add3A_173] : memref<64x256xf32, #tpu.memory_space<vmem>>[vector<16xi32>, vector<16xi32>], vector<16xf32>,
        %add3A_233 = arith.addi %mul3A_55, %add3A_210 : vector<16xi32>
        tpu.vector_store_idx %arg6[%add3A_177, %add3A_233], %gather3A_225 : memref<128x128xf32, #tpu.memory_space<vmem>>[vector<16xi32>, vector<16xi32>], vector<16xf32>,
        %add3A_234 = arith.addi %mul3A_55, %add3A_212 : vector<16xi32>
        tpu.vector_store_idx %arg6[%add3A_177, %add3A_234], %gather3A_226 : memref<128x128xf32, #tpu.memory_space<vmem>>[vector<16xi32>, vector<16xi32>], vector<16xf32>,
        %add3A_235 = arith.addi %mul3A_55, %add3A_214 : vector<16xi32>
        tpu.vector_store_idx %arg6[%add3A_177, %add3A_235], %gather3A_227 : memref<128x128xf32, #tpu.memory_space<vmem>>[vector<16xi32>, vector<16xi32>], vector<16xf32>,
        %add3A_236 = arith.addi %mul3A_55, %add3A_216 : vector<16xi32>
        tpu.vector_store_idx %arg6[%add3A_177, %add3A_236], %gather3A_228 : memref<128x128xf32, #tpu.memory_space<vmem>>[vector<16xi32>, vector<16xi32>], vector<16xf32>,
        %add3A_237 = arith.addi %mul3A_55, %add3A_218 : vector<16xi32>
        tpu.vector_store_idx %arg6[%add3A_177, %add3A_237], %gather3A_229 : memref<128x128xf32, #tpu.memory_space<vmem>>[vector<16xi32>, vector<16xi32>], vector<16xf32>,
        %add3A_238 = arith.addi %mul3A_55, %add3A_220 : vector<16xi32>
        tpu.vector_store_idx %arg6[%add3A_177, %add3A_238], %gather3A_230 : memref<128x128xf32, #tpu.memory_space<vmem>>[vector<16xi32>, vector<16xi32>], vector<16xf32>,
        %add3A_239 = arith.addi %mul3A_55, %add3A_222 : vector<16xi32>
        tpu.vector_store_idx %arg6[%add3A_177, %add3A_239], %gather3A_231 : memref<128x128xf32, #tpu.memory_space<vmem>>[vector<16xi32>, vector<16xi32>], vector<16xf32>,
        %add3A_240 = arith.addi %mul3A_55, %add3A_224 : vector<16xi32>
        tpu.vector_store_idx %arg6[%add3A_177, %add3A_240], %gather3A_232 : memref<128x128xf32, #tpu.memory_space<vmem>>[vector<16xi32>, vector<16xi32>], vector<16xf32>,
        %scan3A_241 = arith.constant 0 : i32
        scf.yield %scan3A_241 : i32
      }
      %scan3A_158 = arith.constant 64 : i32
      %mul3A_159 = arith.constant 128 : i32
      %mul3A_160 = arith.muli %add3A_45, %mul3A_159 : i32
      %multiple_of3A_161 = tpu.assume_multiple %mul3A_160, 128 : i32
      "tpu.region"() ({
        %run_scoped3A = tpu.sem_alloc : memref<!tpu.dma_semaphore, #tpu.memory_space<semaphore_mem>>
        %dma_start3A_162 = arith.constant 0 : i32
        %dma_start3A_163 = tpu.memref_slice %arg3[%multiple_of3A_161, %dma_start3A_162] : memref<500000x128xf32, #tpu.memory_space<hbm>> -> memref<128x128xf32, #tpu.memory_space<hbm>>
        %dma_start3A_164 = arith.constant 0 : i32
        %dma_start3A_165 = tpu.memref_slice %arg3[%multiple_of3A_161, %dma_start3A_164] : memref<500000x128xf32, #tpu.memory_space<hbm>> -> memref<128x128xf32, #tpu.memory_space<hbm>>
        tpu.enqueue_dma source(%arg6 : memref<128x128xf32, #tpu.memory_space<vmem>>) target(%dma_start3A_165 : memref<128x128xf32, #tpu.memory_space<hbm>>) target_semaphore(%run_scoped3A : memref<!tpu.dma_semaphore, #tpu.memory_space<semaphore_mem>>)
        %dma_wait3A_166 = arith.constant 0 : i32
        %dma_wait3A_167 = tpu.memref_slice %arg3[%multiple_of3A_161, %dma_wait3A_166] : memref<500000x128xf32, #tpu.memory_space<hbm>> -> memref<128x128xf32, #tpu.memory_space<hbm>>
        %dma_wait3A_168 = arith.constant 0 : i32
        %dma_wait3A_169 = tpu.memref_slice %arg3[%multiple_of3A_161, %dma_wait3A_168] : memref<500000x128xf32, #tpu.memory_space<hbm>> -> memref<128x128xf32, #tpu.memory_space<hbm>>
        tpu.wait_dma2 semaphore(%run_scoped3A : memref<!tpu.dma_semaphore, #tpu.memory_space<semaphore_mem>>) src(%arg6 : memref<128x128xf32, #tpu.memory_space<vmem>>) dst(%dma_wait3A_169 : memref<128x128xf32, #tpu.memory_space<hbm>>)
        tpu.yield
      }) : () -> ()
    } else {
    }
    %eq3A = arith.constant 2 : i32
    %eq3A_40 = arith.cmpi eq, %add3A, %eq3A : i32
    %convert_element_type3A_41 = arith.extui %eq3A_40 : i1 to i32
    %cond3A_42 = arith.constant 0 : i32
    %cond3A_43 = arith.cmpi ne, %convert_element_type3A_41, %cond3A_42 : i32
    scf.if %cond3A_43 {
      "tpu.region"() ({
        %run_scoped3A = tpu.sem_alloc : memref<!tpu.dma_semaphore, #tpu.memory_space<semaphore_mem>>
        %dma_start3A_154 = arith.constant 0 : i32
        %dma_start3A_155 = arith.constant 999936 : i32
        %dma_start3A_156 = tpu.memref_slice %arg2[%dma_start3A_154, %dma_start3A_155] : memref<64x1000000xf32, #tpu.memory_space<hbm>> -> memref<64x64xf32, #tpu.memory_space<hbm>>
        %dma_start3A_157 = arith.constant 0 : i32
        %dma_start3A_158 = arith.constant 999936 : i32
        %dma_start3A_159 = tpu.memref_slice %arg2[%dma_start3A_157, %dma_start3A_158] : memref<64x1000000xf32, #tpu.memory_space<hbm>> -> memref<64x64xf32, #tpu.memory_space<hbm>>
        tpu.enqueue_dma source(%dma_start3A_159 : memref<64x64xf32, #tpu.memory_space<hbm>>) target(%arg8 : memref<64x64xf32, #tpu.memory_space<vmem>>) target_semaphore(%run_scoped3A : memref<!tpu.dma_semaphore, #tpu.memory_space<semaphore_mem>>)
        %dma_wait3A_160 = arith.constant 0 : i32
        %dma_wait3A_161 = arith.constant 999936 : i32
        %dma_wait3A_162 = tpu.memref_slice %arg2[%dma_wait3A_160, %dma_wait3A_161] : memref<64x1000000xf32, #tpu.memory_space<hbm>> -> memref<64x64xf32, #tpu.memory_space<hbm>>
        %dma_wait3A_163 = arith.constant 0 : i32
        %dma_wait3A_164 = arith.constant 999936 : i32
        %dma_wait3A_165 = tpu.memref_slice %arg2[%dma_wait3A_163, %dma_wait3A_164] : memref<64x1000000xf32, #tpu.memory_space<hbm>> -> memref<64x64xf32, #tpu.memory_space<hbm>>
        tpu.wait_dma2 semaphore(%run_scoped3A : memref<!tpu.dma_semaphore, #tpu.memory_space<semaphore_mem>>) src(%dma_wait3A_165 : memref<64x64xf32, #tpu.memory_space<hbm>>) dst(%arg8 : memref<64x64xf32, #tpu.memory_space<vmem>>)
        tpu.yield
      }) : () -> ()
      %iota3A = tpu.iota {dimensions = array<i32: 0>} : vector<16xi32>
      %shift_right_logical3A = arith.constant 1 : i32
      %shift_right_logical3A_44 = vector.broadcast %shift_right_logical3A : i32 to vector<16xi32>
      %shift_right_logical3A_45 = arith.shrui %iota3A, %shift_right_logical3A_44 : vector<16xi32>
      %and3A = arith.constant 1 : i32
      %and3A_46 = vector.broadcast %and3A : i32 to vector<16xi32>
      %and3A_47 = arith.andi %iota3A, %and3A_46 : vector<16xi32>
      %mul3A_48 = arith.constant 64 : i32
      %mul3A_49 = vector.broadcast %mul3A_48 : i32 to vector<16xi32>
      %mul3A_50 = arith.muli %and3A_47, %mul3A_49 : vector<16xi32>
      %add3A_51 = arith.constant 0 : i32
      %add3A_52 = vector.broadcast %add3A_51 : i32 to vector<16xi32>
      %add3A_53 = arith.addi %iota3A, %add3A_52 : vector<16xi32>
      %and3A_54 = arith.constant 15 : i32
      %and3A_55 = vector.broadcast %and3A_54 : i32 to vector<16xi32>
      %and3A_56 = arith.andi %add3A_53, %and3A_55 : vector<16xi32>
      %add3A_57 = arith.constant 1 : i32
      %add3A_58 = vector.broadcast %add3A_57 : i32 to vector<16xi32>
      %add3A_59 = arith.addi %iota3A, %add3A_58 : vector<16xi32>
      %and3A_60 = arith.constant 15 : i32
      %and3A_61 = vector.broadcast %and3A_60 : i32 to vector<16xi32>
      %and3A_62 = arith.andi %add3A_59, %and3A_61 : vector<16xi32>
      %add3A_63 = arith.constant 2 : i32
      %add3A_64 = vector.broadcast %add3A_63 : i32 to vector<16xi32>
      %add3A_65 = arith.addi %iota3A, %add3A_64 : vector<16xi32>
      %and3A_66 = arith.constant 15 : i32
      %and3A_67 = vector.broadcast %and3A_66 : i32 to vector<16xi32>
      %and3A_68 = arith.andi %add3A_65, %and3A_67 : vector<16xi32>
      %add3A_69 = arith.constant 3 : i32
      %add3A_70 = vector.broadcast %add3A_69 : i32 to vector<16xi32>
      %add3A_71 = arith.addi %iota3A, %add3A_70 : vector<16xi32>
      %and3A_72 = arith.constant 15 : i32
      %and3A_73 = vector.broadcast %and3A_72 : i32 to vector<16xi32>
      %and3A_74 = arith.andi %add3A_71, %and3A_73 : vector<16xi32>
      %add3A_75 = arith.constant 4 : i32
      %add3A_76 = vector.broadcast %add3A_75 : i32 to vector<16xi32>
      %add3A_77 = arith.addi %iota3A, %add3A_76 : vector<16xi32>
      %and3A_78 = arith.constant 15 : i32
      %and3A_79 = vector.broadcast %and3A_78 : i32 to vector<16xi32>
      %and3A_80 = arith.andi %add3A_77, %and3A_79 : vector<16xi32>
      %add3A_81 = arith.constant 5 : i32
      %add3A_82 = vector.broadcast %add3A_81 : i32 to vector<16xi32>
      %add3A_83 = arith.addi %iota3A, %add3A_82 : vector<16xi32>
      %and3A_84 = arith.constant 15 : i32
      %and3A_85 = vector.broadcast %and3A_84 : i32 to vector<16xi32>
      %and3A_86 = arith.andi %add3A_83, %and3A_85 : vector<16xi32>
      %add3A_87 = arith.constant 6 : i32
      %add3A_88 = vector.broadcast %add3A_87 : i32 to vector<16xi32>
      %add3A_89 = arith.addi %iota3A, %add3A_88 : vector<16xi32>
      %and3A_90 = arith.constant 15 : i32
      %and3A_91 = vector.broadcast %and3A_90 : i32 to vector<16xi32>
      %and3A_92 = arith.andi %add3A_89, %and3A_91 : vector<16xi32>
      %add3A_93 = arith.constant 7 : i32
      %add3A_94 = vector.broadcast %add3A_93 : i32 to vector<16xi32>
      %add3A_95 = arith.addi %iota3A, %add3A_94 : vector<16xi32>
      %and3A_96 = arith.constant 15 : i32
      %and3A_97 = vector.broadcast %and3A_96 : i32 to vector<16xi32>
      %and3A_98 = arith.andi %add3A_95, %and3A_97 : vector<16xi32>
      %add3A_99 = arith.constant 8 : i32
      %add3A_100 = vector.broadcast %add3A_99 : i32 to vector<16xi32>
      %add3A_101 = arith.addi %iota3A, %add3A_100 : vector<16xi32>
      %and3A_102 = arith.constant 15 : i32
      %and3A_103 = vector.broadcast %and3A_102 : i32 to vector<16xi32>
      %and3A_104 = arith.andi %add3A_101, %and3A_103 : vector<16xi32>
      %add3A_105 = arith.constant 9 : i32
      %add3A_106 = vector.broadcast %add3A_105 : i32 to vector<16xi32>
      %add3A_107 = arith.addi %iota3A, %add3A_106 : vector<16xi32>
      %and3A_108 = arith.constant 15 : i32
      %and3A_109 = vector.broadcast %and3A_108 : i32 to vector<16xi32>
      %and3A_110 = arith.andi %add3A_107, %and3A_109 : vector<16xi32>
      %add3A_111 = arith.constant 10 : i32
      %add3A_112 = vector.broadcast %add3A_111 : i32 to vector<16xi32>
      %add3A_113 = arith.addi %iota3A, %add3A_112 : vector<16xi32>
      %and3A_114 = arith.constant 15 : i32
      %and3A_115 = vector.broadcast %and3A_114 : i32 to vector<16xi32>
      %and3A_116 = arith.andi %add3A_113, %and3A_115 : vector<16xi32>
      %add3A_117 = arith.constant 11 : i32
      %add3A_118 = vector.broadcast %add3A_117 : i32 to vector<16xi32>
      %add3A_119 = arith.addi %iota3A, %add3A_118 : vector<16xi32>
      %and3A_120 = arith.constant 15 : i32
      %and3A_121 = vector.broadcast %and3A_120 : i32 to vector<16xi32>
      %and3A_122 = arith.andi %add3A_119, %and3A_121 : vector<16xi32>
      %add3A_123 = arith.constant 12 : i32
      %add3A_124 = vector.broadcast %add3A_123 : i32 to vector<16xi32>
      %add3A_125 = arith.addi %iota3A, %add3A_124 : vector<16xi32>
      %and3A_126 = arith.constant 15 : i32
      %and3A_127 = vector.broadcast %and3A_126 : i32 to vector<16xi32>
      %and3A_128 = arith.andi %add3A_125, %and3A_127 : vector<16xi32>
      %add3A_129 = arith.constant 13 : i32
      %add3A_130 = vector.broadcast %add3A_129 : i32 to vector<16xi32>
      %add3A_131 = arith.addi %iota3A, %add3A_130 : vector<16xi32>
      %and3A_132 = arith.constant 15 : i32
      %and3A_133 = vector.broadcast %and3A_132 : i32 to vector<16xi32>
      %and3A_134 = arith.andi %add3A_131, %and3A_133 : vector<16xi32>
      %add3A_135 = arith.constant 14 : i32
      %add3A_136 = vector.broadcast %add3A_135 : i32 to vector<16xi32>
      %add3A_137 = arith.addi %iota3A, %add3A_136 : vector<16xi32>
      %and3A_138 = arith.constant 15 : i32
      %and3A_139 = vector.broadcast %and3A_138 : i32 to vector<16xi32>
      %and3A_140 = arith.andi %add3A_137, %and3A_139 : vector<16xi32>
      %add3A_141 = arith.constant 15 : i32
      %add3A_142 = vector.broadcast %add3A_141 : i32 to vector<16xi32>
      %add3A_143 = arith.addi %iota3A, %add3A_142 : vector<16xi32>
      %and3A_144 = arith.constant 15 : i32
      %and3A_145 = vector.broadcast %and3A_144 : i32 to vector<16xi32>
      %and3A_146 = arith.andi %add3A_143, %and3A_145 : vector<16xi32>
      %scan3A_147 = arith.constant 0 : i32
      %scan3A_148 = arith.constant 0 : i32
      %scan3A_149 = arith.constant 16 : i32
      %scan3A_150 = arith.addi %scan3A_148, %scan3A_149 : i32
      %scan3A_151 = arith.constant 1 : i32
      %scan3A_152 = scf.for %scan3A_154 = %scan3A_148 to %scan3A_150 step %scan3A_151 iter_args(%scan3A_155 = %scan3A_147) -> (i32)  : i32 {
        %and3A_156 = arith.constant 3 : i32
        %and3A_157 = arith.andi %scan3A_154, %and3A_156 : i32
        %mul3A_158 = arith.constant 16 : i32
        %mul3A_159 = arith.muli %and3A_157, %mul3A_158 : i32
        %shift_right_logical3A_160 = arith.constant 2 : i32
        %shift_right_logical3A_161 = arith.shrui %scan3A_154, %shift_right_logical3A_160 : i32
        %mul3A_162 = arith.constant 16 : i32
        %mul3A_163 = arith.muli %shift_right_logical3A_161, %mul3A_162 : i32
        %add3A_164 = vector.broadcast %mul3A_163 : i32 to vector<16xi32>
        %add3A_165 = arith.addi %add3A_164, %iota3A : vector<16xi32>
        %shift_right_logical3A_166 = arith.constant 1 : i32
        %shift_right_logical3A_167 = arith.shrui %mul3A_163, %shift_right_logical3A_166 : i32
        %add3A_168 = vector.broadcast %shift_right_logical3A_167 : i32 to vector<16xi32>
        %add3A_169 = arith.addi %add3A_168, %shift_right_logical3A_45 : vector<16xi32>
        %add3A_170 = vector.broadcast %mul3A_159 : i32 to vector<16xi32>
        %add3A_171 = arith.addi %and3A_56, %add3A_170 : vector<16xi32>
        %add3A_172 = vector.broadcast %mul3A_159 : i32 to vector<16xi32>
        %add3A_173 = arith.addi %and3A_62, %add3A_172 : vector<16xi32>
        %add3A_174 = vector.broadcast %mul3A_159 : i32 to vector<16xi32>
        %add3A_175 = arith.addi %and3A_68, %add3A_174 : vector<16xi32>
        %add3A_176 = vector.broadcast %mul3A_159 : i32 to vector<16xi32>
        %add3A_177 = arith.addi %and3A_74, %add3A_176 : vector<16xi32>
        %add3A_178 = vector.broadcast %mul3A_159 : i32 to vector<16xi32>
        %add3A_179 = arith.addi %and3A_80, %add3A_178 : vector<16xi32>
        %add3A_180 = vector.broadcast %mul3A_159 : i32 to vector<16xi32>
        %add3A_181 = arith.addi %and3A_86, %add3A_180 : vector<16xi32>
        %add3A_182 = vector.broadcast %mul3A_159 : i32 to vector<16xi32>
        %add3A_183 = arith.addi %and3A_92, %add3A_182 : vector<16xi32>
        %add3A_184 = vector.broadcast %mul3A_159 : i32 to vector<16xi32>
        %add3A_185 = arith.addi %and3A_98, %add3A_184 : vector<16xi32>
        %gather3A = tpu.vector_load_idx %arg8[%add3A_171, %add3A_165] : memref<64x64xf32, #tpu.memory_space<vmem>>[vector<16xi32>, vector<16xi32>], vector<16xf32>,
        %gather3A_186 = tpu.vector_load_idx %arg8[%add3A_173, %add3A_165] : memref<64x64xf32, #tpu.memory_space<vmem>>[vector<16xi32>, vector<16xi32>], vector<16xf32>,
        %gather3A_187 = tpu.vector_load_idx %arg8[%add3A_175, %add3A_165] : memref<64x64xf32, #tpu.memory_space<vmem>>[vector<16xi32>, vector<16xi32>], vector<16xf32>,
        %gather3A_188 = tpu.vector_load_idx %arg8[%add3A_177, %add3A_165] : memref<64x64xf32, #tpu.memory_space<vmem>>[vector<16xi32>, vector<16xi32>], vector<16xf32>,
        %gather3A_189 = tpu.vector_load_idx %arg8[%add3A_179, %add3A_165] : memref<64x64xf32, #tpu.memory_space<vmem>>[vector<16xi32>, vector<16xi32>], vector<16xf32>,
        %gather3A_190 = tpu.vector_load_idx %arg8[%add3A_181, %add3A_165] : memref<64x64xf32, #tpu.memory_space<vmem>>[vector<16xi32>, vector<16xi32>], vector<16xf32>,
        %gather3A_191 = tpu.vector_load_idx %arg8[%add3A_183, %add3A_165] : memref<64x64xf32, #tpu.memory_space<vmem>>[vector<16xi32>, vector<16xi32>], vector<16xf32>,
        %gather3A_192 = tpu.vector_load_idx %arg8[%add3A_185, %add3A_165] : memref<64x64xf32, #tpu.memory_space<vmem>>[vector<16xi32>, vector<16xi32>], vector<16xf32>,
        %add3A_193 = arith.addi %mul3A_50, %add3A_171 : vector<16xi32>
        tpu.vector_store_idx %arg9[%add3A_169, %add3A_193], %gather3A : memref<32x128xf32, #tpu.memory_space<vmem>>[vector<16xi32>, vector<16xi32>], vector<16xf32>,
        %add3A_194 = arith.addi %mul3A_50, %add3A_173 : vector<16xi32>
        tpu.vector_store_idx %arg9[%add3A_169, %add3A_194], %gather3A_186 : memref<32x128xf32, #tpu.memory_space<vmem>>[vector<16xi32>, vector<16xi32>], vector<16xf32>,
        %add3A_195 = arith.addi %mul3A_50, %add3A_175 : vector<16xi32>
        tpu.vector_store_idx %arg9[%add3A_169, %add3A_195], %gather3A_187 : memref<32x128xf32, #tpu.memory_space<vmem>>[vector<16xi32>, vector<16xi32>], vector<16xf32>,
        %add3A_196 = arith.addi %mul3A_50, %add3A_177 : vector<16xi32>
        tpu.vector_store_idx %arg9[%add3A_169, %add3A_196], %gather3A_188 : memref<32x128xf32, #tpu.memory_space<vmem>>[vector<16xi32>, vector<16xi32>], vector<16xf32>,
        %add3A_197 = arith.addi %mul3A_50, %add3A_179 : vector<16xi32>
        tpu.vector_store_idx %arg9[%add3A_169, %add3A_197], %gather3A_189 : memref<32x128xf32, #tpu.memory_space<vmem>>[vector<16xi32>, vector<16xi32>], vector<16xf32>,
        %add3A_198 = arith.addi %mul3A_50, %add3A_181 : vector<16xi32>
        tpu.vector_store_idx %arg9[%add3A_169, %add3A_198], %gather3A_190 : memref<32x128xf32, #tpu.memory_space<vmem>>[vector<16xi32>, vector<16xi32>], vector<16xf32>,
        %add3A_199 = arith.addi %mul3A_50, %add3A_183 : vector<16xi32>
        tpu.vector_store_idx %arg9[%add3A_169, %add3A_199], %gather3A_191 : memref<32x128xf32, #tpu.memory_space<vmem>>[vector<16xi32>, vector<16xi32>], vector<16xf32>,
        %add3A_200 = arith.addi %mul3A_50, %add3A_185 : vector<16xi32>
        tpu.vector_store_idx %arg9[%add3A_169, %add3A_200], %gather3A_192 : memref<32x128xf32, #tpu.memory_space<vmem>>[vector<16xi32>, vector<16xi32>], vector<16xf32>,
        %add3A_201 = vector.broadcast %mul3A_159 : i32 to vector<16xi32>
        %add3A_202 = arith.addi %and3A_104, %add3A_201 : vector<16xi32>
        %add3A_203 = vector.broadcast %mul3A_159 : i32 to vector<16xi32>
        %add3A_204 = arith.addi %and3A_110, %add3A_203 : vector<16xi32>
        %add3A_205 = vector.broadcast %mul3A_159 : i32 to vector<16xi32>
        %add3A_206 = arith.addi %and3A_116, %add3A_205 : vector<16xi32>
        %add3A_207 = vector.broadcast %mul3A_159 : i32 to vector<16xi32>
        %add3A_208 = arith.addi %and3A_122, %add3A_207 : vector<16xi32>
        %add3A_209 = vector.broadcast %mul3A_159 : i32 to vector<16xi32>
        %add3A_210 = arith.addi %and3A_128, %add3A_209 : vector<16xi32>
        %add3A_211 = vector.broadcast %mul3A_159 : i32 to vector<16xi32>
        %add3A_212 = arith.addi %and3A_134, %add3A_211 : vector<16xi32>
        %add3A_213 = vector.broadcast %mul3A_159 : i32 to vector<16xi32>
        %add3A_214 = arith.addi %and3A_140, %add3A_213 : vector<16xi32>
        %add3A_215 = vector.broadcast %mul3A_159 : i32 to vector<16xi32>
        %add3A_216 = arith.addi %and3A_146, %add3A_215 : vector<16xi32>
        %gather3A_217 = tpu.vector_load_idx %arg8[%add3A_202, %add3A_165] : memref<64x64xf32, #tpu.memory_space<vmem>>[vector<16xi32>, vector<16xi32>], vector<16xf32>,
        %gather3A_218 = tpu.vector_load_idx %arg8[%add3A_204, %add3A_165] : memref<64x64xf32, #tpu.memory_space<vmem>>[vector<16xi32>, vector<16xi32>], vector<16xf32>,
        %gather3A_219 = tpu.vector_load_idx %arg8[%add3A_206, %add3A_165] : memref<64x64xf32, #tpu.memory_space<vmem>>[vector<16xi32>, vector<16xi32>], vector<16xf32>,
        %gather3A_220 = tpu.vector_load_idx %arg8[%add3A_208, %add3A_165] : memref<64x64xf32, #tpu.memory_space<vmem>>[vector<16xi32>, vector<16xi32>], vector<16xf32>,
        %gather3A_221 = tpu.vector_load_idx %arg8[%add3A_210, %add3A_165] : memref<64x64xf32, #tpu.memory_space<vmem>>[vector<16xi32>, vector<16xi32>], vector<16xf32>,
        %gather3A_222 = tpu.vector_load_idx %arg8[%add3A_212, %add3A_165] : memref<64x64xf32, #tpu.memory_space<vmem>>[vector<16xi32>, vector<16xi32>], vector<16xf32>,
        %gather3A_223 = tpu.vector_load_idx %arg8[%add3A_214, %add3A_165] : memref<64x64xf32, #tpu.memory_space<vmem>>[vector<16xi32>, vector<16xi32>], vector<16xf32>,
        %gather3A_224 = tpu.vector_load_idx %arg8[%add3A_216, %add3A_165] : memref<64x64xf32, #tpu.memory_space<vmem>>[vector<16xi32>, vector<16xi32>], vector<16xf32>,
        %add3A_225 = arith.addi %mul3A_50, %add3A_202 : vector<16xi32>
        tpu.vector_store_idx %arg9[%add3A_169, %add3A_225], %gather3A_217 : memref<32x128xf32, #tpu.memory_space<vmem>>[vector<16xi32>, vector<16xi32>], vector<16xf32>,
        %add3A_226 = arith.addi %mul3A_50, %add3A_204 : vector<16xi32>
        tpu.vector_store_idx %arg9[%add3A_169, %add3A_226], %gather3A_218 : memref<32x128xf32, #tpu.memory_space<vmem>>[vector<16xi32>, vector<16xi32>], vector<16xf32>,
        %add3A_227 = arith.addi %mul3A_50, %add3A_206 : vector<16xi32>
        tpu.vector_store_idx %arg9[%add3A_169, %add3A_227], %gather3A_219 : memref<32x128xf32, #tpu.memory_space<vmem>>[vector<16xi32>, vector<16xi32>], vector<16xf32>,
        %add3A_228 = arith.addi %mul3A_50, %add3A_208 : vector<16xi32>
        tpu.vector_store_idx %arg9[%add3A_169, %add3A_228], %gather3A_220 : memref<32x128xf32, #tpu.memory_space<vmem>>[vector<16xi32>, vector<16xi32>], vector<16xf32>,
        %add3A_229 = arith.addi %mul3A_50, %add3A_210 : vector<16xi32>
        tpu.vector_store_idx %arg9[%add3A_169, %add3A_229], %gather3A_221 : memref<32x128xf32, #tpu.memory_space<vmem>>[vector<16xi32>, vector<16xi32>], vector<16xf32>,
        %add3A_230 = arith.addi %mul3A_50, %add3A_212 : vector<16xi32>
        tpu.vector_store_idx %arg9[%add3A_169, %add3A_230], %gather3A_222 : memref<32x128xf32, #tpu.memory_space<vmem>>[vector<16xi32>, vector<16xi32>], vector<16xf32>,
        %add3A_231 = arith.addi %mul3A_50, %add3A_214 : vector<16xi32>
        tpu.vector_store_idx %arg9[%add3A_169, %add3A_231], %gather3A_223 : memref<32x128xf32, #tpu.memory_space<vmem>>[vector<16xi32>, vector<16xi32>], vector<16xf32>,
        %add3A_232 = arith.addi %mul3A_50, %add3A_216 : vector<16xi32>
        tpu.vector_store_idx %arg9[%add3A_169, %add3A_232], %gather3A_224 : memref<32x128xf32, #tpu.memory_space<vmem>>[vector<16xi32>, vector<16xi32>], vector<16xf32>,
        %scan3A_233 = arith.constant 0 : i32
        scf.yield %scan3A_233 : i32
      }
      %scan3A_153 = arith.constant 16 : i32
      "tpu.region"() ({
        %run_scoped3A = tpu.sem_alloc : memref<!tpu.dma_semaphore, #tpu.memory_space<semaphore_mem>>
        %dma_start3A_154 = arith.constant 499968 : i32
        %dma_start3A_155 = arith.constant 0 : i32
        %dma_start3A_156 = tpu.memref_slice %arg3[%dma_start3A_154, %dma_start3A_155] : memref<500000x128xf32, #tpu.memory_space<hbm>> -> memref<32x128xf32, #tpu.memory_space<hbm>>
        %dma_start3A_157 = arith.constant 499968 : i32
        %dma_start3A_158 = arith.constant 0 : i32
        %dma_start3A_159 = tpu.memref_slice %arg3[%dma_start3A_157, %dma_start3A_158] : memref<500000x128xf32, #tpu.memory_space<hbm>> -> memref<32x128xf32, #tpu.memory_space<hbm>>
        tpu.enqueue_dma source(%arg9 : memref<32x128xf32, #tpu.memory_space<vmem>>) target(%dma_start3A_159 : memref<32x128xf32, #tpu.memory_space<hbm>>) target_semaphore(%run_scoped3A : memref<!tpu.dma_semaphore, #tpu.memory_space<semaphore_mem>>)
        %dma_wait3A_160 = arith.constant 499968 : i32
        %dma_wait3A_161 = arith.constant 0 : i32
        %dma_wait3A_162 = tpu.memref_slice %arg3[%dma_wait3A_160, %dma_wait3A_161] : memref<500000x128xf32, #tpu.memory_space<hbm>> -> memref<32x128xf32, #tpu.memory_space<hbm>>
        %dma_wait3A_163 = arith.constant 499968 : i32
        %dma_wait3A_164 = arith.constant 0 : i32
        %dma_wait3A_165 = tpu.memref_slice %arg3[%dma_wait3A_163, %dma_wait3A_164] : memref<500000x128xf32, #tpu.memory_space<hbm>> -> memref<32x128xf32, #tpu.memory_space<hbm>>
        tpu.wait_dma2 semaphore(%run_scoped3A : memref<!tpu.dma_semaphore, #tpu.memory_space<semaphore_mem>>) src(%arg9 : memref<32x128xf32, #tpu.memory_space<vmem>>) dst(%dma_wait3A_165 : memref<32x128xf32, #tpu.memory_space<hbm>>)
        tpu.yield
      }) : () -> ()
    } else {
    }
    return
  }
}

#map = affine_map<(d0, d1) -> (0, 0)>
#map1 = affine_map<(d0, d1) -> (0, 0, 0)>
module attributes {stable_mosaic.version = 14 : i64} {
  func.func @_sc_gatherx_body(%arg0: i32, %arg1: i32, %arg2: memref<200x1024xi32, #tpu.memory_space<hbm>>, %arg3: memref<500000x128xf32, #tpu.memory_space<hbm>>, %arg4: memref<200x64x1024xf32, #tpu.memory_space<hbm>>, %arg5: memref<8x128xi32, #tpu.memory_space<vmem>>, %arg6: memref<128xi32, #tpu.memory_space<vmem>>, %arg7: memref<128xi32, #tpu.memory_space<vmem>>, %arg8: memref<128x128xf32, #tpu.memory_space<vmem>>, %arg9: memref<128x128xf32, #tpu.memory_space<vmem>>, %arg10: memref<64x128xf32, #tpu.memory_space<vmem>>, %arg11: memref<!tpu.dma_semaphore, #tpu.memory_space<semaphore_mem>>) attributes {dimension_semantics = [#tpu.dimension_semantics<core_parallel>, #tpu.dimension_semantics<subcore_parallel>], iteration_bounds = array<i64: 2, 16>, scalar_prefetch = 0 : i64, scratch_operands = 7 : i64, tpu.core_type = #tpu.core_type<sc_vector_subcore>, window_params = [{transform_indices = #map}, {transform_indices = #map}, {transform_indices = #map1}]} {
    %mul3A = arith.constant 2 : i32
    %mul3A_0 = arith.muli %arg1, %mul3A : i32
    %add3A = arith.addi %mul3A_0, %arg0 : i32
    %iota3A = tpu.iota {dimensions = array<i32: 0>} : vector<16xi32>
    %add3A_1 = arith.constant 0 : i32
    %add3A_2 = vector.broadcast %add3A_1 : i32 to vector<16xi32>
    %add3A_3 = arith.addi %iota3A, %add3A_2 : vector<16xi32>
    %and3A = arith.constant 15 : i32
    %and3A_4 = vector.broadcast %and3A : i32 to vector<16xi32>
    %and3A_5 = arith.andi %add3A_3, %and3A_4 : vector<16xi32>
    %add3A_6 = arith.constant 1 : i32
    %add3A_7 = vector.broadcast %add3A_6 : i32 to vector<16xi32>
    %add3A_8 = arith.addi %iota3A, %add3A_7 : vector<16xi32>
    %and3A_9 = arith.constant 15 : i32
    %and3A_10 = vector.broadcast %and3A_9 : i32 to vector<16xi32>
    %and3A_11 = arith.andi %add3A_8, %and3A_10 : vector<16xi32>
    %add3A_12 = arith.constant 2 : i32
    %add3A_13 = vector.broadcast %add3A_12 : i32 to vector<16xi32>
    %add3A_14 = arith.addi %iota3A, %add3A_13 : vector<16xi32>
    %and3A_15 = arith.constant 15 : i32
    %and3A_16 = vector.broadcast %and3A_15 : i32 to vector<16xi32>
    %and3A_17 = arith.andi %add3A_14, %and3A_16 : vector<16xi32>
    %add3A_18 = arith.constant 3 : i32
    %add3A_19 = vector.broadcast %add3A_18 : i32 to vector<16xi32>
    %add3A_20 = arith.addi %iota3A, %add3A_19 : vector<16xi32>
    %and3A_21 = arith.constant 15 : i32
    %and3A_22 = vector.broadcast %and3A_21 : i32 to vector<16xi32>
    %and3A_23 = arith.andi %add3A_20, %and3A_22 : vector<16xi32>
    %add3A_24 = arith.constant 4 : i32
    %add3A_25 = vector.broadcast %add3A_24 : i32 to vector<16xi32>
    %add3A_26 = arith.addi %iota3A, %add3A_25 : vector<16xi32>
    %and3A_27 = arith.constant 15 : i32
    %and3A_28 = vector.broadcast %and3A_27 : i32 to vector<16xi32>
    %and3A_29 = arith.andi %add3A_26, %and3A_28 : vector<16xi32>
    %add3A_30 = arith.constant 5 : i32
    %add3A_31 = vector.broadcast %add3A_30 : i32 to vector<16xi32>
    %add3A_32 = arith.addi %iota3A, %add3A_31 : vector<16xi32>
    %and3A_33 = arith.constant 15 : i32
    %and3A_34 = vector.broadcast %and3A_33 : i32 to vector<16xi32>
    %and3A_35 = arith.andi %add3A_32, %and3A_34 : vector<16xi32>
    %add3A_36 = arith.constant 6 : i32
    %add3A_37 = vector.broadcast %add3A_36 : i32 to vector<16xi32>
    %add3A_38 = arith.addi %iota3A, %add3A_37 : vector<16xi32>
    %and3A_39 = arith.constant 15 : i32
    %and3A_40 = vector.broadcast %and3A_39 : i32 to vector<16xi32>
    %and3A_41 = arith.andi %add3A_38, %and3A_40 : vector<16xi32>
    %add3A_42 = arith.constant 7 : i32
    %add3A_43 = vector.broadcast %add3A_42 : i32 to vector<16xi32>
    %add3A_44 = arith.addi %iota3A, %add3A_43 : vector<16xi32>
    %and3A_45 = arith.constant 15 : i32
    %and3A_46 = vector.broadcast %and3A_45 : i32 to vector<16xi32>
    %and3A_47 = arith.andi %add3A_44, %and3A_46 : vector<16xi32>
    %add3A_48 = arith.constant 8 : i32
    %add3A_49 = vector.broadcast %add3A_48 : i32 to vector<16xi32>
    %add3A_50 = arith.addi %iota3A, %add3A_49 : vector<16xi32>
    %and3A_51 = arith.constant 15 : i32
    %and3A_52 = vector.broadcast %and3A_51 : i32 to vector<16xi32>
    %and3A_53 = arith.andi %add3A_50, %and3A_52 : vector<16xi32>
    %add3A_54 = arith.constant 9 : i32
    %add3A_55 = vector.broadcast %add3A_54 : i32 to vector<16xi32>
    %add3A_56 = arith.addi %iota3A, %add3A_55 : vector<16xi32>
    %and3A_57 = arith.constant 15 : i32
    %and3A_58 = vector.broadcast %and3A_57 : i32 to vector<16xi32>
    %and3A_59 = arith.andi %add3A_56, %and3A_58 : vector<16xi32>
    %add3A_60 = arith.constant 10 : i32
    %add3A_61 = vector.broadcast %add3A_60 : i32 to vector<16xi32>
    %add3A_62 = arith.addi %iota3A, %add3A_61 : vector<16xi32>
    %and3A_63 = arith.constant 15 : i32
    %and3A_64 = vector.broadcast %and3A_63 : i32 to vector<16xi32>
    %and3A_65 = arith.andi %add3A_62, %and3A_64 : vector<16xi32>
    %add3A_66 = arith.constant 11 : i32
    %add3A_67 = vector.broadcast %add3A_66 : i32 to vector<16xi32>
    %add3A_68 = arith.addi %iota3A, %add3A_67 : vector<16xi32>
    %and3A_69 = arith.constant 15 : i32
    %and3A_70 = vector.broadcast %and3A_69 : i32 to vector<16xi32>
    %and3A_71 = arith.andi %add3A_68, %and3A_70 : vector<16xi32>
    %add3A_72 = arith.constant 12 : i32
    %add3A_73 = vector.broadcast %add3A_72 : i32 to vector<16xi32>
    %add3A_74 = arith.addi %iota3A, %add3A_73 : vector<16xi32>
    %and3A_75 = arith.constant 15 : i32
    %and3A_76 = vector.broadcast %and3A_75 : i32 to vector<16xi32>
    %and3A_77 = arith.andi %add3A_74, %and3A_76 : vector<16xi32>
    %add3A_78 = arith.constant 13 : i32
    %add3A_79 = vector.broadcast %add3A_78 : i32 to vector<16xi32>
    %add3A_80 = arith.addi %iota3A, %add3A_79 : vector<16xi32>
    %and3A_81 = arith.constant 15 : i32
    %and3A_82 = vector.broadcast %and3A_81 : i32 to vector<16xi32>
    %and3A_83 = arith.andi %add3A_80, %and3A_82 : vector<16xi32>
    %add3A_84 = arith.constant 14 : i32
    %add3A_85 = vector.broadcast %add3A_84 : i32 to vector<16xi32>
    %add3A_86 = arith.addi %iota3A, %add3A_85 : vector<16xi32>
    %and3A_87 = arith.constant 15 : i32
    %and3A_88 = vector.broadcast %and3A_87 : i32 to vector<16xi32>
    %and3A_89 = arith.andi %add3A_86, %and3A_88 : vector<16xi32>
    %add3A_90 = arith.constant 15 : i32
    %add3A_91 = vector.broadcast %add3A_90 : i32 to vector<16xi32>
    %add3A_92 = arith.addi %iota3A, %add3A_91 : vector<16xi32>
    %and3A_93 = arith.constant 15 : i32
    %and3A_94 = vector.broadcast %and3A_93 : i32 to vector<16xi32>
    %and3A_95 = arith.andi %add3A_92, %and3A_94 : vector<16xi32>
    %scan3A = arith.constant 0 : i32
    %scan3A_96 = arith.constant 0 : i32
    %scan3A_97 = arith.constant 7 : i32
    %scan3A_98 = arith.addi %scan3A_96, %scan3A_97 : i32
    %scan3A_99 = arith.constant 1 : i32
    %scan3A_100 = scf.for %scan3A_102 = %scan3A_96 to %scan3A_98 step %scan3A_99 iter_args(%scan3A_103 = %scan3A) -> (i32)  : i32 {
      %mul3A_104 = arith.constant 32 : i32
      %mul3A_105 = arith.muli %mul3A_104, %scan3A_102 : i32
      %add3A_106 = arith.addi %add3A, %mul3A_105 : i32
      %lt3A = arith.constant 200 : i32
      %lt3A_107 = arith.cmpi slt, %add3A_106, %lt3A : i32
      %convert_element_type3A = arith.extui %lt3A_107 : i1 to i32
      %cond3A = arith.constant 0 : i32
      %cond3A_108 = arith.cmpi ne, %convert_element_type3A, %cond3A : i32
      scf.if %cond3A_108 {
        %jit3A = arith.constant 8 : i32
        %div3A = arith.divsi %add3A_106, %jit3A : i32
        %sign3A = arith.constant 0 : i32
        %sign3A_110 = arith.cmpi sgt, %add3A_106, %sign3A : i32
        %sign3A_111 = arith.extui %sign3A_110 : i1 to i32
        %sign3A_112 = arith.constant 0 : i32
        %sign3A_113 = arith.cmpi slt, %add3A_106, %sign3A_112 : i32
        %sign3A_114 = arith.extui %sign3A_113 : i1 to i32
        %sign3A_115 = arith.subi %sign3A_111, %sign3A_114 : i32
        %sign3A_116 = arith.constant 0 : i32
        %sign3A_117 = arith.cmpi sgt, %jit3A, %sign3A_116 : i32
        %sign3A_118 = arith.extui %sign3A_117 : i1 to i32
        %sign3A_119 = arith.constant 0 : i32
        %sign3A_120 = arith.cmpi slt, %jit3A, %sign3A_119 : i32
        %sign3A_121 = arith.extui %sign3A_120 : i1 to i32
        %sign3A_122 = arith.subi %sign3A_118, %sign3A_121 : i32
        %ne3A = arith.cmpi ne, %sign3A_115, %sign3A_122 : i32
        %rem3A = arith.remsi %add3A_106, %jit3A : i32
        %ne3A_123 = arith.constant 0 : i32
        %ne3A_124 = arith.cmpi ne, %rem3A, %ne3A_123 : i32
        %and3A_125 = arith.andi %ne3A, %ne3A_124 : i1
        %sub3A = arith.constant 1 : i32
        %sub3A_126 = arith.subi %div3A, %sub3A : i32
        %select_n3A = arith.select %and3A_125, %sub3A_126, %div3A : i32
        %mul3A_127 = arith.constant 8 : i32
        %mul3A_128 = arith.muli %select_n3A, %mul3A_127 : i32
        %sub3A_129 = arith.subi %add3A_106, %mul3A_128 : i32
        %mul3A_130 = arith.constant 8 : i32
        %mul3A_131 = arith.muli %select_n3A, %mul3A_130 : i32
        %multiple_of3A = tpu.assume_multiple %mul3A_131, 8 : i32
        %mul3A_132 = arith.constant 128 : i32
        %mul3A_133 = arith.muli %sub3A_129, %mul3A_132 : i32
        %multiple_of3A_134 = tpu.assume_multiple %mul3A_133, 128 : i32
        "tpu.region"() ({
          %run_scoped3A = tpu.sem_alloc : memref<!tpu.dma_semaphore, #tpu.memory_space<semaphore_mem>>
          %dma_start3A_288 = tpu.memref_slice %arg2[%multiple_of3A, %multiple_of3A_134] : memref<200x1024xi32, #tpu.memory_space<hbm>> -> memref<8x128xi32, #tpu.memory_space<hbm>>
          %dma_start3A_289 = tpu.memref_slice %arg2[%multiple_of3A, %multiple_of3A_134] : memref<200x1024xi32, #tpu.memory_space<hbm>> -> memref<8x128xi32, #tpu.memory_space<hbm>>
          tpu.enqueue_dma source(%dma_start3A_289 : memref<8x128xi32, #tpu.memory_space<hbm>>) target(%arg5 : memref<8x128xi32, #tpu.memory_space<vmem>>) target_semaphore(%run_scoped3A : memref<!tpu.dma_semaphore, #tpu.memory_space<semaphore_mem>>)
          %dma_wait3A = tpu.memref_slice %arg2[%multiple_of3A, %multiple_of3A_134] : memref<200x1024xi32, #tpu.memory_space<hbm>> -> memref<8x128xi32, #tpu.memory_space<hbm>>
          %dma_wait3A_290 = tpu.memref_slice %arg2[%multiple_of3A, %multiple_of3A_134] : memref<200x1024xi32, #tpu.memory_space<hbm>> -> memref<8x128xi32, #tpu.memory_space<hbm>>
          tpu.wait_dma2 semaphore(%run_scoped3A : memref<!tpu.dma_semaphore, #tpu.memory_space<semaphore_mem>>) src(%dma_wait3A_290 : memref<8x128xi32, #tpu.memory_space<hbm>>) dst(%arg5 : memref<8x128xi32, #tpu.memory_space<vmem>>)
          tpu.yield
        }) : () -> ()
        %get3A = arith.constant 0 : i32
        %get3A_135 = arith.index_cast %get3A : i32 to index
        %get3A_136 = arith.constant 0 : index
        %get3A_137 = tpu.vector_load %arg5[%get3A_135, %get3A_136] {strides = array<i32>} : memref<8x128xi32, #tpu.memory_space<vmem>>, vector<16xi32>,
        %shift_right_logical3A = arith.constant 1 : i32
        %shift_right_logical3A_138 = vector.broadcast %shift_right_logical3A : i32 to vector<16xi32>
        %shift_right_logical3A_139 = arith.shrui %get3A_137, %shift_right_logical3A_138 : vector<16xi32>
        %swap3A = arith.constant 0 : index
        %swap3A_140 = tpu.vector_load %arg6[%swap3A] {strides = array<i32>} : memref<128xi32, #tpu.memory_space<vmem>>, vector<16xi32>,
        tpu.vector_store %arg6[%swap3A], %shift_right_logical3A_139 {strides = array<i32>} : memref<128xi32, #tpu.memory_space<vmem>>, vector<16xi32>,
        %get3A_141 = arith.constant 0 : i32
        %get3A_142 = arith.index_cast %get3A_141 : i32 to index
        %get3A_143 = arith.constant 16 : index
        %get3A_144 = tpu.vector_load %arg5[%get3A_142, %get3A_143] {strides = array<i32>} : memref<8x128xi32, #tpu.memory_space<vmem>>, vector<16xi32>,
        %shift_right_logical3A_145 = arith.constant 1 : i32
        %shift_right_logical3A_146 = vector.broadcast %shift_right_logical3A_145 : i32 to vector<16xi32>
        %shift_right_logical3A_147 = arith.shrui %get3A_144, %shift_right_logical3A_146 : vector<16xi32>
        %swap3A_148 = arith.constant 16 : index
        %swap3A_149 = tpu.vector_load %arg6[%swap3A_148] {strides = array<i32>} : memref<128xi32, #tpu.memory_space<vmem>>, vector<16xi32>,
        tpu.vector_store %arg6[%swap3A_148], %shift_right_logical3A_147 {strides = array<i32>} : memref<128xi32, #tpu.memory_space<vmem>>, vector<16xi32>,
        %get3A_150 = arith.constant 0 : i32
        %get3A_151 = arith.index_cast %get3A_150 : i32 to index
        %get3A_152 = arith.constant 32 : index
        %get3A_153 = tpu.vector_load %arg5[%get3A_151, %get3A_152] {strides = array<i32>} : memref<8x128xi32, #tpu.memory_space<vmem>>, vector<16xi32>,
        %shift_right_logical3A_154 = arith.constant 1 : i32
        %shift_right_logical3A_155 = vector.broadcast %shift_right_logical3A_154 : i32 to vector<16xi32>
        %shift_right_logical3A_156 = arith.shrui %get3A_153, %shift_right_logical3A_155 : vector<16xi32>
        %swap3A_157 = arith.constant 32 : index
        %swap3A_158 = tpu.vector_load %arg6[%swap3A_157] {strides = array<i32>} : memref<128xi32, #tpu.memory_space<vmem>>, vector<16xi32>,
        tpu.vector_store %arg6[%swap3A_157], %shift_right_logical3A_156 {strides = array<i32>} : memref<128xi32, #tpu.memory_space<vmem>>, vector<16xi32>,
        %get3A_159 = arith.constant 0 : i32
        %get3A_160 = arith.index_cast %get3A_159 : i32 to index
        %get3A_161 = arith.constant 48 : index
        %get3A_162 = tpu.vector_load %arg5[%get3A_160, %get3A_161] {strides = array<i32>} : memref<8x128xi32, #tpu.memory_space<vmem>>, vector<16xi32>,
        %shift_right_logical3A_163 = arith.constant 1 : i32
        %shift_right_logical3A_164 = vector.broadcast %shift_right_logical3A_163 : i32 to vector<16xi32>
        %shift_right_logical3A_165 = arith.shrui %get3A_162, %shift_right_logical3A_164 : vector<16xi32>
        %swap3A_166 = arith.constant 48 : index
        %swap3A_167 = tpu.vector_load %arg6[%swap3A_166] {strides = array<i32>} : memref<128xi32, #tpu.memory_space<vmem>>, vector<16xi32>,
        tpu.vector_store %arg6[%swap3A_166], %shift_right_logical3A_165 {strides = array<i32>} : memref<128xi32, #tpu.memory_space<vmem>>, vector<16xi32>,
        %get3A_168 = arith.constant 0 : i32
        %get3A_169 = arith.index_cast %get3A_168 : i32 to index
        %get3A_170 = arith.constant 64 : index
        %get3A_171 = tpu.vector_load %arg5[%get3A_169, %get3A_170] {strides = array<i32>} : memref<8x128xi32, #tpu.memory_space<vmem>>, vector<16xi32>,
        %shift_right_logical3A_172 = arith.constant 1 : i32
        %shift_right_logical3A_173 = vector.broadcast %shift_right_logical3A_172 : i32 to vector<16xi32>
        %shift_right_logical3A_174 = arith.shrui %get3A_171, %shift_right_logical3A_173 : vector<16xi32>
        %swap3A_175 = arith.constant 64 : index
        %swap3A_176 = tpu.vector_load %arg6[%swap3A_175] {strides = array<i32>} : memref<128xi32, #tpu.memory_space<vmem>>, vector<16xi32>,
        tpu.vector_store %arg6[%swap3A_175], %shift_right_logical3A_174 {strides = array<i32>} : memref<128xi32, #tpu.memory_space<vmem>>, vector<16xi32>,
        %get3A_177 = arith.constant 0 : i32
        %get3A_178 = arith.index_cast %get3A_177 : i32 to index
        %get3A_179 = arith.constant 80 : index
        %get3A_180 = tpu.vector_load %arg5[%get3A_178, %get3A_179] {strides = array<i32>} : memref<8x128xi32, #tpu.memory_space<vmem>>, vector<16xi32>,
        %shift_right_logical3A_181 = arith.constant 1 : i32
        %shift_right_logical3A_182 = vector.broadcast %shift_right_logical3A_181 : i32 to vector<16xi32>
        %shift_right_logical3A_183 = arith.shrui %get3A_180, %shift_right_logical3A_182 : vector<16xi32>
        %swap3A_184 = arith.constant 80 : index
        %swap3A_185 = tpu.vector_load %arg6[%swap3A_184] {strides = array<i32>} : memref<128xi32, #tpu.memory_space<vmem>>, vector<16xi32>,
        tpu.vector_store %arg6[%swap3A_184], %shift_right_logical3A_183 {strides = array<i32>} : memref<128xi32, #tpu.memory_space<vmem>>, vector<16xi32>,
        %get3A_186 = arith.constant 0 : i32
        %get3A_187 = arith.index_cast %get3A_186 : i32 to index
        %get3A_188 = arith.constant 96 : index
        %get3A_189 = tpu.vector_load %arg5[%get3A_187, %get3A_188] {strides = array<i32>} : memref<8x128xi32, #tpu.memory_space<vmem>>, vector<16xi32>,
        %shift_right_logical3A_190 = arith.constant 1 : i32
        %shift_right_logical3A_191 = vector.broadcast %shift_right_logical3A_190 : i32 to vector<16xi32>
        %shift_right_logical3A_192 = arith.shrui %get3A_189, %shift_right_logical3A_191 : vector<16xi32>
        %swap3A_193 = arith.constant 96 : index
        %swap3A_194 = tpu.vector_load %arg6[%swap3A_193] {strides = array<i32>} : memref<128xi32, #tpu.memory_space<vmem>>, vector<16xi32>,
        tpu.vector_store %arg6[%swap3A_193], %shift_right_logical3A_192 {strides = array<i32>} : memref<128xi32, #tpu.memory_space<vmem>>, vector<16xi32>,
        %get3A_195 = arith.constant 0 : i32
        %get3A_196 = arith.index_cast %get3A_195 : i32 to index
        %get3A_197 = arith.constant 112 : index
        %get3A_198 = tpu.vector_load %arg5[%get3A_196, %get3A_197] {strides = array<i32>} : memref<8x128xi32, #tpu.memory_space<vmem>>, vector<16xi32>,
        %shift_right_logical3A_199 = arith.constant 1 : i32
        %shift_right_logical3A_200 = vector.broadcast %shift_right_logical3A_199 : i32 to vector<16xi32>
        %shift_right_logical3A_201 = arith.shrui %get3A_198, %shift_right_logical3A_200 : vector<16xi32>
        %swap3A_202 = arith.constant 112 : index
        %swap3A_203 = tpu.vector_load %arg6[%swap3A_202] {strides = array<i32>} : memref<128xi32, #tpu.memory_space<vmem>>, vector<16xi32>,
        tpu.vector_store %arg6[%swap3A_202], %shift_right_logical3A_201 {strides = array<i32>} : memref<128xi32, #tpu.memory_space<vmem>>, vector<16xi32>,
        %dma_start3A = arith.constant 0 : i32
        %dma_start3A_204 = arith.constant 0 : i32
        %dma_start3A_205 = tpu.memref_slice %arg3[%dma_start3A, %dma_start3A_204] : memref<500000x128xf32, #tpu.memory_space<hbm>> -> memref<500000x128xf32, #tpu.memory_space<hbm>>
        tpu.enqueue_indirect_dma source(%dma_start3A_205 : memref<500000x128xf32, #tpu.memory_space<hbm>>) target(%arg8 : memref<128x128xf32, #tpu.memory_space<vmem>>) offsets(%arg6 : memref<128xi32, #tpu.memory_space<vmem>>) semaphore(%arg11 : memref<!tpu.dma_semaphore, #tpu.memory_space<semaphore_mem>>)
        %get3A_206 = arith.constant 1 : i32
        %get3A_207 = arith.index_cast %get3A_206 : i32 to index
        %get3A_208 = arith.constant 0 : index
        %get3A_209 = tpu.vector_load %arg5[%get3A_207, %get3A_208] {strides = array<i32>} : memref<8x128xi32, #tpu.memory_space<vmem>>, vector<16xi32>,
        %shift_right_logical3A_210 = arith.constant 1 : i32
        %shift_right_logical3A_211 = vector.broadcast %shift_right_logical3A_210 : i32 to vector<16xi32>
        %shift_right_logical3A_212 = arith.shrui %get3A_209, %shift_right_logical3A_211 : vector<16xi32>
        %swap3A_213 = arith.constant 0 : index
        %swap3A_214 = tpu.vector_load %arg7[%swap3A_213] {strides = array<i32>} : memref<128xi32, #tpu.memory_space<vmem>>, vector<16xi32>,
        tpu.vector_store %arg7[%swap3A_213], %shift_right_logical3A_212 {strides = array<i32>} : memref<128xi32, #tpu.memory_space<vmem>>, vector<16xi32>,
        %get3A_215 = arith.constant 1 : i32
        %get3A_216 = arith.index_cast %get3A_215 : i32 to index
        %get3A_217 = arith.constant 16 : index
        %get3A_218 = tpu.vector_load %arg5[%get3A_216, %get3A_217] {strides = array<i32>} : memref<8x128xi32, #tpu.memory_space<vmem>>, vector<16xi32>,
        %shift_right_logical3A_219 = arith.constant 1 : i32
        %shift_right_logical3A_220 = vector.broadcast %shift_right_logical3A_219 : i32 to vector<16xi32>
        %shift_right_logical3A_221 = arith.shrui %get3A_218, %shift_right_logical3A_220 : vector<16xi32>
        %swap3A_222 = arith.constant 16 : index
        %swap3A_223 = tpu.vector_load %arg7[%swap3A_222] {strides = array<i32>} : memref<128xi32, #tpu.memory_space<vmem>>, vector<16xi32>,
        tpu.vector_store %arg7[%swap3A_222], %shift_right_logical3A_221 {strides = array<i32>} : memref<128xi32, #tpu.memory_space<vmem>>, vector<16xi32>,
        %get3A_224 = arith.constant 1 : i32
        %get3A_225 = arith.index_cast %get3A_224 : i32 to index
        %get3A_226 = arith.constant 32 : index
        %get3A_227 = tpu.vector_load %arg5[%get3A_225, %get3A_226] {strides = array<i32>} : memref<8x128xi32, #tpu.memory_space<vmem>>, vector<16xi32>,
        %shift_right_logical3A_228 = arith.constant 1 : i32
        %shift_right_logical3A_229 = vector.broadcast %shift_right_logical3A_228 : i32 to vector<16xi32>
        %shift_right_logical3A_230 = arith.shrui %get3A_227, %shift_right_logical3A_229 : vector<16xi32>
        %swap3A_231 = arith.constant 32 : index
        %swap3A_232 = tpu.vector_load %arg7[%swap3A_231] {strides = array<i32>} : memref<128xi32, #tpu.memory_space<vmem>>, vector<16xi32>,
        tpu.vector_store %arg7[%swap3A_231], %shift_right_logical3A_230 {strides = array<i32>} : memref<128xi32, #tpu.memory_space<vmem>>, vector<16xi32>,
        %get3A_233 = arith.constant 1 : i32
        %get3A_234 = arith.index_cast %get3A_233 : i32 to index
        %get3A_235 = arith.constant 48 : index
        %get3A_236 = tpu.vector_load %arg5[%get3A_234, %get3A_235] {strides = array<i32>} : memref<8x128xi32, #tpu.memory_space<vmem>>, vector<16xi32>,
        %shift_right_logical3A_237 = arith.constant 1 : i32
        %shift_right_logical3A_238 = vector.broadcast %shift_right_logical3A_237 : i32 to vector<16xi32>
        %shift_right_logical3A_239 = arith.shrui %get3A_236, %shift_right_logical3A_238 : vector<16xi32>
        %swap3A_240 = arith.constant 48 : index
        %swap3A_241 = tpu.vector_load %arg7[%swap3A_240] {strides = array<i32>} : memref<128xi32, #tpu.memory_space<vmem>>, vector<16xi32>,
        tpu.vector_store %arg7[%swap3A_240], %shift_right_logical3A_239 {strides = array<i32>} : memref<128xi32, #tpu.memory_space<vmem>>, vector<16xi32>,
        %get3A_242 = arith.constant 1 : i32
        %get3A_243 = arith.index_cast %get3A_242 : i32 to index
        %get3A_244 = arith.constant 64 : index
        %get3A_245 = tpu.vector_load %arg5[%get3A_243, %get3A_244] {strides = array<i32>} : memref<8x128xi32, #tpu.memory_space<vmem>>, vector<16xi32>,
        %shift_right_logical3A_246 = arith.constant 1 : i32
        %shift_right_logical3A_247 = vector.broadcast %shift_right_logical3A_246 : i32 to vector<16xi32>
        %shift_right_logical3A_248 = arith.shrui %get3A_245, %shift_right_logical3A_247 : vector<16xi32>
        %swap3A_249 = arith.constant 64 : index
        %swap3A_250 = tpu.vector_load %arg7[%swap3A_249] {strides = array<i32>} : memref<128xi32, #tpu.memory_space<vmem>>, vector<16xi32>,
        tpu.vector_store %arg7[%swap3A_249], %shift_right_logical3A_248 {strides = array<i32>} : memref<128xi32, #tpu.memory_space<vmem>>, vector<16xi32>,
        %get3A_251 = arith.constant 1 : i32
        %get3A_252 = arith.index_cast %get3A_251 : i32 to index
        %get3A_253 = arith.constant 80 : index
        %get3A_254 = tpu.vector_load %arg5[%get3A_252, %get3A_253] {strides = array<i32>} : memref<8x128xi32, #tpu.memory_space<vmem>>, vector<16xi32>,
        %shift_right_logical3A_255 = arith.constant 1 : i32
        %shift_right_logical3A_256 = vector.broadcast %shift_right_logical3A_255 : i32 to vector<16xi32>
        %shift_right_logical3A_257 = arith.shrui %get3A_254, %shift_right_logical3A_256 : vector<16xi32>
        %swap3A_258 = arith.constant 80 : index
        %swap3A_259 = tpu.vector_load %arg7[%swap3A_258] {strides = array<i32>} : memref<128xi32, #tpu.memory_space<vmem>>, vector<16xi32>,
        tpu.vector_store %arg7[%swap3A_258], %shift_right_logical3A_257 {strides = array<i32>} : memref<128xi32, #tpu.memory_space<vmem>>, vector<16xi32>,
        %get3A_260 = arith.constant 1 : i32
        %get3A_261 = arith.index_cast %get3A_260 : i32 to index
        %get3A_262 = arith.constant 96 : index
        %get3A_263 = tpu.vector_load %arg5[%get3A_261, %get3A_262] {strides = array<i32>} : memref<8x128xi32, #tpu.memory_space<vmem>>, vector<16xi32>,
        %shift_right_logical3A_264 = arith.constant 1 : i32
        %shift_right_logical3A_265 = vector.broadcast %shift_right_logical3A_264 : i32 to vector<16xi32>
        %shift_right_logical3A_266 = arith.shrui %get3A_263, %shift_right_logical3A_265 : vector<16xi32>
        %swap3A_267 = arith.constant 96 : index
        %swap3A_268 = tpu.vector_load %arg7[%swap3A_267] {strides = array<i32>} : memref<128xi32, #tpu.memory_space<vmem>>, vector<16xi32>,
        tpu.vector_store %arg7[%swap3A_267], %shift_right_logical3A_266 {strides = array<i32>} : memref<128xi32, #tpu.memory_space<vmem>>, vector<16xi32>,
        %get3A_269 = arith.constant 1 : i32
        %get3A_270 = arith.index_cast %get3A_269 : i32 to index
        %get3A_271 = arith.constant 112 : index
        %get3A_272 = tpu.vector_load %arg5[%get3A_270, %get3A_271] {strides = array<i32>} : memref<8x128xi32, #tpu.memory_space<vmem>>, vector<16xi32>,
        %shift_right_logical3A_273 = arith.constant 1 : i32
        %shift_right_logical3A_274 = vector.broadcast %shift_right_logical3A_273 : i32 to vector<16xi32>
        %shift_right_logical3A_275 = arith.shrui %get3A_272, %shift_right_logical3A_274 : vector<16xi32>
        %swap3A_276 = arith.constant 112 : index
        %swap3A_277 = tpu.vector_load %arg7[%swap3A_276] {strides = array<i32>} : memref<128xi32, #tpu.memory_space<vmem>>, vector<16xi32>,
        tpu.vector_store %arg7[%swap3A_276], %shift_right_logical3A_275 {strides = array<i32>} : memref<128xi32, #tpu.memory_space<vmem>>, vector<16xi32>,
        %dma_start3A_278 = arith.constant 0 : i32
        %dma_start3A_279 = arith.constant 0 : i32
        %dma_start3A_280 = tpu.memref_slice %arg3[%dma_start3A_278, %dma_start3A_279] : memref<500000x128xf32, #tpu.memory_space<hbm>> -> memref<500000x128xf32, #tpu.memory_space<hbm>>
        tpu.enqueue_indirect_dma source(%dma_start3A_280 : memref<500000x128xf32, #tpu.memory_space<hbm>>) target(%arg9 : memref<128x128xf32, #tpu.memory_space<vmem>>) offsets(%arg7 : memref<128xi32, #tpu.memory_space<vmem>>) semaphore(%arg11 : memref<!tpu.dma_semaphore, #tpu.memory_space<semaphore_mem>>)
        %scan3A_281 = arith.constant 0 : i32
        %scan3A_282 = arith.constant 0 : i32
        %scan3A_283 = arith.constant 4 : i32
        %scan3A_284 = arith.addi %scan3A_282, %scan3A_283 : i32
        %scan3A_285 = arith.constant 1 : i32
        %scan3A_286 = scf.for %scan3A_288 = %scan3A_282 to %scan3A_284 step %scan3A_285 iter_args(%scan3A_289 = %scan3A_281) -> (i32)  : i32 {
          %mul3A_290 = arith.constant 2 : i32
          %mul3A_291 = arith.muli %mul3A_290, %scan3A_288 : i32
          %add3A_292 = arith.constant 0 : i32
          %add3A_293 = arith.addi %mul3A_291, %add3A_292 : i32
          %dma_wait3A = arith.constant 0 : i32
          %dma_wait3A_294 = arith.constant 0 : i32
          %dma_wait3A_295 = tpu.memref_slice %arg3[%dma_wait3A, %dma_wait3A_294] : memref<500000x128xf32, #tpu.memory_space<hbm>> -> memref<500000x128xf32, #tpu.memory_space<hbm>>
          tpu.wait_indirect_dma semaphore(%arg11 : memref<!tpu.dma_semaphore, #tpu.memory_space<semaphore_mem>>) src(%dma_wait3A_295 : memref<500000x128xf32, #tpu.memory_space<hbm>>) dst(%arg8 : memref<128x128xf32, #tpu.memory_space<vmem>>)
          %scan3A_296 = arith.constant 0 : i32
          %scan3A_297 = arith.constant 0 : i32
          %scan3A_298 = arith.constant 32 : i32
          %scan3A_299 = arith.addi %scan3A_297, %scan3A_298 : i32
          %scan3A_300 = arith.constant 1 : i32
          %scan3A_301 = scf.for %scan3A_340 = %scan3A_297 to %scan3A_299 step %scan3A_300 iter_args(%scan3A_341 = %scan3A_296) -> (i32)  : i32 {
            %and3A_342 = arith.constant 3 : i32
            %and3A_343 = arith.andi %scan3A_340, %and3A_342 : i32
            %mul3A_344 = arith.constant 16 : i32
            %mul3A_345 = arith.muli %and3A_343, %mul3A_344 : i32
            %shift_right_logical3A_346 = arith.constant 2 : i32
            %shift_right_logical3A_347 = arith.shrui %scan3A_340, %shift_right_logical3A_346 : i32
            %mul3A_348 = arith.constant 16 : i32
            %mul3A_349 = arith.muli %shift_right_logical3A_347, %mul3A_348 : i32
            %get3A_350 = arith.index_cast %add3A_293 : i32 to index
            %get3A_351 = arith.index_cast %mul3A_349 : i32 to index
            %get3A_352 = tpu.vector_load %arg5[%get3A_350, %get3A_351] {strides = array<i32>} : memref<8x128xi32, #tpu.memory_space<vmem>>, vector<16xi32>,
            %and3A_353 = arith.constant 1 : i32
            %and3A_354 = vector.broadcast %and3A_353 : i32 to vector<16xi32>
            %and3A_355 = arith.andi %get3A_352, %and3A_354 : vector<16xi32>
            %mul3A_356 = arith.constant 64 : i32
            %mul3A_357 = vector.broadcast %mul3A_356 : i32 to vector<16xi32>
            %mul3A_358 = arith.muli %and3A_355, %mul3A_357 : vector<16xi32>
            %add3A_359 = vector.broadcast %mul3A_349 : i32 to vector<16xi32>
            %add3A_360 = arith.addi %add3A_359, %iota3A : vector<16xi32>
            %add3A_361 = vector.broadcast %mul3A_345 : i32 to vector<16xi32>
            %add3A_362 = arith.addi %and3A_5, %add3A_361 : vector<16xi32>
            %add3A_363 = vector.broadcast %mul3A_345 : i32 to vector<16xi32>
            %add3A_364 = arith.addi %and3A_11, %add3A_363 : vector<16xi32>
            %add3A_365 = vector.broadcast %mul3A_345 : i32 to vector<16xi32>
            %add3A_366 = arith.addi %and3A_17, %add3A_365 : vector<16xi32>
            %add3A_367 = vector.broadcast %mul3A_345 : i32 to vector<16xi32>
            %add3A_368 = arith.addi %and3A_23, %add3A_367 : vector<16xi32>
            %add3A_369 = vector.broadcast %mul3A_345 : i32 to vector<16xi32>
            %add3A_370 = arith.addi %and3A_29, %add3A_369 : vector<16xi32>
            %add3A_371 = vector.broadcast %mul3A_345 : i32 to vector<16xi32>
            %add3A_372 = arith.addi %and3A_35, %add3A_371 : vector<16xi32>
            %add3A_373 = vector.broadcast %mul3A_345 : i32 to vector<16xi32>
            %add3A_374 = arith.addi %and3A_41, %add3A_373 : vector<16xi32>
            %add3A_375 = vector.broadcast %mul3A_345 : i32 to vector<16xi32>
            %add3A_376 = arith.addi %and3A_47, %add3A_375 : vector<16xi32>
            %add3A_377 = arith.addi %mul3A_358, %add3A_362 : vector<16xi32>
            %gather3A = tpu.vector_load_idx %arg8[%add3A_360, %add3A_377] : memref<128x128xf32, #tpu.memory_space<vmem>>[vector<16xi32>, vector<16xi32>], vector<16xf32>,
            %add3A_378 = arith.addi %mul3A_358, %add3A_364 : vector<16xi32>
            %gather3A_379 = tpu.vector_load_idx %arg8[%add3A_360, %add3A_378] : memref<128x128xf32, #tpu.memory_space<vmem>>[vector<16xi32>, vector<16xi32>], vector<16xf32>,
            %add3A_380 = arith.addi %mul3A_358, %add3A_366 : vector<16xi32>
            %gather3A_381 = tpu.vector_load_idx %arg8[%add3A_360, %add3A_380] : memref<128x128xf32, #tpu.memory_space<vmem>>[vector<16xi32>, vector<16xi32>], vector<16xf32>,
            %add3A_382 = arith.addi %mul3A_358, %add3A_368 : vector<16xi32>
            %gather3A_383 = tpu.vector_load_idx %arg8[%add3A_360, %add3A_382] : memref<128x128xf32, #tpu.memory_space<vmem>>[vector<16xi32>, vector<16xi32>], vector<16xf32>,
            %add3A_384 = arith.addi %mul3A_358, %add3A_370 : vector<16xi32>
            %gather3A_385 = tpu.vector_load_idx %arg8[%add3A_360, %add3A_384] : memref<128x128xf32, #tpu.memory_space<vmem>>[vector<16xi32>, vector<16xi32>], vector<16xf32>,
            %add3A_386 = arith.addi %mul3A_358, %add3A_372 : vector<16xi32>
            %gather3A_387 = tpu.vector_load_idx %arg8[%add3A_360, %add3A_386] : memref<128x128xf32, #tpu.memory_space<vmem>>[vector<16xi32>, vector<16xi32>], vector<16xf32>,
            %add3A_388 = arith.addi %mul3A_358, %add3A_374 : vector<16xi32>
            %gather3A_389 = tpu.vector_load_idx %arg8[%add3A_360, %add3A_388] : memref<128x128xf32, #tpu.memory_space<vmem>>[vector<16xi32>, vector<16xi32>], vector<16xf32>,
            %add3A_390 = arith.addi %mul3A_358, %add3A_376 : vector<16xi32>
            %gather3A_391 = tpu.vector_load_idx %arg8[%add3A_360, %add3A_390] : memref<128x128xf32, #tpu.memory_space<vmem>>[vector<16xi32>, vector<16xi32>], vector<16xf32>,
            tpu.vector_store_idx %arg10[%add3A_362, %add3A_360], %gather3A : memref<64x128xf32, #tpu.memory_space<vmem>>[vector<16xi32>, vector<16xi32>], vector<16xf32>,
            tpu.vector_store_idx %arg10[%add3A_364, %add3A_360], %gather3A_379 : memref<64x128xf32, #tpu.memory_space<vmem>>[vector<16xi32>, vector<16xi32>], vector<16xf32>,
            tpu.vector_store_idx %arg10[%add3A_366, %add3A_360], %gather3A_381 : memref<64x128xf32, #tpu.memory_space<vmem>>[vector<16xi32>, vector<16xi32>], vector<16xf32>,
            tpu.vector_store_idx %arg10[%add3A_368, %add3A_360], %gather3A_383 : memref<64x128xf32, #tpu.memory_space<vmem>>[vector<16xi32>, vector<16xi32>], vector<16xf32>,
            tpu.vector_store_idx %arg10[%add3A_370, %add3A_360], %gather3A_385 : memref<64x128xf32, #tpu.memory_space<vmem>>[vector<16xi32>, vector<16xi32>], vector<16xf32>,
            tpu.vector_store_idx %arg10[%add3A_372, %add3A_360], %gather3A_387 : memref<64x128xf32, #tpu.memory_space<vmem>>[vector<16xi32>, vector<16xi32>], vector<16xf32>,
            tpu.vector_store_idx %arg10[%add3A_374, %add3A_360], %gather3A_389 : memref<64x128xf32, #tpu.memory_space<vmem>>[vector<16xi32>, vector<16xi32>], vector<16xf32>,
            tpu.vector_store_idx %arg10[%add3A_376, %add3A_360], %gather3A_391 : memref<64x128xf32, #tpu.memory_space<vmem>>[vector<16xi32>, vector<16xi32>], vector<16xf32>,
            %add3A_392 = vector.broadcast %mul3A_345 : i32 to vector<16xi32>
            %add3A_393 = arith.addi %and3A_53, %add3A_392 : vector<16xi32>
            %add3A_394 = vector.broadcast %mul3A_345 : i32 to vector<16xi32>
            %add3A_395 = arith.addi %and3A_59, %add3A_394 : vector<16xi32>
            %add3A_396 = vector.broadcast %mul3A_345 : i32 to vector<16xi32>
            %add3A_397 = arith.addi %and3A_65, %add3A_396 : vector<16xi32>
            %add3A_398 = vector.broadcast %mul3A_345 : i32 to vector<16xi32>
            %add3A_399 = arith.addi %and3A_71, %add3A_398 : vector<16xi32>
            %add3A_400 = vector.broadcast %mul3A_345 : i32 to vector<16xi32>
            %add3A_401 = arith.addi %and3A_77, %add3A_400 : vector<16xi32>
            %add3A_402 = vector.broadcast %mul3A_345 : i32 to vector<16xi32>
            %add3A_403 = arith.addi %and3A_83, %add3A_402 : vector<16xi32>
            %add3A_404 = vector.broadcast %mul3A_345 : i32 to vector<16xi32>
            %add3A_405 = arith.addi %and3A_89, %add3A_404 : vector<16xi32>
            %add3A_406 = vector.broadcast %mul3A_345 : i32 to vector<16xi32>
            %add3A_407 = arith.addi %and3A_95, %add3A_406 : vector<16xi32>
            %add3A_408 = arith.addi %mul3A_358, %add3A_393 : vector<16xi32>
            %gather3A_409 = tpu.vector_load_idx %arg8[%add3A_360, %add3A_408] : memref<128x128xf32, #tpu.memory_space<vmem>>[vector<16xi32>, vector<16xi32>], vector<16xf32>,
            %add3A_410 = arith.addi %mul3A_358, %add3A_395 : vector<16xi32>
            %gather3A_411 = tpu.vector_load_idx %arg8[%add3A_360, %add3A_410] : memref<128x128xf32, #tpu.memory_space<vmem>>[vector<16xi32>, vector<16xi32>], vector<16xf32>,
            %add3A_412 = arith.addi %mul3A_358, %add3A_397 : vector<16xi32>
            %gather3A_413 = tpu.vector_load_idx %arg8[%add3A_360, %add3A_412] : memref<128x128xf32, #tpu.memory_space<vmem>>[vector<16xi32>, vector<16xi32>], vector<16xf32>,
            %add3A_414 = arith.addi %mul3A_358, %add3A_399 : vector<16xi32>
            %gather3A_415 = tpu.vector_load_idx %arg8[%add3A_360, %add3A_414] : memref<128x128xf32, #tpu.memory_space<vmem>>[vector<16xi32>, vector<16xi32>], vector<16xf32>,
            %add3A_416 = arith.addi %mul3A_358, %add3A_401 : vector<16xi32>
            %gather3A_417 = tpu.vector_load_idx %arg8[%add3A_360, %add3A_416] : memref<128x128xf32, #tpu.memory_space<vmem>>[vector<16xi32>, vector<16xi32>], vector<16xf32>,
            %add3A_418 = arith.addi %mul3A_358, %add3A_403 : vector<16xi32>
            %gather3A_419 = tpu.vector_load_idx %arg8[%add3A_360, %add3A_418] : memref<128x128xf32, #tpu.memory_space<vmem>>[vector<16xi32>, vector<16xi32>], vector<16xf32>,
            %add3A_420 = arith.addi %mul3A_358, %add3A_405 : vector<16xi32>
            %gather3A_421 = tpu.vector_load_idx %arg8[%add3A_360, %add3A_420] : memref<128x128xf32, #tpu.memory_space<vmem>>[vector<16xi32>, vector<16xi32>], vector<16xf32>,
            %add3A_422 = arith.addi %mul3A_358, %add3A_407 : vector<16xi32>
            %gather3A_423 = tpu.vector_load_idx %arg8[%add3A_360, %add3A_422] : memref<128x128xf32, #tpu.memory_space<vmem>>[vector<16xi32>, vector<16xi32>], vector<16xf32>,
            tpu.vector_store_idx %arg10[%add3A_393, %add3A_360], %gather3A_409 : memref<64x128xf32, #tpu.memory_space<vmem>>[vector<16xi32>, vector<16xi32>], vector<16xf32>,
            tpu.vector_store_idx %arg10[%add3A_395, %add3A_360], %gather3A_411 : memref<64x128xf32, #tpu.memory_space<vmem>>[vector<16xi32>, vector<16xi32>], vector<16xf32>,
            tpu.vector_store_idx %arg10[%add3A_397, %add3A_360], %gather3A_413 : memref<64x128xf32, #tpu.memory_space<vmem>>[vector<16xi32>, vector<16xi32>], vector<16xf32>,
            tpu.vector_store_idx %arg10[%add3A_399, %add3A_360], %gather3A_415 : memref<64x128xf32, #tpu.memory_space<vmem>>[vector<16xi32>, vector<16xi32>], vector<16xf32>,
            tpu.vector_store_idx %arg10[%add3A_401, %add3A_360], %gather3A_417 : memref<64x128xf32, #tpu.memory_space<vmem>>[vector<16xi32>, vector<16xi32>], vector<16xf32>,
            tpu.vector_store_idx %arg10[%add3A_403, %add3A_360], %gather3A_419 : memref<64x128xf32, #tpu.memory_space<vmem>>[vector<16xi32>, vector<16xi32>], vector<16xf32>,
            tpu.vector_store_idx %arg10[%add3A_405, %add3A_360], %gather3A_421 : memref<64x128xf32, #tpu.memory_space<vmem>>[vector<16xi32>, vector<16xi32>], vector<16xf32>,
            tpu.vector_store_idx %arg10[%add3A_407, %add3A_360], %gather3A_423 : memref<64x128xf32, #tpu.memory_space<vmem>>[vector<16xi32>, vector<16xi32>], vector<16xf32>,
            %scan3A_424 = arith.constant 0 : i32
            scf.yield %scan3A_424 : i32
          }
          %scan3A_302 = arith.constant 32 : i32
          %lt3A_303 = arith.constant 3 : i32
          %lt3A_304 = arith.cmpi slt, %scan3A_288, %lt3A_303 : i32
          %convert_element_type3A_305 = arith.extui %lt3A_304 : i1 to i32
          %cond3A_306 = arith.constant 0 : i32
          %cond3A_307 = arith.cmpi ne, %convert_element_type3A_305, %cond3A_306 : i32
          scf.if %cond3A_307 {
            %add3A_340 = arith.constant 2 : i32
            %add3A_341 = arith.addi %add3A_293, %add3A_340 : i32
            %get3A_342 = arith.index_cast %add3A_341 : i32 to index
            %get3A_343 = arith.constant 0 : index
            %get3A_344 = tpu.vector_load %arg5[%get3A_342, %get3A_343] {strides = array<i32>} : memref<8x128xi32, #tpu.memory_space<vmem>>, vector<16xi32>,
            %shift_right_logical3A_345 = arith.constant 1 : i32
            %shift_right_logical3A_346 = vector.broadcast %shift_right_logical3A_345 : i32 to vector<16xi32>
            %shift_right_logical3A_347 = arith.shrui %get3A_344, %shift_right_logical3A_346 : vector<16xi32>
            %swap3A_348 = arith.constant 0 : index
            %swap3A_349 = tpu.vector_load %arg6[%swap3A_348] {strides = array<i32>} : memref<128xi32, #tpu.memory_space<vmem>>, vector<16xi32>,
            tpu.vector_store %arg6[%swap3A_348], %shift_right_logical3A_347 {strides = array<i32>} : memref<128xi32, #tpu.memory_space<vmem>>, vector<16xi32>,
            %get3A_350 = arith.index_cast %add3A_341 : i32 to index
            %get3A_351 = arith.constant 16 : index
            %get3A_352 = tpu.vector_load %arg5[%get3A_350, %get3A_351] {strides = array<i32>} : memref<8x128xi32, #tpu.memory_space<vmem>>, vector<16xi32>,
            %shift_right_logical3A_353 = arith.constant 1 : i32
            %shift_right_logical3A_354 = vector.broadcast %shift_right_logical3A_353 : i32 to vector<16xi32>
            %shift_right_logical3A_355 = arith.shrui %get3A_352, %shift_right_logical3A_354 : vector<16xi32>
            %swap3A_356 = arith.constant 16 : index
            %swap3A_357 = tpu.vector_load %arg6[%swap3A_356] {strides = array<i32>} : memref<128xi32, #tpu.memory_space<vmem>>, vector<16xi32>,
            tpu.vector_store %arg6[%swap3A_356], %shift_right_logical3A_355 {strides = array<i32>} : memref<128xi32, #tpu.memory_space<vmem>>, vector<16xi32>,
            %get3A_358 = arith.index_cast %add3A_341 : i32 to index
            %get3A_359 = arith.constant 32 : index
            %get3A_360 = tpu.vector_load %arg5[%get3A_358, %get3A_359] {strides = array<i32>} : memref<8x128xi32, #tpu.memory_space<vmem>>, vector<16xi32>,
            %shift_right_logical3A_361 = arith.constant 1 : i32
            %shift_right_logical3A_362 = vector.broadcast %shift_right_logical3A_361 : i32 to vector<16xi32>
            %shift_right_logical3A_363 = arith.shrui %get3A_360, %shift_right_logical3A_362 : vector<16xi32>
            %swap3A_364 = arith.constant 32 : index
            %swap3A_365 = tpu.vector_load %arg6[%swap3A_364] {strides = array<i32>} : memref<128xi32, #tpu.memory_space<vmem>>, vector<16xi32>,
            tpu.vector_store %arg6[%swap3A_364], %shift_right_logical3A_363 {strides = array<i32>} : memref<128xi32, #tpu.memory_space<vmem>>, vector<16xi32>,
            %get3A_366 = arith.index_cast %add3A_341 : i32 to index
            %get3A_367 = arith.constant 48 : index
            %get3A_368 = tpu.vector_load %arg5[%get3A_366, %get3A_367] {strides = array<i32>} : memref<8x128xi32, #tpu.memory_space<vmem>>, vector<16xi32>,
            %shift_right_logical3A_369 = arith.constant 1 : i32
            %shift_right_logical3A_370 = vector.broadcast %shift_right_logical3A_369 : i32 to vector<16xi32>
            %shift_right_logical3A_371 = arith.shrui %get3A_368, %shift_right_logical3A_370 : vector<16xi32>
            %swap3A_372 = arith.constant 48 : index
            %swap3A_373 = tpu.vector_load %arg6[%swap3A_372] {strides = array<i32>} : memref<128xi32, #tpu.memory_space<vmem>>, vector<16xi32>,
            tpu.vector_store %arg6[%swap3A_372], %shift_right_logical3A_371 {strides = array<i32>} : memref<128xi32, #tpu.memory_space<vmem>>, vector<16xi32>,
            %get3A_374 = arith.index_cast %add3A_341 : i32 to index
            %get3A_375 = arith.constant 64 : index
            %get3A_376 = tpu.vector_load %arg5[%get3A_374, %get3A_375] {strides = array<i32>} : memref<8x128xi32, #tpu.memory_space<vmem>>, vector<16xi32>,
            %shift_right_logical3A_377 = arith.constant 1 : i32
            %shift_right_logical3A_378 = vector.broadcast %shift_right_logical3A_377 : i32 to vector<16xi32>
            %shift_right_logical3A_379 = arith.shrui %get3A_376, %shift_right_logical3A_378 : vector<16xi32>
            %swap3A_380 = arith.constant 64 : index
            %swap3A_381 = tpu.vector_load %arg6[%swap3A_380] {strides = array<i32>} : memref<128xi32, #tpu.memory_space<vmem>>, vector<16xi32>,
            tpu.vector_store %arg6[%swap3A_380], %shift_right_logical3A_379 {strides = array<i32>} : memref<128xi32, #tpu.memory_space<vmem>>, vector<16xi32>,
            %get3A_382 = arith.index_cast %add3A_341 : i32 to index
            %get3A_383 = arith.constant 80 : index
            %get3A_384 = tpu.vector_load %arg5[%get3A_382, %get3A_383] {strides = array<i32>} : memref<8x128xi32, #tpu.memory_space<vmem>>, vector<16xi32>,
            %shift_right_logical3A_385 = arith.constant 1 : i32
            %shift_right_logical3A_386 = vector.broadcast %shift_right_logical3A_385 : i32 to vector<16xi32>
            %shift_right_logical3A_387 = arith.shrui %get3A_384, %shift_right_logical3A_386 : vector<16xi32>
            %swap3A_388 = arith.constant 80 : index
            %swap3A_389 = tpu.vector_load %arg6[%swap3A_388] {strides = array<i32>} : memref<128xi32, #tpu.memory_space<vmem>>, vector<16xi32>,
            tpu.vector_store %arg6[%swap3A_388], %shift_right_logical3A_387 {strides = array<i32>} : memref<128xi32, #tpu.memory_space<vmem>>, vector<16xi32>,
            %get3A_390 = arith.index_cast %add3A_341 : i32 to index
            %get3A_391 = arith.constant 96 : index
            %get3A_392 = tpu.vector_load %arg5[%get3A_390, %get3A_391] {strides = array<i32>} : memref<8x128xi32, #tpu.memory_space<vmem>>, vector<16xi32>,
            %shift_right_logical3A_393 = arith.constant 1 : i32
            %shift_right_logical3A_394 = vector.broadcast %shift_right_logical3A_393 : i32 to vector<16xi32>
            %shift_right_logical3A_395 = arith.shrui %get3A_392, %shift_right_logical3A_394 : vector<16xi32>
            %swap3A_396 = arith.constant 96 : index
            %swap3A_397 = tpu.vector_load %arg6[%swap3A_396] {strides = array<i32>} : memref<128xi32, #tpu.memory_space<vmem>>, vector<16xi32>,
            tpu.vector_store %arg6[%swap3A_396], %shift_right_logical3A_395 {strides = array<i32>} : memref<128xi32, #tpu.memory_space<vmem>>, vector<16xi32>,
            %get3A_398 = arith.index_cast %add3A_341 : i32 to index
            %get3A_399 = arith.constant 112 : index
            %get3A_400 = tpu.vector_load %arg5[%get3A_398, %get3A_399] {strides = array<i32>} : memref<8x128xi32, #tpu.memory_space<vmem>>, vector<16xi32>,
            %shift_right_logical3A_401 = arith.constant 1 : i32
            %shift_right_logical3A_402 = vector.broadcast %shift_right_logical3A_401 : i32 to vector<16xi32>
            %shift_right_logical3A_403 = arith.shrui %get3A_400, %shift_right_logical3A_402 : vector<16xi32>
            %swap3A_404 = arith.constant 112 : index
            %swap3A_405 = tpu.vector_load %arg6[%swap3A_404] {strides = array<i32>} : memref<128xi32, #tpu.memory_space<vmem>>, vector<16xi32>,
            tpu.vector_store %arg6[%swap3A_404], %shift_right_logical3A_403 {strides = array<i32>} : memref<128xi32, #tpu.memory_space<vmem>>, vector<16xi32>,
            %dma_start3A_406 = arith.constant 0 : i32
            %dma_start3A_407 = arith.constant 0 : i32
            %dma_start3A_408 = tpu.memref_slice %arg3[%dma_start3A_406, %dma_start3A_407] : memref<500000x128xf32, #tpu.memory_space<hbm>> -> memref<500000x128xf32, #tpu.memory_space<hbm>>
            tpu.enqueue_indirect_dma source(%dma_start3A_408 : memref<500000x128xf32, #tpu.memory_space<hbm>>) target(%arg8 : memref<128x128xf32, #tpu.memory_space<vmem>>) offsets(%arg6 : memref<128xi32, #tpu.memory_space<vmem>>) semaphore(%arg11 : memref<!tpu.dma_semaphore, #tpu.memory_space<semaphore_mem>>)
          } else {
          }
          %mul3A_308 = arith.constant 8 : i32
          %mul3A_309 = arith.muli %select_n3A, %mul3A_308 : i32
          %add3A_310 = arith.addi %mul3A_309, %add3A_293 : i32
          %mul3A_311 = arith.constant 128 : i32
          %mul3A_312 = arith.muli %sub3A_129, %mul3A_311 : i32
          %multiple_of3A_313 = tpu.assume_multiple %mul3A_312, 128 : i32
          "tpu.region"() ({
            %run_scoped3A = tpu.sem_alloc : memref<!tpu.dma_semaphore, #tpu.memory_space<semaphore_mem>>
            %dma_start3A_340 = arith.constant 0 : i32
            %dma_start3A_341 = tpu.memref_slice %arg4[%add3A_310, %dma_start3A_340, %multiple_of3A_313] : memref<200x64x1024xf32, #tpu.memory_space<hbm>> -> memref<1x64x128xf32, #tpu.memory_space<hbm>>
            %dma_start3A_342 = tpu.memref_squeeze %dma_start3A_341 : memref<1x64x128xf32, #tpu.memory_space<hbm>> -> memref<64x128xf32, #tpu.memory_space<hbm>>
            %dma_start3A_343 = arith.constant 0 : i32
            %dma_start3A_344 = tpu.memref_slice %arg4[%add3A_310, %dma_start3A_343, %multiple_of3A_313] : memref<200x64x1024xf32, #tpu.memory_space<hbm>> -> memref<1x64x128xf32, #tpu.memory_space<hbm>>
            %dma_start3A_345 = tpu.memref_squeeze %dma_start3A_344 : memref<1x64x128xf32, #tpu.memory_space<hbm>> -> memref<64x128xf32, #tpu.memory_space<hbm>>
            tpu.enqueue_dma source(%arg10 : memref<64x128xf32, #tpu.memory_space<vmem>>) target(%dma_start3A_345 : memref<64x128xf32, #tpu.memory_space<hbm>>) target_semaphore(%run_scoped3A : memref<!tpu.dma_semaphore, #tpu.memory_space<semaphore_mem>>)
            %dma_wait3A_346 = arith.constant 0 : i32
            %dma_wait3A_347 = tpu.memref_slice %arg4[%add3A_310, %dma_wait3A_346, %multiple_of3A_313] : memref<200x64x1024xf32, #tpu.memory_space<hbm>> -> memref<1x64x128xf32, #tpu.memory_space<hbm>>
            %dma_wait3A_348 = tpu.memref_squeeze %dma_wait3A_347 : memref<1x64x128xf32, #tpu.memory_space<hbm>> -> memref<64x128xf32, #tpu.memory_space<hbm>>
            %dma_wait3A_349 = arith.constant 0 : i32
            %dma_wait3A_350 = tpu.memref_slice %arg4[%add3A_310, %dma_wait3A_349, %multiple_of3A_313] : memref<200x64x1024xf32, #tpu.memory_space<hbm>> -> memref<1x64x128xf32, #tpu.memory_space<hbm>>
            %dma_wait3A_351 = tpu.memref_squeeze %dma_wait3A_350 : memref<1x64x128xf32, #tpu.memory_space<hbm>> -> memref<64x128xf32, #tpu.memory_space<hbm>>
            tpu.wait_dma2 semaphore(%run_scoped3A : memref<!tpu.dma_semaphore, #tpu.memory_space<semaphore_mem>>) src(%arg10 : memref<64x128xf32, #tpu.memory_space<vmem>>) dst(%dma_wait3A_351 : memref<64x128xf32, #tpu.memory_space<hbm>>)
            tpu.yield
          }) : () -> ()
          %mul3A_314 = arith.constant 2 : i32
          %mul3A_315 = arith.muli %mul3A_314, %scan3A_288 : i32
          %add3A_316 = arith.constant 1 : i32
          %add3A_317 = arith.addi %mul3A_315, %add3A_316 : i32
          %dma_wait3A_318 = arith.constant 0 : i32
          %dma_wait3A_319 = arith.constant 0 : i32
          %dma_wait3A_320 = tpu.memref_slice %arg3[%dma_wait3A_318, %dma_wait3A_319] : memref<500000x128xf32, #tpu.memory_space<hbm>> -> memref<500000x128xf32, #tpu.memory_space<hbm>>
          tpu.wait_indirect_dma semaphore(%arg11 : memref<!tpu.dma_semaphore, #tpu.memory_space<semaphore_mem>>) src(%dma_wait3A_320 : memref<500000x128xf32, #tpu.memory_space<hbm>>) dst(%arg9 : memref<128x128xf32, #tpu.memory_space<vmem>>)
          %scan3A_321 = arith.constant 0 : i32
          %scan3A_322 = arith.constant 0 : i32
          %scan3A_323 = arith.constant 32 : i32
          %scan3A_324 = arith.addi %scan3A_322, %scan3A_323 : i32
          %scan3A_325 = arith.constant 1 : i32
          %scan3A_326 = scf.for %scan3A_340 = %scan3A_322 to %scan3A_324 step %scan3A_325 iter_args(%scan3A_341 = %scan3A_321) -> (i32)  : i32 {
            %and3A_342 = arith.constant 3 : i32
            %and3A_343 = arith.andi %scan3A_340, %and3A_342 : i32
            %mul3A_344 = arith.constant 16 : i32
            %mul3A_345 = arith.muli %and3A_343, %mul3A_344 : i32
            %shift_right_logical3A_346 = arith.constant 2 : i32
            %shift_right_logical3A_347 = arith.shrui %scan3A_340, %shift_right_logical3A_346 : i32
            %mul3A_348 = arith.constant 16 : i32
            %mul3A_349 = arith.muli %shift_right_logical3A_347, %mul3A_348 : i32
            %get3A_350 = arith.index_cast %add3A_317 : i32 to index
            %get3A_351 = arith.index_cast %mul3A_349 : i32 to index
            %get3A_352 = tpu.vector_load %arg5[%get3A_350, %get3A_351] {strides = array<i32>} : memref<8x128xi32, #tpu.memory_space<vmem>>, vector<16xi32>,
            %and3A_353 = arith.constant 1 : i32
            %and3A_354 = vector.broadcast %and3A_353 : i32 to vector<16xi32>
            %and3A_355 = arith.andi %get3A_352, %and3A_354 : vector<16xi32>
            %mul3A_356 = arith.constant 64 : i32
            %mul3A_357 = vector.broadcast %mul3A_356 : i32 to vector<16xi32>
            %mul3A_358 = arith.muli %and3A_355, %mul3A_357 : vector<16xi32>
            %add3A_359 = vector.broadcast %mul3A_349 : i32 to vector<16xi32>
            %add3A_360 = arith.addi %add3A_359, %iota3A : vector<16xi32>
            %add3A_361 = vector.broadcast %mul3A_345 : i32 to vector<16xi32>
            %add3A_362 = arith.addi %and3A_5, %add3A_361 : vector<16xi32>
            %add3A_363 = vector.broadcast %mul3A_345 : i32 to vector<16xi32>
            %add3A_364 = arith.addi %and3A_11, %add3A_363 : vector<16xi32>
            %add3A_365 = vector.broadcast %mul3A_345 : i32 to vector<16xi32>
            %add3A_366 = arith.addi %and3A_17, %add3A_365 : vector<16xi32>
            %add3A_367 = vector.broadcast %mul3A_345 : i32 to vector<16xi32>
            %add3A_368 = arith.addi %and3A_23, %add3A_367 : vector<16xi32>
            %add3A_369 = vector.broadcast %mul3A_345 : i32 to vector<16xi32>
            %add3A_370 = arith.addi %and3A_29, %add3A_369 : vector<16xi32>
            %add3A_371 = vector.broadcast %mul3A_345 : i32 to vector<16xi32>
            %add3A_372 = arith.addi %and3A_35, %add3A_371 : vector<16xi32>
            %add3A_373 = vector.broadcast %mul3A_345 : i32 to vector<16xi32>
            %add3A_374 = arith.addi %and3A_41, %add3A_373 : vector<16xi32>
            %add3A_375 = vector.broadcast %mul3A_345 : i32 to vector<16xi32>
            %add3A_376 = arith.addi %and3A_47, %add3A_375 : vector<16xi32>
            %add3A_377 = arith.addi %mul3A_358, %add3A_362 : vector<16xi32>
            %gather3A = tpu.vector_load_idx %arg9[%add3A_360, %add3A_377] : memref<128x128xf32, #tpu.memory_space<vmem>>[vector<16xi32>, vector<16xi32>], vector<16xf32>,
            %add3A_378 = arith.addi %mul3A_358, %add3A_364 : vector<16xi32>
            %gather3A_379 = tpu.vector_load_idx %arg9[%add3A_360, %add3A_378] : memref<128x128xf32, #tpu.memory_space<vmem>>[vector<16xi32>, vector<16xi32>], vector<16xf32>,
            %add3A_380 = arith.addi %mul3A_358, %add3A_366 : vector<16xi32>
            %gather3A_381 = tpu.vector_load_idx %arg9[%add3A_360, %add3A_380] : memref<128x128xf32, #tpu.memory_space<vmem>>[vector<16xi32>, vector<16xi32>], vector<16xf32>,
            %add3A_382 = arith.addi %mul3A_358, %add3A_368 : vector<16xi32>
            %gather3A_383 = tpu.vector_load_idx %arg9[%add3A_360, %add3A_382] : memref<128x128xf32, #tpu.memory_space<vmem>>[vector<16xi32>, vector<16xi32>], vector<16xf32>,
            %add3A_384 = arith.addi %mul3A_358, %add3A_370 : vector<16xi32>
            %gather3A_385 = tpu.vector_load_idx %arg9[%add3A_360, %add3A_384] : memref<128x128xf32, #tpu.memory_space<vmem>>[vector<16xi32>, vector<16xi32>], vector<16xf32>,
            %add3A_386 = arith.addi %mul3A_358, %add3A_372 : vector<16xi32>
            %gather3A_387 = tpu.vector_load_idx %arg9[%add3A_360, %add3A_386] : memref<128x128xf32, #tpu.memory_space<vmem>>[vector<16xi32>, vector<16xi32>], vector<16xf32>,
            %add3A_388 = arith.addi %mul3A_358, %add3A_374 : vector<16xi32>
            %gather3A_389 = tpu.vector_load_idx %arg9[%add3A_360, %add3A_388] : memref<128x128xf32, #tpu.memory_space<vmem>>[vector<16xi32>, vector<16xi32>], vector<16xf32>,
            %add3A_390 = arith.addi %mul3A_358, %add3A_376 : vector<16xi32>
            %gather3A_391 = tpu.vector_load_idx %arg9[%add3A_360, %add3A_390] : memref<128x128xf32, #tpu.memory_space<vmem>>[vector<16xi32>, vector<16xi32>], vector<16xf32>,
            tpu.vector_store_idx %arg10[%add3A_362, %add3A_360], %gather3A : memref<64x128xf32, #tpu.memory_space<vmem>>[vector<16xi32>, vector<16xi32>], vector<16xf32>,
            tpu.vector_store_idx %arg10[%add3A_364, %add3A_360], %gather3A_379 : memref<64x128xf32, #tpu.memory_space<vmem>>[vector<16xi32>, vector<16xi32>], vector<16xf32>,
            tpu.vector_store_idx %arg10[%add3A_366, %add3A_360], %gather3A_381 : memref<64x128xf32, #tpu.memory_space<vmem>>[vector<16xi32>, vector<16xi32>], vector<16xf32>,
            tpu.vector_store_idx %arg10[%add3A_368, %add3A_360], %gather3A_383 : memref<64x128xf32, #tpu.memory_space<vmem>>[vector<16xi32>, vector<16xi32>], vector<16xf32>,
            tpu.vector_store_idx %arg10[%add3A_370, %add3A_360], %gather3A_385 : memref<64x128xf32, #tpu.memory_space<vmem>>[vector<16xi32>, vector<16xi32>], vector<16xf32>,
            tpu.vector_store_idx %arg10[%add3A_372, %add3A_360], %gather3A_387 : memref<64x128xf32, #tpu.memory_space<vmem>>[vector<16xi32>, vector<16xi32>], vector<16xf32>,
            tpu.vector_store_idx %arg10[%add3A_374, %add3A_360], %gather3A_389 : memref<64x128xf32, #tpu.memory_space<vmem>>[vector<16xi32>, vector<16xi32>], vector<16xf32>,
            tpu.vector_store_idx %arg10[%add3A_376, %add3A_360], %gather3A_391 : memref<64x128xf32, #tpu.memory_space<vmem>>[vector<16xi32>, vector<16xi32>], vector<16xf32>,
            %add3A_392 = vector.broadcast %mul3A_345 : i32 to vector<16xi32>
            %add3A_393 = arith.addi %and3A_53, %add3A_392 : vector<16xi32>
            %add3A_394 = vector.broadcast %mul3A_345 : i32 to vector<16xi32>
            %add3A_395 = arith.addi %and3A_59, %add3A_394 : vector<16xi32>
            %add3A_396 = vector.broadcast %mul3A_345 : i32 to vector<16xi32>
            %add3A_397 = arith.addi %and3A_65, %add3A_396 : vector<16xi32>
            %add3A_398 = vector.broadcast %mul3A_345 : i32 to vector<16xi32>
            %add3A_399 = arith.addi %and3A_71, %add3A_398 : vector<16xi32>
            %add3A_400 = vector.broadcast %mul3A_345 : i32 to vector<16xi32>
            %add3A_401 = arith.addi %and3A_77, %add3A_400 : vector<16xi32>
            %add3A_402 = vector.broadcast %mul3A_345 : i32 to vector<16xi32>
            %add3A_403 = arith.addi %and3A_83, %add3A_402 : vector<16xi32>
            %add3A_404 = vector.broadcast %mul3A_345 : i32 to vector<16xi32>
            %add3A_405 = arith.addi %and3A_89, %add3A_404 : vector<16xi32>
            %add3A_406 = vector.broadcast %mul3A_345 : i32 to vector<16xi32>
            %add3A_407 = arith.addi %and3A_95, %add3A_406 : vector<16xi32>
            %add3A_408 = arith.addi %mul3A_358, %add3A_393 : vector<16xi32>
            %gather3A_409 = tpu.vector_load_idx %arg9[%add3A_360, %add3A_408] : memref<128x128xf32, #tpu.memory_space<vmem>>[vector<16xi32>, vector<16xi32>], vector<16xf32>,
            %add3A_410 = arith.addi %mul3A_358, %add3A_395 : vector<16xi32>
            %gather3A_411 = tpu.vector_load_idx %arg9[%add3A_360, %add3A_410] : memref<128x128xf32, #tpu.memory_space<vmem>>[vector<16xi32>, vector<16xi32>], vector<16xf32>,
            %add3A_412 = arith.addi %mul3A_358, %add3A_397 : vector<16xi32>
            %gather3A_413 = tpu.vector_load_idx %arg9[%add3A_360, %add3A_412] : memref<128x128xf32, #tpu.memory_space<vmem>>[vector<16xi32>, vector<16xi32>], vector<16xf32>,
            %add3A_414 = arith.addi %mul3A_358, %add3A_399 : vector<16xi32>
            %gather3A_415 = tpu.vector_load_idx %arg9[%add3A_360, %add3A_414] : memref<128x128xf32, #tpu.memory_space<vmem>>[vector<16xi32>, vector<16xi32>], vector<16xf32>,
            %add3A_416 = arith.addi %mul3A_358, %add3A_401 : vector<16xi32>
            %gather3A_417 = tpu.vector_load_idx %arg9[%add3A_360, %add3A_416] : memref<128x128xf32, #tpu.memory_space<vmem>>[vector<16xi32>, vector<16xi32>], vector<16xf32>,
            %add3A_418 = arith.addi %mul3A_358, %add3A_403 : vector<16xi32>
            %gather3A_419 = tpu.vector_load_idx %arg9[%add3A_360, %add3A_418] : memref<128x128xf32, #tpu.memory_space<vmem>>[vector<16xi32>, vector<16xi32>], vector<16xf32>,
            %add3A_420 = arith.addi %mul3A_358, %add3A_405 : vector<16xi32>
            %gather3A_421 = tpu.vector_load_idx %arg9[%add3A_360, %add3A_420] : memref<128x128xf32, #tpu.memory_space<vmem>>[vector<16xi32>, vector<16xi32>], vector<16xf32>,
            %add3A_422 = arith.addi %mul3A_358, %add3A_407 : vector<16xi32>
            %gather3A_423 = tpu.vector_load_idx %arg9[%add3A_360, %add3A_422] : memref<128x128xf32, #tpu.memory_space<vmem>>[vector<16xi32>, vector<16xi32>], vector<16xf32>,
            tpu.vector_store_idx %arg10[%add3A_393, %add3A_360], %gather3A_409 : memref<64x128xf32, #tpu.memory_space<vmem>>[vector<16xi32>, vector<16xi32>], vector<16xf32>,
            tpu.vector_store_idx %arg10[%add3A_395, %add3A_360], %gather3A_411 : memref<64x128xf32, #tpu.memory_space<vmem>>[vector<16xi32>, vector<16xi32>], vector<16xf32>,
            tpu.vector_store_idx %arg10[%add3A_397, %add3A_360], %gather3A_413 : memref<64x128xf32, #tpu.memory_space<vmem>>[vector<16xi32>, vector<16xi32>], vector<16xf32>,
            tpu.vector_store_idx %arg10[%add3A_399, %add3A_360], %gather3A_415 : memref<64x128xf32, #tpu.memory_space<vmem>>[vector<16xi32>, vector<16xi32>], vector<16xf32>,
            tpu.vector_store_idx %arg10[%add3A_401, %add3A_360], %gather3A_417 : memref<64x128xf32, #tpu.memory_space<vmem>>[vector<16xi32>, vector<16xi32>], vector<16xf32>,
            tpu.vector_store_idx %arg10[%add3A_403, %add3A_360], %gather3A_419 : memref<64x128xf32, #tpu.memory_space<vmem>>[vector<16xi32>, vector<16xi32>], vector<16xf32>,
            tpu.vector_store_idx %arg10[%add3A_405, %add3A_360], %gather3A_421 : memref<64x128xf32, #tpu.memory_space<vmem>>[vector<16xi32>, vector<16xi32>], vector<16xf32>,
            tpu.vector_store_idx %arg10[%add3A_407, %add3A_360], %gather3A_423 : memref<64x128xf32, #tpu.memory_space<vmem>>[vector<16xi32>, vector<16xi32>], vector<16xf32>,
            %scan3A_424 = arith.constant 0 : i32
            scf.yield %scan3A_424 : i32
          }
          %scan3A_327 = arith.constant 32 : i32
          %lt3A_328 = arith.constant 3 : i32
          %lt3A_329 = arith.cmpi slt, %scan3A_288, %lt3A_328 : i32
          %convert_element_type3A_330 = arith.extui %lt3A_329 : i1 to i32
          %cond3A_331 = arith.constant 0 : i32
          %cond3A_332 = arith.cmpi ne, %convert_element_type3A_330, %cond3A_331 : i32
          scf.if %cond3A_332 {
            %add3A_340 = arith.constant 2 : i32
            %add3A_341 = arith.addi %add3A_317, %add3A_340 : i32
            %get3A_342 = arith.index_cast %add3A_341 : i32 to index
            %get3A_343 = arith.constant 0 : index
            %get3A_344 = tpu.vector_load %arg5[%get3A_342, %get3A_343] {strides = array<i32>} : memref<8x128xi32, #tpu.memory_space<vmem>>, vector<16xi32>,
            %shift_right_logical3A_345 = arith.constant 1 : i32
            %shift_right_logical3A_346 = vector.broadcast %shift_right_logical3A_345 : i32 to vector<16xi32>
            %shift_right_logical3A_347 = arith.shrui %get3A_344, %shift_right_logical3A_346 : vector<16xi32>
            %swap3A_348 = arith.constant 0 : index
            %swap3A_349 = tpu.vector_load %arg7[%swap3A_348] {strides = array<i32>} : memref<128xi32, #tpu.memory_space<vmem>>, vector<16xi32>,
            tpu.vector_store %arg7[%swap3A_348], %shift_right_logical3A_347 {strides = array<i32>} : memref<128xi32, #tpu.memory_space<vmem>>, vector<16xi32>,
            %get3A_350 = arith.index_cast %add3A_341 : i32 to index
            %get3A_351 = arith.constant 16 : index
            %get3A_352 = tpu.vector_load %arg5[%get3A_350, %get3A_351] {strides = array<i32>} : memref<8x128xi32, #tpu.memory_space<vmem>>, vector<16xi32>,
            %shift_right_logical3A_353 = arith.constant 1 : i32
            %shift_right_logical3A_354 = vector.broadcast %shift_right_logical3A_353 : i32 to vector<16xi32>
            %shift_right_logical3A_355 = arith.shrui %get3A_352, %shift_right_logical3A_354 : vector<16xi32>
            %swap3A_356 = arith.constant 16 : index
            %swap3A_357 = tpu.vector_load %arg7[%swap3A_356] {strides = array<i32>} : memref<128xi32, #tpu.memory_space<vmem>>, vector<16xi32>,
            tpu.vector_store %arg7[%swap3A_356], %shift_right_logical3A_355 {strides = array<i32>} : memref<128xi32, #tpu.memory_space<vmem>>, vector<16xi32>,
            %get3A_358 = arith.index_cast %add3A_341 : i32 to index
            %get3A_359 = arith.constant 32 : index
            %get3A_360 = tpu.vector_load %arg5[%get3A_358, %get3A_359] {strides = array<i32>} : memref<8x128xi32, #tpu.memory_space<vmem>>, vector<16xi32>,
            %shift_right_logical3A_361 = arith.constant 1 : i32
            %shift_right_logical3A_362 = vector.broadcast %shift_right_logical3A_361 : i32 to vector<16xi32>
            %shift_right_logical3A_363 = arith.shrui %get3A_360, %shift_right_logical3A_362 : vector<16xi32>
            %swap3A_364 = arith.constant 32 : index
            %swap3A_365 = tpu.vector_load %arg7[%swap3A_364] {strides = array<i32>} : memref<128xi32, #tpu.memory_space<vmem>>, vector<16xi32>,
            tpu.vector_store %arg7[%swap3A_364], %shift_right_logical3A_363 {strides = array<i32>} : memref<128xi32, #tpu.memory_space<vmem>>, vector<16xi32>,
            %get3A_366 = arith.index_cast %add3A_341 : i32 to index
            %get3A_367 = arith.constant 48 : index
            %get3A_368 = tpu.vector_load %arg5[%get3A_366, %get3A_367] {strides = array<i32>} : memref<8x128xi32, #tpu.memory_space<vmem>>, vector<16xi32>,
            %shift_right_logical3A_369 = arith.constant 1 : i32
            %shift_right_logical3A_370 = vector.broadcast %shift_right_logical3A_369 : i32 to vector<16xi32>
            %shift_right_logical3A_371 = arith.shrui %get3A_368, %shift_right_logical3A_370 : vector<16xi32>
            %swap3A_372 = arith.constant 48 : index
            %swap3A_373 = tpu.vector_load %arg7[%swap3A_372] {strides = array<i32>} : memref<128xi32, #tpu.memory_space<vmem>>, vector<16xi32>,
            tpu.vector_store %arg7[%swap3A_372], %shift_right_logical3A_371 {strides = array<i32>} : memref<128xi32, #tpu.memory_space<vmem>>, vector<16xi32>,
            %get3A_374 = arith.index_cast %add3A_341 : i32 to index
            %get3A_375 = arith.constant 64 : index
            %get3A_376 = tpu.vector_load %arg5[%get3A_374, %get3A_375] {strides = array<i32>} : memref<8x128xi32, #tpu.memory_space<vmem>>, vector<16xi32>,
            %shift_right_logical3A_377 = arith.constant 1 : i32
            %shift_right_logical3A_378 = vector.broadcast %shift_right_logical3A_377 : i32 to vector<16xi32>
            %shift_right_logical3A_379 = arith.shrui %get3A_376, %shift_right_logical3A_378 : vector<16xi32>
            %swap3A_380 = arith.constant 64 : index
            %swap3A_381 = tpu.vector_load %arg7[%swap3A_380] {strides = array<i32>} : memref<128xi32, #tpu.memory_space<vmem>>, vector<16xi32>,
            tpu.vector_store %arg7[%swap3A_380], %shift_right_logical3A_379 {strides = array<i32>} : memref<128xi32, #tpu.memory_space<vmem>>, vector<16xi32>,
            %get3A_382 = arith.index_cast %add3A_341 : i32 to index
            %get3A_383 = arith.constant 80 : index
            %get3A_384 = tpu.vector_load %arg5[%get3A_382, %get3A_383] {strides = array<i32>} : memref<8x128xi32, #tpu.memory_space<vmem>>, vector<16xi32>,
            %shift_right_logical3A_385 = arith.constant 1 : i32
            %shift_right_logical3A_386 = vector.broadcast %shift_right_logical3A_385 : i32 to vector<16xi32>
            %shift_right_logical3A_387 = arith.shrui %get3A_384, %shift_right_logical3A_386 : vector<16xi32>
            %swap3A_388 = arith.constant 80 : index
            %swap3A_389 = tpu.vector_load %arg7[%swap3A_388] {strides = array<i32>} : memref<128xi32, #tpu.memory_space<vmem>>, vector<16xi32>,
            tpu.vector_store %arg7[%swap3A_388], %shift_right_logical3A_387 {strides = array<i32>} : memref<128xi32, #tpu.memory_space<vmem>>, vector<16xi32>,
            %get3A_390 = arith.index_cast %add3A_341 : i32 to index
            %get3A_391 = arith.constant 96 : index
            %get3A_392 = tpu.vector_load %arg5[%get3A_390, %get3A_391] {strides = array<i32>} : memref<8x128xi32, #tpu.memory_space<vmem>>, vector<16xi32>,
            %shift_right_logical3A_393 = arith.constant 1 : i32
            %shift_right_logical3A_394 = vector.broadcast %shift_right_logical3A_393 : i32 to vector<16xi32>
            %shift_right_logical3A_395 = arith.shrui %get3A_392, %shift_right_logical3A_394 : vector<16xi32>
            %swap3A_396 = arith.constant 96 : index
            %swap3A_397 = tpu.vector_load %arg7[%swap3A_396] {strides = array<i32>} : memref<128xi32, #tpu.memory_space<vmem>>, vector<16xi32>,
            tpu.vector_store %arg7[%swap3A_396], %shift_right_logical3A_395 {strides = array<i32>} : memref<128xi32, #tpu.memory_space<vmem>>, vector<16xi32>,
            %get3A_398 = arith.index_cast %add3A_341 : i32 to index
            %get3A_399 = arith.constant 112 : index
            %get3A_400 = tpu.vector_load %arg5[%get3A_398, %get3A_399] {strides = array<i32>} : memref<8x128xi32, #tpu.memory_space<vmem>>, vector<16xi32>,
            %shift_right_logical3A_401 = arith.constant 1 : i32
            %shift_right_logical3A_402 = vector.broadcast %shift_right_logical3A_401 : i32 to vector<16xi32>
            %shift_right_logical3A_403 = arith.shrui %get3A_400, %shift_right_logical3A_402 : vector<16xi32>
            %swap3A_404 = arith.constant 112 : index
            %swap3A_405 = tpu.vector_load %arg7[%swap3A_404] {strides = array<i32>} : memref<128xi32, #tpu.memory_space<vmem>>, vector<16xi32>,
            tpu.vector_store %arg7[%swap3A_404], %shift_right_logical3A_403 {strides = array<i32>} : memref<128xi32, #tpu.memory_space<vmem>>, vector<16xi32>,
            %dma_start3A_406 = arith.constant 0 : i32
            %dma_start3A_407 = arith.constant 0 : i32
            %dma_start3A_408 = tpu.memref_slice %arg3[%dma_start3A_406, %dma_start3A_407] : memref<500000x128xf32, #tpu.memory_space<hbm>> -> memref<500000x128xf32, #tpu.memory_space<hbm>>
            tpu.enqueue_indirect_dma source(%dma_start3A_408 : memref<500000x128xf32, #tpu.memory_space<hbm>>) target(%arg9 : memref<128x128xf32, #tpu.memory_space<vmem>>) offsets(%arg7 : memref<128xi32, #tpu.memory_space<vmem>>) semaphore(%arg11 : memref<!tpu.dma_semaphore, #tpu.memory_space<semaphore_mem>>)
          } else {
          }
          %mul3A_333 = arith.constant 8 : i32
          %mul3A_334 = arith.muli %select_n3A, %mul3A_333 : i32
          %add3A_335 = arith.addi %mul3A_334, %add3A_317 : i32
          %mul3A_336 = arith.constant 128 : i32
          %mul3A_337 = arith.muli %sub3A_129, %mul3A_336 : i32
          %multiple_of3A_338 = tpu.assume_multiple %mul3A_337, 128 : i32
          "tpu.region"() ({
            %run_scoped3A = tpu.sem_alloc : memref<!tpu.dma_semaphore, #tpu.memory_space<semaphore_mem>>
            %dma_start3A_340 = arith.constant 0 : i32
            %dma_start3A_341 = tpu.memref_slice %arg4[%add3A_335, %dma_start3A_340, %multiple_of3A_338] : memref<200x64x1024xf32, #tpu.memory_space<hbm>> -> memref<1x64x128xf32, #tpu.memory_space<hbm>>
            %dma_start3A_342 = tpu.memref_squeeze %dma_start3A_341 : memref<1x64x128xf32, #tpu.memory_space<hbm>> -> memref<64x128xf32, #tpu.memory_space<hbm>>
            %dma_start3A_343 = arith.constant 0 : i32
            %dma_start3A_344 = tpu.memref_slice %arg4[%add3A_335, %dma_start3A_343, %multiple_of3A_338] : memref<200x64x1024xf32, #tpu.memory_space<hbm>> -> memref<1x64x128xf32, #tpu.memory_space<hbm>>
            %dma_start3A_345 = tpu.memref_squeeze %dma_start3A_344 : memref<1x64x128xf32, #tpu.memory_space<hbm>> -> memref<64x128xf32, #tpu.memory_space<hbm>>
            tpu.enqueue_dma source(%arg10 : memref<64x128xf32, #tpu.memory_space<vmem>>) target(%dma_start3A_345 : memref<64x128xf32, #tpu.memory_space<hbm>>) target_semaphore(%run_scoped3A : memref<!tpu.dma_semaphore, #tpu.memory_space<semaphore_mem>>)
            %dma_wait3A_346 = arith.constant 0 : i32
            %dma_wait3A_347 = tpu.memref_slice %arg4[%add3A_335, %dma_wait3A_346, %multiple_of3A_338] : memref<200x64x1024xf32, #tpu.memory_space<hbm>> -> memref<1x64x128xf32, #tpu.memory_space<hbm>>
            %dma_wait3A_348 = tpu.memref_squeeze %dma_wait3A_347 : memref<1x64x128xf32, #tpu.memory_space<hbm>> -> memref<64x128xf32, #tpu.memory_space<hbm>>
            %dma_wait3A_349 = arith.constant 0 : i32
            %dma_wait3A_350 = tpu.memref_slice %arg4[%add3A_335, %dma_wait3A_349, %multiple_of3A_338] : memref<200x64x1024xf32, #tpu.memory_space<hbm>> -> memref<1x64x128xf32, #tpu.memory_space<hbm>>
            %dma_wait3A_351 = tpu.memref_squeeze %dma_wait3A_350 : memref<1x64x128xf32, #tpu.memory_space<hbm>> -> memref<64x128xf32, #tpu.memory_space<hbm>>
            tpu.wait_dma2 semaphore(%run_scoped3A : memref<!tpu.dma_semaphore, #tpu.memory_space<semaphore_mem>>) src(%arg10 : memref<64x128xf32, #tpu.memory_space<vmem>>) dst(%dma_wait3A_351 : memref<64x128xf32, #tpu.memory_space<hbm>>)
            tpu.yield
          }) : () -> ()
          %scan3A_339 = arith.constant 0 : i32
          scf.yield %scan3A_339 : i32
        }
        %scan3A_287 = arith.constant 4 : i32
      } else {
      }
      %scan3A_109 = arith.constant 0 : i32
      scf.yield %scan3A_109 : i32
    }
    %scan3A_101 = arith.constant 7 : i32
    return
  }
}

module attributes {stable_mosaic.version = 14 : i64} {
  func.func @_tc_mask_body(%arg0: i32, %arg1: memref<2x200x1024xf32, #tpu.memory_space<vmem>>, %arg2: memref<200x1024xi32, #tpu.memory_space<vmem>>, %arg3: memref<2x200x1024xf32, #tpu.memory_space<vmem>>, %arg4: memref<200x1024xi32, #tpu.memory_space<vmem>>) attributes {dimension_semantics = [#tpu.dimension_semantics<arbitrary>], iteration_bounds = array<i64: 100>, scalar_prefetch = 0 : i64, scratch_operands = 0 : i64, tpu.core_type = #tpu.core_type<tc>, window_params = [{transform_indices = @transform_0, window_bounds = array<i64: 2, 200, 1024>}, {pipeline_mode = #tpu.pipeline_mode<synchronous>, transform_indices = @transform_1, window_bounds = array<i64: 200, 1024>}, {transform_indices = @transform_2, window_bounds = array<i64: 2, 200, 1024>}, {pipeline_mode = #tpu.pipeline_mode<synchronous>, transform_indices = @transform_3, window_bounds = array<i64: 200, 1024>}]} {
    %get3A = arith.constant 0 : index
    %get3A_0 = arith.constant 0 : index
    %get3A_1 = vector.load %arg2[%get3A, %get3A_0] : memref<200x1024xi32, #tpu.memory_space<vmem>>, vector<200x1024xi32>
    %ne3A = arith.constant 0 : i32
    %ne3A_2 = vector.broadcast %ne3A : i32 to vector<200x1024xi32>
    %ne3A_3 = arith.cmpi ne, %get3A_1, %ne3A_2 : vector<200x1024xi32>
    %get3A_4 = arith.constant 0 : index
    %get3A_5 = arith.constant 0 : index
    %get3A_6 = arith.constant 0 : index
    %get3A_7 = vector.load %arg1[%get3A_4, %get3A_5, %get3A_6] : memref<2x200x1024xf32, #tpu.memory_space<vmem>>, vector<2x200x1024xf32>
    %broadcast_in_dim3A = vector.shape_cast %ne3A_3 : vector<200x1024xi1> to vector<1x200x1024xi1>
    %convert_element_type3A = arith.extui %broadcast_in_dim3A : vector<1x200x1024xi1> to vector<1x200x1024xi32>
    %convert_element_type3A_8 = arith.sitofp %convert_element_type3A : vector<1x200x1024xi32> to vector<1x200x1024xf32>
    %mul3A = vector.broadcast %convert_element_type3A_8 : vector<1x200x1024xf32> to vector<2x200x1024xf32>
    %mul3A_9 = arith.mulf %get3A_7, %mul3A : vector<2x200x1024xf32>
    %swap3A = arith.constant 0 : index
    %swap3A_10 = arith.constant 0 : index
    %swap3A_11 = arith.constant 0 : index
    %swap3A_12 = vector.load %arg3[%swap3A, %swap3A_10, %swap3A_11] : memref<2x200x1024xf32, #tpu.memory_space<vmem>>, vector<2x200x1024xf32>
    tpu.vector_store %arg3[%swap3A, %swap3A_10, %swap3A_11], %mul3A_9 {strides = array<i32>} : memref<2x200x1024xf32, #tpu.memory_space<vmem>>, vector<2x200x1024xf32>,
    %swap3A_13 = arith.constant 0 : index
    %swap3A_14 = arith.constant 0 : index
    %swap3A_15 = vector.load %arg4[%swap3A_13, %swap3A_14] : memref<200x1024xi32, #tpu.memory_space<vmem>>, vector<200x1024xi32>
    %swap3A_16 = arith.extui %ne3A_3 : vector<200x1024xi1> to vector<200x1024xi32>
    %swap3A_17 = arith.constant dense<0> : vector<200x1024xi32>
    %swap3A_18 = arith.cmpi ne, %swap3A_15, %swap3A_17 : vector<200x1024xi32>
    tpu.vector_store %arg4[%swap3A_13, %swap3A_14], %swap3A_16 {strides = array<i32>} : memref<200x1024xi32, #tpu.memory_space<vmem>>, vector<200x1024xi32>,
    return
  }
  func.func @transform_0(%arg0: i32) -> (i32, i32, i32) {
    %c0_i32 = arith.constant 0 : i32
    %c0_i32_0 = arith.constant 0 : i32
    %c0_i32_1 = arith.constant 0 : i32
    return %arg0, %c0_i32, %c0_i32_0 : i32, i32, i32
  }
  func.func @transform_1(%arg0: i32) -> (i32, i32) {
    %c0_i32 = arith.constant 0 : i32
    %c0_i32_0 = arith.constant 0 : i32
    %c0_i32_1 = arith.constant 0 : i32
    return %c0_i32, %c0_i32_0 : i32, i32
  }
  func.func @transform_2(%arg0: i32) -> (i32, i32, i32) {
    %c0_i32 = arith.constant 0 : i32
    %c0_i32_0 = arith.constant 0 : i32
    %c0_i32_1 = arith.constant 0 : i32
    return %arg0, %c0_i32, %c0_i32_0 : i32, i32, i32
  }
  func.func @transform_3(%arg0: i32) -> (i32, i32) {
    %c0_i32 = arith.constant 0 : i32
    %c0_i32_0 = arith.constant 0 : i32
    %c0_i32_1 = arith.constant 0 : i32
    return %c0_i32, %c0_i32_0 : i32, i32
  }
}

</mosaic_0001>

<sc_bundles>
// kernel: kernel.5.cloned.1.call-start
scs
__scs_entry_jumppad:
0x0: {  	(pc) =	sbr.rel $0x88, $3  }
0x1: {  	(tag) =	ssettag $0x0;
	lr =	simm.s32 $0x1  }
0x2: {  	[smem:$0x3F9E] =	sst lr;
	_ =	strace $0xD0000000  }
0x3: {  	_ = 	snop  }
0x4: {  	_ = 	snop  }
0x5: {  	_ = 	snop  }
0x6: {  	_ = 	snop  }
0x7: {  	_ = 	snop  }
__scs_overlays_trampoline_lowered:
0x8: {  	[smem:$0x3FAD] =	sst s0  }
0x9: {  	[smem:$0x3FAE] =	sst s1  }
0xa: {  	[smem:$0x3FAF] =	sst s2  }
0xb: {  	[smem:$0x3FB0] =	sst s3  }
0xc: {  	[smem:$0x3FB1] =	sst s4  }
0xd: {  	[smem:$0x3FB2] =	sst s5  }
0xe: {  	[smem:$0x3FB3] =	sst s6  }
0xf: {  	[smem:$0x3FB4] =	sst s7  }
0x10: {  	[smem:$0x3FB5] =	sst s8  }
0x11: {  	[smem:$0x3FB6] =	sst s9;
	s0 =	simm.s32 @!p0 $0x0  }
0x12: {  	s1 =	sld [smem:$0x3F9C];
	s0 =	simm.s32 @p0 $0x1  }
0x13: {  	[smem:$0x3FB7] =	sst s0;
	s0 =	simm.s32 @!p1 $0x0  }
0x14: {  	s2 =	sld [smem:$0x3F9B];
	s0 =	simm.s32 @p1 $0x1  }
0x15: {  	[smem:$0x3FB8] =	sst s0;
	s0 =	simm.s32 @!p2 $0x0  }
0x16: {  	s3 =	sld [smem:$0x3FDB];
	s0 =	simm.s32 @p2 $0x1  }
0x17: {  	s4 =	simm.s32 $0x1BF5;
	[smem:$0x3FBA] =	sst s0  }
0x18: {  	s0 =	sld [smem:$0x3F9D];
	_ =	swait.ge [sflag:s4], $0x0  }
0x19: {  	s7 =	sld [smem:$0x3F9E]  }
0x1a: {  	s8 =	sadd.s32 $0xFFFFE003, lr  }
0x1b: {  	s9 =	sadd.s32 $0xFFFFFEF7, lr;
	s5 =	simm.s32 $0xFFFFFFFF;
	p2 =	slt.u32 s8, $0xFFFFF086  }
0x1c: {  	p1 =	slt.u32 s9, $0xF7A;
	s5 =	simm.s32 @!p2 $0x0  }
0x1d: {  	s5 =	simm.s32 @p1 $0x1;
	p0 =	seq.s32 s7, s2  }
0x1e: {  	s7 =	smul.u32 @!p0 $0xF7A, s2;
	p2 =	seq.s32 @!p0 s5, $0x0  }
0x1f: {  	s9 =	smul.u32 $0xF7A, s1;
	s8 =	simm.s32 @!p0 $0x1BF5;
	p2 =	por !p2, p0  }
0x20: {  	[sflag:s8] =	ssyncset.s32 @!p0 $0xFFFFF086;
	s6 =	sadd.s32 @!p0 s3, s7;
	s7 =	simm.s32 @!p0 $0x108  }
0x21: {  	s3 =	sadd.s32 s3, s9;
	s6 =	sadd.s32 @!p0 $0x88, s6;
	s7 =	simm.s32 @p2 $0x1082  }
0x22: {  	[simem:s7], [sflag:s8] =	dma.local @!p0 [hbm:s6], $0xF7A  }
0x23: {  	s9 =	sor.u32 $0xD0000000, s2;
	s6 =	simm.s32 $0x108;
	_ =	swait.ge @!p0 [sflag:s8], $0x0  }
0x24: {  	s3 =	sadd.s32 $0x88, s3;
	s6 =	simm.s32 @!p1 $0x1082;
	[sflag:s4] =	ssyncset.s32 $0xFFFFF086  }
0x25: {  	[simem:s6], [sflag:s4] =	dma.local [hbm:s3], $0xF7A  }
0x26: {  	[smem:$0x3F9E] =	sst s1;
	(tag) =	ssettag s2;
	_ =	strace s9  }
0x27: {  	s1 =	sld [smem:$0x3FAE]  }
0x28: {  	s2 =	sld [smem:$0x3FAF]  }
0x29: {  	s4 =	sld [smem:$0x3FB1]  }
0x2a: {  	p0 =	seq.s32 s5, $0x0;
	s5 =	sld [smem:$0x3FB2]  }
0x2b: {  	s6 =	sld [smem:$0x3FB3]  }
0x2c: {  	s7 =	sld [smem:$0x3FB4]  }
0x2d: {  	s3 =	simm.s32 $0x108;
	s8 =	sld [smem:$0x3FB5]  }
0x2e: {  	s3 =	simm.s32 @!p0 $0x1082;
	s9 =	sld [smem:$0x3FB6]  }
0x2f: {  	lr =	sadd.s32 s0, s3;
	s0 =	sld [smem:$0x3FAD]  }
0x30: {  	s3 =	sld [smem:$0x3FB0]  }
0x31: {  	[smem:$0x3FB9] =	sst s10  }
0x32: {  	s10 =	sld [smem:$0x3FB7];
	_ =	sdelay $0x3  }
0x33: {  	p0 =	seq.s32 s10, $0x1;
	s10 =	sld [smem:$0x3FB9];
	_ =	sdelay $0x3  }
0x34: {  	[smem:$0x3FB9] =	sst s10  }
0x35: {  	s10 =	sld [smem:$0x3FB8];
	_ =	sdelay $0x3  }
0x36: {  	p1 =	seq.s32 s10, $0x1;
	s10 =	sld [smem:$0x3FB9];
	_ =	sdelay $0x3  }
0x37: {  	[smem:$0x3FB9] =	sst s10  }
0x38: {  	s10 =	sld [smem:$0x3FBA]  }
0x39: {  	_ = 	snop;
	(pc) =	sbr.ind lr, $3  }
0x3a: {  	_ = 	snop  }
0x3b: {  	_ = 	snop  }
0x3c: {  	p2 =	seq.s32 s10, $0x1;
	s10 =	sld [smem:$0x3FB9]  }
0x3d: {  	_ =	shalt  }
0x3e: {  	_ =	shalt  }
0x3f: {  	_ =	shalt  }
0x40: {  	_ =	shalt  }
0x41: {  	_ =	shalt  }
0x42: {  	_ =	shalt  }
0x43: {  	_ =	shalt  }
0x44: {  	_ =	shalt  }
0x45: {  	_ =	shalt  }
0x46: {  	_ =	shalt  }
0x47: {  	_ =	shalt  }
0x48: {  	_ =	shalt  }
0x49: {  	_ =	shalt  }
0x4a: {  	_ =	shalt  }
0x4b: {  	_ =	shalt  }
0x4c: {  	_ =	shalt  }
0x4d: {  	_ =	shalt  }
0x4e: {  	_ =	shalt  }
0x4f: {  	_ =	shalt  }
0x50: {  	_ =	shalt  }
0x51: {  	_ =	shalt  }
0x52: {  	_ =	shalt  }
0x53: {  	_ =	shalt  }
0x54: {  	_ =	shalt  }
0x55: {  	_ =	shalt  }
0x56: {  	_ =	shalt  }
0x57: {  	_ =	shalt  }
0x58: {  	_ =	shalt  }
0x59: {  	_ =	shalt  }
0x5a: {  	_ =	shalt  }
0x5b: {  	_ =	shalt  }
0x5c: {  	_ =	shalt  }
0x5d: {  	_ =	shalt  }
0x5e: {  	_ =	shalt  }
0x5f: {  	_ =	shalt  }
0x60: {  	_ =	shalt  }
0x61: {  	_ =	shalt  }
0x62: {  	_ =	shalt  }
0x63: {  	_ =	shalt  }
0x64: {  	_ =	shalt  }
0x65: {  	_ =	shalt  }
0x66: {  	_ =	shalt  }
0x67: {  	_ =	shalt  }
0x68: {  	_ =	shalt  }
0x69: {  	_ =	shalt  }
0x6a: {  	_ =	shalt  }
0x6b: {  	_ =	shalt  }
0x6c: {  	_ =	shalt  }
0x6d: {  	_ =	shalt  }
0x6e: {  	_ =	shalt  }
0x6f: {  	_ =	shalt  }
0x70: {  	_ =	shalt  }
0x71: {  	_ =	shalt  }
0x72: {  	_ =	shalt  }
0x73: {  	_ =	shalt  }
0x74: {  	_ =	shalt  }
0x75: {  	_ =	shalt  }
0x76: {  	_ =	shalt  }
0x77: {  	_ =	shalt  }
0x78: {  	_ =	shalt  }
0x79: {  	_ =	shalt  }
0x7a: {  	_ =	shalt  }
0x7b: {  	_ =	shalt  }
0x7c: {  	_ =	shalt  }
0x7d: {  	_ =	shalt  }
0x7e: {  	_ =	shalt  }
0x7f: {  	_ =	shalt  }
0x80: {  	_ =	shalt  }
0x81: {  	_ =	shalt  }
0x82: {  	_ =	shalt  }
0x83: {  	_ =	shalt  }
0x84: {  	_ =	shalt  }
0x85: {  	_ =	shalt  }
0x86: {  	_ =	shalt  }
0x87: {  	_ =	shalt  }
.Lfunc_end0:
.L_simem_size_0:
called_computation_lowered:
.L_overlay_start_0:
0x88: {  	s2 =	sld [smem:$0x3FD9]  }
0x89: {  	s3 =	sld [smem:$0x3FFE];
	_ =	sdelay $0x1  }
0x8a: {  	s1 =	srdreg.scid  }
0x8b: {  	s0 =	sand.u32 $0x1, s1  }
0x8c: {  	s17 =	sshll.u32 s0, $0xA;
	s2 =	sadd.s32 s3, s2  }
0x8d: {  	s2 =	sadd.s32 s2, s17  }
0x8e: {  	[smem:$0x3FC5] =	sst s2  }
0x8f: {  	_ = 	snop  }
0x90: {  	s2 =	sld [smem:$0x3FC7];
	(tm) =	ssettm $0x1  }
0x91: {  	s18 =	sld [smem:$0x3FFB];
	_ =	sdelay $0x3  }
0x92: {  	_ =	strace s18  }
0x93: {  	s3 =	sld [smem:$0x3FFC];
	_ =	sdelay $0x3  }
0x94: {  	_ =	strace s3  }
0x95: {  	s3 =	sld [smem:$0x3FFD];
	_ =	sdelay $0x3  }
0x96: {  	_ =	strace s3  }
0x97: {  	_ =	strace $0x8FFFFFFF  }
0x98: {  	s19 =	sld [smem:$0x3FDB];
	_ =	sdelay $0x1  }
0x99: {  	s4 =	simm.s32 $_scs_section_size  }
0x9a: {  	s5 =	simm.s32 $_size__tile_overlayer_lowered;
	s6 =	simm.s32 $_tile_overlayer_lowered  }
0x9b: {  	s22 =	simm.s32 $0x1BFF;
	s21 =	sshll.u32 s6, $0x1;
	s3 =	sadd.s32 s4, s19  }
0x9c: {  	s7 =	simm.s32 $0x0;
	s20 =	sshll.u32 s5, $0x1;
	s5 =	sadd.s32 s21, s3  }
0x9d: {  	[timem:s7], [sflag:s22] =	dma.local [hbm:s5], s20  }
0x9e: {  	_ =	swait.ge [sflag:s22], s20  }
0x9f: {  	s4 =	ssub.s32 $0x0, s20;
	[sflag:s22] =	ssyncset.done $0x0  }
0xa0: {  	[sflag:s22] =	ssyncadd.s32 s4;
	_ =	sdelay $0x1  }
0xa1: {  	s23 =	simm.s32 $0x1B8B  }
0xa2: {  	_ =	swait.ge [sflag:s23], $0x1  }
0xa3: {  	[sflag:s23] =	ssyncset.done $0x0  }
0xa4: {  	s25 =	simm.s32 $0x1B8E;
	s24 =	sld [smem:$0x3FFE];
	[sflag:s23] =	ssyncadd.s32 $0xFFFFFFFF  }
0xa5: {  	s26 =	simm.s32 $execute0_lowered;
	[smem:$0x3FD2] =	sst s25  }
0xa6: {  	s5 =	sshll.u32 s26, $0x1;
	_ =	strace $0x80000046;
	[dreg:$0x1] =	wrdreg $0xFFFFFFFF  }
0xa7: {  	s28 =	simm.s32 $_size_execute0_lowered;
	s3 =	sadd.s32 s3, s5;
	[dreg:$0x0] =	wrdreg $0x0  }
0xa8: {  	s5 =	sshll.u32 s28, $0x1;
	[dreg:$0x2] =	wrdreg s3  }
0xa9: {  	[dreg:$0x3] =	wrdreg s5  }
0xaa: {  	[dreg:$0x4] =	wrdreg $0xC0  }
0xab: {  	_ =	task [dreg:s7], $0x5FFFF  }
0xac: {  	[dreg:$0x1] =	wrdreg $0xFFFFFFFF  }
0xad: {  	[dreg:$0x0] =	wrdreg $0x60  }
0xae: {  	[dreg:$0x2] =	wrdreg s2  }
0xaf: {  	[dreg:$0x3] =	wrdreg s24  }
0xb0: {  	[dreg:$0x4] =	wrdreg $0x9  }
0xb1: {  	_ =	task.clear_ibuf [dreg:s7], $0x5FFFF;
	_ =	strace $0x90000046  }
0xb2: {  	s29 =	simm.s32 $0x9;
	_ =	strace $0x80000048  }
0xb3: {  	_ =	swait.ge [sflag:s29], $0x1  }
0xb4: {  	[sflag:s29] =	ssyncadd.s32 $0xFFFFFFFF  }
0xb5: {  	_ =	strace $0x90000048  }
0xb6: {  	_ =	sfence  }
0xb7: {  	s30 =	sld [smem:$0x0];
	_ =	sdelay $0x2  }
0xb8: {  	s31 =	sshll.u32 s1, $0xD;
	s1 =	sshrl.u32 s1, $0x2  }
0xb9: {  	s3 =	sand.u32 $0x4000, s31;
	s1 =	sadd.s32 s1, s30  }
0xba: {  	s0 =	sor.u32 s3, s0;
	s1 =	sshll.u32 s1, $0x11  }
0xbb: {  	s0 =	sor.u32 s1, s0  }
0xbc: {  	s0 =	sadd.s32 $0x8F2B, s0  }
0xbd: {  	[sflag:s0] =	ssyncadd.remote.s32 $0x1  }
0xbe: {  	_ =	sfence.sel $0xFFFF  }
0xbf: {  	[dreg:$0x0] =	wrdreg $0xFFFFFFFF;
	(pc) =	sbr.abs _section_cstart, $3  }
0xc0: {  	[dreg:$0x1] =	wrdreg $0xFFFFFFFF  }
0xc1: {  	_ =	task.clear_ibuf [dreg:s7], $0x2FFFF;
	_ =	strace $0x9FFFFFFF  }
0xc2: {  	(tm) =	ssettm $0x7FFFFFFF  }
0xc3: {  	_ =	shalt  }
tec
execute0_lowered:
.L_overlay_start_1:
0x0: {  	(tag) =	ssettag $0x1  }
0x1: {  	v0 =	vimm.s32 $0xE00;
	vm0 =	vcmask $0x300  }
0x2: {  	vm1 =	vcmask $0x704;
	vm2 =	vcmask $0xB08;
	vm3 =	vcmask $0xF0C  }
0x3: {  	vm4 =	vcmask $0x1310;
	vm5 =	vcmask $0x1714;
	vm6 =	vcmask $0x1B18  }
0x4: {  	vm7 =	vcmask $0x1F1C;
	vm8 =	vcmask $0x2320;
	vm9 =	vcmask $0x2724  }
0x5: {  	vm10 =	vcmask $0x2B28;
	vm11 =	vcmask $0x2F2C;
	v16 =	vlaneseq.u32  }
0x6: {  	vm12 =	vcmask $0x3330;
	vm13 =	vcmask $0x3734;
	v1 =	vimm.s32 $0xD00  }
0x7: {  	v2 =	vimm.s32 $0xC00;
	vm14 =	vcmask $0x3B38;
	v19 =	vimm.s32 $0xB00  }
0x8: {  	v35 =	vimm.s32 $0xA00;
	v36 =	vimm.s32 $0x900;
	v39 =	vimm.s32 $0x800  }
0x9: {  	v43 =	vimm.s32 $0x700;
	v44 =	vimm.s32 $0x600;
	v47 =	vimm.s32 $0x500  }
0xa: {  	v51 =	vimm.s32 $0x400;
	v52 =	vimm.s32 $0x300;
	v56 =	vimm.s32 $0x200  }
0xb: {  	v59 =	vimm.s32 $0x100;
	vm15 =	vcmask $0x1F10;
	v7 =	vimm.s32 $0x48074605  }
0xc: {  	v8 =	vimm.s32 $0x680;
	v9 =	vimm.s32 $0x4D0C4B0A;
	v10 =	vimm.s32 $0x41004F0E  }
0xd: {  	v0 =	vsel vm0, $0xF00, v0;
	v1 =	vsel vm0, $0xE00, v1;
	v2 =	vsel vm0, $0xD00, v2  }
0xe: {  	v3 =	vsel vm0, $0x400, v52;
	v4 =	vsel vm0, $0x300, v56;
	v7 =	vunpack.c.0.s8.s32 v7  }
0xf: {  	v8 =	vsel vm0, $0x700, v8;
	v21 =	vunpack.c.0.s8.s32 v9;
	v22 =	vunpack.c.0.s8.s32 v10  }
0x10: {  	v9 =	vimm.s32 $0x45044302;
	v10 =	vimm.s32 $0x49084706;
	v0 =	vsel vm1, $0x0, v0  }
0x11: {  	v1 =	vsel vm1, $0xF00, v1;
	v18 =	vsel vm1, $0xE00, v2;
	v2 =	vsel vm0, $0xC00, v19  }
0x12: {  	v54 =	vsel vm1, $0x500, v3;
	v4 =	vsel vm1, $0x400, v4;
	v8 =	vsel vm1, $0x780, v8  }
0x13: {  	v9 =	vunpack.c.0.s8.s32 v9;
	v10 =	vunpack.c.0.s8.s32 v10;
	v0 =	vsel vm2, $0x100, v0  }
0x14: {  	v5 =	vsel vm2, $0x0, v1;
	v1 =	vsel vm2, $0xF00, v18;
	v2 =	vsel vm1, $0xD00, v2  }
0x15: {  	v4 =	vsel vm2, $0x500, v4;
	v18 =	vsel vm0, $0x200, v59;
	v8 =	vsel vm2, $0x0, v8  }
0x16: {  	v0 =	vsel vm3, $0x200, v0;
	v1 =	vsel vm3, $0x0, v1;
	v2 =	vsel vm2, $0xE00, v2  }
0x17: {  	v4 =	vsel vm3, $0x600, v4;
	v8 =	vsel vm3, $0x80, v8;
	v0 =	vsel vm4, $0x300, v0  }
0x18: {  	v1 =	vsel vm4, $0x100, v1;
	v2 =	vsel vm3, $0xF00, v2;
	v4 =	vsel vm4, $0x700, v4  }
0x19: {  	v8 =	vsel vm4, $0x100, v8;
	v0 =	vsel vm5, $0x400, v0;
	v1 =	vsel vm5, $0x200, v1  }
0x1a: {  	v2 =	vsel vm4, $0x0, v2;
	v4 =	vsel vm5, $0x800, v4;
	v8 =	vsel vm5, $0x180, v8  }
0x1b: {  	v0 =	vsel vm6, $0x500, v0;
	v1 =	vsel vm6, $0x300, v1;
	v2 =	vsel vm5, $0x100, v2  }
0x1c: {  	v4 =	vsel vm6, $0x900, v4;
	v8 =	vsel vm6, $0x200, v8;
	v0 =	vsel vm7, $0x600, v0  }
0x1d: {  	v1 =	vsel vm7, $0x400, v1;
	v2 =	vsel vm6, $0x200, v2;
	v4 =	vsel vm7, $0xA00, v4  }
0x1e: {  	v8 =	vsel vm7, $0x280, v8;
	v0 =	vsel vm8, $0x700, v0;
	v1 =	vsel vm8, $0x500, v1  }
0x1f: {  	v2 =	vsel vm7, $0x300, v2;
	v4 =	vsel vm8, $0xB00, v4;
	v8 =	vsel vm8, $0x300, v8  }
0x20: {  	v0 =	vsel vm9, $0x800, v0;
	v1 =	vsel vm9, $0x600, v1;
	v2 =	vsel vm8, $0x400, v2  }
0x21: {  	v4 =	vsel vm9, $0xC00, v4;
	v8 =	vsel vm9, $0x380, v8;
	v0 =	vsel vm10, $0x900, v0  }
0x22: {  	v1 =	vsel vm10, $0x700, v1;
	v2 =	vsel vm9, $0x500, v2;
	v57 =	vsel vm10, $0xD00, v4  }
0x23: {  	v4 =	vsel vm1, $0x300, v18;
	v8 =	vsel vm10, $0x400, v8;
	v0 =	vsel vm11, $0xA00, v0  }
0x24: {  	v1 =	vsel vm11, $0x800, v1;
	v33 =	vsel vm10, $0x600, v2;
	v2 =	vsel vm0, $0xA00, v36  }
0x25: {  	v58 =	vsel vm11, $0xE00, v57;
	v19 =	vsel vm2, $0x400, v4;
	v8 =	vsel vm11, $0x480, v8  }
0x26: {  	v0 =	vsel vm12, $0xB00, v0;
	v1 =	vsel vm12, $0x900, v1;
	v34 =	vsel vm11, $0x700, v33  }
0x27: {  	v38 =	vsel vm1, $0xB00, v2;
	v2 =	vsel vm0, $0x900, v39;
	v39 =	vimm.s32 $0x80  }
0x28: {  	v0 =	vsel vm13, $0xC00, v0;
	v32 =	vsel vm13, $0xA00, v1;
	v1 =	vsel vm0, $0xB00, v35  }
0x29: {  	v2 =	vsel vm1, $0xA00, v2;
	v11 =	vsel vm14, $0xD00, v0;
	v0 =	vsel vm3, $0x100, v5  }
0x2a: {  	v1 =	vsel vm1, $0xC00, v1;
	v2 =	vsel vm2, $0xB00, v2;
	v5 =	vimm.s32 $0x0  }
0x2b: {  	v0 =	vsel vm4, $0x200, v0;
	v37 =	vsel vm2, $0xD00, v1;
	v1 =	vsel vm2, $0xC00, v38  }
0x2c: {  	v2 =	vsel vm3, $0xC00, v2;
	v6 =	vsel vm0, $0x100, v5;
	v5 =	vsel vm0, $0x80, v5  }
0x2d: {  	v38 =	vand.u32 $0x7, v16;
	v0 =	vsel vm5, $0x300, v0;
	v1 =	vsel vm3, $0xD00, v1  }
0x2e: {  	v2 =	vsel vm4, $0xD00, v2;
	v33 =	vsel vm1, $0x200, v6;
	v5 =	vsel vm1, $0x100, v5  }
0x2f: {  	v6 =	vimm.s32 $0x44034201;
	v0 =	vsel vm6, $0x400, v0;
	v1 =	vsel vm4, $0xE00, v1  }
0x30: {  	v2 =	vsel vm5, $0xE00, v2;
	v4 =	vsel vm2, $0x300, v33;
	v5 =	vsel vm2, $0x180, v5  }
0x31: {  	v6 =	vunpack.c.0.s8.s32 v6;
	v0 =	vsel vm7, $0x500, v0;
	v1 =	vsel vm5, $0xF00, v1  }
0x32: {  	v2 =	vsel vm6, $0xF00, v2;
	v4 =	vsel vm3, $0x400, v4;
	v5 =	vsel vm3, $0x200, v5  }
0x33: {  	v0 =	vsel vm8, $0x600, v0;
	v1 =	vsel vm6, $0x0, v1;
	v2 =	vsel vm7, $0x0, v2  }
0x34: {  	v4 =	vsel vm4, $0x500, v4;
	v5 =	vsel vm4, $0x280, v5;
	v20 =	vsel vm15, v7, v6  }
0x35: {  	v0 =	vsel vm9, $0x700, v0;
	v1 =	vsel vm7, $0x100, v1;
	v2 =	vsel vm8, $0x100, v2  }
0x36: {  	v4 =	vsel vm5, $0x600, v4;
	v5 =	vsel vm5, $0x300, v5;
	v0 =	vsel vm10, $0x800, v0  }
0x37: {  	v1 =	vsel vm8, $0x200, v1;
	v2 =	vsel vm9, $0x200, v2;
	v4 =	vsel vm6, $0x700, v4  }
0x38: {  	v5 =	vsel vm6, $0x380, v5;
	v0 =	vsel vm11, $0x900, v0;
	v1 =	vsel vm9, $0x300, v1  }
0x39: {  	v41 =	vsel vm10, $0x300, v2;
	v2 =	vsel vm0, $0x700, v44;
	v4 =	vsel vm7, $0x800, v4  }
0x3a: {  	[tilespmem:$0x1FCC0] =	vst v5;
	v5 =	vsel vm8, $0x80, v5;
	v0 =	vsel vm12, $0xA00, v0;
	v1 =	vsel vm10, $0x400, v1  }
0x3b: {  	v42 =	vsel vm11, $0x400, v41;
	v46 =	vsel vm1, $0x800, v2;
	v2 =	vsel vm0, $0x600, v47  }
0x3c: {  	v4 =	vsel vm8, $0x900, v4;
	v5 =	vsel vm9, $0x100, v5;
	v0 =	vsel vm13, $0xB00, v0  }
0x3d: {  	v1 =	vsel vm11, $0x500, v1;
	v2 =	vsel vm1, $0x700, v2;
	v4 =	vsel vm9, $0xA00, v4  }
0x3e: {  	v5 =	vsel vm10, $0x180, v5;
	v0 =	vsel vm14, $0xC00, v0;
	v1 =	vsel vm12, $0x600, v1  }
0x3f: {  	v2 =	vsel vm2, $0x800, v2;
	v4 =	vsel vm10, $0xB00, v4;
	v5 =	vsel vm11, $0x200, v5  }
0x40: {  	[tilespmem:$0x1FC30] =	vst v0;
	v0 =	vsel vm14, $0xB00, v32;
	v40 =	vsel vm13, $0x700, v1;
	v1 =	vsel vm0, $0x800, v43  }
0x41: {  	v2 =	vsel vm3, $0x900, v2;
	v4 =	vsel vm11, $0xC00, v4;
	v35 =	vsel vm12, $0x280, v5  }
0x42: {  	[tilespmem:$0x1FC40] =	vst v0;
	v0 =	vsel vm12, $0x800, v34;
	v31 =	vsel vm14, $0x800, v40;
	v1 =	vsel vm1, $0x900, v1  }
0x43: {  	v2 =	vsel vm4, $0xA00, v2;
	v4 =	vsel vm12, $0xD00, v4;
	v40 =	vimm.s32 $0x180  }
0x44: {  	v0 =	vsel vm13, $0x900, v0;
	v45 =	vsel vm2, $0xA00, v1;
	v1 =	vsel vm2, $0x900, v46  }
0x45: {  	v2 =	vsel vm5, $0xB00, v2;
	v34 =	vsel vm13, $0xE00, v4;
	v4 =	vsel vm13, $0x300, v35  }
0x46: {  	v46 =	vimm.s32 $0x280;
	v0 =	vsel vm14, $0xA00, v0;
	v1 =	vsel vm3, $0xA00, v1  }
0x47: {  	v2 =	vsel vm6, $0xC00, v2;
	v36 =	vsel vm14, $0xF00, v34;
	v63 =	vsel vm14, $0x380, v4  }
0x48: {  	v4 =	vsel vm0, $0x200, v40;
	[tilespmem:$0x1FC50] =	vst v0;
	v0 =	vsel vm3, $0xE00, v37;
	v1 =	vsel vm4, $0xB00, v1  }
0x49: {  	v2 =	vsel vm7, $0xD00, v2;
	v4 =	vsel vm1, $0x280, v4;
	v0 =	vsel vm4, $0xF00, v0  }
0x4a: {  	v1 =	vsel vm5, $0xC00, v1;
	v2 =	vsel vm8, $0xE00, v2;
	v4 =	vsel vm2, $0x300, v4  }
0x4b: {  	v0 =	vsel vm5, $0x0, v0;
	v1 =	vsel vm6, $0xD00, v1;
	v2 =	vsel vm9, $0xF00, v2  }
0x4c: {  	v4 =	vsel vm3, $0x380, v4;
	v0 =	vsel vm6, $0x100, v0;
	v1 =	vsel vm7, $0xE00, v1  }
0x4d: {  	v49 =	vsel vm10, $0x0, v2;
	v2 =	vsel vm0, $0x500, v51;
	v43 =	vsel vm4, $0x0, v4  }
0x4e: {  	v51 =	vimm.s32 $0x43024100;
	v0 =	vsel vm7, $0x200, v0;
	v1 =	vsel vm8, $0xF00, v1  }
0x4f: {  	v50 =	vsel vm11, $0x100, v49;
	v2 =	vsel vm1, $0x600, v2;
	v49 =	vimm.s32 $0x4B0A4908  }
0x50: {  	v0 =	vsel vm8, $0x300, v0;
	v1 =	vsel vm9, $0x0, v1;
	v53 =	vsel vm2, $0x700, v2  }
0x51: {  	v2 =	vsel vm2, $0x600, v54;
	v54 =	vimm.s32 $0x400F4E0D;
	v0 =	vsel vm9, $0x400, v0  }
0x52: {  	v1 =	vsel vm10, $0x100, v1;
	v55 =	vsel vm3, $0x800, v53;
	v2 =	vsel vm3, $0x700, v2  }
0x53: {  	v53 =	vimm.s32 $0x4C0B4A09;
	v5 =	vunpack.c.0.s8.s32 v54;
	v0 =	vsel vm10, $0x500, v0  }
0x54: {  	[tilespmem:$0x1FDB0] =	vst v9;
	v1 =	vsel vm11, $0x200, v1;
	v3 =	vsel vm4, $0x900, v55;
	v2 =	vsel vm4, $0x800, v2  }
0x55: {  	[tilespmem:$0x1FDC0] =	vst v10;
	v55 =	vsel vm15, v10, v9;
	v9 =	vimm.s32 $0x4E0D4C0B;
	v10 =	vimm.s32 $0x4201400F  }
0x56: {  	v0 =	vsel vm11, $0x600, v0;
	v1 =	vsel vm12, $0x300, v1;
	v2 =	vsel vm5, $0x900, v2  }
0x57: {  	v3 =	vsel vm5, $0xA00, v3;
	v0 =	vsel vm12, $0x700, v0;
	v2 =	vsel vm6, $0xA00, v2  }
0x58: {  	v48 =	vsel vm13, $0x400, v1;
	v1 =	vsel vm12, $0x200, v50;
	v2 =	vsel vm7, $0xB00, v2  }
0x59: {  	v3 =	vsel vm6, $0xB00, v3;
	v50 =	vimm.s32 $0x4F0E4D0C;
	v2 =	vsel vm8, $0xC00, v2  }
0x5a: {  	v0 =	vsel vm13, $0x800, v0;
	v1 =	vsel vm13, $0x300, v1;
	v2 =	vsel vm9, $0xD00, v2  }
0x5b: {  	v3 =	vsel vm7, $0xC00, v3;
	v13 =	vsel vm14, $0x900, v0;
	v2 =	vsel vm10, $0xE00, v2  }
0x5c: {  	v0 =	vsel vm12, $0x500, v42;
	v1 =	vsel vm14, $0x400, v1;
	v2 =	vsel vm11, $0xF00, v2  }
0x5d: {  	v3 =	vsel vm8, $0xD00, v3;
	v0 =	vsel vm13, $0x600, v0;
	v2 =	vsel vm12, $0x0, v2  }
0x5e: {  	[tilespmem:$0x1FC90] =	vst v1;
	v3 =	vsel vm9, $0xE00, v3;
	v1 =	vsel vm0, $0x280, v56;
	v2 =	vsel vm13, $0x100, v2  }
0x5f: {  	v56 =	vunpack.c.0.s8.s32 v9;
	v9 =	vimm.s32 $0x46054403;
	v2 =	vsel vm14, $0x200, v2  }
0x60: {  	v0 =	vsel vm14, $0x700, v0;
	v3 =	vsel vm10, $0xF00, v3;
	[tilespmem:$0x1FCB0] =	vst v2;
	v2 =	vsel vm12, $0xF00, v58  }
0x61: {  	v1 =	vsel vm1, $0x300, v1;
	v9 =	vunpack.c.0.s8.s32 v9;
	v2 =	vsel vm13, $0x0, v2  }
0x62: {  	[tilespmem:$0x1FC60] =	vst v0;
	v0 =	vsel vm3, $0xB00, v45;
	v32 =	vsel vm14, $0x100, v2;
	v2 =	vsel vm3, $0x500, v19  }
0x63: {  	v3 =	vsel vm11, $0x0, v3;
	v1 =	vsel vm2, $0x380, v1;
	v2 =	vsel vm4, $0x600, v2  }
0x64: {  	v0 =	vsel vm4, $0xC00, v0;
	v3 =	vsel vm12, $0x100, v3;
	v2 =	vsel vm5, $0x700, v2  }
0x65: {  	[tilespmem:$0x1FD30] =	vst v1;
	v1 =	vsel vm3, $0x0, v1;
	v0 =	vsel vm5, $0xD00, v0;
	v2 =	vsel vm6, $0x800, v2  }
0x66: {  	v3 =	vsel vm13, $0x200, v3;
	v1 =	vsel vm4, $0x80, v1;
	v2 =	vsel vm7, $0x900, v2  }
0x67: {  	v0 =	vsel vm6, $0xE00, v0;
	v3 =	vsel vm14, $0x300, v3;
	v2 =	vsel vm8, $0xA00, v2  }
0x68: {  	v1 =	vsel vm5, $0x100, v1;
	v0 =	vsel vm7, $0xF00, v0;
	v2 =	vsel vm9, $0xB00, v2  }
0x69: {  	[tilespmem:$0x1FCA0] =	vst v3;
	v3 =	vsel vm0, $0x180, v59;
	v1 =	vsel vm6, $0x180, v1;
	v2 =	vsel vm10, $0xC00, v2  }
0x6a: {  	v0 =	vsel vm8, $0x0, v0;
	v3 =	vsel vm1, $0x200, v3;
	v2 =	vsel vm11, $0xD00, v2  }
0x6b: {  	v1 =	vsel vm8, $0x280, v1;
	v0 =	vsel vm9, $0x100, v0;
	v2 =	vsel vm12, $0xE00, v2  }
0x6c: {  	v3 =	vsel vm2, $0x280, v3;
	v1 =	vsel vm9, $0x300, v1;
	v2 =	vsel vm13, $0xF00, v2  }
0x6d: {  	v0 =	vsel vm10, $0x200, v0;
	v15 =	vsel vm14, $0x0, v2;
	v2 =	vmul.u32 $0x80, v38  }
0x6e: {  	v3 =	vsel vm3, $0x300, v3;
	v1 =	vsel vm10, $0x380, v1;
	v0 =	vsel vm11, $0x300, v0  }
0x6f: {  	v3 =	vsel vm4, $0x380, v3;
	v1 =	vsel vm11, $0x0, v1;
	[tilespmem:$0x1FCD0] =	vst v2;
	v2 =	vsel vm0, $0x100, v39  }
0x70: {  	v0 =	vsel vm12, $0x400, v0;
	v42 =	vsel vm5, $0x0, v3;
	v2 =	vsel vm1, $0x180, v2  }
0x71: {  	[tilespmem:$0x1FCE0] =	vst v3;
	v3 =	vsel vm5, $0x80, v43;
	v1 =	vsel vm12, $0x80, v1;
	v2 =	vsel vm2, $0x200, v2  }
0x72: {  	v0 =	vsel vm13, $0x500, v0;
	v3 =	vsel vm6, $0x100, v3;
	v2 =	vsel vm3, $0x280, v2  }
0x73: {  	v1 =	vsel vm13, $0x100, v1;
	v0 =	vsel vm14, $0x600, v0;
	v2 =	vsel vm4, $0x300, v2  }
0x74: {  	v3 =	vsel vm8, $0x200, v3;
	v41 =	vsel vm5, $0x380, v2;
	v2 =	vsel vm6, $0x80, v42  }
0x75: {  	[tilespmem:$0x1FC70] =	vst v0;
	v0 =	vsel vm14, $0x500, v48;
	v3 =	vsel vm9, $0x280, v3;
	v2 =	vsel vm8, $0x180, v2  }
0x76: {  	[tilespmem:$0x1FC80] =	vst v0;
	v3 =	vsel vm10, $0x300, v3;
	v0 =	vsel vm0, $0x380, v52;
	v2 =	vsel vm9, $0x200, v2  }
0x77: {  	v3 =	vsel vm11, $0x380, v3;
	[tilespmem:$0x1FD20] =	vst v0;
	v0 =	vsel vm1, $0x0, v0;
	v2 =	vsel vm10, $0x280, v2  }
0x78: {  	v3 =	vsel vm12, $0x0, v3;
	v0 =	vsel vm2, $0x80, v0;
	v2 =	vsel vm11, $0x300, v2  }
0x79: {  	v45 =	vsel vm13, $0x80, v3;
	v0 =	vsel vm3, $0x100, v0;
	v2 =	vsel vm12, $0x380, v2  }
0x7a: {  	v0 =	vsel vm4, $0x180, v0;
	v44 =	vsel vm6, $0x0, v41;
	v2 =	vsel vm13, $0x0, v2  }
0x7b: {  	[tilespmem:$0x1FCF0] =	vst v4;
	v4 =	vsel vm8, $0x100, v44;
	v44 =	vsel vm14, $0x80, v2;
	v2 =	vsel vm14, $0x100, v45  }
0x7c: {  	v23 =	vsel vm14, $0x180, v1;
	v0 =	vsel vm5, $0x200, v0;
	[tilespmem:$0x1FD10] =	vst v2;
	v2 =	vsel vm0, $0x300, v46  }
0x7d: {  	v1 =	vunpack.c.0.s8.s32 v50;
	v0 =	vsel vm6, $0x280, v0;
	v2 =	vsel vm1, $0x380, v2  }
0x7e: {  	v52 =	vimm.s32 $0x47064504;
	v0 =	vsel vm8, $0x380, v0;
	[tilespmem:$0x1FD40] =	vst v2;
	v2 =	vsel vm2, $0x0, v2  }
0x7f: {  	v0 =	vsel vm9, $0x0, v0;
	v4 =	vsel vm9, $0x180, v4;
	v2 =	vsel vm3, $0x80, v2  }
0x80: {  	v0 =	vsel vm10, $0x80, v0;
	v4 =	vsel vm10, $0x200, v4;
	v2 =	vsel vm4, $0x100, v2  }
0x81: {  	[tilespmem:$0x1FD90] =	vst v21;
	v0 =	vsel vm11, $0x100, v0;
	v4 =	vsel vm11, $0x280, v4;
	v2 =	vsel vm5, $0x180, v2  }
0x82: {  	[tilespmem:$0x1FDA0] =	vst v22;
	v0 =	vsel vm12, $0x180, v0;
	v4 =	vsel vm12, $0x300, v4;
	v2 =	vsel vm6, $0x200, v2  }
0x83: {  	[tilespmem:$0x1FD80] =	vst v20;
	v0 =	vsel vm13, $0x200, v0;
	v4 =	vsel vm13, $0x380, v4;
	v2 =	vsel vm8, $0x300, v2  }
0x84: {  	[tilespmem:$0x1FDE0] =	vst v55;
	v33 =	vsel vm14, $0x0, v4;
	v4 =	vunpack.c.0.s8.s32 v53;
	v2 =	vsel vm9, $0x380, v2  }
0x85: {  	[tilespmem:$0x1FDF0] =	vst v56;
	v34 =	vsel vm14, $0x280, v0;
	v0 =	vunpack.c.0.s8.s32 v49;
	v2 =	vsel vm10, $0x0, v2  }
0x86: {  	[tilespmem:$0x1FE10] =	vst v9;
	v3 =	vunpack.c.0.s8.s32 v52;
	v19 =	vsel vm15, v5, v4;
	v2 =	vsel vm11, $0x80, v2  }
0x87: {  	[tilespmem:$0x1FD00] =	vst v41;
	v17 =	vsel vm15, v1, v0;
	v25 =	vcombine.low v20, v19;
	v2 =	vsel vm12, $0x100, v2  }
0x88: {  	[tilespmem:$0x1FD50] =	vst v17;
	v20 =	vunpack.c.0.s8.s32 v10;
	v47 =	vsel vm13, $0x180, v2;
	v2 =	vunpack.c.0.s8.s32 v51  }
0x89: {  	v57 =	vsel vm12, $0x500, v8;
	[tilespmem:$0x1FD70] =	vst v19  }
0x8a: {  	v58 =	vsel vm13, $0x580, v57;
	[tilespmem:$0x1FE00] =	vst v20;
	v18 =	vsel vm15, v3, v2  }
0x8b: {  	v3 =	vsel vm15, v0, v3;
	v0 =	vsel vm14, $0x600, v58;
	[tilespmem:$0x1FD60] =	vst v18  }
0x8c: {  	v10 =	vimm.s32 $0x4A094807;
	v24 =	vcombine.low v18, v17;
	v17 =	vsel vm15, v22, v21;
	[tilespmem:$0x1FE50] =	vst v0  }
0x8d: {  	v21 =	vunpack.c.0.s8.s32 v10;
	v10 =	vsel vm15, v20, v56;
	[tilespmem:$0x1FDD0] =	vst v17  }
0x8e: {  	[tilespmem:$0x1FE30] =	vst v10  }
0x8f: {  	s8 =	rddreg [dreg:$0x0];
	s1 =	simm.s32 $0x0;
	[tilespmem:$0x1FE20] =	vst v21;
	v9 =	vsel vm15, v21, v9  }
0x90: {  	[smem:$0x7FF] =	sst s1;
	v14 =	vsel vm15, v2, v1;
	[tilespmem:$0x1FE40] =	vst v9  }
0x91: {  	s11 =	rddreg [dreg:$0x1];
	_ =	strace $0x80000047;
	[tilespmem:$0x1FE80] =	vst v14  }
0x92: {  	v5 =	vsel vm15, v6, v5;
	[tilespmem:$0x1FE90] =	vst v3  }
0x93: {  	v4 =	vsel vm15, v4, v7;
	[tilespmem:$0x1FEA0] =	vst v5  }
0x94: {  	[tilespmem:$0x1FEB0] =	vst v4  }
0x95: {  	[tilespmem:$0x1FEC0] =	vst v23  }
0x96: {  	[tilespmem:$0x1FED0] =	vst v32  }
0x97: {  	v60 =	vimm.s32 $0x480;
	v61 =	vimm.s32 $0x380;
	v59 =	vimm.s32 $0x580;
	[tilespmem:$0x1FEE0] =	vst v15  }
0x98: {  	v35 =	vcombine.low v4, v5;
	v26 =	vsel vm14, $0x200, v47;
	v1 =	vsel vm0, $0x500, v60;
	[tilespmem:$0x1FEF0] =	vst v36  }
0x99: {  	v2 =	vsel vm0, $0x400, v61;
	v61 =	vmul.u32 $0x100, v16;
	v0 =	vsel vm0, $0x600, v59;
	[tilespmem:$0x1FF00] =	vst v13  }
0x9a: {  	v1 =	vsel vm1, $0x580, v1;
	v2 =	vsel vm1, $0x480, v2;
	v8 =	vcombine.low v3, v14;
	[tilespmem:$0x1FF10] =	vst v26  }
0x9b: {  	v52 =	vcombine.low v55, v17;
	v0 =	vsel vm1, $0x680, v0;
	v1 =	vsel vm2, $0x600, v1;
	[tilespmem:$0x1FF20] =	vst v24  }
0x9c: {  	v2 =	vsel vm2, $0x500, v2;
	v0 =	vsel vm2, $0x700, v0;
	v1 =	vsel vm3, $0x680, v1;
	[tilespmem:$0x1FF30] =	vst v25  }
0x9d: {  	s2 =	srdreg.scid;
	s14 =	simm.s32 $0x800;
	v2 =	vsel vm3, $0x580, v2;
	v30 =	vcombine.low v9, v10;
	v1 =	vsel vm4, $0x700, v1;
	[tilespmem:$0x1FF40] =	vst v52  }
0x9e: {  	s0 =	stileid.u32;
	s15 =	simm.s32 $0x7A1400;
	s16 =	simm.s32 $0x4000;
	v0 =	vsel vm3, $0x780, v0;
	v2 =	vsel vm4, $0x600, v2;
	v1 =	vsel vm5, $0x780, v1;
	[tilespmem:$0x1FF70] =	vst v61  }
0x9f: {  	s17 =	simm.s32 $0x1;
	s18 =	simm.s32 $0x8000;
	s19 =	simm.s32 $0x2;
	v0 =	vsel vm4, $0x0, v0;
	v2 =	vsel vm5, $0x680, v2;
	[tilespmem:$0x1FF80] =	vst v8;
	v1 =	vsel vm6, $0x0, v1  }
0xa0: {  	s20 =	simm.s32 $0xC000;
	s21 =	simm.s32 $0x3;
	s23 =	simm.s32 $0x10000;
	[tilespmem:$0x1FF90] =	vst v31;
	v0 =	vsel vm5, $0x80, v0;
	v2 =	vsel vm6, $0x700, v2;
	v1 =	vsel vm7, $0x80, v1  }
0xa1: {  	s24 =	simm.s32 $0x12000;
	s25 =	simm.s32 $0x0;
	s6 =	sand.u32 $0x1, s2;
	[tilespmem:$0x1FFA0] =	vst v11;
	v0 =	vsel vm6, $0x100, v0;
	v2 =	vsel vm7, $0x780, v2;
	v1 =	vsel vm8, $0x100, v1  }
0xa2: {  	s29 =	sshll.u32 s0, $0x1;
	s2 =	sadd.s32 $0xC00, s11;
	s11 =	sadd.s32 $0x7A1C00, s11;
	[tilespmem:$0x1FFB0] =	vst v34;
	v0 =	vsel vm7, $0x180, v0;
	v2 =	vsel vm8, $0x0, v2;
	v1 =	vsel vm9, $0x180, v1  }
0xa3: {  	p0 =	sne.s32 s0, $0x0;
	s3 =	ssub.s32 $0x2, s6;
	s22 =	sor.u32 s6, s29;
	[tilespmem:$0x1FFC0] =	vst v44;
	v0 =	vsel vm8, $0x200, v0;
	v2 =	vsel vm9, $0x80, v2;
	v1 =	vsel vm10, $0x200, v1  }
0xa4: {  	s9 =	sor.u32 $0xF40, s6;
	s4 =	sshrl.u32 s3, $0x1;
	s5 =	sshll.u32 s22, $0x8;
	[tilespmem:$0x1FFD0] =	vst v33;
	v0 =	vsel vm9, $0x280, v0;
	v2 =	vsel vm10, $0x100, v2;
	v1 =	vsel vm11, $0x280, v1  }
0xa5: {  	s12 =	sshll.u32 s22, $0xB;
	s10 =	sshll.u32 s9, $0x8;
	s30 =	sshll.u32 s9, $0xB;
	[tilespmem:$0x1FFE0] =	vst v63;
	v0 =	vsel vm10, $0x300, v0;
	v2 =	vsel vm11, $0x180, v2;
	v1 =	vsel vm12, $0x300, v1  }
.Ltmp0:
0xa6: {  	s9 =	sadd.s32 $0xF4200, s8;
	p1 =	sne.s32 s22, $0x2;
	[tilespmem:$0x1FFF0] =	vst v35;
	v0 =	vsel vm11, $0x380, v0;
	v2 =	vsel vm12, $0x200, v2;
	v1 =	vsel vm13, $0x380, v1;
	(pc) =	sbr.rel .LBB2_1-.Ltmp0, $4  }
0xa7: {  	s13 =	ssub.s32 s3, s4;
	s3 =	sadd.s32 s8, s5;
	s5 =	sadd.s32 s2, s12;
	[tilespmem:$0x1FF50] =	vst v30;
	v0 =	vsel vm12, $0x400, v0;
	v2 =	vsel vm13, $0x280, v2;
	v62 =	vsel vm14, $0x400, v1  }
0xa8: {  	s10 =	sadd.s32 s8, s10;
	s31 =	sadd.s32 s2, s30;
	s12 =	sor.u32 $0x10000, s12;
	v0 =	vsel vm13, $0x480, v0;
	v40 =	vsel vm14, $0x300, v2;
	[tilespmem:$0x1FE70] =	vst v62  }
0xa9: {  	s4 =	sadd.s32 $0x2000, s3;
	s6 =	sadd.s32 $0x4000, s3;
	v48 =	vshrl.u32 v16, $0x1;
	[dreg:$0x3] =	wrdreg s10;
	v0 =	vsel vm14, $0x500, v0;
	[tilespmem:$0x1FF60] =	vst v40  }
0xaa: {  	s7 =	sadd.s32 $0x6000, s3;
	s13 =	smax.u32 s13, $0x1;
	v45 =	vmul.u32 $0x80, v48;
	v10 =	vmov v11;
	[dreg:$0x4] =	wrdreg s31;
	[tilespmem:$0x1FE60] =	vst v0  }
.LBB2_20:
0xab: {  	s25 =	sadd.s32 $0x1, s25  }
0xac: {  	p2 =	sne.s32 s25, s13  }
.Ltmp1:
0xad: {  	_ = 	snop;
	(pc) =	sbr.rel @!p2 .LBB2_21-.Ltmp1, $4  }
0xae: {  	_ = 	snop  }
0xaf: {  	v32 =	vld [tilespmem:$0x1FED0]  }
0xb0: {  	v15 =	vld [tilespmem:$0x1FEE0]  }
0xb1: {  	v36 =	vld [tilespmem:$0x1FEF0]  }
.LBB2_1:
0xb2: {  	[tilespmem:s1], [sflag:$0x1] =	stream.strided.gather [hbm4b:s3+s14], $0x4000, s15, s14, $0x38;
	[tilespmem:$0x13000] =	vst v63  }
0xb3: {  	s26 =	simm.s32 $0x0  }
0xb4: {  	[tilespmem:s16], [sflag:$0x1] =	stream.strided.gather [hbm4b:s4+s14], $0x4000, s15, s14, $0x38;
	[tilespmem:$0x13000] =	vst v63  }
.LBB2_2:
0xb5: {  	v0 =	vld [tilespmem:$0x1FE00]  }
0xb6: {  	v1 =	vld [tilespmem:$0x1FE10];
	_ =	sdelay $0x4  }
0xb7: {  	v2 =	vsel vm15, v1, v0;
	v0 =	vld [tilespmem:$0x1FDF0]  }
0xb8: {  	v1 =	vld [tilespmem:$0x1FE20];
	_ =	sdelay $0x2  }
0xb9: {  	v3 =	vld [tilespmem:$0x1FD60]  }
0xba: {  	v5 =	vld [tilespmem:$0x1FD70]  }
0xbb: {  	v4 =	vsel vm15, v0, v1;
	v1 =	vld [tilespmem:$0x1FD50]  }
0xbc: {  	v6 =	vld [tilespmem:$0x1FD80];
	_ =	sdelay $0x1  }
0xbd: {  	s0 =	simm.s32 $0x0  }
0xbe: {  	s8 =	sand.u32 $0xF0, s0;
	s0 =	sand.u32 $0x30, s0  }
0xbf: {  	v7 =	vcombine.low v1, v3;
	v3 =	vmov s0  }
0xc0: {  	v18 =	vcombine.low v5, v6;
	v5 =	vshll.u32 v3, $0x8;
	v3 =	vld [tilespmem:$0x1FCA0];
	_ =	sdelay $0x4  }
0xc1: {  	v14 =	vor.u32 v3, v5;
	v3 =	vld [tilespmem:$0x1FC90]  }
0xc2: {  	v0 =	vmov s8;
	v1 =	vlaneseq.u32  }
0xc3: {  	v0 =	vshll.u32 v0, $0x3;
	v1 =	vor.u32 s8, v1  }
0xc4: {  	v0 =	vand.u32 $0x400, v0;
	v1 =	vand.u32 $0x7F, v1  }
0xc5: {  	v6 =	vor.u32 v0, v1;
	v1 =	vld [tilespmem:$0x1FCD0]  }
0xc6: {  	v16 =	vor.u32 v3, v5;
	v3 =	vld [tilespmem:$0x1FD10]  }
0xc7: {  	v12 =	vld [tilespmem:$0x1FCB0];
	_ =	sdelay $0x2  }
0xc8: {  	v20 =	vor.u32 v32, v5;
	v0 =	vor.u32 v61, v5;
	v11 =	vor.u32 v63, v6  }
0xc9: {  	v17 =	vor.u32 v44, v6;
	v9 =	vor.u32 v1, v6;
	v19 =	vor.u32 v3, v6;
	v3 =	vld [tilespmem:$0x1FC80]  }
0xca: {  	v1 =	vor.u32 v12, v5;
	v12 =	vand.u32 $0x3800, v0;
	v0 =	vor.u32 v15, v5  }
0xcb: {  	v21 =	vor.u32 v26, v6;
	v15 =	vor.u32 v33, v6;
	v0 =	vand.u32 $0x3800, v0  }
0xcc: {  	v43 =	vor.u32 v34, v6;
	v1 =	vand.u32 $0x3800, v1;
	v22 =	vor.u32 v0, v15  }
0xcd: {  	v0 =	vand.u32 $0x3800, v20;
	v47 =	vor.u32 v1, v19;
	v1 =	vor.u32 v36, v5  }
0xce: {  	s8 =	sshrl.u32 s8, $0x1;
	v50 =	vor.u32 v0, v17;
	v1 =	vand.u32 $0x3800, v1;
	v3 =	vor.u32 v3, v5  }
0xcf: {  	v26 =	vor.u32 v1, v11;
	v1 =	vld [tilespmem:$0x1FE80];
	v0 =	vand.u32 $0x3800, v3;
	v3 =	vmov s8  }
0xd0: {  	v20 =	vor.u32 v0, v43;
	v0 =	vshll.u32 v3, $0x7;
	v3 =	vld [tilespmem:$0x1FE90];
	_ =	sdelay $0x4  }
0xd1: {  	v29 =	vcombine.low v1, v3;
	v1 =	vld [tilespmem:$0x1FDD0]  }
0xd2: {  	v3 =	vld [tilespmem:$0x1FDE0];
	_ =	sdelay $0x4  }
0xd3: {  	v40 =	vcombine.low v1, v3;
	v1 =	vld [tilespmem:$0x1FE30]  }
0xd4: {  	v3 =	vld [tilespmem:$0x1FE40];
	_ =	sdelay $0x2  }
0xd5: {  	v0 =	vor.u32 v45, v0  }
0xd6: {  	v27 =	vor.u32 s0, v0;
	v0 =	vld [tilespmem:$0x1FDA0]  }
0xd7: {  	v41 =	vcombine.low v1, v3;
	v1 =	vld [tilespmem:$0x1FDB0];
	_ =	sdelay $0x4  }
0xd8: {  	v28 =	vsel vm15, v1, v0;
	v0 =	vld [tilespmem:$0x1FD90]  }
0xd9: {  	v1 =	vld [tilespmem:$0x1FDC0]  }
0xda: {  	v37 =	vcombine.low v4, v2  }
0xdb: {  	[tilespmem:$0x1FBE0] =	vst v18  }
0xdc: {  	[tilespmem:$0x1FBB0] =	vst v37  }
0xdd: {  	[tilespmem:$0x1FBD0] =	vst v7  }
0xde: {  	[tilespmem:$0x1FC10] =	vst v29;
	v31 =	vsel vm15, v0, v1  }
0xdf: {  	[tilespmem:$0x1FBF0] =	vst v40;
	v46 =	vcombine.low v28, v31;
	v28 =	vcombine.low v31, v28  }
0xe0: {  	[tilespmem:$0x1FC00] =	vst v41  }
0xe1: {  	[tilespmem:$0x1FBC0] =	vst v28  }
0xe2: {  	v31 =	vld [tilespmem:$0x1FF40];
	_ =	swait.ge [sflag:s17], $0x4000  }
0xe3: {  	v39 =	vor.u32 v18, v27;
	v18 =	vld [tilespmem:$0x1FC70];
	_ =	sdelay $0x3  }
0xe4: {  	p2 =	seq.s32 s26, $0x0;
	[sflag:s17] =	ssyncset.done $0x0  }
0xe5: {  	s0 =	simm.s32 @!p2 $0x2;
	v51 =	vor.u32 v28, v27;
	[sflag:s17] =	ssyncadd.s32 $0xFFFFC000;
	v28 =	vor.u32 v18, v5  }
0xe6: {  	v18 =	vld [tilespmem:$0x1FC60];
	_ =	swait.ge @!p2 [sflag:s0], $0x4000;
	v28 =	vand.u32 $0x3800, v28  }
0xe7: {  	v12 =	vor.u32 v12, v9;
	v57 =	vor.u32 v28, v9;
	v9 =	vld [tilespmem:$0x1FC50];
	_ =	sdelay $0x3  }
0xe8: {  	v62 =	vcombine.low v2, v4;
	v2 =	vld [tilespmem:$0x1FC30]  }
0xe9: {  	v9 =	vor.u32 v9, v5  }
0xea: {  	v4 =	vand.u32 $0x3800, v9;
	v9 =	vand.u32 $0x3800, v16  }
0xeb: {  	v16 =	vor.u32 v9, v21;
	v9 =	vld [tilespmem:$0x1FC40]  }
0xec: {  	v53 =	vor.u32 v10, v5;
	v14 =	vand.u32 $0x3800, v14;
	v6 =	vor.u32 v23, v6  }
0xed: {  	v55 =	vor.u32 v24, v27;
	v48 =	vor.u32 v37, v27;
	v2 =	vor.u32 v2, v5  }
0xee: {  	v52 =	vmovc v10;
	v38 =	vor.u32 v7, v27;
	v54 =	vor.u32 v31, v27;
	v10 =	vld [tilespmem:$0x1FEB0];
	v2 =	vand.u32 $0x3800, v2  }
0xef: {  	v31 =	vor.u32 v18, v5;
	v18 =	vor.u32 v14, v6;
	v59 =	vor.u32 v2, v21;
	v2 =	vld [tilespmem:$0x1FF90]  }
0xf0: {  	v49 =	vor.u32 v62, v27;
	v4 =	vor.u32 v4, v19;
	v19 =	vor.u32 v9, v5;
	v9 =	vld [tilespmem:$0x1FEA0]  }
0xf1: {  	v40 =	vor.u32 v40, v27;
	v3 =	vor.u32 v25, v27;
	v42 =	vor.u32 v41, v27;
	[sflag:s0] =	ssyncset.done @!p2 $0x0  }
0xf2: {  	v56 =	vmovc v62;
	v7 =	vmovc v25;
	v41 =	vor.u32 v29, v27;
	v1 =	vor.u32 v30, v27;
	v37 =	vld [tilespmem:$0x1FEE0];
	[sflag:s0] =	ssyncadd.s32 @!p2 $0xFFFFC000;
	v14 =	vand.u32 $0x3800, v31  }
0xf3: {  	v0 =	vor.u32 v8, v27;
	v58 =	vor.u32 v14, v11;
	v11 =	vor.u32 v13, v5;
	v14 =	vld.idx.msk [tilespmem:v12+s1+$0x0], $0xffff  }
0xf4: {  	[tilespmem:$0x1FC20] =	vst v46;
	v46 =	vor.u32 v46, v27;
	v12 =	vld.idx.msk [tilespmem:v18+s1+$0x0], $0xffff;
	v2 =	vor.u32 v2, v5;
	v5 =	vand.u32 $0x3800, v11  }
0xf5: {  	v25 =	vmovc v13;
	v2 =	vand.u32 $0x3800, v2;
	v5 =	vor.u32 v5, v17;
	v17 =	vld.idx.msk [tilespmem:v26+s1+$0x0], $0xffff;
	v13 =	vcombine.low v9, v10  }
0xf6: {  	v29 =	vmovc v8;
	v11 =	vor.u32 v2, v15;
	v2 =	vand.u32 $0x3800, v19;
	v19 =	vld.idx.msk [tilespmem:v22+s1+$0x0], $0xffff;
	v15 =	vor.u32 v35, v27  }
0xf7: {  	s28 =	sshll.u32 s26, $0xE;
	s29 =	simm.s32 $0x10;
	v8 =	vmovc v24;
	s0 =	simm.s32 $0x4;
	v6 =	vor.u32 v2, v6;
	v9 =	vld.idx.msk [tilespmem:v20+s1+$0x0], $0xffff;
	v10 =	vmov v7;
	v2 =	vor.u32 v13, v27  }
.LBB2_3:
0xf8: {  	v22 =	vld.idx.msk [tilespmem:v50+s1+$0x0], $0xffff  }
0xf9: {  	v27 =	vld.idx.msk [tilespmem:v47+s1+$0x0], $0xffff  }
0xfa: {  	v16 =	vld.idx.msk [tilespmem:v16+s1+$0x0], $0xffff;
	[tilespmem:v55+s18+$0x0] =	vst.idx.msk $0xffff, v14  }
0xfb: {  	v18 =	vld [tilespmem:$0x1FCA0];
	[tilespmem:v3+s18+$0x0] =	vst.idx.msk $0xffff, v17  }
0xfc: {  	[tilespmem:v54+s18+$0x0] =	vst.idx.msk $0xffff, v19  }
0xfd: {  	s8 =	sand.u32 $0x30, s29;
	s30 =	sand.u32 $0xF0, s0;
	v7 =	vlaneseq.u32;
	[tilespmem:v1+s18+$0x0] =	vst.idx.msk $0xffff, v22;
	v1 =	vand.u32 $0x3800, v53  }
0xfe: {  	v20 =	vmov s30;
	v26 =	vmov s8;
	[tilespmem:v0+s18+$0x0] =	vst.idx.msk $0xffff, v27;
	v0 =	vor.u32 v1, v43  }
0xff: {  	v21 =	vor.u32 s30, v7;
	v20 =	vshll.u32 v20, $0x3;
	v26 =	vshll.u32 v26, $0x8  }
0x100: {  	s22 =	smov.u32 s29;
	v21 =	vand.u32 $0x7F, v21;
	v20 =	vand.u32 $0x400, v20;
	v60 =	vor.u32 v18, v26;
	v18 =	vld [tilespmem:$0x1FC90];
	[tilespmem:v15+s18+$0x0] =	vst.idx.msk $0xffff, v12  }
0x101: {  	p3 =	sne.s32 s29, $0x3F0;
	s22 =	sadd.s32 $0x10, s29;
	s29 =	sshrl.u32 s30, $0x1;
	v7 =	vld [tilespmem:$0x1FF40];
	v20 =	vor.u32 v20, v21;
	v12 =	vor.u32 v32, v26;
	[tilespmem:v51+s18+$0x0] =	vst.idx.msk $0xffff, v16  }
0x102: {  	v19 =	vor.u32 v44, v20;
	v12 =	vand.u32 $0x3800, v12;
	[tilespmem:v48+s18+$0x0] =	vst.idx.msk $0xffff, v9;
	v9 =	vmov s29  }
0x103: {  	v50 =	vor.u32 v12, v19;
	v12 =	vld.idx.msk [tilespmem:v0+s1+$0x0], $0xffff;
	v0 =	vshll.u32 v9, $0x7  }
0x104: {  	v28 =	vor.u32 v37, v26;
	v0 =	vor.u32 v45, v0  }
0x105: {  	v55 =	vand.u32 $0x3800, v28;
	v28 =	vor.u32 v18, v26;
	v18 =	vmovc v37;
	v37 =	vmovc v32;
	v32 =	vor.u32 s8, v0  }
0x106: {  	v54 =	vor.u32 v7, v32;
	v7 =	vld [tilespmem:$0x1FBB0];
	_ =	sdelay $0x3  }
0x107: {  	v3 =	vld [tilespmem:$0x1FCD0]  }
0x108: {  	v48 =	vor.u32 v7, v32;
	v7 =	vld [tilespmem:$0x1FBC0];
	_ =	sdelay $0x2  }
0x109: {  	v31 =	vld [tilespmem:$0x1FC10]  }
0x10a: {  	v17 =	vor.u32 v3, v20;
	v3 =	vld [tilespmem:$0x1FCB0]  }
0x10b: {  	v51 =	vor.u32 v7, v32;
	v7 =	vld [tilespmem:$0x1FBD0]  }
0x10c: {  	v16 =	vld.idx.msk [tilespmem:v57+s1+$0x0], $0xffff  }
0x10d: {  	v5 =	vld.idx.msk [tilespmem:v5+s1+$0x0], $0xffff  }
0x10e: {  	v4 =	vld.idx.msk [tilespmem:v4+s1+$0x0], $0xffff  }
0x10f: {  	v6 =	vld.idx.msk [tilespmem:v6+s1+$0x0], $0xffff  }
0x110: {  	v3 =	vor.u32 v3, v26;
	v57 =	vor.u32 v7, v32;
	v7 =	vld [tilespmem:$0x1FBE0]  }
0x111: {  	v1 =	vand.u32 $0x3800, v3;
	v3 =	vld [tilespmem:$0x1FD10]  }
0x112: {  	v9 =	vld.idx.msk [tilespmem:v11+s1+$0x0], $0xffff  }
0x113: {  	v11 =	vld.idx.msk [tilespmem:v58+s1+$0x0], $0xffff  }
0x114: {  	v59 =	vld.idx.msk [tilespmem:v59+s1+$0x0], $0xffff  }
0x115: {  	v58 =	vor.u32 v7, v32;
	v7 =	vld [tilespmem:$0x1FBF0]  }
0x116: {  	[tilespmem:v38+s18+$0x0] =	vst.idx.msk $0xffff, v16;
	v16 =	vld [tilespmem:$0x1FC20];
	v27 =	vor.u32 v3, v20  }
0x117: {  	v14 =	vor.u32 v61, v26;
	v61 =	vor.u32 v33, v20;
	v47 =	vor.u32 v1, v27;
	v1 =	vld [tilespmem:$0x1FF10]  }
0x118: {  	v24 =	vmov v45;
	v21 =	vor.u32 v63, v20;
	v22 =	vor.u32 v55, v61;
	[tilespmem:v39+s18+$0x0] =	vst.idx.msk $0xffff, v11;
	v11 =	vld [tilespmem:$0x1FF90]  }
0x119: {  	v14 =	vand.u32 $0x3800, v14;
	v53 =	vor.u32 v52, v26;
	v43 =	vor.u32 v34, v20;
	[tilespmem:v40+s18+$0x0] =	vst.idx.msk $0xffff, v9;
	v9 =	vld [tilespmem:$0x1FC70]  }
0x11a: {  	v60 =	vand.u32 $0x3800, v60;
	v14 =	vor.u32 v14, v17;
	[tilespmem:v42+s18+$0x0] =	vst.idx.msk $0xffff, v5;
	v33 =	vor.u32 v7, v32;
	v7 =	vld [tilespmem:$0x1FC00]  }
0x11b: {  	v45 =	vmov v34;
	v55 =	vor.u32 v8, v32;
	v0 =	vor.u32 v29, v32;
	v3 =	vld [tilespmem:$0x1FC80];
	[tilespmem:v41+s18+$0x0] =	vst.idx.msk $0xffff, v4  }
0x11c: {  	v4 =	vld [tilespmem:$0x1FC30];
	v16 =	vor.u32 v16, v32;
	[tilespmem:v2+s18+$0x0] =	vst.idx.msk $0xffff, v6;
	v2 =	vand.u32 $0x3800, v28;
	v15 =	vor.u32 v1, v20  }
0x11d: {  	v11 =	vor.u32 v11, v26;
	[tilespmem:v46+s18+$0x0] =	vst.idx.msk $0xffff, v59;
	v46 =	vmov v16;
	v16 =	vor.u32 v2, v15;
	v2 =	vld [tilespmem:$0x1FC50]  }
0x11e: {  	v9 =	vor.u32 v9, v26;
	[tilespmem:v49+s18+$0x0] =	vst.idx.msk $0xffff, v12;
	v49 =	vor.u32 v56, v32;
	v38 =	vmov v57;
	v57 =	vld [tilespmem:$0x1FC40]  }
0x11f: {  	v1 =	vor.u32 v36, v26;
	v34 =	vor.u32 v7, v32;
	v7 =	vmovc v35;
	v35 =	vor.u32 v31, v32;
	v31 =	vld [tilespmem:$0x1FEC0]  }
0x120: {  	v5 =	vand.u32 $0x3800, v9;
	v3 =	vor.u32 v3, v26;
	v1 =	vand.u32 $0x3800, v1;
	v39 =	vmovc v58;
	v58 =	vld [tilespmem:$0x1FC60]  }
0x121: {  	v4 =	vor.u32 v4, v26;
	v3 =	vand.u32 $0x3800, v3;
	v23 =	vor.u32 v1, v21  }
0x122: {  	v6 =	vand.u32 $0x3800, v4;
	v62 =	vor.u32 v3, v43;
	v3 =	vor.u32 v10, v32  }
0x123: {  	v59 =	vor.u32 v6, v15;
	v6 =	vand.u32 $0x3800, v11;
	v1 =	vor.u32 v30, v32  }
0x124: {  	v14 =	vld.idx.msk [tilespmem:v14+s1+$0x0], $0xffff;
	v11 =	vor.u32 v6, v61;
	v2 =	vor.u32 v2, v26;
	v20 =	vor.u32 v31, v20  }
0x125: {  	v61 =	vld [tilespmem:$0x1FF70];
	v31 =	vmovc v44;
	v44 =	vor.u32 v57, v26;
	v57 =	vor.u32 v58, v26;
	v60 =	vor.u32 v60, v20  }
.Ltmp2:
0x126: {  	v40 =	vmovc v33;
	v33 =	vor.u32 v25, v26;
	v9 =	vand.u32 $0x3800, v57;
	v57 =	vor.u32 v5, v17;
	v17 =	vld.idx.msk [tilespmem:v23+s1+$0x0], $0xffff;
	(pc) =	sbr.rel @p3 .LBB2_3-.Ltmp2, $4  }
0x127: {  	v42 =	vmov v34;
	v15 =	vor.u32 v7, v32;
	v58 =	vor.u32 v9, v21;
	v9 =	vld.idx.msk [tilespmem:v62+s1+$0x0], $0xffff  }
0x128: {  	v41 =	vmovc v35;
	v34 =	vmovc v45;
	v5 =	vand.u32 $0x3800, v2;
	v2 =	vor.u32 v13, v32;
	v62 =	vand.u32 $0x3800, v33;
	v33 =	vld [tilespmem:$0x1FFD0]  }
0x129: {  	v45 =	vmovc v24;
	v4 =	vor.u32 v5, v27;
	v21 =	vand.u32 $0x3800, v44;
	v5 =	vor.u32 v62, v19;
	v19 =	vld.idx.msk [tilespmem:v22+s1+$0x0], $0xffff  }
0x12a: {  	s0 =	sadd.s32 $0x4, s0;
	s29 =	smov.u32 s22;
	v35 =	vmovc v7;
	v32 =	vmovc v37;
	v37 =	vmov v18;
	v44 =	vmov v31;
	v6 =	vor.u32 v21, v20;
	v12 =	vld.idx.msk [tilespmem:v60+s1+$0x0], $0xffff  }
0x12b: {  	_ =	sdelay $0x3  }
0x12c: {  	v20 =	vld.idx.msk [tilespmem:v50+s1+$0x0], $0xffff  }
0x12d: {  	v21 =	vld.idx.msk [tilespmem:v47+s1+$0x0], $0xffff  }
0x12e: {  	v16 =	vld.idx.msk [tilespmem:v16+s1+$0x0], $0xffff;
	[tilespmem:v55+s18+$0x0] =	vst.idx.msk $0xffff, v14  }
0x12f: {  	[tilespmem:v3+s18+$0x0] =	vst.idx.msk $0xffff, v17  }
0x130: {  	[tilespmem:v54+s18+$0x0] =	vst.idx.msk $0xffff, v19;
	v54 =	vand.u32 $0x3800, v53  }
0x131: {  	v55 =	vor.u32 v54, v43;
	[tilespmem:v1+s18+$0x0] =	vst.idx.msk $0xffff, v20  }
0x132: {  	[tilespmem:v0+s18+$0x0] =	vst.idx.msk $0xffff, v21  }
0x133: {  	[tilespmem:v15+s18+$0x0] =	vst.idx.msk $0xffff, v12  }
0x134: {  	[tilespmem:v51+s18+$0x0] =	vst.idx.msk $0xffff, v16  }
0x135: {  	[tilespmem:v48+s18+$0x0] =	vst.idx.msk $0xffff, v9  }
0x136: {  	v0 =	vld.idx.msk [tilespmem:v55+s1+$0x0], $0xffff  }
0x137: {  	[tilespmem:$0x1FBA0] =	vst v56;
	v56 =	vld.idx.msk [tilespmem:v11+s1+$0x0], $0xffff  }
0x138: {  	v9 =	vld.idx.msk [tilespmem:v57+s1+$0x0], $0xffff  }
0x139: {  	v60 =	vld.idx.msk [tilespmem:v58+s1+$0x0], $0xffff  }
0x13a: {  	v5 =	vld.idx.msk [tilespmem:v5+s1+$0x0], $0xffff  }
0x13b: {  	v4 =	vld.idx.msk [tilespmem:v4+s1+$0x0], $0xffff  }
0x13c: {  	v6 =	vld.idx.msk [tilespmem:v6+s1+$0x0], $0xffff  }
0x13d: {  	v62 =	vld.idx.msk [tilespmem:v59+s1+$0x0], $0xffff;
	[tilespmem:v38+s18+$0x0] =	vst.idx.msk $0xffff, v9  }
0x13e: {  	[tilespmem:v39+s18+$0x0] =	vst.idx.msk $0xffff, v60  }
0x13f: {  	[tilespmem:v40+s18+$0x0] =	vst.idx.msk $0xffff, v56  }
0x140: {  	p3 =	sne.s32 s26, $0x3C;
	[tilespmem:v42+s18+$0x0] =	vst.idx.msk $0xffff, v5  }
.Ltmp3:
0x141: {  	[tilespmem:v41+s18+$0x0] =	vst.idx.msk $0xffff, v4;
	(pc) =	sbr.rel @p3 .LBB2_6-.Ltmp3, $4  }
0x142: {  	[tilespmem:v2+s18+$0x0] =	vst.idx.msk $0xffff, v6  }
0x143: {  	s29 =	sshll.u32 s26, $0x11;
	[tilespmem:v46+s18+$0x0] =	vst.idx.msk $0xffff, v62  }
0x144: {  	s0 =	sadd.s32 s29, s5;
	[tilespmem:v49+s18+$0x0] =	vst.idx.msk $0xffff, v0  }
0x145: {  	v22 =	vmov v25;
	v27 =	vmov v52;
	[hbm4b:s0+s1] =	stream.linear.scatter [tilespmem:s18], [sflag:$0x2], $0x4000, $0x38;
	[tilespmem:$0x13000] =	vst v63  }
.Ltmp4:
0x146: {  	(pc) =	sbr.rel .LBB2_7-.Ltmp4, $4  }
0x147: {  	_ = 	snop  }
0x148: {  	_ =	swait.ge [sflag:s17], $0x4000  }
0x149: {  	[sflag:s17] =	ssyncset.done $0x0  }
0x14a: {  	v8 =	vmov v27;
	v19 =	vld [tilespmem:$0x1FF80];
	[sflag:s17] =	ssyncadd.s32 $0xFFFFC000  }
.LBB2_6:
.Ltmp5:
0x14b: {  	s0 =	sadd.s32 s28, s6;
	(pc) =	sbr.rel @p2 .LBB2_8-.Ltmp5, $4  }
0x14c: {  	[tilespmem:s1], [sflag:$0x1] =	stream.strided.gather [hbm4b:s0+s14], $0x4000, s15, s14, $0x38;
	[tilespmem:$0x13000] =	vst v63  }
0x14d: {  	_ =	swait.ge [sflag:s17], $0x4000  }
0x14e: {  	[sflag:s17] =	ssyncset.done $0x0  }
0x14f: {  	v8 =	vmov v27;
	v19 =	vld [tilespmem:$0x1FF80];
	[sflag:s17] =	ssyncadd.s32 $0xFFFFC000  }
.LBB2_7:
0x150: {  	_ =	swait.ge [sflag:s19], $0x4000  }
0x151: {  	[sflag:s19] =	ssyncset.done $0x0  }
0x152: {  	[sflag:s19] =	ssyncadd.s32 $0xFFFFC000  }
.LBB2_8:
0x153: {  	s0 =	simm.s32 $0x0  }
0x154: {  	v29 =	vlaneseq.u32;
	v56 =	vld [tilespmem:$0x1FCD0];
	s22 =	simm.s32 $0x10;
	s8 =	sand.u32 $0xF0, s0;
	s0 =	sand.u32 $0x30, s0  }
0x155: {  	s10 =	simm.s32 $0x4;
	s30 =	sand.u32 $0x30, s22;
	v0 =	vmov s8;
	v1 =	vor.u32 s8, v29;
	s8 =	sshrl.u32 s8, $0x1;
	v3 =	vmov s0  }
0x156: {  	v30 =	vld [tilespmem:$0x1FD10];
	v38 =	vmov s30;
	v0 =	vshll.u32 v0, $0x3;
	v2 =	vmov s8;
	s8 =	sand.u32 $0xF0, s10  }
0x157: {  	v25 =	vld [tilespmem:$0x1FC90];
	v1 =	vand.u32 $0x7F, v1;
	v0 =	vand.u32 $0x400, v0;
	v55 =	vmov s8  }
0x158: {  	v31 =	vld [tilespmem:$0x1FF90];
	v57 =	vor.u32 s8, v29;
	s8 =	sshrl.u32 s8, $0x1;
	v0 =	vor.u32 v0, v1;
	v1 =	vshll.u32 v2, $0x7  }
0x159: {  	v50 =	vld [tilespmem:$0x1FC70];
	v2 =	vshll.u32 v3, $0x8;
	v35 =	vmov s8;
	v3 =	vor.u32 v56, v0  }
0x15a: {  	v4 =	vor.u32 v33, v0;
	v1 =	vor.u32 v45, v1;
	v5 =	vor.u32 v61, v2  }
0x15b: {  	v10 =	vld [tilespmem:$0x1FC50];
	v6 =	vor.u32 v44, v0;
	v9 =	vor.u32 v36, v2;
	v11 =	vor.u32 v30, v0  }
0x15c: {  	v62 =	vld [tilespmem:$0x1FF10];
	v12 =	vor.u32 v37, v2;
	v14 =	vor.u32 v25, v2;
	v15 =	vor.u32 v63, v0  }
0x15d: {  	v23 =	vld [tilespmem:$0x1FC60];
	v16 =	vor.u32 v32, v2;
	v8 =	vor.u32 v8, v2;
	v20 =	vor.u32 v31, v2  }
0x15e: {  	v21 =	vor.u32 v50, v2;
	v12 =	vand.u32 $0x3800, v12;
	[tilespmem:$0x1FB50] =	vst v8;
	v20 =	vand.u32 $0x3800, v20;
	v8 =	vld [tilespmem:$0x1FC40]  }
0x15f: {  	v59 =	vmovc v22;
	v22 =	vor.u32 v22, v2;
	v12 =	vor.u32 v12, v4;
	v4 =	vor.u32 v20, v4;
	v20 =	vld [tilespmem:$0x1FEC0]  }
0x160: {  	v28 =	vor.u32 v10, v2;
	v5 =	vand.u32 $0x3800, v5;
	v21 =	vand.u32 $0x3800, v21  }
0x161: {  	v18 =	vld [tilespmem:$0x1FFD0];
	v33 =	vshll.u32 v55, $0x3;
	v5 =	vor.u32 v5, v3;
	v3 =	vor.u32 v21, v3  }
0x162: {  	v58 =	vshll.u32 v35, $0x7;
	v35 =	vshll.u32 v38, $0x8;
	[tilespmem:$0x1FB90] =	vst v3;
	v3 =	vor.u32 v23, v2  }
0x163: {  	v39 =	vmovc v36;
	v52 =	vld [tilespmem:$0x1FC30];
	v33 =	vand.u32 $0x400, v33;
	v21 =	vor.u32 v62, v0;
	[tilespmem:$0x1FB60] =	vst v3;
	v3 =	vor.u32 v8, v2  }
0x164: {  	v47 =	vmovc v32;
	v26 =	vmovc v34;
	v36 =	vld [tilespmem:$0x1FCB0];
	v32 =	vor.u32 v20, v0;
	v0 =	vor.u32 v34, v0;
	v34 =	vand.u32 $0x7F, v57  }
0x165: {  	v9 =	vand.u32 $0x3800, v9;
	v14 =	vand.u32 $0x3800, v14;
	[tilespmem:$0x1FB70] =	vst v3;
	v3 =	vld [tilespmem:$0x1FCA0];
	v33 =	vor.u32 v33, v34  }
0x166: {  	v16 =	vand.u32 $0x3800, v16;
	v22 =	vand.u32 $0x3800, v22;
	v42 =	vor.u32 v18, v33;
	v18 =	vld [tilespmem:$0x1FF20]  }
0x167: {  	v40 =	vmovc v37;
	v37 =	vld [tilespmem:$0x1FC80];
	v60 =	vor.u32 v61, v35;
	v46 =	vor.u32 v25, v35;
	v9 =	vor.u32 v9, v15  }
0x168: {  	v47 =	vor.u32 v47, v35;
	v1 =	vor.u32 s0, v1;
	v16 =	vor.u32 v16, v6  }
0x169: {  	v25 =	vld [tilespmem:$0x1FF30];
	v22 =	vor.u32 v22, v6;
	v14 =	vor.u32 v14, v21;
	v17 =	vor.u32 v36, v2  }
0x16a: {  	[tilespmem:$0x1FB80] =	vst v4;
	v4 =	vor.u32 v52, v2;
	v17 =	vand.u32 $0x3800, v17;
	v12 =	vld.idx.msk [tilespmem:v12+s16+$0x0], $0xffff;
	v34 =	vand.u32 $0x3800, v60  }
0x16b: {  	v60 =	vand.u32 $0x3800, v47;
	v6 =	vor.u32 v3, v2;
	v47 =	vor.u32 v18, v1;
	v18 =	vld [tilespmem:$0x1FF40]  }
0x16c: {  	v17 =	vor.u32 v17, v11;
	v9 =	vld.idx.msk [tilespmem:v9+s16+$0x0], $0xffff;
	v2 =	vor.u32 v37, v2;
	v6 =	vand.u32 $0x3800, v6  }
0x16d: {  	v5 =	vld.idx.msk [tilespmem:v5+s16+$0x0], $0xffff;
	v2 =	vand.u32 $0x3800, v2;
	v6 =	vor.u32 v6, v32  }
0x16e: {  	v16 =	vld.idx.msk [tilespmem:v16+s16+$0x0], $0xffff;
	v2 =	vor.u32 v2, v0  }
0x16f: {  	v57 =	vor.u32 v25, v1;
	v14 =	vld.idx.msk [tilespmem:v14+s16+$0x0], $0xffff;
	v43 =	vor.u32 v44, v33  }
0x170: {  	v38 =	vor.u32 v30, v33;
	v30 =	vld [tilespmem:$0x1FF50];
	v53 =	vor.u32 v60, v43;
	v60 =	vor.u32 v18, v1  }
0x171: {  	v39 =	vor.u32 v39, v35;
	v17 =	vld.idx.msk [tilespmem:v17+s16+$0x0], $0xffff  }
0x172: {  	v61 =	vand.u32 $0x3800, v39;
	v39 =	vor.u32 v63, v33;
	v63 =	vor.u32 v36, v35;
	v6 =	vld.idx.msk [tilespmem:v6+s16+$0x0], $0xffff  }
0x173: {  	v36 =	vand.u32 $0x3800, v63;
	v2 =	vld.idx.msk [tilespmem:v2+s16+$0x0], $0xffff;
	[tilespmem:v47+s20+$0x0] =	vst.idx.msk $0xffff, v5  }
0x174: {  	v54 =	vor.u32 v45, v58;
	v58 =	vor.u32 v36, v38;
	[tilespmem:v57+s20+$0x0] =	vst.idx.msk $0xffff, v9  }
0x175: {  	v36 =	vor.u32 v30, v1;
	[tilespmem:v60+s20+$0x0] =	vst.idx.msk $0xffff, v12;
	v12 =	vor.u32 v7, v1;
	v7 =	vld [tilespmem:$0x1FBB0];
	_ =	sdelay $0x1  }
0x176: {  	v5 =	vor.u32 v59, v35  }
0x177: {  	v5 =	vand.u32 $0x3800, v5  }
0x178: {  	v47 =	vor.u32 v5, v43;
	v5 =	vld [tilespmem:$0x1FBC0]  }
0x179: {  	[tilespmem:v36+s20+$0x0] =	vst.idx.msk $0xffff, v16;
	v16 =	vor.u32 v7, v1;
	v7 =	vld [tilespmem:$0x1FB50];
	_ =	sdelay $0x1  }
0x17a: {  	v9 =	vor.u32 v19, v1;
	_ =	sdelay $0x1  }
0x17b: {  	v5 =	vor.u32 v5, v1  }
0x17c: {  	v63 =	vor.u32 v50, v35;
	v50 =	vor.u32 v23, v35;
	v23 =	vmovc v19;
	v19 =	vand.u32 $0x3800, v7  }
0x17d: {  	v0 =	vor.u32 v19, v0  }
0x17e: {  	[tilespmem:v9+s20+$0x0] =	vst.idx.msk $0xffff, v17  }
0x17f: {  	[tilespmem:v12+s20+$0x0] =	vst.idx.msk $0xffff, v6  }
0x180: {  	v28 =	vand.u32 $0x3800, v28;
	[tilespmem:v5+s20+$0x0] =	vst.idx.msk $0xffff, v14  }
0x181: {  	v28 =	vor.u32 v28, v11;
	v11 =	vand.u32 $0x3800, v4;
	[tilespmem:v16+s20+$0x0] =	vst.idx.msk $0xffff, v2  }
0x182: {  	v36 =	vor.u32 v11, v21;
	v11 =	vld.idx.msk [tilespmem:v0+s16+$0x0], $0xffff  }
0x183: {  	v0 =	vld [tilespmem:$0x1FBD0];
	_ =	sdelay $0x2  }
0x184: {  	v7 =	vld [tilespmem:$0x1FB60]  }
0x185: {  	v2 =	vld [tilespmem:$0x1FC20]  }
0x186: {  	v17 =	vor.u32 v0, v1;
	v0 =	vld [tilespmem:$0x1FBE0];
	_ =	sdelay $0x2  }
0x187: {  	v6 =	vld [tilespmem:$0x1FB70];
	v9 =	vand.u32 $0x3800, v7  }
0x188: {  	v15 =	vor.u32 v9, v15;
	v9 =	vor.u32 v2, v1;
	v2 =	vld [tilespmem:$0x1FBA0]  }
0x189: {  	v40 =	vor.u32 v40, v35;
	v16 =	vor.u32 v0, v1;
	v0 =	vld [tilespmem:$0x1FC00]  }
0x18a: {  	v40 =	vand.u32 $0x3800, v40  }
0x18b: {  	v48 =	vor.u32 v40, v42  }
0x18c: {  	v40 =	vor.u32 v27, v35;
	v44 =	vand.u32 $0x3800, v63;
	v6 =	vand.u32 $0x3800, v6  }
0x18d: {  	v63 =	vor.u32 v10, v35;
	v10 =	vmovc v27;
	v27 =	vor.u32 v6, v32;
	v6 =	vor.u32 v2, v1;
	v2 =	vld [tilespmem:$0x1FB80]  }
0x18e: {  	v14 =	vor.u32 v0, v1;
	v0 =	vor.u32 v3, v35;
	v3 =	vld [tilespmem:$0x1FB90]  }
0x18f: {  	v4 =	vld [tilespmem:$0x1FC10]  }
0x190: {  	v7 =	vld [tilespmem:$0x1FBF0];
	_ =	sdelay $0x1  }
0x191: {  	v51 =	vor.u32 v61, v39;
	v61 =	vor.u32 v31, v35  }
0x192: {  	v55 =	vand.u32 $0x3800, v46;
	v46 =	vand.u32 $0x3800, v61  }
0x193: {  	s0 =	simm.s32 $0x8;
	v42 =	vor.u32 v46, v42;
	v46 =	vor.u32 v62, v33;
	v62 =	vor.u32 v13, v1;
	v18 =	vld [tilespmem:$0x1FED0]  }
0x194: {  	s10 =	sand.u32 $0xF0, s0;
	v4 =	vor.u32 v4, v1;
	v12 =	vor.u32 v7, v1;
	v19 =	vld.idx.msk [tilespmem:v2+s16+$0x0], $0xffff;
	v1 =	vor.u32 v37, v35  }
0x195: {  	v60 =	vor.u32 v20, v33;
	v2 =	vand.u32 $0x3800, v1;
	v20 =	vld.idx.msk [tilespmem:v3+s16+$0x0], $0xffff;
	v3 =	vmov s10  }
0x196: {  	v22 =	vld.idx.msk [tilespmem:v22+s16+$0x0], $0xffff;
	v1 =	vor.u32 v26, v33;
	v26 =	vor.u32 s10, v29;
	v3 =	vshll.u32 v3, $0x3  }
0x197: {  	s22 =	simm.s32 $0x20;
	v27 =	vld.idx.msk [tilespmem:v27+s16+$0x0], $0xffff;
	v57 =	vand.u32 $0x7F, v26;
	v3 =	vand.u32 $0x400, v3  }
0x198: {  	s31 =	sand.u32 $0x30, s22;
	v41 =	vor.u32 v56, v33;
	v57 =	vor.u32 v3, v57;
	v3 =	vld [tilespmem:$0x1FFD0]  }
0x199: {  	[tilespmem:$0x1FB40] =	vst v13;
	v49 =	vor.u32 v34, v41;
	v61 =	vor.u32 v52, v35;
	v52 =	vmov s31;
	v21 =	vld.idx.msk [tilespmem:v15+s16+$0x0], $0xffff  }
0x19a: {  	s22 =	sshrl.u32 s10, $0x1;
	v41 =	vor.u32 v44, v41;
	v13 =	vmovc v59;
	v55 =	vor.u32 v55, v46;
	v59 =	vor.u32 v8, v35;
	v37 =	vld [tilespmem:$0x1FEE0]  }
0x19b: {  	v0 =	vand.u32 $0x3800, v0;
	v5 =	vor.u32 v2, v1;
	v2 =	vmov s22;
	v26 =	vld.idx.msk [tilespmem:v28+s16+$0x0], $0xffff  }
0x19c: {  	v43 =	vshll.u32 v52, $0x8;
	v15 =	vor.u32 v0, v60;
	v28 =	vld.idx.msk [tilespmem:v36+s16+$0x0], $0xffff;
	v0 =	vshll.u32 v2, $0x7  }
0x19d: {  	v29 =	vmovc v56;
	s22 =	simm.s32 $0x30;
	v36 =	vld [tilespmem:$0x1FEF0];
	v0 =	vor.u32 v45, v0;
	v2 =	vor.u32 v56, v57;
	v3 =	vor.u32 v3, v57  }
.LBB2_9:
0x19e: {  	v7 =	vld [tilespmem:$0x1FF70];
	_ =	sdelay $0x4  }
0x19f: {  	[tilespmem:v17+s20+$0x0] =	vst.idx.msk $0xffff, v20;
	v32 =	vor.u32 v7, v43;
	v7 =	vld [tilespmem:$0x1FFC0]  }
0x1a0: {  	[tilespmem:v16+s20+$0x0] =	vst.idx.msk $0xffff, v21  }
0x1a1: {  	[tilespmem:v12+s20+$0x0] =	vst.idx.msk $0xffff, v19  }
0x1a2: {  	[tilespmem:v14+s20+$0x0] =	vst.idx.msk $0xffff, v22  }
0x1a3: {  	[tilespmem:v4+s20+$0x0] =	vst.idx.msk $0xffff, v26  }
0x1a4: {  	[tilespmem:v62+s20+$0x0] =	vst.idx.msk $0xffff, v27;
	v33 =	vor.u32 v7, v57;
	v7 =	vld [tilespmem:$0x1FFE0]  }
0x1a5: {  	[tilespmem:v9+s20+$0x0] =	vst.idx.msk $0xffff, v28  }
0x1a6: {  	[tilespmem:v6+s20+$0x0] =	vst.idx.msk $0xffff, v11;
	v11 =	vld [tilespmem:$0x1FC70];
	_ =	sdelay $0x1  }
0x1a7: {  	v20 =	vld [tilespmem:$0x1FD10]  }
0x1a8: {  	v12 =	vor.u32 v37, v43;
	v19 =	vor.u32 v7, v57;
	v7 =	vld [tilespmem:$0x1FF10]  }
0x1a9: {  	v8 =	vld [tilespmem:$0x1FC40];
	v12 =	vand.u32 $0x3800, v12  }
0x1aa: {  	v4 =	vor.u32 v12, v3;
	v12 =	vld [tilespmem:$0x1FCB0];
	v11 =	vor.u32 v11, v43  }
0x1ab: {  	v34 =	vor.u32 v13, v43;
	v13 =	vld [tilespmem:$0x1FF40];
	v16 =	vand.u32 $0x3800, v32;
	v11 =	vand.u32 $0x3800, v11  }
0x1ac: {  	v17 =	vor.u32 v36, v43;
	v16 =	vor.u32 v16, v2;
	v2 =	vor.u32 v11, v2;
	v11 =	vld.idx.msk [tilespmem:v49+s16+$0x0], $0xffff  }
0x1ad: {  	v17 =	vand.u32 $0x3800, v17;
	v14 =	vor.u32 v18, v43;
	v49 =	vmovc v16;
	v16 =	vor.u32 v7, v57;
	v7 =	vld [tilespmem:$0x1FF20]  }
0x1ae: {  	v20 =	vor.u32 v20, v57;
	v14 =	vand.u32 $0x3800, v14;
	v28 =	vor.u32 v8, v43;
	v8 =	vld [tilespmem:$0x1FBC0]  }
0x1af: {  	v26 =	vld.idx.msk [tilespmem:v58+s16+$0x0], $0xffff;
	v12 =	vor.u32 v12, v43;
	v9 =	vor.u32 v17, v19;
	v17 =	vor.u32 v31, v43  }
0x1b0: {  	v6 =	vor.u32 v14, v33;
	v15 =	vld.idx.msk [tilespmem:v15+s16+$0x0], $0xffff;
	v12 =	vand.u32 $0x3800, v12;
	v14 =	vand.u32 $0x3800, v17  }
0x1b1: {  	v17 =	vld.idx.msk [tilespmem:v48+s16+$0x0], $0xffff;
	v48 =	vmovc v4;
	v4 =	vor.u32 v12, v20;
	v3 =	vor.u32 v14, v3;
	v14 =	vor.u32 s30, v54  }
0x1b2: {  	v58 =	vmov v4;
	v4 =	vld [tilespmem:$0x1FFF0];
	v27 =	vor.u32 v7, v14  }
0x1b3: {  	v44 =	vld.idx.msk [tilespmem:v53+s16+$0x0], $0xffff  }
0x1b4: {  	v5 =	vld.idx.msk [tilespmem:v5+s16+$0x0], $0xffff  }
0x1b5: {  	v53 =	vmov v6;
	v6 =	vld.idx.msk [tilespmem:v55+s16+$0x0], $0xffff  }
0x1b6: {  	v12 =	vld.idx.msk [tilespmem:v51+s16+$0x0], $0xffff;
	v32 =	vor.u32 v25, v14  }
0x1b7: {  	v45 =	vor.u32 v13, v14;
	[tilespmem:v27+s20+$0x0] =	vst.idx.msk $0xffff, v11;
	v11 =	vor.u32 v4, v14;
	v4 =	vld [tilespmem:$0x1FBB0]  }
0x1b8: {  	v56 =	vmov v31;
	v34 =	vand.u32 $0x3800, v34;
	v31 =	vor.u32 v30, v14  }
0x1b9: {  	v33 =	vor.u32 v34, v33;
	v34 =	vor.u32 v23, v14;
	_ =	sdelay $0x1  }
0x1ba: {  	v54 =	vmov v0;
	v0 =	vor.u32 v8, v14;
	v7 =	vld [tilespmem:$0x1FB40];
	[tilespmem:v32+s20+$0x0] =	vst.idx.msk $0xffff, v12  }
0x1bb: {  	v21 =	vld [tilespmem:$0x1FC90];
	v12 =	vand.u32 $0x3800, v40;
	[tilespmem:v45+s20+$0x0] =	vst.idx.msk $0xffff, v17;
	v17 =	vor.u32 v4, v14  }
0x1bc: {  	v52 =	vmov v10;
	v22 =	vor.u32 v10, v43;
	v10 =	vld [tilespmem:$0x1FC50];
	v1 =	vor.u32 v12, v1;
	[tilespmem:v31+s20+$0x0] =	vst.idx.msk $0xffff, v44  }
0x1bd: {  	v51 =	vmov v9;
	v9 =	vld [tilespmem:$0x1FC60];
	[tilespmem:v34+s20+$0x0] =	vst.idx.msk $0xffff, v26  }
0x1be: {  	v30 =	vld [tilespmem:$0x1FCA0];
	[tilespmem:v11+s20+$0x0] =	vst.idx.msk $0xffff, v15  }
0x1bf: {  	v62 =	vor.u32 v7, v14;
	v7 =	vld [tilespmem:$0x1FC30];
	[tilespmem:v0+s20+$0x0] =	vst.idx.msk $0xffff, v6  }
0x1c0: {  	v44 =	vld [tilespmem:$0x1FBA0];
	[tilespmem:v17+s20+$0x0] =	vst.idx.msk $0xffff, v5  }
0x1c1: {  	v11 =	vld.idx.msk [tilespmem:v1+s16+$0x0], $0xffff  }
0x1c2: {  	v1 =	vld [tilespmem:$0x1FBE0]  }
0x1c3: {  	v31 =	vmov v56;
	v56 =	vld [tilespmem:$0x1FBD0]  }
0x1c4: {  	v35 =	vor.u32 v7, v43;
	v7 =	vld [tilespmem:$0x1FBF0];
	v4 =	vand.u32 $0x3800, v63  }
0x1c5: {  	v21 =	vor.u32 v21, v43;
	v27 =	vor.u32 v4, v38;
	v4 =	vld [tilespmem:$0x1FC10]  }
0x1c6: {  	v21 =	vand.u32 $0x3800, v21;
	v38 =	vmov v20;
	v20 =	vand.u32 $0x3800, v61;
	v5 =	vld [tilespmem:$0x1FC20]  }
0x1c7: {  	v21 =	vor.u32 v21, v16;
	v32 =	vor.u32 v20, v46;
	v46 =	vmovc v16;
	v16 =	vor.u32 v1, v14;
	v1 =	vld [tilespmem:$0x1FC00]  }
0x1c8: {  	v13 =	vor.u32 v10, v43;
	v10 =	vmovc v25;
	v25 =	vld [tilespmem:$0x1FC80];
	v9 =	vor.u32 v9, v43;
	v12 =	vand.u32 $0x3800, v50  }
0x1c9: {  	v50 =	vmovc v9;
	v9 =	vand.u32 $0x3800, v59;
	v15 =	vor.u32 v12, v39;
	v63 =	vmov v13;
	v13 =	vld [tilespmem:$0x1FF00]  }
0x1ca: {  	v39 =	vmov v19;
	v0 =	vor.u32 v9, v60;
	v6 =	vor.u32 v44, v14;
	v19 =	vld.idx.msk [tilespmem:v42+s16+$0x0], $0xffff  }
0x1cb: {  	v12 =	vor.u32 v7, v14;
	v17 =	vor.u32 v56, v14;
	v9 =	vor.u32 v5, v14;
	v5 =	vld [tilespmem:$0x1FEC0]  }
0x1cc: {  	s0 =	sadd.s32 $0x4, s0;
	v4 =	vor.u32 v4, v14;
	v20 =	vld.idx.msk [tilespmem:v41+s16+$0x0], $0xffff;
	v14 =	vor.u32 v1, v14;
	v1 =	vor.u32 v30, v43  }
0x1cd: {  	s10 =	sand.u32 $0xF0, s0;
	v45 =	vlaneseq.u32;
	v26 =	vand.u32 $0x3800, v1;
	v1 =	vld [tilespmem:$0x1FFB0]  }
0x1ce: {  	v40 =	vmovc v22;
	v42 =	vmovc v3;
	v41 =	vmov v2;
	v2 =	vmov s10;
	v3 =	vor.u32 s10, v45;
	s10 =	sshrl.u32 s10, $0x1;
	v22 =	vld.idx.msk [tilespmem:v47+s16+$0x0], $0xffff  }
0x1cf: {  	p2 =	sne.s32 s22, $0x3F0;
	v59 =	vmovc v28;
	v47 =	vmov v33;
	v33 =	vld [tilespmem:$0x1FFD0];
	v28 =	vmov s10;
	v2 =	vshll.u32 v2, $0x3  }
.Ltmp6:
0x1d0: {  	s8 =	smov.u32 s22;
	v55 =	vmovc v21;
	v21 =	vld.idx.msk [tilespmem:v15+s16+$0x0], $0xffff;
	v3 =	vand.u32 $0x7F, v3;
	v60 =	vor.u32 v5, v57;
	v5 =	vor.u32 v25, v43;
	(pc) =	sbr.rel @p2 .LBB2_9-.Ltmp6, $4  }
0x1d1: {  	s30 =	smov.u32 s31;
	s31 =	sand.u32 $0x30, s8;
	v2 =	vand.u32 $0x400, v2;
	v28 =	vshll.u32 v28, $0x7;
	v30 =	vld [tilespmem:$0x1FF50];
	v5 =	vand.u32 $0x3800, v5  }
0x1d2: {  	v61 =	vmovc v35;
	v25 =	vmovc v10;
	v15 =	vor.u32 v26, v60;
	v26 =	vld.idx.msk [tilespmem:v27+s16+$0x0], $0xffff;
	v1 =	vor.u32 v1, v57;
	v57 =	vmov s31  }
0x1d3: {  	v10 =	vmovc v52;
	v27 =	vld.idx.msk [tilespmem:v0+s16+$0x0], $0xffff;
	v0 =	vor.u32 v24, v28;
	v43 =	vshll.u32 v57, $0x8;
	v57 =	vor.u32 v2, v3  }
0x1d4: {  	s22 =	sadd.s32 $0x10, s22;
	v28 =	vld.idx.msk [tilespmem:v32+s16+$0x0], $0xffff;
	v5 =	vor.u32 v5, v1;
	v2 =	vor.u32 v29, v57;
	v3 =	vor.u32 v33, v57  }
0x1d5: {  	_ =	sdelay $0x3  }
0x1d6: {  	[tilespmem:v17+s20+$0x0] =	vst.idx.msk $0xffff, v20  }
0x1d7: {  	[tilespmem:v16+s20+$0x0] =	vst.idx.msk $0xffff, v21  }
0x1d8: {  	[tilespmem:v12+s20+$0x0] =	vst.idx.msk $0xffff, v19  }
0x1d9: {  	[tilespmem:v14+s20+$0x0] =	vst.idx.msk $0xffff, v22  }
0x1da: {  	[tilespmem:v4+s20+$0x0] =	vst.idx.msk $0xffff, v26  }
0x1db: {  	[tilespmem:v62+s20+$0x0] =	vst.idx.msk $0xffff, v27  }
0x1dc: {  	v32 =	vld [tilespmem:$0x1FF20];
	[tilespmem:v9+s20+$0x0] =	vst.idx.msk $0xffff, v28  }
0x1dd: {  	v35 =	vld [tilespmem:$0x1FF40];
	[tilespmem:v6+s20+$0x0] =	vst.idx.msk $0xffff, v11  }
0x1de: {  	v4 =	vld.idx.msk [tilespmem:v48+s16+$0x0], $0xffff  }
0x1df: {  	v6 =	vld.idx.msk [tilespmem:v51+s16+$0x0], $0xffff  }
0x1e0: {  	v9 =	vld.idx.msk [tilespmem:v49+s16+$0x0], $0xffff  }
0x1e1: {  	v11 =	vor.u32 s30, v54;
	v12 =	vld.idx.msk [tilespmem:v58+s16+$0x0], $0xffff  }
0x1e2: {  	v14 =	vor.u32 v32, v11;
	v48 =	vld [tilespmem:$0x1FFF0]  }
0x1e3: {  	v15 =	vld.idx.msk [tilespmem:v15+s16+$0x0], $0xffff;
	v34 =	vor.u32 v25, v11  }
0x1e4: {  	v17 =	vld.idx.msk [tilespmem:v53+s16+$0x0], $0xffff;
	v19 =	vor.u32 v35, v11  }
0x1e5: {  	v20 =	vor.u32 v30, v11;
	v51 =	vld [tilespmem:$0x1FBB0]  }
0x1e6: {  	v5 =	vld.idx.msk [tilespmem:v5+s16+$0x0], $0xffff;
	v22 =	vor.u32 v23, v11  }
0x1e7: {  	v21 =	vld.idx.msk [tilespmem:v55+s16+$0x0], $0xffff;
	[tilespmem:v14+s20+$0x0] =	vst.idx.msk $0xffff, v9;
	v9 =	vor.u32 v48, v11  }
0x1e8: {  	[tilespmem:v34+s20+$0x0] =	vst.idx.msk $0xffff, v6  }
0x1e9: {  	v29 =	vld [tilespmem:$0x1FC10];
	v6 =	vor.u32 v8, v11;
	[tilespmem:v19+s20+$0x0] =	vst.idx.msk $0xffff, v4  }
0x1ea: {  	v26 =	vor.u32 v36, v43;
	v36 =	vld [tilespmem:$0x1FC20];
	v4 =	vor.u32 v51, v11;
	[tilespmem:v20+s20+$0x0] =	vst.idx.msk $0xffff, v17  }
0x1eb: {  	v49 =	vmov v23;
	v23 =	vld [tilespmem:$0x1FD10];
	[tilespmem:v22+s20+$0x0] =	vst.idx.msk $0xffff, v12  }
0x1ec: {  	v14 =	vand.u32 $0x3800, v40;
	v40 =	vld [tilespmem:$0x1FBE0];
	[tilespmem:v9+s20+$0x0] =	vst.idx.msk $0xffff, v15;
	v9 =	vand.u32 $0x3800, v50  }
0x1ed: {  	v1 =	vor.u32 v14, v1;
	v9 =	vor.u32 v9, v39;
	v39 =	vld [tilespmem:$0x1FC00]  }
0x1ee: {  	[tilespmem:v6+s20+$0x0] =	vst.idx.msk $0xffff, v21;
	v6 =	vand.u32 $0x3800, v63;
	v63 =	vld [tilespmem:$0x1FFE0]  }
0x1ef: {  	[tilespmem:v4+s20+$0x0] =	vst.idx.msk $0xffff, v5;
	v4 =	vor.u32 v6, v38;
	v6 =	vand.u32 $0x3800, v61;
	v61 =	vld [tilespmem:$0x1FF70]  }
0x1f0: {  	v38 =	vld [tilespmem:$0x1FFC0]  }
0x1f1: {  	v5 =	vand.u32 $0x3800, v59;
	v59 =	vld [tilespmem:$0x1FB40]  }
0x1f2: {  	v1 =	vld.idx.msk [tilespmem:v1+s16+$0x0], $0xffff  }
0x1f3: {  	v12 =	vld.idx.msk [tilespmem:v42+s16+$0x0], $0xffff  }
0x1f4: {  	v5 =	vor.u32 v5, v60;
	v14 =	vld.idx.msk [tilespmem:v41+s16+$0x0], $0xffff  }
0x1f5: {  	v15 =	vor.u32 v56, v11;
	v6 =	vor.u32 v6, v46;
	v17 =	vld.idx.msk [tilespmem:v47+s16+$0x0], $0xffff  }
0x1f6: {  	v46 =	vor.u32 v40, v11;
	v9 =	vld.idx.msk [tilespmem:v9+s16+$0x0], $0xffff  }
0x1f7: {  	v50 =	vor.u32 v7, v11;
	v4 =	vld.idx.msk [tilespmem:v4+s16+$0x0], $0xffff;
	v20 =	vor.u32 v61, v43  }
0x1f8: {  	v35 =	vand.u32 $0x3800, v20;
	v20 =	vld [tilespmem:$0x1FCB0]  }
0x1f9: {  	v22 =	vor.u32 v39, v11;
	v5 =	vld.idx.msk [tilespmem:v5+s16+$0x0], $0xffff  }
0x1fa: {  	v28 =	vor.u32 v29, v11;
	v6 =	vld.idx.msk [tilespmem:v6+s16+$0x0], $0xffff;
	[tilespmem:v15+s20+$0x0] =	vst.idx.msk $0xffff, v14  }
0x1fb: {  	v58 =	vor.u32 v36, v11;
	v42 =	vld [tilespmem:$0x1FC80];
	[tilespmem:v46+s20+$0x0] =	vst.idx.msk $0xffff, v9  }
0x1fc: {  	v34 =	vand.u32 $0x3800, v26;
	v14 =	vld [tilespmem:$0x1FC90];
	v15 =	vor.u32 v59, v11;
	[tilespmem:v50+s20+$0x0] =	vst.idx.msk $0xffff, v12;
	v12 =	vor.u32 v63, v57  }
0x1fd: {  	v9 =	vor.u32 v37, v43;
	v20 =	vor.u32 v20, v43;
	v19 =	vor.u32 v34, v12;
	v34 =	vld [tilespmem:$0x1FF10]  }
0x1fe: {  	v11 =	vor.u32 v44, v11;
	v9 =	vand.u32 $0x3800, v9;
	[tilespmem:v22+s20+$0x0] =	vst.idx.msk $0xffff, v17;
	v37 =	vand.u32 $0x3800, v20;
	v20 =	vld [tilespmem:$0x1FCA0]  }
0x1ff: {  	v9 =	vor.u32 v9, v3;
	[tilespmem:v28+s20+$0x0] =	vst.idx.msk $0xffff, v4;
	v4 =	vor.u32 v35, v2;
	v35 =	vld [tilespmem:$0x1FFB0]  }
0x200: {  	v27 =	vor.u32 v23, v57;
	v23 =	vld [tilespmem:$0x1FEC0];
	v26 =	vor.u32 v18, v43;
	v21 =	vor.u32 v38, v57  }
0x201: {  	v0 =	vor.u32 s31, v0;
	v16 =	vor.u32 v42, v43;
	v14 =	vor.u32 v14, v43;
	[tilespmem:v15+s20+$0x0] =	vst.idx.msk $0xffff, v5  }
0x202: {  	v14 =	vand.u32 $0x3800, v14;
	v5 =	vor.u32 v37, v27;
	[tilespmem:v58+s20+$0x0] =	vst.idx.msk $0xffff, v6;
	v6 =	vand.u32 $0x3800, v26  }
0x203: {  	v52 =	vld [tilespmem:$0x1FF40];
	[tilespmem:v11+s20+$0x0] =	vst.idx.msk $0xffff, v1;
	v46 =	vor.u32 v6, v21;
	v6 =	vand.u32 $0x3800, v16;
	v47 =	vor.u32 v34, v57  }
0x204: {  	v9 =	vld.idx.msk [tilespmem:v9+s16+$0x0], $0xffff;
	v20 =	vor.u32 v20, v43;
	v11 =	vor.u32 v35, v57;
	v14 =	vor.u32 v14, v47  }
0x205: {  	v15 =	vor.u32 v23, v57;
	v19 =	vld.idx.msk [tilespmem:v19+s16+$0x0], $0xffff;
	v41 =	vand.u32 $0x3800, v20;
	v6 =	vor.u32 v6, v11  }
0x206: {  	v4 =	vld.idx.msk [tilespmem:v4+s16+$0x0], $0xffff;
	v20 =	vor.u32 v32, v0;
	v17 =	vor.u32 v41, v15  }
0x207: {  	v22 =	vor.u32 v25, v0;
	v5 =	vld.idx.msk [tilespmem:v5+s16+$0x0], $0xffff  }
0x208: {  	v26 =	vor.u32 v52, v0;
	v1 =	vld.idx.msk [tilespmem:v46+s16+$0x0], $0xffff  }
0x209: {  	v14 =	vld.idx.msk [tilespmem:v14+s16+$0x0], $0xffff  }
0x20a: {  	v6 =	vld.idx.msk [tilespmem:v6+s16+$0x0], $0xffff  }
0x20b: {  	v17 =	vld.idx.msk [tilespmem:v17+s16+$0x0], $0xffff;
	[tilespmem:v20+s20+$0x0] =	vst.idx.msk $0xffff, v4  }
0x20c: {  	v53 =	vor.u32 v10, v43;
	[tilespmem:v22+s20+$0x0] =	vst.idx.msk $0xffff, v19  }
0x20d: {  	v28 =	vor.u32 v30, v0;
	v19 =	vand.u32 $0x3800, v53;
	[tilespmem:v26+s20+$0x0] =	vst.idx.msk $0xffff, v9;
	v9 =	vor.u32 v31, v43  }
0x20e: {  	v50 =	vor.u32 v49, v0;
	v54 =	vor.u32 v19, v11;
	v11 =	vld [tilespmem:$0x1FC70];
	v9 =	vand.u32 $0x3800, v9  }
0x20f: {  	v4 =	vor.u32 v48, v0;
	v55 =	vor.u32 v9, v3;
	v9 =	vld [tilespmem:$0x1FC60]  }
0x210: {  	v20 =	vor.u32 v8, v0  }
0x211: {  	v22 =	vor.u32 v51, v0  }
0x212: {  	[tilespmem:v28+s20+$0x0] =	vst.idx.msk $0xffff, v1  }
0x213: {  	[tilespmem:v50+s20+$0x0] =	vst.idx.msk $0xffff, v5;
	v11 =	vor.u32 v11, v43  }
0x214: {  	v8 =	vld [tilespmem:$0x1FC40];
	[tilespmem:v4+s20+$0x0] =	vst.idx.msk $0xffff, v17;
	v5 =	vand.u32 $0x3800, v11;
	v9 =	vor.u32 v9, v43  }
0x215: {  	[tilespmem:v20+s20+$0x0] =	vst.idx.msk $0xffff, v14;
	v57 =	vor.u32 v5, v2;
	v5 =	vand.u32 $0x3800, v9;
	v9 =	vld [tilespmem:$0x1FC50]  }
0x216: {  	[tilespmem:v22+s20+$0x0] =	vst.idx.msk $0xffff, v6;
	v6 =	vld [tilespmem:$0x1FC30];
	_ =	sdelay $0x1  }
0x217: {  	v4 =	vor.u32 v13, v43  }
0x218: {  	v4 =	vand.u32 $0x3800, v4;
	v11 =	vor.u32 v8, v43;
	v5 =	vor.u32 v5, v12  }
0x219: {  	v4 =	vor.u32 v4, v21;
	v11 =	vand.u32 $0x3800, v11;
	v9 =	vor.u32 v9, v43  }
0x21a: {  	v1 =	vld.idx.msk [tilespmem:v54+s16+$0x0], $0xffff;
	v11 =	vor.u32 v11, v15;
	v6 =	vor.u32 v6, v43;
	v9 =	vand.u32 $0x3800, v9  }
0x21b: {  	v3 =	vld.idx.msk [tilespmem:v55+s16+$0x0], $0xffff;
	v6 =	vand.u32 $0x3800, v6;
	v9 =	vor.u32 v9, v27  }
0x21c: {  	v12 =	vor.u32 v56, v0;
	v6 =	vor.u32 v6, v47;
	v2 =	vld.idx.msk [tilespmem:v57+s16+$0x0], $0xffff  }
0x21d: {  	v14 =	vor.u32 v40, v0;
	v5 =	vld.idx.msk [tilespmem:v5+s16+$0x0], $0xffff  }
0x21e: {  	v15 =	vor.u32 v7, v0;
	v4 =	vld.idx.msk [tilespmem:v4+s16+$0x0], $0xffff  }
0x21f: {  	v58 =	vor.u32 v39, v0;
	v11 =	vld.idx.msk [tilespmem:v11+s16+$0x0], $0xffff  }
0x220: {  	v60 =	vor.u32 v29, v0;
	v9 =	vld.idx.msk [tilespmem:v9+s16+$0x0], $0xffff  }
0x221: {  	v62 =	vor.u32 v59, v0;
	v6 =	vld.idx.msk [tilespmem:v6+s16+$0x0], $0xffff;
	[tilespmem:v12+s20+$0x0] =	vst.idx.msk $0xffff, v2  }
0x222: {  	[tilespmem:v14+s20+$0x0] =	vst.idx.msk $0xffff, v5;
	v5 =	vor.u32 v36, v0  }
0x223: {  	v0 =	vor.u32 v44, v0;
	[tilespmem:v15+s20+$0x0] =	vst.idx.msk $0xffff, v3  }
0x224: {  	p2 =	seq.s32 s26, $0x3C;
	[tilespmem:v58+s20+$0x0] =	vst.idx.msk $0xffff, v4  }
.Ltmp7:
0x225: {  	[tilespmem:v60+s20+$0x0] =	vst.idx.msk $0xffff, v9;
	(pc) =	sbr.rel @p2 .LBB2_12-.Ltmp7, $4  }
0x226: {  	[tilespmem:v62+s20+$0x0] =	vst.idx.msk $0xffff, v11  }
0x227: {  	s0 =	sor.u32 s12, s29;
	[tilespmem:v5+s20+$0x0] =	vst.idx.msk $0xffff, v6  }
0x228: {  	s0 =	sadd.s32 s2, s0;
	[tilespmem:v0+s20+$0x0] =	vst.idx.msk $0xffff, v1  }
0x229: {  	v45 =	vmovc v24;
	v26 =	vmovc v34;
	v34 =	vmov v35;
	v35 =	vmov v48;
	v44 =	vmov v38;
	[hbm4b:s0+s1] =	stream.linear.scatter [tilespmem:s20], [sflag:$0x2], $0x4000, $0x38;
	[tilespmem:$0x13000] =	vst v63  }
.Ltmp8:
0x22a: {  	v32 =	vld [tilespmem:$0x1FED0];
	(pc) =	sbr.rel .LBB2_2-.Ltmp8, $4  }
0x22b: {  	v15 =	vld [tilespmem:$0x1FEE0]  }
0x22c: {  	v36 =	vld [tilespmem:$0x1FEF0]  }
0x22d: {  	s0 =	sadd.s32 s28, s7;
	s26 =	sadd.s32 $0x1, s26;
	v24 =	vld [tilespmem:$0x1FF20]  }
0x22e: {  	v8 =	vld [tilespmem:$0x1FF80];
	[tilespmem:s16], [sflag:$0x1] =	stream.strided.gather [hbm4b:s0+s14], $0x4000, s15, s14, $0x38  }
.LBB2_12:
0x22f: {  	_ =	swait.ge [sflag:s19], $0x4000  }
.Ltmp9:
0x230: {  	[sflag:s19] =	ssyncset.done $0x0;
	(pc) =	sbr.rel @p0 .LBB2_16-.Ltmp9, $4  }
0x231: {  	[sflag:s19] =	ssyncadd.s32 $0xFFFFC000  }
0x232: {  	_ =	swait.ge [sflag:s19], $0x4000  }
0x233: {  	[sflag:s19] =	ssyncset.done $0x0  }
0x234: {  	v27 =	vmov v51;
	[sflag:s19] =	ssyncadd.s32 $0xFFFFC000  }
0x235: {  	s8 =	simm.s32 $0x0  }
0x236: {  	s10 =	sand.u32 $0xF0, s8  }
0x237: {  	v23 =	vlaneseq.u32;
	v0 =	vmov s10  }
0x238: {  	v1 =	vor.u32 s10, v23;
	s10 =	sshrl.u32 s10, $0x1;
	v0 =	vshll.u32 v0, $0x3  }
0x239: {  	v18 =	vld [tilespmem:$0x1FCD0];
	v1 =	vand.u32 $0x7F, v1;
	v2 =	vmov s10;
	v0 =	vand.u32 $0x400, v0  }
0x23a: {  	v50 =	vld [tilespmem:$0x1FC70];
	v1 =	vor.u32 v0, v1;
	v0 =	vshll.u32 v2, $0x7  }
0x23b: {  	v5 =	vor.u32 v45, v0;
	v45 =	vld [tilespmem:$0x1FCB0]  }
0x23c: {  	v36 =	vmov v31;
	v31 =	vmov v10;
	v10 =	vld [tilespmem:$0x1FD10];
	s0 =	sand.u32 $0x30, s8  }
0x23d: {  	v3 =	vmov s0  }
0x23e: {  	v29 =	vld [tilespmem:$0x1FEF0];
	v3 =	vshll.u32 v3, $0x8  }
0x23f: {  	v40 =	vld [tilespmem:$0x1FEE0];
	v21 =	vor.u32 v50, v3;
	v0 =	vor.u32 v61, v3  }
0x240: {  	v8 =	vld [tilespmem:$0x1FC40];
	v2 =	vor.u32 v18, v1;
	v0 =	vand.u32 $0x3800, v0;
	v17 =	vor.u32 v45, v3  }
0x241: {  	s22 =	simm.s32 $0x10;
	v11 =	vor.u32 v10, v1;
	v19 =	vor.u32 v0, v2;
	v0 =	vand.u32 $0x3800, v17  }
0x242: {  	s31 =	simm.s32 $0x4;
	v32 =	vld [tilespmem:$0x1FEC0];
	s26 =	sand.u32 $0x30, s22;
	v22 =	vor.u32 v0, v11;
	v0 =	vand.u32 $0x3800, v21  }
0x243: {  	v25 =	vld [tilespmem:$0x1FC90];
	v38 =	vmov s26;
	s10 =	sand.u32 $0xF0, s31;
	v20 =	vor.u32 v36, v3;
	v0 =	vor.u32 v0, v2  }
0x244: {  	v62 =	vmovc v30;
	v30 =	vmovc v52;
	v51 =	vmov s10;
	v52 =	vor.u32 s10, v23;
	v9 =	vor.u32 v29, v3;
	[tilespmem:$0x1FB20] =	vst v0;
	v0 =	vld [tilespmem:$0x1FF10]  }
0x245: {  	v46 =	vld [tilespmem:$0x1FED0];
	v12 =	vor.u32 v40, v3;
	v20 =	vand.u32 $0x3800, v20;
	v7 =	vor.u32 v8, v3  }
0x246: {  	v60 =	vld [tilespmem:$0x1FC50];
	v4 =	vor.u32 v33, v1;
	v6 =	vor.u32 v44, v1;
	v15 =	vor.u32 v63, v1  }
0x247: {  	v12 =	vand.u32 $0x3800, v12;
	v32 =	vor.u32 v32, v1;
	v33 =	vshll.u32 v51, $0x3  }
0x248: {  	v57 =	vld [tilespmem:$0x1FC80];
	v12 =	vor.u32 v12, v4;
	v4 =	vor.u32 v20, v4;
	v33 =	vand.u32 $0x400, v33  }
0x249: {  	[tilespmem:$0x1FB00] =	vst v7;
	v7 =	vld [tilespmem:$0x1FC30];
	v20 =	vmovc v34;
	v26 =	vor.u32 v0, v1;
	v1 =	vor.u32 v34, v1;
	v34 =	vand.u32 $0x7F, v52  }
0x24a: {  	v14 =	vor.u32 v25, v3;
	v16 =	vor.u32 v46, v3;
	v2 =	vld [tilespmem:$0x1FC60];
	v33 =	vor.u32 v33, v34  }
0x24b: {  	s22 =	rddreg [dreg:$0x3];
	s10 =	sshrl.u32 s10, $0x1;
	v28 =	vor.u32 v60, v3;
	v0 =	vor.u32 v13, v3;
	v41 =	vor.u32 v18, v33;
	v18 =	vld [tilespmem:$0x1FFD0]  }
0x24c: {  	[tilespmem:s8], [sflag:$0x3] =	stream.strided.gather [hbm4b:s22+s14], $0x4000, s15, s14, $0x38;
	v53 =	vmov s10;
	v9 =	vand.u32 $0x3800, v9;
	v21 =	vld [tilespmem:$0x1FCA0];
	v0 =	vand.u32 $0x3800, v0  }
0x24d: {  	v14 =	vand.u32 $0x3800, v14;
	v16 =	vand.u32 $0x3800, v16;
	[tilespmem:$0x1FB10] =	vst v4;
	v0 =	vor.u32 v0, v6  }
0x24e: {  	v9 =	vor.u32 v9, v15;
	v16 =	vor.u32 v16, v6;
	v5 =	vor.u32 s0, v5;
	[tilespmem:$0x1FB30] =	vst v0  }
0x24f: {  	v37 =	vmovc v27;
	v27 =	vor.u32 v7, v3;
	v17 =	vor.u32 v31, v3;
	v4 =	vor.u32 v2, v3;
	_ =	swait.ge [sflag:s21], $0x4000  }
0x250: {  	v14 =	vor.u32 v14, v26;
	v0 =	vmovc v35;
	v35 =	vshll.u32 v38, $0x8;
	[sflag:s21] =	ssyncset.done $0x0;
	v42 =	vor.u32 v18, v33;
	v18 =	vld [tilespmem:$0x1FF20]  }
0x251: {  	v6 =	vor.u32 v21, v3;
	v3 =	vor.u32 v57, v3;
	[sflag:s21] =	ssyncadd.s32 $0xFFFFC000;
	v23 =	vor.u32 v25, v35;
	v25 =	vld [tilespmem:$0x1FF30]  }
0x252: {  	v43 =	vor.u32 v44, v33;
	v6 =	vand.u32 $0x3800, v6;
	v3 =	vand.u32 $0x3800, v3;
	v12 =	vld.idx.msk [tilespmem:v12+s1+$0x0], $0xffff  }
0x253: {  	v3 =	vor.u32 v3, v1;
	v6 =	vor.u32 v6, v32;
	v39 =	vor.u32 v29, v35;
	v9 =	vld.idx.msk [tilespmem:v9+s1+$0x0], $0xffff  }
0x254: {  	v38 =	vor.u32 v10, v33;
	v40 =	vor.u32 v40, v35;
	v56 =	vand.u32 $0x3800, v39;
	v19 =	vld.idx.msk [tilespmem:v19+s1+$0x0], $0xffff  }
0x255: {  	v39 =	vor.u32 v63, v33;
	v40 =	vand.u32 $0x3800, v40;
	v22 =	vld.idx.msk [tilespmem:v22+s1+$0x0], $0xffff;
	v63 =	vor.u32 v18, v5  }
0x256: {  	v55 =	vor.u32 v61, v35;
	v16 =	vld.idx.msk [tilespmem:v16+s1+$0x0], $0xffff;
	v48 =	vor.u32 v40, v42;
	v52 =	vor.u32 v25, v5  }
0x257: {  	v40 =	vor.u32 v31, v35;
	v51 =	vor.u32 v56, v39;
	v56 =	vor.u32 v30, v5;
	v31 =	vld [tilespmem:$0x1FF80]  }
0x258: {  	v46 =	vor.u32 v46, v35;
	v47 =	vor.u32 v45, v35;
	v34 =	vand.u32 $0x3800, v55;
	v14 =	vld.idx.msk [tilespmem:v14+s1+$0x0], $0xffff  }
0x259: {  	v61 =	vor.u32 v36, v35;
	v58 =	vand.u32 $0x3800, v46;
	v49 =	vor.u32 v34, v41;
	v6 =	vld.idx.msk [tilespmem:v6+s1+$0x0], $0xffff  }
0x25a: {  	v54 =	vshll.u32 v53, $0x7;
	v34 =	vand.u32 $0x3800, v47;
	v53 =	vor.u32 v58, v43;
	v3 =	vld.idx.msk [tilespmem:v3+s1+$0x0], $0xffff;
	[tilespmem:v63+s18+$0x0] =	vst.idx.msk $0xffff, v19  }
0x25b: {  	v58 =	vor.u32 v34, v38;
	v34 =	vor.u32 v62, v5;
	[tilespmem:v52+s18+$0x0] =	vst.idx.msk $0xffff, v9  }
0x25c: {  	v36 =	vmov v0;
	v9 =	vor.u32 v31, v5;
	[tilespmem:v56+s18+$0x0] =	vst.idx.msk $0xffff, v12;
	v12 =	vor.u32 v0, v5;
	v0 =	vld [tilespmem:$0x1FC10];
	_ =	sdelay $0x3  }
0x25d: {  	[tilespmem:v34+s18+$0x0] =	vst.idx.msk $0xffff, v16  }
0x25e: {  	[tilespmem:v9+s18+$0x0] =	vst.idx.msk $0xffff, v22;
	v9 =	vand.u32 $0x3800, v4;
	v4 =	vor.u32 v0, v5;
	v0 =	vld [tilespmem:$0x1FB00];
	_ =	sdelay $0x4  }
0x25f: {  	[tilespmem:v12+s18+$0x0] =	vst.idx.msk $0xffff, v6;
	v6 =	vand.u32 $0x3800, v0;
	v0 =	vld [tilespmem:$0x1FC20];
	_ =	sdelay $0x3  }
0x260: {  	v46 =	vand.u32 $0x3800, v61;
	v61 =	vor.u32 v7, v35;
	v7 =	vld [tilespmem:$0x1FBC0]  }
0x261: {  	v15 =	vor.u32 v9, v15;
	v9 =	vor.u32 v0, v5;
	v0 =	vld [tilespmem:$0x1FBA0];
	_ =	sdelay $0x1  }
0x262: {  	v28 =	vand.u32 $0x3800, v28;
	v19 =	vor.u32 v13, v35  }
0x263: {  	v28 =	vor.u32 v28, v11;
	v19 =	vand.u32 $0x3800, v19  }
0x264: {  	v11 =	vand.u32 $0x3800, v27;
	v18 =	vmovc v37;
	v47 =	vor.u32 v19, v43;
	v19 =	vor.u32 v7, v5  }
0x265: {  	v16 =	vor.u32 v18, v5;
	v27 =	vor.u32 v6, v32;
	v6 =	vor.u32 v0, v5;
	v0 =	vld [tilespmem:$0x1FBE0];
	_ =	sdelay $0x3  }
0x266: {  	[tilespmem:v19+s18+$0x0] =	vst.idx.msk $0xffff, v14  }
0x267: {  	[tilespmem:v16+s18+$0x0] =	vst.idx.msk $0xffff, v3;
	v29 =	vmov v0;
	v16 =	vor.u32 v0, v5;
	v0 =	vld [tilespmem:$0x1FC00];
	_ =	sdelay $0x4  }
0x268: {  	v25 =	vmov v0;
	v14 =	vor.u32 v0, v5;
	v0 =	vld [tilespmem:$0x1FB10];
	_ =	sdelay $0x3  }
0x269: {  	v17 =	vand.u32 $0x3800, v17  }
0x26a: {  	v1 =	vor.u32 v17, v1;
	_ =	sdelay $0x2  }
0x26b: {  	v19 =	vld.idx.msk [tilespmem:v0+s1+$0x0], $0xffff  }
0x26c: {  	v0 =	vld [tilespmem:$0x1FB20]  }
0x26d: {  	v52 =	vor.u32 v11, v26;
	v11 =	vld.idx.msk [tilespmem:v1+s1+$0x0], $0xffff  }
0x26e: {  	v1 =	vld [tilespmem:$0x1FBD0];
	_ =	sdelay $0x4  }
0x26f: {  	v17 =	vor.u32 v1, v5;
	v1 =	vor.u32 v21, v35  }
0x270: {  	v26 =	vand.u32 $0x3800, v1;
	v1 =	vor.u32 v20, v33;
	v20 =	vld.idx.msk [tilespmem:v0+s1+$0x0], $0xffff  }
0x271: {  	v0 =	vld [tilespmem:$0x1FB30];
	_ =	sdelay $0x1  }
0x272: {  	s0 =	simm.s32 $0x8;
	v3 =	vld [tilespmem:$0x1FEC0]  }
0x273: {  	s30 =	sand.u32 $0xF0, s0;
	v50 =	vor.u32 v50, v35  }
0x274: {  	v44 =	vand.u32 $0x3800, v50;
	v50 =	vor.u32 v2, v35;
	v2 =	vmov s30  }
0x275: {  	v2 =	vshll.u32 v2, $0x3  }
0x276: {  	s29 =	simm.s32 $0x20;
	v41 =	vor.u32 v44, v41;
	v44 =	vlaneseq.u32;
	v2 =	vand.u32 $0x400, v2  }
0x277: {  	s28 =	sand.u32 $0x30, s29;
	v63 =	vor.u32 v60, v35;
	v56 =	vor.u32 s30, v44;
	v60 =	vor.u32 v3, v33  }
0x278: {  	v3 =	vor.u32 v57, v35;
	v57 =	vmov s28;
	v22 =	vld.idx.msk [tilespmem:v0+s1+$0x0], $0xffff;
	v0 =	vand.u32 $0x7F, v56  }
0x279: {  	v43 =	vshll.u32 v57, $0x8;
	v57 =	vor.u32 v2, v0;
	v0 =	vld [tilespmem:$0x1FCD0]  }
0x27a: {  	v10 =	vld [tilespmem:$0x1FF10]  }
0x27b: {  	v7 =	vld [tilespmem:$0x1FBF0];
	_ =	sdelay $0x2  }
0x27c: {  	v54 =	vor.u32 v24, v54;
	v45 =	vmov v24;
	v2 =	vor.u32 v0, v57;
	v0 =	vld [tilespmem:$0x1FFD0]  }
0x27d: {  	v23 =	vand.u32 $0x3800, v23;
	v42 =	vor.u32 v46, v42;
	v46 =	vor.u32 v10, v33;
	v37 =	vmovc v30;
	v24 =	vmovc v18;
	v18 =	vld [tilespmem:$0x1FF30]  }
0x27e: {  	s31 =	sshrl.u32 s30, $0x1;
	v30 =	vmovc v62;
	v62 =	vor.u32 v59, v5;
	v12 =	vor.u32 v7, v5;
	v3 =	vand.u32 $0x3800, v3;
	v21 =	vld.idx.msk [tilespmem:v15+s1+$0x0], $0xffff  }
0x27f: {  	v15 =	vor.u32 v26, v60;
	v26 =	vld.idx.msk [tilespmem:v28+s1+$0x0], $0xffff;
	v5 =	vor.u32 v3, v1;
	v3 =	vmov s31  }
0x280: {  	v55 =	vor.u32 v23, v46;
	v27 =	vld.idx.msk [tilespmem:v27+s1+$0x0], $0xffff;
	v28 =	vshll.u32 v3, $0x7  }
0x281: {  	s22 =	simm.s32 $0x30;
	v59 =	vor.u32 v8, v35;
	v3 =	vor.u32 v0, v57;
	v0 =	vor.u32 v45, v28;
	v28 =	vld.idx.msk [tilespmem:v52+s1+$0x0], $0xffff  }
.LBB2_14:
0x282: {  	v7 =	vld [tilespmem:$0x1FF70];
	_ =	sdelay $0x4  }
0x283: {  	v32 =	vor.u32 v7, v43;
	v7 =	vld [tilespmem:$0x1FFC0];
	_ =	sdelay $0x4  }
0x284: {  	v33 =	vor.u32 v7, v57;
	v7 =	vld [tilespmem:$0x1FEF0];
	_ =	sdelay $0x4  }
0x285: {  	[tilespmem:v17+s18+$0x0] =	vst.idx.msk $0xffff, v20;
	v17 =	vor.u32 v7, v43;
	v7 =	vld [tilespmem:$0x1FFE0];
	_ =	sdelay $0x3  }
0x286: {  	[tilespmem:v16+s18+$0x0] =	vst.idx.msk $0xffff, v21  }
0x287: {  	[tilespmem:v12+s18+$0x0] =	vst.idx.msk $0xffff, v19;
	v19 =	vor.u32 v7, v57;
	v7 =	vld [tilespmem:$0x1FEE0];
	_ =	sdelay $0x4  }
0x288: {  	v12 =	vor.u32 v7, v43;
	v7 =	vld [tilespmem:$0x1FED0];
	_ =	sdelay $0x4  }
0x289: {  	[tilespmem:v14+s18+$0x0] =	vst.idx.msk $0xffff, v22;
	v14 =	vor.u32 v7, v43;
	v7 =	vld [tilespmem:$0x1FFA0];
	_ =	sdelay $0x3  }
0x28a: {  	[tilespmem:v4+s18+$0x0] =	vst.idx.msk $0xffff, v26  }
0x28b: {  	[tilespmem:v62+s18+$0x0] =	vst.idx.msk $0xffff, v27;
	v22 =	vor.u32 v7, v43;
	v7 =	vld [tilespmem:$0x1FF90]  }
0x28c: {  	[tilespmem:v9+s18+$0x0] =	vst.idx.msk $0xffff, v28  }
0x28d: {  	[tilespmem:v6+s18+$0x0] =	vst.idx.msk $0xffff, v11;
	v11 =	vld [tilespmem:$0x1FC70];
	_ =	sdelay $0x1  }
0x28e: {  	v20 =	vld [tilespmem:$0x1FD10];
	v17 =	vand.u32 $0x3800, v17  }
0x28f: {  	v9 =	vor.u32 v17, v19;
	v17 =	vor.u32 v7, v43;
	v7 =	vld [tilespmem:$0x1FF10]  }
0x290: {  	v8 =	vld [tilespmem:$0x1FC40]  }
0x291: {  	v10 =	vld [tilespmem:$0x1FC50];
	v11 =	vor.u32 v11, v43;
	v12 =	vand.u32 $0x3800, v12  }
0x292: {  	v16 =	vand.u32 $0x3800, v32;
	v11 =	vand.u32 $0x3800, v11;
	v4 =	vor.u32 v12, v3;
	v12 =	vld [tilespmem:$0x1FCB0]  }
0x293: {  	v16 =	vor.u32 v16, v2;
	v2 =	vor.u32 v11, v2;
	v11 =	vld.idx.msk [tilespmem:v49+s1+$0x0], $0xffff  }
0x294: {  	v49 =	vmov v16;
	v16 =	vor.u32 v7, v57;
	v7 =	vld [tilespmem:$0x1FF20]  }
0x295: {  	v21 =	vld [tilespmem:$0x1FC90]  }
0x296: {  	v20 =	vor.u32 v20, v57;
	v28 =	vor.u32 v8, v43;
	v8 =	vld [tilespmem:$0x1FBC0];
	v14 =	vand.u32 $0x3800, v14  }
0x297: {  	v26 =	vld.idx.msk [tilespmem:v58+s1+$0x0], $0xffff;
	v12 =	vor.u32 v12, v43;
	v6 =	vor.u32 v14, v33;
	v14 =	vand.u32 $0x3800, v17  }
0x298: {  	v12 =	vand.u32 $0x3800, v12;
	v17 =	vld.idx.msk [tilespmem:v48+s1+$0x0], $0xffff;
	v3 =	vor.u32 v14, v3;
	v14 =	vor.u32 s26, v54  }
0x299: {  	v48 =	vmov v4;
	v4 =	vor.u32 v12, v20;
	v12 =	vld.idx.msk [tilespmem:v51+s1+$0x0], $0xffff;
	v27 =	vor.u32 v7, v14  }
0x29a: {  	v32 =	vor.u32 v18, v14;
	v7 =	vld [tilespmem:$0x1FB40]  }
0x29b: {  	v34 =	vor.u32 v13, v43;
	v15 =	vld.idx.msk [tilespmem:v15+s1+$0x0], $0xffff;
	v23 =	vor.u32 v37, v14  }
0x29c: {  	v34 =	vand.u32 $0x3800, v34;
	v44 =	vld.idx.msk [tilespmem:v53+s1+$0x0], $0xffff;
	v56 =	vor.u32 v30, v14  }
0x29d: {  	v5 =	vld.idx.msk [tilespmem:v5+s1+$0x0], $0xffff;
	v33 =	vor.u32 v34, v33;
	v34 =	vor.u32 v31, v14  }
0x29e: {  	v53 =	vmov v6;
	v6 =	vld.idx.msk [tilespmem:v55+s1+$0x0], $0xffff;
	v51 =	vmov v9;
	[tilespmem:v27+s18+$0x0] =	vst.idx.msk $0xffff, v11;
	v11 =	vor.u32 v36, v14  }
0x29f: {  	v54 =	vmov v0;
	v0 =	vor.u32 v8, v14;
	v62 =	vor.u32 v7, v14;
	v7 =	vld [tilespmem:$0x1FC30];
	[tilespmem:v32+s18+$0x0] =	vst.idx.msk $0xffff, v12  }
0x2a0: {  	v9 =	vld [tilespmem:$0x1FC60];
	v58 =	vmovc v4;
	v4 =	vand.u32 $0x3800, v63;
	v12 =	vand.u32 $0x3800, v40;
	[tilespmem:v23+s18+$0x0] =	vst.idx.msk $0xffff, v17;
	v17 =	vor.u32 v24, v14  }
0x2a1: {  	v27 =	vor.u32 v4, v38;
	v4 =	vld [tilespmem:$0x1FC10];
	v1 =	vor.u32 v12, v1;
	[tilespmem:v56+s18+$0x0] =	vst.idx.msk $0xffff, v44  }
0x2a2: {  	v23 =	vld [tilespmem:$0x1FEC0];
	[tilespmem:v34+s18+$0x0] =	vst.idx.msk $0xffff, v26  }
0x2a3: {  	v56 =	vld [tilespmem:$0x1FBD0];
	[tilespmem:v11+s18+$0x0] =	vst.idx.msk $0xffff, v15  }
0x2a4: {  	v35 =	vor.u32 v7, v43;
	v7 =	vld [tilespmem:$0x1FBF0];
	[tilespmem:v0+s18+$0x0] =	vst.idx.msk $0xffff, v6  }
0x2a5: {  	[tilespmem:v17+s18+$0x0] =	vst.idx.msk $0xffff, v5;
	v5 =	vld [tilespmem:$0x1FC20]  }
0x2a6: {  	v12 =	vand.u32 $0x3800, v50;
	v11 =	vld.idx.msk [tilespmem:v1+s1+$0x0], $0xffff  }
0x2a7: {  	v21 =	vor.u32 v21, v43;
	v15 =	vor.u32 v12, v39;
	v1 =	vld [tilespmem:$0x1FCA0]  }
0x2a8: {  	v9 =	vor.u32 v9, v43;
	v38 =	vmovc v20;
	v20 =	vand.u32 $0x3800, v61;
	v39 =	vmov v19;
	v19 =	vld.idx.msk [tilespmem:v42+s1+$0x0], $0xffff  }
0x2a9: {  	v21 =	vand.u32 $0x3800, v21;
	v32 =	vor.u32 v20, v46;
	v50 =	vmovc v9;
	v9 =	vand.u32 $0x3800, v59;
	v20 =	vld.idx.msk [tilespmem:v41+s1+$0x0], $0xffff  }
0x2aa: {  	s0 =	sadd.s32 $0x4, s0;
	v21 =	vor.u32 v21, v16;
	v40 =	vmov v22;
	v0 =	vor.u32 v9, v60;
	v22 =	vld.idx.msk [tilespmem:v47+s1+$0x0], $0xffff  }
0x2ab: {  	s10 =	sand.u32 $0xF0, s0;
	v55 =	vmov v21;
	v21 =	vlaneseq.u32;
	v9 =	vor.u32 v5, v14;
	v5 =	vld [tilespmem:$0x1FBA0]  }
0x2ac: {  	v42 =	vmov v3;
	v3 =	vor.u32 s10, v21;
	v21 =	vld.idx.msk [tilespmem:v15+s1+$0x0], $0xffff;
	v1 =	vor.u32 v1, v43  }
0x2ad: {  	v60 =	vor.u32 v23, v57;
	v26 =	vand.u32 $0x3800, v1;
	v1 =	vld [tilespmem:$0x1FFB0]  }
0x2ae: {  	v15 =	vor.u32 v26, v60;
	v26 =	vld.idx.msk [tilespmem:v27+s1+$0x0], $0xffff  }
0x2af: {  	s31 =	sshrl.u32 s10, $0x1;
	v27 =	vld.idx.msk [tilespmem:v0+s1+$0x0], $0xffff  }
0x2b0: {  	v59 =	vmov v28;
	v28 =	vmov s31;
	v6 =	vor.u32 v5, v14;
	v5 =	vld [tilespmem:$0x1FC80]  }
0x2b1: {  	v52 =	vor.u32 v10, v43;
	v46 =	vmovc v16;
	v16 =	vor.u32 v29, v14;
	v28 =	vshll.u32 v28, $0x7;
	v0 =	vld [tilespmem:$0x1FCD0]  }
0x2b2: {  	p2 =	sne.s32 s22, $0x3F0;
	s8 =	smov.u32 s22;
	v4 =	vor.u32 v4, v14;
	v17 =	vor.u32 v56, v14;
	v41 =	vmovc v2;
	v2 =	vmov s10;
	v47 =	vmovc v33;
	v33 =	vld [tilespmem:$0x1FFD0]  }
.Ltmp10:
0x2b3: {  	s26 =	smov.u32 s28;
	s28 =	sand.u32 $0x30, s8;
	v2 =	vshll.u32 v2, $0x3;
	v3 =	vand.u32 $0x7F, v3;
	v12 =	vor.u32 v7, v14;
	(pc) =	sbr.rel @p2 .LBB2_14-.Ltmp10, $4  }
0x2b4: {  	v2 =	vand.u32 $0x400, v2;
	v1 =	vor.u32 v1, v57;
	v57 =	vmov s28  }
0x2b5: {  	v5 =	vor.u32 v5, v43;
	v43 =	vshll.u32 v57, $0x8;
	v57 =	vor.u32 v2, v3  }
0x2b6: {  	v63 =	vmovc v52;
	v61 =	vmovc v35;
	v14 =	vor.u32 v25, v14;
	v5 =	vand.u32 $0x3800, v5;
	v2 =	vor.u32 v0, v57  }
0x2b7: {  	s22 =	sadd.s32 $0x10, s22;
	v3 =	vor.u32 v33, v57;
	v0 =	vor.u32 v45, v28;
	v28 =	vld.idx.msk [tilespmem:v32+s1+$0x0], $0xffff;
	v5 =	vor.u32 v5, v1  }
0x2b8: {  	_ =	sdelay $0x3  }
0x2b9: {  	[tilespmem:v17+s18+$0x0] =	vst.idx.msk $0xffff, v20  }
0x2ba: {  	[tilespmem:v16+s18+$0x0] =	vst.idx.msk $0xffff, v21  }
0x2bb: {  	v10 =	vld [tilespmem:$0x1FEF0];
	[tilespmem:v12+s18+$0x0] =	vst.idx.msk $0xffff, v19  }
0x2bc: {  	[tilespmem:v14+s18+$0x0] =	vst.idx.msk $0xffff, v22  }
0x2bd: {  	[tilespmem:v4+s18+$0x0] =	vst.idx.msk $0xffff, v26  }
0x2be: {  	v32 =	vld [tilespmem:$0x1FF20];
	[tilespmem:v62+s18+$0x0] =	vst.idx.msk $0xffff, v27  }
0x2bf: {  	[tilespmem:v9+s18+$0x0] =	vst.idx.msk $0xffff, v28  }
0x2c0: {  	v26 =	vor.u32 v10, v43;
	v10 =	vld [tilespmem:$0x1FED0];
	[tilespmem:v6+s18+$0x0] =	vst.idx.msk $0xffff, v11  }
0x2c1: {  	v4 =	vld.idx.msk [tilespmem:v48+s1+$0x0], $0xffff  }
0x2c2: {  	v11 =	vor.u32 s26, v54;
	v6 =	vld.idx.msk [tilespmem:v51+s1+$0x0], $0xffff  }
0x2c3: {  	v9 =	vld.idx.msk [tilespmem:v49+s1+$0x0], $0xffff;
	v14 =	vor.u32 v32, v11  }
0x2c4: {  	v12 =	vld.idx.msk [tilespmem:v58+s1+$0x0], $0xffff;
	v62 =	vor.u32 v18, v11  }
0x2c5: {  	v15 =	vld.idx.msk [tilespmem:v15+s1+$0x0], $0xffff;
	v44 =	vor.u32 v37, v11  }
0x2c6: {  	v17 =	vld.idx.msk [tilespmem:v53+s1+$0x0], $0xffff;
	v20 =	vor.u32 v30, v11  }
0x2c7: {  	v5 =	vld.idx.msk [tilespmem:v5+s1+$0x0], $0xffff;
	v22 =	vor.u32 v31, v11  }
0x2c8: {  	v21 =	vld.idx.msk [tilespmem:v55+s1+$0x0], $0xffff;
	[tilespmem:v14+s18+$0x0] =	vst.idx.msk $0xffff, v9;
	v9 =	vor.u32 v36, v11  }
0x2c9: {  	v54 =	vld [tilespmem:$0x1FD10];
	[tilespmem:v62+s18+$0x0] =	vst.idx.msk $0xffff, v6;
	v6 =	vor.u32 v8, v11  }
0x2ca: {  	v49 =	vmov v31;
	v31 =	vld [tilespmem:$0x1FC10];
	[tilespmem:v44+s18+$0x0] =	vst.idx.msk $0xffff, v4;
	v4 =	vor.u32 v24, v11  }
0x2cb: {  	v35 =	vmov v30;
	v30 =	vld [tilespmem:$0x1FC20];
	[tilespmem:v20+s18+$0x0] =	vst.idx.msk $0xffff, v17  }
0x2cc: {  	v14 =	vand.u32 $0x3800, v40;
	v62 =	vld [tilespmem:$0x1FCB0];
	[tilespmem:v22+s18+$0x0] =	vst.idx.msk $0xffff, v12  }
0x2cd: {  	v1 =	vor.u32 v14, v1;
	v44 =	vld [tilespmem:$0x1FFC0];
	[tilespmem:v9+s18+$0x0] =	vst.idx.msk $0xffff, v15  }
0x2ce: {  	[tilespmem:v6+s18+$0x0] =	vst.idx.msk $0xffff, v21;
	v6 =	vand.u32 $0x3800, v63;
	v63 =	vld [tilespmem:$0x1FFE0]  }
0x2cf: {  	[tilespmem:v4+s18+$0x0] =	vst.idx.msk $0xffff, v5;
	v4 =	vor.u32 v6, v38;
	v6 =	vand.u32 $0x3800, v61;
	v61 =	vld [tilespmem:$0x1FF70]  }
0x2d0: {  	v9 =	vand.u32 $0x3800, v50;
	v5 =	vand.u32 $0x3800, v59;
	v59 =	vld [tilespmem:$0x1FB40]  }
0x2d1: {  	v51 =	vor.u32 v29, v11;
	v9 =	vor.u32 v9, v39;
	v38 =	vmov v29;
	v29 =	vld [tilespmem:$0x1FBA0]  }
0x2d2: {  	v1 =	vld.idx.msk [tilespmem:v1+s1+$0x0], $0xffff  }
0x2d3: {  	v5 =	vor.u32 v5, v60;
	v12 =	vld.idx.msk [tilespmem:v42+s1+$0x0], $0xffff  }
0x2d4: {  	v6 =	vor.u32 v6, v46;
	v14 =	vld.idx.msk [tilespmem:v41+s1+$0x0], $0xffff  }
0x2d5: {  	v15 =	vor.u32 v56, v11;
	v17 =	vld.idx.msk [tilespmem:v47+s1+$0x0], $0xffff  }
0x2d6: {  	v9 =	vld.idx.msk [tilespmem:v9+s1+$0x0], $0xffff  }
0x2d7: {  	v4 =	vld.idx.msk [tilespmem:v4+s1+$0x0], $0xffff  }
0x2d8: {  	v53 =	vor.u32 v7, v11;
	v5 =	vld.idx.msk [tilespmem:v5+s1+$0x0], $0xffff  }
0x2d9: {  	v22 =	vor.u32 v25, v11;
	v6 =	vld.idx.msk [tilespmem:v6+s1+$0x0], $0xffff  }
0x2da: {  	v58 =	vand.u32 $0x3800, v26;
	v28 =	vor.u32 v31, v11;
	[tilespmem:v15+s18+$0x0] =	vst.idx.msk $0xffff, v14;
	v14 =	vld [tilespmem:$0x1FC90]  }
0x2db: {  	v26 =	vor.u32 v10, v43;
	v27 =	vor.u32 v54, v57;
	v47 =	vld [tilespmem:$0x1FF10];
	v15 =	vor.u32 v59, v11  }
0x2dc: {  	v55 =	vor.u32 v30, v11;
	v21 =	vor.u32 v44, v57;
	[tilespmem:v51+s18+$0x0] =	vst.idx.msk $0xffff, v9;
	v9 =	vld [tilespmem:$0x1FEE0]  }
0x2dd: {  	v52 =	vmov v37;
	v40 =	vld [tilespmem:$0x1FCA0];
	v20 =	vor.u32 v61, v43;
	v11 =	vor.u32 v29, v11;
	[tilespmem:v53+s18+$0x0] =	vst.idx.msk $0xffff, v12  }
0x2de: {  	v60 =	vand.u32 $0x3800, v20;
	v20 =	vor.u32 v62, v43;
	v12 =	vor.u32 v63, v57;
	[tilespmem:v22+s18+$0x0] =	vst.idx.msk $0xffff, v17  }
0x2df: {  	v42 =	vld [tilespmem:$0x1FC80];
	v34 =	vand.u32 $0x3800, v20;
	v14 =	vor.u32 v14, v43;
	v19 =	vor.u32 v58, v12;
	[tilespmem:v28+s18+$0x0] =	vst.idx.msk $0xffff, v4  }
0x2e0: {  	v0 =	vor.u32 s28, v0;
	v4 =	vor.u32 v60, v2;
	[tilespmem:v15+s18+$0x0] =	vst.idx.msk $0xffff, v5;
	v5 =	vor.u32 v34, v27;
	v34 =	vld [tilespmem:$0x1FFB0]  }
0x2e1: {  	v37 =	vmovc v36;
	v36 =	vmovc v24;
	v50 =	vor.u32 v47, v57;
	v14 =	vand.u32 $0x3800, v14;
	v9 =	vor.u32 v9, v43  }
0x2e2: {  	v10 =	vld [tilespmem:$0x1FFA0];
	v20 =	vor.u32 v40, v43;
	v14 =	vor.u32 v14, v50;
	[tilespmem:v55+s18+$0x0] =	vst.idx.msk $0xffff, v6;
	v9 =	vand.u32 $0x3800, v9  }
0x2e3: {  	v24 =	vld [tilespmem:$0x1FF90];
	v41 =	vand.u32 $0x3800, v20;
	v15 =	vor.u32 v23, v57;
	[tilespmem:v11+s18+$0x0] =	vst.idx.msk $0xffff, v1;
	v9 =	vor.u32 v9, v3  }
0x2e4: {  	v16 =	vor.u32 v42, v43;
	v6 =	vand.u32 $0x3800, v26;
	v17 =	vor.u32 v41, v15;
	v19 =	vld.idx.msk [tilespmem:v19+s1+$0x0], $0xffff  }
0x2e5: {  	v46 =	vor.u32 v6, v21;
	v6 =	vand.u32 $0x3800, v16;
	v4 =	vld.idx.msk [tilespmem:v4+s1+$0x0], $0xffff;
	v11 =	vor.u32 v34, v57  }
0x2e6: {  	v48 =	vmov v18;
	v20 =	vor.u32 v32, v0;
	v5 =	vld.idx.msk [tilespmem:v5+s1+$0x0], $0xffff;
	v6 =	vor.u32 v6, v11  }
0x2e7: {  	v22 =	vor.u32 v48, v0;
	v14 =	vld.idx.msk [tilespmem:v14+s1+$0x0], $0xffff  }
0x2e8: {  	v26 =	vor.u32 v52, v0;
	v9 =	vld.idx.msk [tilespmem:v9+s1+$0x0], $0xffff  }
0x2e9: {  	v17 =	vld.idx.msk [tilespmem:v17+s1+$0x0], $0xffff  }
0x2ea: {  	v1 =	vld.idx.msk [tilespmem:v46+s1+$0x0], $0xffff  }
0x2eb: {  	v6 =	vld.idx.msk [tilespmem:v6+s1+$0x0], $0xffff;
	[tilespmem:v20+s18+$0x0] =	vst.idx.msk $0xffff, v4  }
0x2ec: {  	v53 =	vor.u32 v10, v43;
	[tilespmem:v22+s18+$0x0] =	vst.idx.msk $0xffff, v19  }
0x2ed: {  	v28 =	vor.u32 v35, v0;
	v19 =	vand.u32 $0x3800, v53;
	[tilespmem:v26+s18+$0x0] =	vst.idx.msk $0xffff, v9;
	v9 =	vor.u32 v24, v43  }
0x2ee: {  	v51 =	vor.u32 v49, v0;
	v54 =	vor.u32 v19, v11;
	v11 =	vld [tilespmem:$0x1FC70];
	v9 =	vand.u32 $0x3800, v9  }
0x2ef: {  	v4 =	vor.u32 v37, v0;
	v55 =	vor.u32 v9, v3;
	v9 =	vld [tilespmem:$0x1FC60]  }
0x2f0: {  	v20 =	vor.u32 v8, v0  }
0x2f1: {  	v22 =	vor.u32 v36, v0  }
0x2f2: {  	[tilespmem:v28+s18+$0x0] =	vst.idx.msk $0xffff, v1  }
0x2f3: {  	[tilespmem:v51+s18+$0x0] =	vst.idx.msk $0xffff, v5;
	v11 =	vor.u32 v11, v43  }
0x2f4: {  	v8 =	vld [tilespmem:$0x1FC40];
	[tilespmem:v4+s18+$0x0] =	vst.idx.msk $0xffff, v17;
	v5 =	vand.u32 $0x3800, v11;
	v9 =	vor.u32 v9, v43  }
0x2f5: {  	[tilespmem:v20+s18+$0x0] =	vst.idx.msk $0xffff, v14;
	v57 =	vor.u32 v5, v2;
	v5 =	vand.u32 $0x3800, v9;
	v9 =	vld [tilespmem:$0x1FC50]  }
0x2f6: {  	[tilespmem:v22+s18+$0x0] =	vst.idx.msk $0xffff, v6;
	v6 =	vld [tilespmem:$0x1FC30];
	_ =	sdelay $0x1  }
0x2f7: {  	v4 =	vor.u32 v13, v43  }
0x2f8: {  	v4 =	vand.u32 $0x3800, v4;
	v11 =	vor.u32 v8, v43;
	v5 =	vor.u32 v5, v12  }
0x2f9: {  	v4 =	vor.u32 v4, v21;
	v11 =	vand.u32 $0x3800, v11;
	v9 =	vor.u32 v9, v43  }
0x2fa: {  	v1 =	vld.idx.msk [tilespmem:v54+s1+$0x0], $0xffff;
	v11 =	vor.u32 v11, v15;
	v6 =	vor.u32 v6, v43;
	v9 =	vand.u32 $0x3800, v9  }
0x2fb: {  	v3 =	vld.idx.msk [tilespmem:v55+s1+$0x0], $0xffff;
	v6 =	vand.u32 $0x3800, v6;
	v9 =	vor.u32 v9, v27  }
0x2fc: {  	v12 =	vor.u32 v56, v0;
	v6 =	vor.u32 v6, v50;
	v2 =	vld.idx.msk [tilespmem:v57+s1+$0x0], $0xffff  }
0x2fd: {  	v14 =	vor.u32 v38, v0;
	v5 =	vld.idx.msk [tilespmem:v5+s1+$0x0], $0xffff  }
0x2fe: {  	v15 =	vor.u32 v7, v0;
	v4 =	vld.idx.msk [tilespmem:v4+s1+$0x0], $0xffff  }
0x2ff: {  	v58 =	vor.u32 v25, v0;
	v11 =	vld.idx.msk [tilespmem:v11+s1+$0x0], $0xffff  }
0x300: {  	v60 =	vor.u32 v31, v0;
	v9 =	vld.idx.msk [tilespmem:v9+s1+$0x0], $0xffff  }
0x301: {  	v62 =	vor.u32 v59, v0;
	v6 =	vld.idx.msk [tilespmem:v6+s1+$0x0], $0xffff;
	[tilespmem:v12+s18+$0x0] =	vst.idx.msk $0xffff, v2  }
0x302: {  	[tilespmem:v14+s18+$0x0] =	vst.idx.msk $0xffff, v5;
	v5 =	vor.u32 v30, v0  }
0x303: {  	v0 =	vor.u32 v29, v0;
	[tilespmem:v15+s18+$0x0] =	vst.idx.msk $0xffff, v3  }
0x304: {  	[tilespmem:v58+s18+$0x0] =	vst.idx.msk $0xffff, v4  }
0x305: {  	[tilespmem:v60+s18+$0x0] =	vst.idx.msk $0xffff, v9  }
0x306: {  	[tilespmem:v62+s18+$0x0] =	vst.idx.msk $0xffff, v11  }
0x307: {  	[tilespmem:v5+s18+$0x0] =	vst.idx.msk $0xffff, v6  }
0x308: {  	s0 =	rddreg [dreg:$0x4];
	[tilespmem:v0+s18+$0x0] =	vst.idx.msk $0xffff, v1  }
0x309: {  	[hbm4b:s0+s1] =	stream.linear.scatter [tilespmem:s18], [sflag:$0x3], $0x4000, $0x38;
	[tilespmem:$0x13000] =	vst v63  }
0x30a: {  	_ =	swait.ge [sflag:s21], $0x4000  }
0x30b: {  	v39 =	vmov v25;
	[sflag:s21] =	ssyncset.done $0x0  }
0x30c: {  	v25 =	vmovc v48;
	v26 =	vmovc v47;
	v27 =	vmov v36;
	v30 =	vmov v35;
	v35 =	vmov v37;
	[sflag:s21] =	ssyncadd.s32 $0xFFFFC000  }
.LBB2_16:
.Ltmp11:
0x30d: {  	(pc) =	sbr.rel @p1 .LBB2_20-.Ltmp11, $4  }
0x30e: {  	_ = 	snop  }
0x30f: {  	v24 =	vld [tilespmem:$0x1FF20]  }
0x310: {  	v40 =	vld [tilespmem:$0x1FF60]  }
0x311: {  	v8 =	vld [tilespmem:$0x1FF80]  }
0x312: {  	v0 =	vimm.s32 $0x700;
	v1 =	vimm.s32 $0x600;
	v2 =	vimm.s32 $0x500  }
0x313: {  	s26 =	simm.s32 $0x0;
	v4 =	vld [tilespmem:$0x1FD00];
	v5 =	vlaneseq.u32;
	v0 =	vsel vm0, $0x780, v0;
	v1 =	vsel vm0, $0x680, v1  }
0x314: {  	v6 =	vld [tilespmem:$0x1FD20];
	s0 =	sand.u32 $0x30, s26;
	v2 =	vsel vm0, $0x580, v2;
	v13 =	vmul.u32 $0x80, v5;
	v0 =	vsel vm1, $0x0, v0  }
0x315: {  	v11 =	vld [tilespmem:$0x1FCE0];
	v1 =	vsel vm1, $0x700, v1;
	v3 =	vmov s0;
	v2 =	vsel vm1, $0x600, v2  }
0x316: {  	v12 =	vld [tilespmem:$0x1FD40];
	v41 =	vor.u32 s0, v5;
	s8 =	sshrl.u32 s0, $0x1;
	v0 =	vsel vm2, $0x80, v0;
	v1 =	vsel vm2, $0x780, v1  }
0x317: {  	v2 =	vsel vm2, $0x680, v2;
	v42 =	vshll.u32 v3, $0x7;
	v9 =	vmov s8  }
0x318: {  	v0 =	vsel vm3, $0x100, v0;
	v1 =	vsel vm3, $0x0, v1;
	v2 =	vsel vm3, $0x700, v2  }
0x319: {  	v14 =	vor.u32 v13, v42;
	v21 =	vor.u32 v40, v42;
	v0 =	vsel vm4, $0x180, v0  }
0x31a: {  	v5 =	vld [tilespmem:$0x1FCF0];
	v1 =	vsel vm4, $0x80, v1;
	v2 =	vsel vm4, $0x780, v2;
	v4 =	vsel vm6, $0x400, v4  }
0x31b: {  	v6 =	vsel vm1, $0x400, v6;
	v11 =	vsel vm5, $0x400, v11;
	v12 =	vsel vm2, $0x400, v12  }
0x31c: {  	v19 =	vor.u32 v41, v14;
	v0 =	vsel vm5, $0x200, v0;
	v1 =	vsel vm5, $0x100, v1  }
0x31d: {  	v3 =	vld [tilespmem:$0x1FD30];
	v2 =	vsel vm5, $0x0, v2;
	v6 =	vsel vm2, $0x480, v6;
	v12 =	vsel vm3, $0x480, v12  }
0x31e: {  	v4 =	vsel vm7, $0x480, v4;
	v11 =	vsel vm6, $0x480, v11;
	v0 =	vsel vm6, $0x280, v0  }
0x31f: {  	v1 =	vsel vm6, $0x180, v1;
	v2 =	vsel vm6, $0x80, v2;
	v5 =	vsel vm4, $0x400, v5  }
0x320: {  	v6 =	vsel vm3, $0x500, v6;
	v12 =	vsel vm4, $0x500, v12;
	v4 =	vsel vm8, $0x500, v4  }
0x321: {  	v11 =	vsel vm7, $0x500, v11;
	v0 =	vsel vm7, $0x300, v0;
	v1 =	vsel vm7, $0x200, v1  }
0x322: {  	v2 =	vsel vm7, $0x100, v2;
	v3 =	vsel vm3, $0x400, v3;
	v6 =	vsel vm4, $0x580, v6  }
0x323: {  	v12 =	vsel vm5, $0x580, v12;
	v5 =	vsel vm5, $0x480, v5;
	v4 =	vsel vm9, $0x580, v4  }
0x324: {  	v11 =	vsel vm8, $0x580, v11;
	v0 =	vsel vm8, $0x380, v0;
	v1 =	vsel vm8, $0x280, v1  }
0x325: {  	v2 =	vsel vm8, $0x180, v2;
	v6 =	vsel vm5, $0x600, v6;
	v12 =	vsel vm6, $0x600, v12  }
0x326: {  	v3 =	vsel vm4, $0x480, v3;
	v4 =	vsel vm10, $0x600, v4;
	v5 =	vsel vm6, $0x500, v5  }
0x327: {  	v11 =	vsel vm9, $0x600, v11;
	v0 =	vsel vm9, $0x400, v0;
	v1 =	vsel vm9, $0x300, v1  }
0x328: {  	v2 =	vsel vm9, $0x200, v2;
	v6 =	vsel vm6, $0x680, v6;
	v12 =	vsel vm7, $0x680, v12  }
0x329: {  	v3 =	vsel vm5, $0x500, v3;
	v4 =	vsel vm11, $0x680, v4;
	v5 =	vsel vm7, $0x580, v5  }
0x32a: {  	v0 =	vsel vm10, $0x480, v0;
	v1 =	vsel vm10, $0x380, v1;
	v2 =	vsel vm10, $0x280, v2  }
0x32b: {  	v6 =	vsel vm7, $0x700, v6;
	v12 =	vsel vm8, $0x700, v12;
	v3 =	vsel vm6, $0x580, v3  }
0x32c: {  	v4 =	vsel vm12, $0x700, v4;
	v5 =	vsel vm8, $0x600, v5;
	v0 =	vsel vm11, $0x500, v0  }
0x32d: {  	v1 =	vsel vm11, $0x400, v1;
	v6 =	vsel vm8, $0x780, v6;
	v12 =	vsel vm9, $0x780, v12  }
0x32e: {  	v4 =	vsel vm13, $0x780, v4;
	v3 =	vsel vm7, $0x600, v3;
	v5 =	vsel vm9, $0x680, v5  }
0x32f: {  	v0 =	vsel vm12, $0x580, v0;
	v1 =	vsel vm12, $0x480, v1;
	v6 =	vsel vm9, $0x0, v6  }
0x330: {  	v12 =	vsel vm10, $0x0, v12;
	v3 =	vsel vm8, $0x680, v3;
	v5 =	vsel vm10, $0x700, v5  }
0x331: {  	v47 =	vsel vm14, $0x0, v4;
	v0 =	vsel vm13, $0x600, v0;
	v1 =	vsel vm13, $0x500, v1  }
0x332: {  	v6 =	vsel vm10, $0x80, v6;
	v12 =	vsel vm11, $0x80, v12;
	v3 =	vsel vm9, $0x700, v3  }
0x333: {  	v5 =	vsel vm11, $0x780, v5;
	v18 =	vsel vm14, $0x580, v1;
	v10 =	vsel vm14, $0x680, v0;
	v1 =	vld [tilespmem:$0x1FCC0]  }
0x334: {  	v0 =	vsel vm11, $0x300, v2;
	v2 =	vimm.s32 $0x400;
	v6 =	vsel vm11, $0x100, v6  }
0x335: {  	v12 =	vsel vm12, $0x100, v12;
	v3 =	vsel vm10, $0x780, v3;
	v5 =	vsel vm12, $0x0, v5  }
0x336: {  	v2 =	vsel vm0, $0x480, v2;
	v0 =	vsel vm12, $0x380, v0;
	v6 =	vsel vm12, $0x180, v6  }
0x337: {  	v12 =	vsel vm13, $0x180, v12;
	v2 =	vsel vm1, $0x500, v2;
	v6 =	vsel vm13, $0x200, v6  }
0x338: {  	[tilespmem:$0x1FAD0] =	vst v13;
	v13 =	vsel vm14, $0x280, v6;
	v6 =	vsel vm14, $0x200, v12;
	v1 =	vsel vm7, $0x400, v1  }
0x339: {  	v2 =	vsel vm2, $0x580, v2;
	[tilespmem:$0x1FAE0] =	vst v6;
	v6 =	vor.u32 v6, v42;
	v1 =	vsel vm8, $0x480, v1  }
0x33a: {  	v14 =	vor.u32 v41, v6;
	v6 =	vsel vm10, $0x680, v11;
	v1 =	vsel vm9, $0x500, v1  }
0x33b: {  	s31 =	simm.s32 $0x400;
	v12 =	vor.u32 v13, v42;
	v6 =	vsel vm11, $0x700, v6;
	v1 =	vsel vm10, $0x580, v1  }
0x33c: {  	[tilespmem:s23], [sflag:$0x3] =	stream.strided.gather [hbm4b:s9+s31], $0x2000, s15, s31, $0x38;
	v2 =	vsel vm3, $0x600, v2;
	v4 =	vsel vm12, $0x780, v6;
	v1 =	vsel vm11, $0x600, v1;
	[tilespmem:$0x13000] =	vst v63  }
0x33d: {  	[tilespmem:$0x1FAF0] =	vst v13;
	v12 =	vor.u32 v41, v12;
	v4 =	vsel vm13, $0x0, v4;
	v1 =	vsel vm12, $0x680, v1  }
0x33e: {  	_ =	swait.ge [sflag:s21], $0x2000;
	v2 =	vsel vm4, $0x680, v2;
	v51 =	vsel vm14, $0x80, v4;
	v1 =	vsel vm13, $0x700, v1  }
0x33f: {  	v13 =	vld [tilespmem:$0x1FE70];
	v48 =	vsel vm14, $0x780, v1;
	v1 =	vsel vm11, $0x0, v3;
	v3 =	vsel vm13, $0x80, v5  }
0x340: {  	v32 =	vld [tilespmem:$0x1FBE0];
	v5 =	vor.u32 v47, v42;
	v1 =	vsel vm12, $0x80, v1;
	v49 =	vsel vm14, $0x100, v3  }
0x341: {  	[sflag:s21] =	ssyncset.done $0x0;
	v23 =	vld [tilespmem:$0x1FBC0];
	v3 =	vor.u32 v48, v42;
	v26 =	vor.u32 v41, v5;
	v1 =	vsel vm13, $0x100, v1  }
0x342: {  	v36 =	vld [tilespmem:$0x1FC20];
	[sflag:s21] =	ssyncadd.s32 $0xFFFFE000;
	v11 =	vor.u32 v41, v3;
	v3 =	vor.u32 v49, v42;
	v50 =	vsel vm14, $0x180, v1  }
0x343: {  	v22 =	vld.idx.msk [tilespmem:v19+s23+$0x0], $0xffff;
	v17 =	vor.u32 v41, v3;
	v3 =	vor.u32 v10, v42;
	v1 =	vor.u32 v50, v42  }
0x344: {  	v4 =	vor.u32 v51, v42;
	v5 =	vld.idx.msk [tilespmem:v14+s23+$0x0], $0xffff;
	v20 =	vor.u32 v41, v1;
	v1 =	vor.u32 v41, v3  }
0x345: {  	v38 =	vmovc v10;
	v10 =	vld [tilespmem:$0x1FE60];
	v3 =	vshll.u32 v9, $0x7;
	v9 =	vor.u32 v41, v4;
	v4 =	vor.u32 v13, v42  }
0x346: {  	v2 =	vsel vm5, $0x700, v2;
	v3 =	vor.u32 v45, v3;
	v6 =	vor.u32 v41, v4;
	v4 =	vld.idx.msk [tilespmem:v12+s23+$0x0], $0xffff  }
0x347: {  	v29 =	vmovc v59;
	v43 =	vmovc v7;
	v0 =	vsel vm13, $0x400, v0;
	v2 =	vsel vm6, $0x780, v2;
	v26 =	vld.idx.msk [tilespmem:v26+s23+$0x0], $0xffff;
	v3 =	vor.u32 s0, v3  }
0x348: {  	v37 =	vmovc v52;
	v46 =	vmovc v18;
	v0 =	vsel vm14, $0x480, v0;
	v2 =	vsel vm7, $0x0, v2;
	v16 =	vor.u32 v8, v3;
	v8 =	vld [tilespmem:$0x1FE50]  }
0x349: {  	v57 =	vld.idx.msk [tilespmem:v11+s23+$0x0], $0xffff;
	v11 =	vor.u32 v18, v42;
	v58 =	vor.u32 v24, v3;
	v15 =	vor.u32 v35, v3  }
0x34a: {  	v59 =	vor.u32 v25, v3;
	v12 =	vor.u32 v10, v42;
	v60 =	vor.u32 v52, v3;
	v17 =	vld.idx.msk [tilespmem:v17+s23+$0x0], $0xffff  }
0x34b: {  	v18 =	vmovc v25;
	v62 =	vor.u32 v30, v3;
	v19 =	vor.u32 v41, v11;
	v11 =	vor.u32 v32, v3;
	v25 =	vld [tilespmem:$0x1FC10]  }
0x34c: {  	v55 =	vor.u32 v56, v3;
	v54 =	vor.u32 v41, v12;
	v61 =	vld.idx.msk [tilespmem:v9+s23+$0x0], $0xffff;
	v9 =	vor.u32 v0, v42  }
0x34d: {  	v52 =	vmovc v24;
	v24 =	vld [tilespmem:$0x1FBA0];
	v12 =	vor.u32 v41, v9;
	v9 =	vor.u32 v7, v3;
	v14 =	vor.u32 v8, v42  }
0x34e: {  	s22 =	simm.s32 $0x10;
	v20 =	vld.idx.msk [tilespmem:v20+s23+$0x0], $0xffff;
	v53 =	vor.u32 v41, v14;
	v14 =	vor.u32 v41, v21;
	v21 =	vor.u32 v23, v3  }
.LBB2_18:
0x34f: {  	_ =	sdelay $0x1  }
0x350: {  	[tilespmem:v58+s24+$0x0] =	vst.idx.msk $0xffff, v22  }
0x351: {  	v22 =	vsel vm8, $0x80, v2;
	[tilespmem:v59+s24+$0x0] =	vst.idx.msk $0xffff, v57  }
0x352: {  	v22 =	vsel vm9, $0x100, v22;
	[tilespmem:v60+s24+$0x0] =	vst.idx.msk $0xffff, v26  }
0x353: {  	v22 =	vsel vm10, $0x180, v22;
	[tilespmem:v62+s24+$0x0] =	vst.idx.msk $0xffff, v61  }
0x354: {  	v22 =	vsel vm11, $0x200, v22;
	[tilespmem:v16+s24+$0x0] =	vst.idx.msk $0xffff, v17  }
0x355: {  	v7 =	vor.u32 v27, v3;
	v16 =	vsel vm12, $0x280, v22;
	[tilespmem:v15+s24+$0x0] =	vst.idx.msk $0xffff, v20  }
0x356: {  	[tilespmem:v21+s24+$0x0] =	vst.idx.msk $0xffff, v5;
	v5 =	vsel vm13, $0x300, v16  }
0x357: {  	v5 =	vsel vm14, $0x380, v5  }
0x358: {  	v5 =	vor.u32 v5, v42  }
0x359: {  	v5 =	vor.u32 v41, v5  }
0x35a: {  	[tilespmem:v7+s24+$0x0] =	vst.idx.msk $0xffff, v4  }
0x35b: {  	v4 =	vld.idx.msk [tilespmem:v54+s23+$0x0], $0xffff  }
0x35c: {  	v15 =	vld.idx.msk [tilespmem:v53+s23+$0x0], $0xffff  }
0x35d: {  	v14 =	vld.idx.msk [tilespmem:v14+s23+$0x0], $0xffff  }
0x35e: {  	v5 =	vld.idx.msk [tilespmem:v5+s23+$0x0], $0xffff  }
0x35f: {  	v6 =	vld.idx.msk [tilespmem:v6+s23+$0x0], $0xffff  }
0x360: {  	v20 =	vor.u32 v39, v3;
	v12 =	vld.idx.msk [tilespmem:v12+s23+$0x0], $0xffff  }
0x361: {  	v21 =	vor.u32 v25, v3;
	v16 =	vld.idx.msk [tilespmem:v19+s23+$0x0], $0xffff  }
0x362: {  	v19 =	vor.u32 v29, v3;
	v1 =	vld.idx.msk [tilespmem:v1+s23+$0x0], $0xffff;
	[tilespmem:v55+s24+$0x0] =	vst.idx.msk $0xffff, v14  }
0x363: {  	v17 =	vor.u32 v24, v3;
	v3 =	vor.u32 v36, v3;
	[tilespmem:v11+s24+$0x0] =	vst.idx.msk $0xffff, v5  }
0x364: {  	[tilespmem:v9+s24+$0x0] =	vst.idx.msk $0xffff, v6  }
0x365: {  	[tilespmem:v20+s24+$0x0] =	vst.idx.msk $0xffff, v12  }
0x366: {  	[tilespmem:v21+s24+$0x0] =	vst.idx.msk $0xffff, v4  }
0x367: {  	[tilespmem:v19+s24+$0x0] =	vst.idx.msk $0xffff, v16  }
0x368: {  	[tilespmem:v3+s24+$0x0] =	vst.idx.msk $0xffff, v15  }
0x369: {  	[tilespmem:v17+s24+$0x0] =	vst.idx.msk $0xffff, v1;
	v1 =	vld [tilespmem:$0x1FAE0]  }
0x36a: {  	v3 =	vld [tilespmem:$0x1FAF0]  }
0x36b: {  	s8 =	sand.u32 $0x30, s22  }
0x36c: {  	s26 =	sadd.s32 $0x4, s26;
	v28 =	vmov s8  }
0x36d: {  	s10 =	sand.u32 $0x30, s26;
	v42 =	vshll.u32 v28, $0x7;
	v14 =	vlaneseq.u32;
	v5 =	vld [tilespmem:$0x1FAD0]  }
0x36e: {  	v41 =	vor.u32 s10, v14;
	v1 =	vor.u32 v1, v42  }
0x36f: {  	v3 =	vor.u32 v3, v42;
	v1 =	vor.u32 v41, v1  }
0x370: {  	v3 =	vor.u32 v41, v3;
	_ =	sdelay $0x1  }
0x371: {  	v5 =	vor.u32 v5, v42  }
0x372: {  	v12 =	vor.u32 v51, v42;
	v9 =	vor.u32 v41, v5  }
0x373: {  	v12 =	vor.u32 v41, v12;
	v5 =	vld.idx.msk [tilespmem:v1+s23+$0x0], $0xffff;
	v1 =	vor.u32 v48, v42  }
0x374: {  	v4 =	vld.idx.msk [tilespmem:v3+s23+$0x0], $0xffff;
	v3 =	vor.u32 v41, v1  }
0x375: {  	s10 =	sshrl.u32 s10, $0x1;
	v1 =	vor.u32 v49, v42  }
0x376: {  	v7 =	vld [tilespmem:$0x1FF80];
	v14 =	vmov s10;
	v6 =	vor.u32 v38, v42;
	v11 =	vor.u32 v41, v1  }
0x377: {  	v20 =	vor.u32 v40, v42;
	v22 =	vld.idx.msk [tilespmem:v9+s23+$0x0], $0xffff;
	v9 =	vor.u32 v0, v42;
	v1 =	vor.u32 v50, v42  }
0x378: {  	v61 =	vld.idx.msk [tilespmem:v12+s23+$0x0], $0xffff;
	v19 =	vor.u32 v41, v1;
	v1 =	vor.u32 v41, v6;
	v6 =	vshll.u32 v14, $0x7  }
0x379: {  	v12 =	vor.u32 v41, v9;
	v6 =	vor.u32 v45, v6;
	v57 =	vld.idx.msk [tilespmem:v3+s23+$0x0], $0xffff;
	v3 =	vor.u32 v47, v42  }
0x37a: {  	v14 =	vor.u32 v13, v42;
	v21 =	vor.u32 v41, v3;
	v3 =	vor.u32 s8, v6  }
0x37b: {  	p2 =	sne.s32 s22, $0xF0;
	v6 =	vor.u32 v41, v14;
	v17 =	vld.idx.msk [tilespmem:v11+s23+$0x0], $0xffff;
	v11 =	vor.u32 v10, v42;
	v14 =	vor.u32 v8, v42  }
.Ltmp12:
0x37c: {  	v58 =	vor.u32 v52, v3;
	v16 =	vor.u32 v7, v3;
	v15 =	vor.u32 v35, v3;
	(pc) =	sbr.rel @p2 .LBB2_18-.Ltmp12, $4  }
0x37d: {  	v59 =	vor.u32 v18, v3;
	v60 =	vor.u32 v37, v3;
	v54 =	vor.u32 v41, v11  }
0x37e: {  	s0 =	smov.u32 s22;
	v53 =	vor.u32 v41, v14;
	v62 =	vor.u32 v30, v3;
	v14 =	vor.u32 v41, v20  }
0x37f: {  	s0 =	sadd.s32 $0x10, s22;
	v20 =	vld.idx.msk [tilespmem:v19+s23+$0x0], $0xffff;
	v11 =	vor.u32 v46, v42;
	v9 =	vor.u32 v43, v3;
	v55 =	vor.u32 v56, v3  }
0x380: {  	s22 =	smov.u32 s0;
	v19 =	vor.u32 v41, v11;
	v11 =	vor.u32 v32, v3;
	v26 =	vld.idx.msk [tilespmem:v21+s23+$0x0], $0xffff;
	v21 =	vor.u32 v23, v3  }
0x381: {  	_ =	sdelay $0x1  }
0x382: {  	v0 =	vsel vm8, $0x80, v2  }
0x383: {  	v0 =	vsel vm9, $0x100, v0  }
0x384: {  	[tilespmem:v58+s24+$0x0] =	vst.idx.msk $0xffff, v22;
	v0 =	vsel vm10, $0x180, v0  }
0x385: {  	[tilespmem:v59+s24+$0x0] =	vst.idx.msk $0xffff, v57;
	v0 =	vsel vm11, $0x200, v0  }
0x386: {  	v59 =	vor.u32 v27, v3;
	[tilespmem:v60+s24+$0x0] =	vst.idx.msk $0xffff, v26;
	v0 =	vsel vm12, $0x280, v0  }
0x387: {  	[tilespmem:v62+s24+$0x0] =	vst.idx.msk $0xffff, v61;
	v0 =	vsel vm13, $0x300, v0  }
0x388: {  	[tilespmem:v16+s24+$0x0] =	vst.idx.msk $0xffff, v17;
	v0 =	vsel vm14, $0x380, v0  }
0x389: {  	[tilespmem:v15+s24+$0x0] =	vst.idx.msk $0xffff, v20;
	v0 =	vor.u32 v0, v42  }
0x38a: {  	[tilespmem:v21+s24+$0x0] =	vst.idx.msk $0xffff, v5;
	v0 =	vor.u32 v41, v0  }
0x38b: {  	[tilespmem:v59+s24+$0x0] =	vst.idx.msk $0xffff, v4  }
0x38c: {  	v2 =	vld.idx.msk [tilespmem:v54+s23+$0x0], $0xffff  }
0x38d: {  	v5 =	vld.idx.msk [tilespmem:v6+s23+$0x0], $0xffff  }
0x38e: {  	v6 =	vld.idx.msk [tilespmem:v14+s23+$0x0], $0xffff  }
0x38f: {  	v0 =	vld.idx.msk [tilespmem:v0+s23+$0x0], $0xffff  }
0x390: {  	v4 =	vld.idx.msk [tilespmem:v53+s23+$0x0], $0xffff  }
0x391: {  	v14 =	vor.u32 v39, v3;
	v12 =	vld.idx.msk [tilespmem:v12+s23+$0x0], $0xffff  }
0x392: {  	v15 =	vor.u32 v25, v3;
	v13 =	vld.idx.msk [tilespmem:v19+s23+$0x0], $0xffff  }
0x393: {  	v61 =	vor.u32 v29, v3;
	v1 =	vld.idx.msk [tilespmem:v1+s23+$0x0], $0xffff;
	[tilespmem:v55+s24+$0x0] =	vst.idx.msk $0xffff, v6  }
0x394: {  	v6 =	vor.u32 v36, v3;
	[tilespmem:v11+s24+$0x0] =	vst.idx.msk $0xffff, v0  }
0x395: {  	v62 =	vor.u32 v24, v3;
	[tilespmem:v9+s24+$0x0] =	vst.idx.msk $0xffff, v5  }
0x396: {  	[tilespmem:v14+s24+$0x0] =	vst.idx.msk $0xffff, v12  }
0x397: {  	[tilespmem:v15+s24+$0x0] =	vst.idx.msk $0xffff, v2  }
0x398: {  	[tilespmem:v61+s24+$0x0] =	vst.idx.msk $0xffff, v13  }
0x399: {  	[tilespmem:v6+s24+$0x0] =	vst.idx.msk $0xffff, v4  }
0x39a: {  	[tilespmem:v62+s24+$0x0] =	vst.idx.msk $0xffff, v1  }
0x39b: {  	[hbm4b:s11+s1] =	stream.linear.scatter [tilespmem:s24], [sflag:$0x3], $0x1000, $0x38;
	[tilespmem:$0x13000] =	vst v63  }
0x39c: {  	_ =	swait.ge [sflag:s21], $0x1000  }
0x39d: {  	v13 =	vld [tilespmem:$0x1FF00]  }
.Ltmp13:
0x39e: {  	v61 =	vld [tilespmem:$0x1FF70];
	(pc) =	sbr.rel .LBB2_20-.Ltmp13, $4  }
0x39f: {  	v10 =	vld [tilespmem:$0x1FFA0]  }
0x3a0: {  	v23 =	vld [tilespmem:$0x1FEC0]  }
0x3a1: {  	[sflag:s21] =	ssyncset.done $0x0;
	v26 =	vld [tilespmem:$0x1FF10]  }
0x3a2: {  	v24 =	vmov v52;
	v25 =	vmov v18;
	v8 =	vld [tilespmem:$0x1FF80];
	[sflag:s21] =	ssyncadd.s32 $0xFFFFF000  }
.LBB2_21:
0x3a3: {  	_ =	sfence.sel $0x180000  }
0x3a4: {  	[bflag:$0x0] =	sbarrier.arrive $0xFFFF  }
0x3a5: {  	_ =	strace $0x90000047  }
0x3a6: {  	[bflag:$0x2] =	sbarrier.arrive $0xFFFF  }
0x3a7: {  	s0 =	rddreg [dreg:$0x2]  }
0x3a8: {  	s0 =	sadd.s32 @!p0 $0x100000, s0  }
0x3a9: {  	[sflag:s0] =	ssyncadd.tile.s32 @!p0 $0x1;
	_ =	shalt  }
.Lfunc_end2:
_tile_overlayer_lowered:
.L_overlay_start_2:
0x3aa: {  	(tag) =	ssettag $0x2  }
0x3ab: {  	s0 =	rddreg [dreg:$0x0];
	s2 =	stileid.u32  }
0x3ac: {  	s1 =	rddreg [dreg:$0x1];
	p0 =	sne.s32 s2, $0x0  }
0x3ad: {  	s3 =	rddreg [dreg:$0x2];
	[bflag:$0x3] =	sbarrier.arrive $0xFFFF;
	s2 =	simm.s32 @!p0 $0x1C03  }
0x3ae: {  	[timem:s3], [sflag:s2] =	dma.local @!p0 [hbm:s0], s1  }
0x3af: {  	s0 =	simm.s32 @!p0 $0x3  }
0x3b0: {  	_ =	swait.ge @!p0 [sflag:s0], s1  }
0x3b1: {  	s1 =	ssub.s32 @!p0 $0x0, s1;
	[sflag:s0] =	ssyncset.done @!p0 $0x0  }
0x3b2: {  	[sflag:s0] =	ssyncadd.s32 @!p0 s1  }
0x3b3: {  	[bflag:$0x3] =	sbarrier.arrive $0xFFFF  }
0x3b4: {  	_ =	shalt  }

// kernel: kernel.8.cloned.1.call-start
scs
__scs_entry_jumppad:
0x0: {  	(pc) =	sbr.rel $0x88, $3  }
0x1: {  	(tag) =	ssettag $0x0;
	lr =	simm.s32 $0x1  }
0x2: {  	[smem:$0x3F9E] =	sst lr;
	_ =	strace $0xD0000000  }
0x3: {  	_ = 	snop  }
0x4: {  	_ = 	snop  }
0x5: {  	_ = 	snop  }
0x6: {  	_ = 	snop  }
0x7: {  	_ = 	snop  }
__scs_overlays_trampoline_lowered:
0x8: {  	[smem:$0x3FAD] =	sst s0  }
0x9: {  	[smem:$0x3FAE] =	sst s1  }
0xa: {  	[smem:$0x3FAF] =	sst s2  }
0xb: {  	[smem:$0x3FB0] =	sst s3  }
0xc: {  	[smem:$0x3FB1] =	sst s4  }
0xd: {  	[smem:$0x3FB2] =	sst s5  }
0xe: {  	[smem:$0x3FB3] =	sst s6  }
0xf: {  	[smem:$0x3FB4] =	sst s7  }
0x10: {  	[smem:$0x3FB5] =	sst s8  }
0x11: {  	[smem:$0x3FB6] =	sst s9;
	s0 =	simm.s32 @!p0 $0x0  }
0x12: {  	s1 =	sld [smem:$0x3F9C];
	s0 =	simm.s32 @p0 $0x1  }
0x13: {  	[smem:$0x3FB7] =	sst s0;
	s0 =	simm.s32 @!p1 $0x0  }
0x14: {  	s2 =	sld [smem:$0x3F9B];
	s0 =	simm.s32 @p1 $0x1  }
0x15: {  	[smem:$0x3FB8] =	sst s0;
	s0 =	simm.s32 @!p2 $0x0  }
0x16: {  	s3 =	sld [smem:$0x3FDB];
	s0 =	simm.s32 @p2 $0x1  }
0x17: {  	s4 =	simm.s32 $0x1BF5;
	[smem:$0x3FBA] =	sst s0  }
0x18: {  	s0 =	sld [smem:$0x3F9D];
	_ =	swait.ge [sflag:s4], $0x0  }
0x19: {  	s7 =	sld [smem:$0x3F9E]  }
0x1a: {  	s8 =	sadd.s32 $0xFFFFE003, lr  }
0x1b: {  	s9 =	sadd.s32 $0xFFFFFEF7, lr;
	s5 =	simm.s32 $0xFFFFFFFF;
	p2 =	slt.u32 s8, $0xFFFFF086  }
0x1c: {  	p1 =	slt.u32 s9, $0xF7A;
	s5 =	simm.s32 @!p2 $0x0  }
0x1d: {  	s5 =	simm.s32 @p1 $0x1;
	p0 =	seq.s32 s7, s2  }
0x1e: {  	s7 =	smul.u32 @!p0 $0xF7A, s2;
	p2 =	seq.s32 @!p0 s5, $0x0  }
0x1f: {  	s9 =	smul.u32 $0xF7A, s1;
	s8 =	simm.s32 @!p0 $0x1BF5;
	p2 =	por !p2, p0  }
0x20: {  	[sflag:s8] =	ssyncset.s32 @!p0 $0xFFFFF086;
	s6 =	sadd.s32 @!p0 s3, s7;
	s7 =	simm.s32 @!p0 $0x108  }
0x21: {  	s3 =	sadd.s32 s3, s9;
	s6 =	sadd.s32 @!p0 $0x88, s6;
	s7 =	simm.s32 @p2 $0x1082  }
0x22: {  	[simem:s7], [sflag:s8] =	dma.local @!p0 [hbm:s6], $0xF7A  }
0x23: {  	s9 =	sor.u32 $0xD0000000, s2;
	s6 =	simm.s32 $0x108;
	_ =	swait.ge @!p0 [sflag:s8], $0x0  }
0x24: {  	s3 =	sadd.s32 $0x88, s3;
	s6 =	simm.s32 @!p1 $0x1082;
	[sflag:s4] =	ssyncset.s32 $0xFFFFF086  }
0x25: {  	[simem:s6], [sflag:s4] =	dma.local [hbm:s3], $0xF7A  }
0x26: {  	[smem:$0x3F9E] =	sst s1;
	(tag) =	ssettag s2;
	_ =	strace s9  }
0x27: {  	s1 =	sld [smem:$0x3FAE]  }
0x28: {  	s2 =	sld [smem:$0x3FAF]  }
0x29: {  	s4 =	sld [smem:$0x3FB1]  }
0x2a: {  	p0 =	seq.s32 s5, $0x0;
	s5 =	sld [smem:$0x3FB2]  }
0x2b: {  	s6 =	sld [smem:$0x3FB3]  }
0x2c: {  	s7 =	sld [smem:$0x3FB4]  }
0x2d: {  	s3 =	simm.s32 $0x108;
	s8 =	sld [smem:$0x3FB5]  }
0x2e: {  	s3 =	simm.s32 @!p0 $0x1082;
	s9 =	sld [smem:$0x3FB6]  }
0x2f: {  	lr =	sadd.s32 s0, s3;
	s0 =	sld [smem:$0x3FAD]  }
0x30: {  	s3 =	sld [smem:$0x3FB0]  }
0x31: {  	[smem:$0x3FB9] =	sst s10  }
0x32: {  	s10 =	sld [smem:$0x3FB7];
	_ =	sdelay $0x3  }
0x33: {  	p0 =	seq.s32 s10, $0x1;
	s10 =	sld [smem:$0x3FB9];
	_ =	sdelay $0x3  }
0x34: {  	[smem:$0x3FB9] =	sst s10  }
0x35: {  	s10 =	sld [smem:$0x3FB8];
	_ =	sdelay $0x3  }
0x36: {  	p1 =	seq.s32 s10, $0x1;
	s10 =	sld [smem:$0x3FB9];
	_ =	sdelay $0x3  }
0x37: {  	[smem:$0x3FB9] =	sst s10  }
0x38: {  	s10 =	sld [smem:$0x3FBA]  }
0x39: {  	_ = 	snop;
	(pc) =	sbr.ind lr, $3  }
0x3a: {  	_ = 	snop  }
0x3b: {  	_ = 	snop  }
0x3c: {  	p2 =	seq.s32 s10, $0x1;
	s10 =	sld [smem:$0x3FB9]  }
0x3d: {  	_ =	shalt  }
0x3e: {  	_ =	shalt  }
0x3f: {  	_ =	shalt  }
0x40: {  	_ =	shalt  }
0x41: {  	_ =	shalt  }
0x42: {  	_ =	shalt  }
0x43: {  	_ =	shalt  }
0x44: {  	_ =	shalt  }
0x45: {  	_ =	shalt  }
0x46: {  	_ =	shalt  }
0x47: {  	_ =	shalt  }
0x48: {  	_ =	shalt  }
0x49: {  	_ =	shalt  }
0x4a: {  	_ =	shalt  }
0x4b: {  	_ =	shalt  }
0x4c: {  	_ =	shalt  }
0x4d: {  	_ =	shalt  }
0x4e: {  	_ =	shalt  }
0x4f: {  	_ =	shalt  }
0x50: {  	_ =	shalt  }
0x51: {  	_ =	shalt  }
0x52: {  	_ =	shalt  }
0x53: {  	_ =	shalt  }
0x54: {  	_ =	shalt  }
0x55: {  	_ =	shalt  }
0x56: {  	_ =	shalt  }
0x57: {  	_ =	shalt  }
0x58: {  	_ =	shalt  }
0x59: {  	_ =	shalt  }
0x5a: {  	_ =	shalt  }
0x5b: {  	_ =	shalt  }
0x5c: {  	_ =	shalt  }
0x5d: {  	_ =	shalt  }
0x5e: {  	_ =	shalt  }
0x5f: {  	_ =	shalt  }
0x60: {  	_ =	shalt  }
0x61: {  	_ =	shalt  }
0x62: {  	_ =	shalt  }
0x63: {  	_ =	shalt  }
0x64: {  	_ =	shalt  }
0x65: {  	_ =	shalt  }
0x66: {  	_ =	shalt  }
0x67: {  	_ =	shalt  }
0x68: {  	_ =	shalt  }
0x69: {  	_ =	shalt  }
0x6a: {  	_ =	shalt  }
0x6b: {  	_ =	shalt  }
0x6c: {  	_ =	shalt  }
0x6d: {  	_ =	shalt  }
0x6e: {  	_ =	shalt  }
0x6f: {  	_ =	shalt  }
0x70: {  	_ =	shalt  }
0x71: {  	_ =	shalt  }
0x72: {  	_ =	shalt  }
0x73: {  	_ =	shalt  }
0x74: {  	_ =	shalt  }
0x75: {  	_ =	shalt  }
0x76: {  	_ =	shalt  }
0x77: {  	_ =	shalt  }
0x78: {  	_ =	shalt  }
0x79: {  	_ =	shalt  }
0x7a: {  	_ =	shalt  }
0x7b: {  	_ =	shalt  }
0x7c: {  	_ =	shalt  }
0x7d: {  	_ =	shalt  }
0x7e: {  	_ =	shalt  }
0x7f: {  	_ =	shalt  }
0x80: {  	_ =	shalt  }
0x81: {  	_ =	shalt  }
0x82: {  	_ =	shalt  }
0x83: {  	_ =	shalt  }
0x84: {  	_ =	shalt  }
0x85: {  	_ =	shalt  }
0x86: {  	_ =	shalt  }
0x87: {  	_ =	shalt  }
.Lfunc_end0:
.L_simem_size_0:
called_computation.1_lowered:
.L_overlay_start_0:
0x88: {  	s2 =	sld [smem:$0x3FD9]  }
0x89: {  	s3 =	sld [smem:$0x3FFE];
	_ =	sdelay $0x1  }
0x8a: {  	s1 =	srdreg.scid  }
0x8b: {  	s0 =	sand.u32 $0x1, s1  }
0x8c: {  	s14 =	sshll.u32 s0, $0xA;
	s2 =	sadd.s32 s3, s2  }
0x8d: {  	s2 =	sadd.s32 s2, s14  }
0x8e: {  	[smem:$0x3FC5] =	sst s2  }
0x8f: {  	_ = 	snop  }
0x90: {  	s2 =	sld [smem:$0x3FD0];
	_ =	sdelay $0x2  }
0x91: {  	s4 =	simm.s32 $0xA;
	s5 =	simm.s32 $0x10;
	s15 =	sld [smem:$0x3FC9]  }
0x92: {  	[smem:s5], [sflag:s4] =	dma.local [hbm:s2], $0x1  }
0x93: {  	_ =	swait.eq [sflag:s4], $0x1  }
0x94: {  	[sflag:s4] =	ssyncset.done $0x0  }
0x95: {  	[sflag:s4] =	ssyncadd.s32 $0xFFFFFFFF  }
0x96: {  	s16 =	sld [smem:$0x10];
	(tm) =	ssettm $0x1  }
0x97: {  	s17 =	sld [smem:$0x3FFB];
	_ =	sdelay $0x3  }
0x98: {  	_ =	strace s17  }
0x99: {  	s4 =	sld [smem:$0x3FFC];
	_ =	sdelay $0x3  }
0x9a: {  	_ =	strace s4  }
0x9b: {  	s4 =	sld [smem:$0x3FFD];
	_ =	sdelay $0x3  }
0x9c: {  	_ =	strace s4  }
0x9d: {  	_ =	strace $0x8FFFFFFF  }
0x9e: {  	s18 =	sld [smem:$0x3FDB];
	_ =	sdelay $0x1  }
0x9f: {  	s19 =	simm.s32 $_scs_section_size  }
0xa0: {  	s6 =	simm.s32 $_size__tile_overlayer_lowered;
	s7 =	simm.s32 $_tile_overlayer_lowered  }
0xa1: {  	s22 =	simm.s32 $0x1BFF;
	s21 =	sshll.u32 s7, $0x1;
	s4 =	sadd.s32 s19, s18  }
0xa2: {  	s8 =	simm.s32 $0x0;
	s20 =	sshll.u32 s6, $0x1;
	s6 =	sadd.s32 s21, s4  }
0xa3: {  	[timem:s8], [sflag:s22] =	dma.local [hbm:s6], s20  }
0xa4: {  	_ =	swait.ge [sflag:s22], s20  }
0xa5: {  	s5 =	ssub.s32 $0x0, s20;
	[sflag:s22] =	ssyncset.done $0x0  }
0xa6: {  	[sflag:s22] =	ssyncadd.s32 s5;
	_ =	sdelay $0x1  }
0xa7: {  	s23 =	simm.s32 $0x1B8B  }
0xa8: {  	_ =	swait.ge [sflag:s23], $0x1  }
0xa9: {  	[sflag:s23] =	ssyncset.done $0x0  }
0xaa: {  	s25 =	simm.s32 $0x1B8E;
	s24 =	sld [smem:$0x3FFE];
	[sflag:s23] =	ssyncadd.s32 $0xFFFFFFFF  }
0xab: {  	s26 =	simm.s32 $execute0_lowered;
	[smem:$0x3FD2] =	sst s25  }
0xac: {  	s6 =	sshll.u32 s26, $0x1;
	_ =	strace $0x80000049;
	[dreg:$0x1] =	wrdreg $0xFFFFFFFF  }
0xad: {  	s28 =	simm.s32 $_size_execute0_lowered;
	s4 =	sadd.s32 s4, s6;
	[dreg:$0x0] =	wrdreg $0x0  }
0xae: {  	s6 =	sshll.u32 s28, $0x1;
	[dreg:$0x2] =	wrdreg s4  }
0xaf: {  	[dreg:$0x3] =	wrdreg s6  }
0xb0: {  	[dreg:$0x4] =	wrdreg $0xC0  }
0xb1: {  	_ =	task [dreg:s8], $0x5FFFF  }
0xb2: {  	[dreg:$0x1] =	wrdreg $0xFFFFFFFF  }
0xb3: {  	[dreg:$0x0] =	wrdreg $0x60  }
0xb4: {  	[dreg:$0x2] =	wrdreg s15  }
0xb5: {  	[dreg:$0x3] =	wrdreg s24  }
0xb6: {  	[dreg:$0x4] =	wrdreg s16  }
0xb7: {  	[dreg:$0x5] =	wrdreg $0x9  }
0xb8: {  	_ =	task.clear_ibuf [dreg:s8], $0x6FFFF;
	_ =	strace $0x90000049  }
0xb9: {  	s29 =	simm.s32 $0x9;
	_ =	strace $0x8000004B  }
0xba: {  	_ =	swait.ge [sflag:s29], $0x1  }
0xbb: {  	[sflag:s29] =	ssyncadd.s32 $0xFFFFFFFF  }
0xbc: {  	_ =	strace $0x9000004B  }
0xbd: {  	_ =	sfence  }
0xbe: {  	s30 =	sld [smem:$0x0];
	_ =	sdelay $0x2  }
0xbf: {  	s31 =	sshll.u32 s1, $0xD;
	s1 =	sshrl.u32 s1, $0x2  }
0xc0: {  	s3 =	sand.u32 $0x4000, s31;
	s1 =	sadd.s32 s1, s30  }
0xc1: {  	s0 =	sor.u32 s3, s0;
	s1 =	sshll.u32 s1, $0x11  }
0xc2: {  	s0 =	sor.u32 s1, s0  }
0xc3: {  	s0 =	sadd.s32 $0x8F2B, s0  }
0xc4: {  	[sflag:s0] =	ssyncadd.remote.s32 $0x1  }
0xc5: {  	_ =	sfence.sel $0xFFFF  }
0xc6: {  	[dreg:$0x0] =	wrdreg $0xFFFFFFFF;
	(pc) =	sbr.abs _section_cstart, $3  }
0xc7: {  	[dreg:$0x1] =	wrdreg $0xFFFFFFFF  }
0xc8: {  	_ =	task.clear_ibuf [dreg:s8], $0x2FFFF;
	_ =	strace $0x9FFFFFFF  }
0xc9: {  	(tm) =	ssettm $0x7FFFFFFF  }
tec
execute0_lowered:
.L_overlay_start_1:
0x0: {  	(tag) =	ssettag $0x1  }
0x1: {  	v0 =	vimm.s32 $0xFEDCBA9  }
0x2: {  	v2 =	vimm.s32 $0x87654321;
	v3 =	vimm.s32 $0x98765432;
	v4 =	vimm.s32 $0x210FEDCB  }
0x3: {  	v5 =	vimm.s32 $0xA9876543;
	v15 =	vimm.s32 $0xCBA98765;
	v17 =	vimm.s32 $0x6543210F  }
0x4: {  	v18 =	vimm.s32 $0xEDCBA987;
	v19 =	vimm.s32 $0xFEDCBA98;
	v20 =	vimm.s32 $0x76543210  }
0x5: {  	v1 =	vunpack.c.l.s4.s8 v0;
	v0 =	vlaneseq.u32;
	v3 =	vunpack.c.l.s4.s8 v3  }
0x6: {  	v4 =	vunpack.c.l.s4.s8 v4;
	v17 =	vunpack.c.l.s4.s8 v17;
	v18 =	vunpack.c.l.s4.s8 v18  }
0x7: {  	v19 =	vunpack.c.l.s4.s8 v19;
	v7 =	vunpack.c.0.s8.s32 v1;
	v1 =	vunpack.c.l.s4.s8 v2  }
0x8: {  	v2 =	vimm.s32 $0x10FEDCBA;
	v10 =	vunpack.c.0.s8.s32 v3;
	v11 =	vunpack.c.0.s8.s32 v4  }
0x9: {  	v17 =	vunpack.c.0.s8.s32 v17;
	v18 =	vunpack.c.0.s8.s32 v18;
	v2 =	vunpack.c.l.s4.s8 v2  }
0xa: {  	v19 =	vunpack.c.0.s8.s32 v19;
	v8 =	vunpack.c.0.s8.s32 v1;
	v1 =	vunpack.c.l.s4.s8 v5  }
0xb: {  	v23 =	vcombine.low v18, v17;
	v9 =	vunpack.c.0.s8.s32 v2;
	v2 =	vimm.s32 $0x3210FEDC  }
0xc: {  	v19 =	vand.u32 $0xF, v19;
	v12 =	vunpack.c.0.s8.s32 v1;
	v1 =	vunpack.c.l.s4.s8 v2  }
0xd: {  	v2 =	vimm.s32 $0xBA987654;
	v3 =	vcombine.low v8, v7;
	v63 =	vcombine.low v7, v8  }
0xe: {  	v8 =	vand.u32 $0xF, v23;
	v4 =	vcombine.low v10, v9;
	v2 =	vunpack.c.l.s4.s8 v2  }
0xf: {  	v10 =	vcombine.low v9, v10;
	v5 =	vcombine.low v12, v11;
	v13 =	vunpack.c.0.s8.s32 v1  }
0x10: {  	s0 =	rddreg [dreg:$0x0];
	v1 =	vimm.s32 $0x43210FED;
	v11 =	vcombine.low v11, v12;
	v14 =	vunpack.c.0.s8.s32 v2  }
0x11: {  	s6 =	rddreg [dreg:$0x1];
	v6 =	vunpack.c.l.s4.s8 v1;
	v2 =	vand.u32 $0xF, v4;
	v4 =	vunpack.c.l.s4.s8 v15  }
0x12: {  	s2 =	rddreg [dreg:$0x2];
	v9 =	vand.u32 $0xF, v63;
	v1 =	vand.u32 $0xF, v3;
	v10 =	vand.u32 $0xF, v10  }
0x13: {  	s4 =	srdreg.scid;
	s1 =	rddreg [dreg:$0x3];
	v3 =	vand.u32 $0xF, v5;
	v15 =	vunpack.c.0.s8.s32 v6;
	v16 =	vunpack.c.0.s8.s32 v4  }
0x14: {  	s3 =	stileid.u32;
	s10 =	simm.s32 $0x80;
	s11 =	simm.s32 $0x400;
	v4 =	vimm.s32 $0x543210FE;
	v6 =	vimm.s32 $0xDCBA9876;
	v12 =	vcombine.low v13, v14  }
0x15: {  	s12 =	simm.s32 $0x500;
	s13 =	simm.s32 $0x480;
	s14 =	simm.s32 $0x4500;
	v11 =	vand.u32 $0xF, v11;
	v4 =	vunpack.c.l.s4.s8 v4;
	v6 =	vunpack.c.l.s4.s8 v6  }
0x16: {  	s15 =	simm.s32 $0x8500;
	s16 =	simm.s32 $0x2000;
	s5 =	sand.u32 $0x1, s4;
	v5 =	vcombine.low v14, v13;
	v13 =	vcombine.low v15, v16;
	v12 =	vand.u32 $0xF, v12  }
.Ltmp0:
0x17: {  	s4 =	simm.s32 $0x0;
	s8 =	sshll.u32 s3, $0x1;
	v21 =	vunpack.c.0.s8.s32 v4;
	v22 =	vunpack.c.0.s8.s32 v6;
	v6 =	vunpack.c.l.s4.s8 v20;
	(pc) =	sbr.rel .LBB2_1-.Ltmp0, $4  }
0x18: {  	s6 =	sadd.s32 $0xC00, s6;
	s7 =	ssub.s32 $0x2, s5;
	s5 =	sor.u32 s5, s8;
	v4 =	vand.u32 $0xF, v5;
	v5 =	vcombine.low v16, v15;
	v15 =	vcombine.low v17, v18  }
0x19: {  	[smem:$0x7FF] =	sst s4;
	s9 =	sshrl.u32 s7, $0x1;
	s8 =	sand.u32 $0x7, s5;
	v6 =	vunpack.c.0.s8.s32 v6;
	v62 =	vcombine.low v22, v21;
	v14 =	vcombine.low v21, v22  }
0x1a: {  	_ =	strace $0x8000004A;
	s7 =	ssub.s32 s7, s9;
	p0 =	sne.s32 s8, $0x0;
	v13 =	vand.u32 $0xF, v13;
	v5 =	vand.u32 $0xF, v5;
	v15 =	vand.u32 $0xF, v15  }
0x1b: {  	s8 =	simm.s32 $0x1;
	s9 =	simm.s32 $0x2;
	s7 =	smax.u32 s7, $0x1;
	v6 =	vcombine.low v19, v6;
	v7 =	vand.u32 $0xF, v62;
	v14 =	vand.u32 $0xF, v14  }
.LBB2_10:
0x1c: {  	s4 =	sadd.s32 $0x1, s4  }
0x1d: {  	p1 =	sne.s32 s4, s7  }
.Ltmp1:
0x1e: {  	_ = 	snop;
	(pc) =	sbr.rel @!p1 .LBB2_11-.Ltmp1, $1  }
0x1f: {  	_ =	sdelay $0x3  }
.LBB2_1:
.Ltmp2:
0x20: {  	(pc) =	sbr.rel .LBB2_2-.Ltmp2, $2  }
0x21: {  	_ =	sdelay $0x2  }
0x22: {  	s17 =	simm.s32 $0x0  }
.LBB2_9:
0x23: {  	s17 =	sadd.s32 $0x1, s17  }
0x24: {  	p1 =	sne.s32 s17, $0x7  }
.Ltmp3:
0x25: {  	_ = 	snop;
	(pc) =	sbr.rel @!p1 .LBB2_10-.Ltmp3, $1  }
0x26: {  	_ =	sdelay $0x3  }
.LBB2_2:
0x27: {  	s18 =	sshll.u32 s17, $0x5  }
0x28: {  	s19 =	sor.u32 s5, s18  }
0x29: {  	p1 =	sgt.u32 s19, $0xC7  }
.Ltmp4:
0x2a: {  	_ = 	snop;
	(pc) =	sbr.rel @p1 .LBB2_9-.Ltmp4, $1  }
0x2b: {  	_ =	sdelay $0x3  }
0x2c: {  	p1 =	seq.s32 s19, $0x0  }
0x2d: {  	p1 =	por !p0, !p1  }
0x2e: {  	s18 =	simm.s32 $0x1;
	p1 =	por !p1, !p1  }
0x2f: {  	s20 =	sshrl.u32 s19, $0x3;
	s18 =	simm.s32 @!p1 $0x0  }
0x30: {  	s20 =	ssub.s32 s20, s18  }
0x31: {  	s18 =	sshll.u32 s20, $0x3  }
0x32: {  	s31 =	ssub.s32 s19, s18  }
0x33: {  	s20 =	sshll.u32 s20, $0xD;
	s19 =	sshll.u32 s31, $0xA  }
0x34: {  	s20 =	sadd.s32 s20, s19  }
0x35: {  	s20 =	sshrl.u32 s20, $0x3  }
0x36: {  	s21 =	sadd.s32 s0, s20;
	s20 =	simm.s32 $0x0  }
0x37: {  	[tilespmem:s20], [sflag:$0x2] =	stream.linear.gather [hbm4b:s21+s20], $0x400, $0x38;
	[tilespmem:$0xA500] =	vst v63  }
0x38: {  	_ =	swait.ge [sflag:s9], $0x400  }
0x39: {  	[sflag:s9] =	ssyncset.done $0x0  }
0x3a: {  	[sflag:s9] =	ssyncadd.s32 $0xFFFFFC00  }
0x3b: {  	v16 =	vld [tilespmem:$0x0]  }
0x3c: {  	v17 =	vld [tilespmem:$0x10]  }
0x3d: {  	v18 =	vld [tilespmem:$0x20]  }
0x3e: {  	v19 =	vld [tilespmem:$0x30]  }
0x3f: {  	v20 =	vld [tilespmem:$0x40]  }
0x40: {  	v21 =	vld [tilespmem:$0x50];
	v16 =	vshrl.u32 v16, $0x1  }
0x41: {  	[tilespmem:$0x400] =	vst v16;
	v16 =	vshrl.u32 v17, $0x1;
	v17 =	vld [tilespmem:$0x60]  }
0x42: {  	v58 =	vld [tilespmem:$0x70];
	[tilespmem:$0x410] =	vst v16;
	v16 =	vshrl.u32 v18, $0x1  }
0x43: {  	[tilespmem:$0x420] =	vst v16;
	v16 =	vshrl.u32 v19, $0x1  }
0x44: {  	[tilespmem:$0x430] =	vst v16;
	v16 =	vshrl.u32 v20, $0x1  }
0x45: {  	[tilespmem:$0x440] =	vst v16;
	v16 =	vshrl.u32 v21, $0x1  }
0x46: {  	[tilespmem:$0x450] =	vst v16;
	v16 =	vshrl.u32 v17, $0x1  }
0x47: {  	[tilespmem:$0x460] =	vst v16;
	v16 =	vshrl.u32 v58, $0x1  }
0x48: {  	[tilespmem:$0x470] =	vst v16  }
0x49: {  	[tilespmem:s12], [sflag:$0x1] =	stream.indirect.gather [hbm4b:s6+s10], $0x80, s11, s10, $0xb8;
	[tilespmem:$0xA500] =	vst v63  }
0x4a: {  	v16 =	vld [tilespmem:$0x80]  }
0x4b: {  	v17 =	vld [tilespmem:$0x90]  }
0x4c: {  	v59 =	vld [tilespmem:$0xA0]  }
0x4d: {  	v60 =	vld [tilespmem:$0xB0]  }
0x4e: {  	v61 =	vld [tilespmem:$0xC0]  }
0x4f: {  	v62 =	vld [tilespmem:$0xD0];
	v16 =	vshrl.u32 v16, $0x1  }
0x50: {  	[tilespmem:$0x480] =	vst v16;
	v16 =	vshrl.u32 v17, $0x1;
	v17 =	vld [tilespmem:$0xE0]  }
0x51: {  	v63 =	vld [tilespmem:$0xF0];
	[tilespmem:$0x490] =	vst v16;
	v16 =	vshrl.u32 v59, $0x1  }
0x52: {  	[tilespmem:$0x4A0] =	vst v16;
	v16 =	vshrl.u32 v60, $0x1  }
0x53: {  	[tilespmem:$0x4B0] =	vst v16;
	v16 =	vshrl.u32 v61, $0x1  }
0x54: {  	[tilespmem:$0x4C0] =	vst v16;
	v16 =	vshrl.u32 v62, $0x1  }
0x55: {  	[tilespmem:$0x4D0] =	vst v16;
	v16 =	vshrl.u32 v17, $0x1  }
0x56: {  	[tilespmem:$0x4E0] =	vst v16;
	v16 =	vshrl.u32 v63, $0x1  }
0x57: {  	s21 =	simm.s32 $0x0;
	[tilespmem:$0x4F0] =	vst v16  }
0x58: {  	[tilespmem:s14], [sflag:$0x1] =	stream.indirect.gather [hbm4b:s6+s10], $0x80, s13, s10, $0xb8;
	[tilespmem:$0xA500] =	vst v63  }
.LBB2_4:
0x59: {  	s22 =	sshll.u32 s21, $0x8  }
0x5a: {  	s22 =	sand.u32 $0x3FFFFF00, s22  }
0x5b: {  	v17 =	vmov s22;
	_ =	sdelay $0x1  }
0x5c: {  	_ =	swait.ge [sflag:s8], $0x4000  }
0x5d: {  	[sflag:s8] =	ssyncset.done $0x0  }
0x5e: {  	s24 =	sand.u32 $0x70, s20;
	s23 =	sand.u32 $0x30, s20;
	[sflag:s8] =	ssyncadd.s32 $0xFFFFC000  }
0x5f: {  	v16 =	vor.u32 s24, v0;
	v26 =	vor.u32 s23, v0;
	v27 =	vor.u32 s23, v7;
	v22 =	vld.idx.msk [tilespmem:v17+s24+$0x0 ss:$0x1], $0xffff  }
0x60: {  	v28 =	vor.u32 s23, v2;
	v29 =	vor.u32 s23, v5;
	v30 =	vor.u32 s23, v3  }
0x61: {  	v31 =	vor.u32 s23, v1;
	v32 =	vor.u32 s23, v4;
	v33 =	vor.u32 s23, v8  }
0x62: {  	v48 =	vor.u32 s23, v9;
	v34 =	vor.u32 s23, v15;
	v37 =	vor.u32 s23, v6  }
0x63: {  	v38 =	vor.u32 s23, v10;
	v63 =	vor.u32 s23, v11;
	v42 =	vor.u32 s23, v12  }
0x64: {  	v49 =	vor.u32 s23, v13;
	v20 =	vshll.u32 v16, $0x7;
	v22 =	vshll.u32 v22, $0x6  }
0x65: {  	v18 =	vshll.u32 v29, $0x7;
	v19 =	vshll.u32 v30, $0x7;
	v22 =	vand.u32 $0x40, v22  }
0x66: {  	v21 =	vshll.u32 v31, $0x7;
	v23 =	vshll.u32 v26, $0x7;
	v20 =	vor.u32 v20, v22  }
0x67: {  	v24 =	vshll.u32 v28, $0x7;
	v62 =	vshll.u32 v38, $0x7;
	v35 =	vor.u32 v27, v20  }
0x68: {  	v39 =	vshll.u32 v37, $0x7;
	v18 =	vor.u32 v16, v18;
	v36 =	vor.u32 v26, v20  }
0x69: {  	v19 =	vor.u32 v16, v19;
	v21 =	vor.u32 v16, v21;
	v31 =	vor.u32 v31, v20  }
0x6a: {  	v25 =	vor.u32 v16, v23;
	v23 =	vshll.u32 v32, $0x7;
	v61 =	vor.u32 v28, v20  }
0x6b: {  	v24 =	vor.u32 v16, v24;
	v23 =	vor.u32 v16, v23;
	v30 =	vor.u32 v30, v20  }
0x6c: {  	v22 =	vshll.u32 v33, $0x7;
	v27 =	vshll.u32 v27, $0x7;
	v47 =	vor.u32 v32, v20;
	v32 =	vld.idx.msk [tilespmem:v35+s12+$0x0], $0xffff  }
0x6d: {  	v22 =	vor.u32 v16, v22;
	v26 =	vor.u32 v16, v27;
	v27 =	vor.u32 v33, v20;
	v43 =	vld.idx.msk [tilespmem:v36+s12+$0x0], $0xffff  }
0x6e: {  	v41 =	vor.u32 v29, v20;
	v28 =	vor.u32 v48, v20;
	v29 =	vor.u32 v37, v20;
	v44 =	vld.idx.msk [tilespmem:v31+s12+$0x0], $0xffff  }
0x6f: {  	v37 =	vor.u32 v63, v20;
	v48 =	vshll.u32 v48, $0x7;
	v33 =	vor.u32 v16, v39;
	v45 =	vld.idx.msk [tilespmem:v61+s12+$0x0], $0xffff  }
0x70: {  	v39 =	vor.u32 v49, v20;
	v35 =	vor.u32 v38, v20;
	v31 =	vshll.u32 v63, $0x7;
	v46 =	vld.idx.msk [tilespmem:v30+s12+$0x0], $0xffff  }
0x71: {  	v38 =	vor.u32 v42, v20;
	v47 =	vld.idx.msk [tilespmem:v47+s12+$0x0], $0xffff;
	v30 =	vor.u32 v16, v31;
	v31 =	vshll.u32 v49, $0x7  }
0x72: {  	s25 =	simm.s32 $0x0;
	s24 =	simm.s32 $0x10;
	v36 =	vor.u32 v16, v62;
	v40 =	vld.idx.msk [tilespmem:v27+s12+$0x0], $0xffff;
	v27 =	vor.u32 v34, v20;
	v31 =	vor.u32 v16, v31  }
.LBB2_5:
0x73: {  	p1 =	sne.s32 s24, $0x1F0  }
0x74: {  	v41 =	vld.idx.msk [tilespmem:v41+s12+$0x0], $0xffff;
	v34 =	vshll.u32 v34, $0x7;
	s25 =	sadd.s32 $0x4, s25;
	s28 =	smov.u32 s24;
	s24 =	sadd.s32 $0x10, s24  }
0x75: {  	[tilespmem:v25+s15+$0x0] =	vst.idx.msk $0xffff, v43;
	v25 =	vor.u32 v16, v48;
	v34 =	vor.u32 v16, v34  }
0x76: {  	[tilespmem:v21+s15+$0x0] =	vst.idx.msk $0xffff, v44  }
0x77: {  	v21 =	vshll.u32 v42, $0x7;
	[tilespmem:v24+s15+$0x0] =	vst.idx.msk $0xffff, v45  }
0x78: {  	s26 =	sand.u32 $0x70, s25;
	[tilespmem:v19+s15+$0x0] =	vst.idx.msk $0xffff, v46;
	v19 =	vor.u32 v16, v21  }
0x79: {  	v21 =	vor.u32 s26, v0;
	[tilespmem:v23+s15+$0x0] =	vst.idx.msk $0xffff, v47  }
0x7a: {  	[tilespmem:v18+s15+$0x0] =	vst.idx.msk $0xffff, v41  }
0x7b: {  	[tilespmem:v26+s15+$0x0] =	vst.idx.msk $0xffff, v32  }
0x7c: {  	v18 =	vor.u32 s23, v14;
	[tilespmem:v22+s15+$0x0] =	vst.idx.msk $0xffff, v40  }
0x7d: {  	v20 =	vor.u32 v18, v20;
	v18 =	vshll.u32 v18, $0x7;
	v22 =	vld.idx.msk [tilespmem:v35+s12+$0x0], $0xffff  }
0x7e: {  	v24 =	vor.u32 v16, v18;
	v16 =	vmov v21;
	v23 =	vld.idx.msk [tilespmem:v28+s12+$0x0], $0xffff  }
0x7f: {  	v18 =	vld.idx.msk [tilespmem:v29+s12+$0x0], $0xffff  }
0x80: {  	v28 =	vshll.u32 v16, $0x7;
	v21 =	vld.idx.msk [tilespmem:v37+s12+$0x0], $0xffff  }
0x81: {  	v26 =	vld.idx.msk [tilespmem:v38+s12+$0x0], $0xffff  }
0x82: {  	v20 =	vld.idx.msk [tilespmem:v20+s12+$0x0], $0xffff  }
0x83: {  	v29 =	vld.idx.msk [tilespmem:v39+s12+$0x0], $0xffff  }
0x84: {  	v27 =	vld.idx.msk [tilespmem:v27+s12+$0x0], $0xffff  }
0x85: {  	[tilespmem:v33+s15+$0x0] =	vst.idx.msk $0xffff, v18  }
0x86: {  	[tilespmem:v25+s15+$0x0] =	vst.idx.msk $0xffff, v23  }
0x87: {  	s23 =	sand.u32 $0x30, s28;
	[tilespmem:v36+s15+$0x0] =	vst.idx.msk $0xffff, v22  }
0x88: {  	v32 =	vor.u32 s23, v0;
	v33 =	vor.u32 s23, v7;
	[tilespmem:v30+s15+$0x0] =	vst.idx.msk $0xffff, v21  }
0x89: {  	v35 =	vor.u32 s23, v5;
	v30 =	vor.u32 s23, v2;
	[tilespmem:v19+s15+$0x0] =	vst.idx.msk $0xffff, v26  }
0x8a: {  	v18 =	vshll.u32 v35, $0x7;
	v36 =	vor.u32 s23, v3;
	[tilespmem:v31+s15+$0x0] =	vst.idx.msk $0xffff, v29  }
0x8b: {  	v18 =	vor.u32 v16, v18;
	v29 =	vor.u32 s23, v1;
	v31 =	vor.u32 s23, v4;
	[tilespmem:v24+s15+$0x0] =	vst.idx.msk $0xffff, v20  }
0x8c: {  	v37 =	vor.u32 s23, v8;
	v19 =	vshll.u32 v36, $0x7;
	[tilespmem:v34+s15+$0x0] =	vst.idx.msk $0xffff, v27  }
0x8d: {  	v19 =	vor.u32 v16, v19;
	v21 =	vshll.u32 v29, $0x7;
	v20 =	vld.idx.msk [tilespmem:v17+s26+$0x0 ss:$0x1], $0xffff  }
0x8e: {  	v21 =	vor.u32 v16, v21  }
0x8f: {  	v22 =	vshll.u32 v32, $0x7;
	v23 =	vshll.u32 v30, $0x7  }
0x90: {  	v25 =	vor.u32 v16, v22;
	v24 =	vor.u32 v16, v23  }
0x91: {  	v26 =	vshll.u32 v37, $0x7;
	v22 =	vshll.u32 v31, $0x7  }
0x92: {  	v23 =	vor.u32 v16, v22;
	v22 =	vor.u32 v16, v26  }
0x93: {  	v26 =	vshll.u32 v33, $0x7;
	v20 =	vshll.u32 v20, $0x6  }
0x94: {  	v26 =	vor.u32 v16, v26;
	v20 =	vand.u32 $0x40, v20  }
0x95: {  	v20 =	vor.u32 v28, v20  }
0x96: {  	v27 =	vor.u32 v32, v20;
	v38 =	vor.u32 v29, v20;
	v28 =	vor.u32 v33, v20  }
0x97: {  	v30 =	vor.u32 v30, v20;
	v36 =	vor.u32 v36, v20;
	v31 =	vor.u32 v31, v20  }
0x98: {  	v41 =	vor.u32 v35, v20;
	v33 =	vor.u32 v37, v20;
	_ =	sdelay $0x1  }
0x99: {  	v48 =	vor.u32 s23, v9;
	v34 =	vor.u32 s23, v15  }
0x9a: {  	v39 =	vor.u32 s23, v10;
	v37 =	vor.u32 s23, v6;
	v32 =	vld.idx.msk [tilespmem:v28+s12+$0x0], $0xffff;
	v28 =	vor.u32 v48, v20  }
0x9b: {  	v49 =	vshll.u32 v39, $0x7;
	v35 =	vor.u32 v39, v20;
	v29 =	vor.u32 v37, v20;
	v43 =	vld.idx.msk [tilespmem:v27+s12+$0x0], $0xffff  }
.Ltmp5:
0x9c: {  	v39 =	vshll.u32 v37, $0x7;
	v27 =	vor.u32 v34, v20;
	v40 =	vld.idx.msk [tilespmem:v33+s12+$0x0], $0xffff;
	v33 =	vor.u32 s23, v11;
	(pc) =	sbr.rel @p1 .LBB2_5-.Ltmp5, $4  }
0x9d: {  	v42 =	vor.u32 s23, v12;
	v44 =	vld.idx.msk [tilespmem:v38+s12+$0x0], $0xffff;
	v37 =	vor.u32 v33, v20;
	v47 =	vshll.u32 v33, $0x7  }
0x9e: {  	v50 =	vor.u32 s23, v13;
	v38 =	vor.u32 v42, v20;
	v33 =	vor.u32 v16, v39;
	v45 =	vld.idx.msk [tilespmem:v30+s12+$0x0], $0xffff  }
0x9f: {  	v39 =	vor.u32 v50, v20;
	v50 =	vshll.u32 v50, $0x7;
	v30 =	vor.u32 v16, v47;
	v46 =	vld.idx.msk [tilespmem:v36+s12+$0x0], $0xffff  }
0xa0: {  	v48 =	vshll.u32 v48, $0x7;
	v36 =	vor.u32 v16, v49;
	v47 =	vld.idx.msk [tilespmem:v31+s12+$0x0], $0xffff;
	v31 =	vor.u32 v16, v50  }
0xa1: {  	_ =	sdelay $0x3  }
0xa2: {  	v17 =	vld.idx.msk [tilespmem:v41+s12+$0x0], $0xffff;
	[tilespmem:v25+s15+$0x0] =	vst.idx.msk $0xffff, v43  }
0xa3: {  	[tilespmem:v21+s15+$0x0] =	vst.idx.msk $0xffff, v44  }
0xa4: {  	[tilespmem:v24+s15+$0x0] =	vst.idx.msk $0xffff, v45  }
0xa5: {  	[tilespmem:v19+s15+$0x0] =	vst.idx.msk $0xffff, v46  }
0xa6: {  	[tilespmem:v23+s15+$0x0] =	vst.idx.msk $0xffff, v47  }
0xa7: {  	[tilespmem:v18+s15+$0x0] =	vst.idx.msk $0xffff, v17  }
0xa8: {  	[tilespmem:v26+s15+$0x0] =	vst.idx.msk $0xffff, v32  }
0xa9: {  	[tilespmem:v22+s15+$0x0] =	vst.idx.msk $0xffff, v40  }
0xaa: {  	v17 =	vor.u32 s23, v14;
	v18 =	vld.idx.msk [tilespmem:v35+s12+$0x0], $0xffff  }
0xab: {  	v19 =	vor.u32 v17, v20;
	v20 =	vld.idx.msk [tilespmem:v28+s12+$0x0], $0xffff  }
0xac: {  	v21 =	vld.idx.msk [tilespmem:v29+s12+$0x0], $0xffff  }
0xad: {  	v23 =	vor.u32 v16, v48;
	v22 =	vld.idx.msk [tilespmem:v37+s12+$0x0], $0xffff  }
0xae: {  	v24 =	vld.idx.msk [tilespmem:v38+s12+$0x0], $0xffff  }
0xaf: {  	v25 =	vshll.u32 v42, $0x7;
	v26 =	vld.idx.msk [tilespmem:v39+s12+$0x0], $0xffff  }
0xb0: {  	v25 =	vor.u32 v16, v25;
	v27 =	vld.idx.msk [tilespmem:v27+s12+$0x0], $0xffff  }
0xb1: {  	v17 =	vshll.u32 v17, $0x7;
	v19 =	vld.idx.msk [tilespmem:v19+s12+$0x0], $0xffff;
	[tilespmem:v33+s15+$0x0] =	vst.idx.msk $0xffff, v21  }
0xb2: {  	v17 =	vor.u32 v16, v17;
	v21 =	vshll.u32 v34, $0x7;
	[tilespmem:v23+s15+$0x0] =	vst.idx.msk $0xffff, v20  }
0xb3: {  	v16 =	vor.u32 v16, v21;
	[tilespmem:v36+s15+$0x0] =	vst.idx.msk $0xffff, v18  }
0xb4: {  	[tilespmem:v30+s15+$0x0] =	vst.idx.msk $0xffff, v22  }
0xb5: {  	[tilespmem:v25+s15+$0x0] =	vst.idx.msk $0xffff, v24  }
0xb6: {  	[tilespmem:v31+s15+$0x0] =	vst.idx.msk $0xffff, v26  }
0xb7: {  	[tilespmem:v17+s15+$0x0] =	vst.idx.msk $0xffff, v19  }
0xb8: {  	p1 =	seq.s32 s21, $0x3;
	[tilespmem:v16+s15+$0x0] =	vst.idx.msk $0xffff, v27  }
0xb9: {  	v16 =	vld @!p1 [tilespmem:s22+$0x100];
	_ =	sdelay $0x4  }
0xba: {  	v16 =	vshrl.u32 @!p1 v16, $0x1  }
0xbb: {  	[tilespmem:$0x400] =	vst @!p1 v16  }
0xbc: {  	v16 =	vld @!p1 [tilespmem:s22+$0x110];
	_ =	sdelay $0x4  }
0xbd: {  	v16 =	vshrl.u32 @!p1 v16, $0x1  }
0xbe: {  	[tilespmem:$0x410] =	vst @!p1 v16  }
0xbf: {  	v16 =	vld @!p1 [tilespmem:s22+$0x120];
	_ =	sdelay $0x4  }
0xc0: {  	v16 =	vshrl.u32 @!p1 v16, $0x1  }
0xc1: {  	[tilespmem:$0x420] =	vst @!p1 v16  }
0xc2: {  	v16 =	vld @!p1 [tilespmem:s22+$0x130];
	_ =	sdelay $0x4  }
0xc3: {  	v16 =	vshrl.u32 @!p1 v16, $0x1  }
0xc4: {  	[tilespmem:$0x430] =	vst @!p1 v16  }
0xc5: {  	v16 =	vld @!p1 [tilespmem:s22+$0x140];
	_ =	sdelay $0x4  }
0xc6: {  	v16 =	vshrl.u32 @!p1 v16, $0x1  }
0xc7: {  	[tilespmem:$0x440] =	vst @!p1 v16  }
0xc8: {  	v16 =	vld @!p1 [tilespmem:s22+$0x150];
	_ =	sdelay $0x4  }
0xc9: {  	v16 =	vshrl.u32 @!p1 v16, $0x1  }
0xca: {  	[tilespmem:$0x450] =	vst @!p1 v16  }
0xcb: {  	v16 =	vld @!p1 [tilespmem:s22+$0x160];
	_ =	sdelay $0x4  }
0xcc: {  	v16 =	vshrl.u32 @!p1 v16, $0x1  }
0xcd: {  	[tilespmem:$0x460] =	vst @!p1 v16  }
0xce: {  	v16 =	vld @!p1 [tilespmem:s22+$0x170];
	_ =	sdelay $0x4  }
0xcf: {  	s28 =	sshll.u32 s21, $0x1;
	s24 =	simm.s32 @!p1 $0x80;
	v16 =	vshrl.u32 @!p1 v16, $0x1  }
0xd0: {  	s25 =	simm.s32 @!p1 $0x400;
	s26 =	simm.s32 @!p1 $0x500;
	s29 =	sadd.s32 s18, s28;
	[tilespmem:$0x470] =	vst @!p1 v16  }
0xd1: {  	[tilespmem:s26], [sflag:$0x1] =	stream.indirect.gather @!p1 [hbm4b:s6+s24], $0x80, s25, s24, $0xb8;
	[tilespmem:$0xA500] =	vst v63  }
0xd2: {  	s24 =	sshll.u32 s29, $0x10  }
0xd3: {  	s24 =	sadd.s32 s19, s24  }
0xd4: {  	s23 =	sor.u32 $0x1, s28;
	s24 =	sshrl.u32 s24, $0x3  }
0xd5: {  	s30 =	sshll.u32 s23, $0x7;
	s24 =	sadd.s32 s2, s24  }
0xd6: {  	[hbm4b:s24+s11] =	stream.strided.scatter [tilespmem:s15], [sflag:$0x2], $0x2000, s16, s11, $0x38;
	[tilespmem:$0xA500] =	vst v63  }
0xd7: {  	s24 =	sand.u32 $0x3FFFFF80, s30;
	_ =	swait.ge [sflag:s9], $0x2000  }
0xd8: {  	v17 =	vmov s24;
	[sflag:s9] =	ssyncset.done $0x0  }
0xd9: {  	[sflag:s9] =	ssyncadd.s32 $0xFFFFE000  }
0xda: {  	_ =	swait.ge [sflag:s8], $0x4000  }
0xdb: {  	s24 =	simm.s32 $0x0;
	[sflag:s8] =	ssyncset.done $0x0  }
0xdc: {  	s31 =	sand.u32 $0x70, s24;
	s25 =	sand.u32 $0x30, s24;
	[sflag:s8] =	ssyncadd.s32 $0xFFFFC000  }
0xdd: {  	v16 =	vor.u32 s31, v0;
	v26 =	vor.u32 s25, v0;
	v27 =	vor.u32 s25, v7;
	v22 =	vld.idx.msk [tilespmem:v17+s31+$0x0 ss:$0x1], $0xffff  }
0xde: {  	v28 =	vor.u32 s25, v2;
	v29 =	vor.u32 s25, v5;
	v30 =	vor.u32 s25, v3  }
0xdf: {  	v31 =	vor.u32 s25, v1;
	v52 =	vor.u32 s25, v4;
	v53 =	vor.u32 s25, v8  }
0xe0: {  	v58 =	vor.u32 s25, v9;
	v34 =	vor.u32 s25, v15;
	v59 =	vor.u32 s25, v6  }
0xe1: {  	v60 =	vor.u32 s25, v10;
	v62 =	vor.u32 s25, v11;
	v42 =	vor.u32 s25, v12  }
0xe2: {  	v49 =	vor.u32 s25, v13;
	v20 =	vshll.u32 v16, $0x7;
	v22 =	vshll.u32 v22, $0x6  }
0xe3: {  	v18 =	vshll.u32 v29, $0x7;
	v19 =	vshll.u32 v30, $0x7;
	v22 =	vand.u32 $0x40, v22  }
0xe4: {  	v21 =	vshll.u32 v31, $0x7;
	v23 =	vshll.u32 v26, $0x7;
	v20 =	vor.u32 v20, v22  }
0xe5: {  	v24 =	vshll.u32 v28, $0x7;
	v61 =	vshll.u32 v60, $0x7;
	v54 =	vor.u32 v27, v20  }
0xe6: {  	v63 =	vshll.u32 v59, $0x7;
	v48 =	vshll.u32 v58, $0x7;
	v55 =	vor.u32 v26, v20  }
0xe7: {  	v18 =	vor.u32 v16, v18;
	v19 =	vor.u32 v16, v19;
	v31 =	vor.u32 v31, v20  }
0xe8: {  	v21 =	vor.u32 v16, v21;
	v25 =	vor.u32 v16, v23;
	v56 =	vor.u32 v28, v20  }
0xe9: {  	v24 =	vor.u32 v16, v24;
	v23 =	vshll.u32 v52, $0x7;
	v30 =	vor.u32 v30, v20  }
0xea: {  	v33 =	vor.u32 v16, v63;
	v27 =	vshll.u32 v27, $0x7;
	v57 =	vor.u32 v52, v20;
	v32 =	vld.idx.msk [tilespmem:v54+s14+$0x0], $0xffff  }
0xeb: {  	v22 =	vshll.u32 v53, $0x7;
	v26 =	vor.u32 v16, v27;
	v27 =	vor.u32 v53, v20;
	v43 =	vld.idx.msk [tilespmem:v55+s14+$0x0], $0xffff  }
0xec: {  	v36 =	vor.u32 v16, v61;
	v23 =	vor.u32 v16, v23;
	v22 =	vor.u32 v16, v22;
	v44 =	vld.idx.msk [tilespmem:v31+s14+$0x0], $0xffff  }
0xed: {  	v41 =	vor.u32 v29, v20;
	v28 =	vor.u32 v58, v20;
	v29 =	vor.u32 v59, v20;
	v45 =	vld.idx.msk [tilespmem:v56+s14+$0x0], $0xffff  }
0xee: {  	v35 =	vor.u32 v60, v20;
	v37 =	vor.u32 v62, v20;
	v31 =	vshll.u32 v62, $0x7;
	v46 =	vld.idx.msk [tilespmem:v30+s14+$0x0], $0xffff  }
0xef: {  	v38 =	vor.u32 v42, v20;
	v47 =	vld.idx.msk [tilespmem:v57+s14+$0x0], $0xffff;
	v30 =	vor.u32 v16, v31;
	v31 =	vshll.u32 v49, $0x7  }
0xf0: {  	s26 =	simm.s32 $0x10;
	v39 =	vor.u32 v49, v20;
	v40 =	vld.idx.msk [tilespmem:v27+s14+$0x0], $0xffff;
	v27 =	vor.u32 v34, v20;
	v31 =	vor.u32 v16, v31  }
.LBB2_7:
0xf1: {  	p2 =	sne.s32 s26, $0x1F0  }
0xf2: {  	v41 =	vld.idx.msk [tilespmem:v41+s14+$0x0], $0xffff;
	v34 =	vshll.u32 v34, $0x7;
	s24 =	sadd.s32 $0x4, s24;
	s29 =	smov.u32 s26;
	s26 =	sadd.s32 $0x10, s26  }
0xf3: {  	[tilespmem:v25+s15+$0x0] =	vst.idx.msk $0xffff, v43;
	v25 =	vor.u32 v16, v48;
	v34 =	vor.u32 v16, v34  }
0xf4: {  	[tilespmem:v21+s15+$0x0] =	vst.idx.msk $0xffff, v44  }
0xf5: {  	v21 =	vshll.u32 v42, $0x7;
	[tilespmem:v24+s15+$0x0] =	vst.idx.msk $0xffff, v45  }
0xf6: {  	s28 =	sand.u32 $0x70, s24;
	[tilespmem:v19+s15+$0x0] =	vst.idx.msk $0xffff, v46;
	v19 =	vor.u32 v16, v21  }
0xf7: {  	v21 =	vor.u32 s28, v0;
	[tilespmem:v23+s15+$0x0] =	vst.idx.msk $0xffff, v47  }
0xf8: {  	[tilespmem:v18+s15+$0x0] =	vst.idx.msk $0xffff, v41  }
0xf9: {  	[tilespmem:v26+s15+$0x0] =	vst.idx.msk $0xffff, v32  }
0xfa: {  	v18 =	vor.u32 s25, v14;
	[tilespmem:v22+s15+$0x0] =	vst.idx.msk $0xffff, v40  }
0xfb: {  	v20 =	vor.u32 v18, v20;
	v18 =	vshll.u32 v18, $0x7;
	v22 =	vld.idx.msk [tilespmem:v35+s14+$0x0], $0xffff  }
0xfc: {  	v24 =	vor.u32 v16, v18;
	v16 =	vmov v21;
	v23 =	vld.idx.msk [tilespmem:v28+s14+$0x0], $0xffff  }
0xfd: {  	v18 =	vld.idx.msk [tilespmem:v29+s14+$0x0], $0xffff  }
0xfe: {  	v28 =	vshll.u32 v16, $0x7;
	v21 =	vld.idx.msk [tilespmem:v37+s14+$0x0], $0xffff  }
0xff: {  	v26 =	vld.idx.msk [tilespmem:v38+s14+$0x0], $0xffff  }
0x100: {  	v20 =	vld.idx.msk [tilespmem:v20+s14+$0x0], $0xffff  }
0x101: {  	v29 =	vld.idx.msk [tilespmem:v39+s14+$0x0], $0xffff  }
0x102: {  	v27 =	vld.idx.msk [tilespmem:v27+s14+$0x0], $0xffff  }
0x103: {  	[tilespmem:v33+s15+$0x0] =	vst.idx.msk $0xffff, v18  }
0x104: {  	[tilespmem:v25+s15+$0x0] =	vst.idx.msk $0xffff, v23  }
0x105: {  	s25 =	sand.u32 $0x30, s29;
	[tilespmem:v36+s15+$0x0] =	vst.idx.msk $0xffff, v22  }
0x106: {  	v32 =	vor.u32 s25, v0;
	v33 =	vor.u32 s25, v7;
	[tilespmem:v30+s15+$0x0] =	vst.idx.msk $0xffff, v21  }
0x107: {  	v35 =	vor.u32 s25, v5;
	v30 =	vor.u32 s25, v2;
	[tilespmem:v19+s15+$0x0] =	vst.idx.msk $0xffff, v26  }
0x108: {  	v18 =	vshll.u32 v35, $0x7;
	v36 =	vor.u32 s25, v3;
	[tilespmem:v31+s15+$0x0] =	vst.idx.msk $0xffff, v29  }
0x109: {  	v18 =	vor.u32 v16, v18;
	v29 =	vor.u32 s25, v1;
	v31 =	vor.u32 s25, v4;
	[tilespmem:v24+s15+$0x0] =	vst.idx.msk $0xffff, v20  }
0x10a: {  	v37 =	vor.u32 s25, v8;
	v19 =	vshll.u32 v36, $0x7;
	[tilespmem:v34+s15+$0x0] =	vst.idx.msk $0xffff, v27  }
0x10b: {  	v19 =	vor.u32 v16, v19;
	v21 =	vshll.u32 v29, $0x7;
	v20 =	vld.idx.msk [tilespmem:v17+s28+$0x0 ss:$0x1], $0xffff  }
0x10c: {  	v21 =	vor.u32 v16, v21  }
0x10d: {  	v22 =	vshll.u32 v32, $0x7;
	v23 =	vshll.u32 v30, $0x7  }
0x10e: {  	v25 =	vor.u32 v16, v22;
	v24 =	vor.u32 v16, v23  }
0x10f: {  	v26 =	vshll.u32 v37, $0x7;
	v22 =	vshll.u32 v31, $0x7  }
0x110: {  	v23 =	vor.u32 v16, v22;
	v22 =	vor.u32 v16, v26  }
0x111: {  	v26 =	vshll.u32 v33, $0x7;
	v20 =	vshll.u32 v20, $0x6  }
0x112: {  	v26 =	vor.u32 v16, v26;
	v20 =	vand.u32 $0x40, v20  }
0x113: {  	v20 =	vor.u32 v28, v20  }
0x114: {  	v27 =	vor.u32 v32, v20;
	v38 =	vor.u32 v29, v20;
	v28 =	vor.u32 v33, v20  }
0x115: {  	v30 =	vor.u32 v30, v20;
	v36 =	vor.u32 v36, v20;
	v31 =	vor.u32 v31, v20  }
0x116: {  	v41 =	vor.u32 v35, v20;
	v33 =	vor.u32 v37, v20;
	_ =	sdelay $0x1  }
0x117: {  	v48 =	vor.u32 s25, v9;
	v34 =	vor.u32 s25, v15  }
0x118: {  	v39 =	vor.u32 s25, v10;
	v37 =	vor.u32 s25, v6;
	v32 =	vld.idx.msk [tilespmem:v28+s14+$0x0], $0xffff;
	v28 =	vor.u32 v48, v20  }
0x119: {  	v49 =	vshll.u32 v39, $0x7;
	v35 =	vor.u32 v39, v20;
	v29 =	vor.u32 v37, v20;
	v43 =	vld.idx.msk [tilespmem:v27+s14+$0x0], $0xffff  }
.Ltmp6:
0x11a: {  	v39 =	vshll.u32 v37, $0x7;
	v27 =	vor.u32 v34, v20;
	v40 =	vld.idx.msk [tilespmem:v33+s14+$0x0], $0xffff;
	v33 =	vor.u32 s25, v11;
	(pc) =	sbr.rel @p2 .LBB2_7-.Ltmp6, $4  }
0x11b: {  	v42 =	vor.u32 s25, v12;
	v44 =	vld.idx.msk [tilespmem:v38+s14+$0x0], $0xffff;
	v37 =	vor.u32 v33, v20;
	v47 =	vshll.u32 v33, $0x7  }
0x11c: {  	v50 =	vor.u32 s25, v13;
	v38 =	vor.u32 v42, v20;
	v33 =	vor.u32 v16, v39;
	v45 =	vld.idx.msk [tilespmem:v30+s14+$0x0], $0xffff  }
0x11d: {  	v39 =	vor.u32 v50, v20;
	v50 =	vshll.u32 v50, $0x7;
	v30 =	vor.u32 v16, v47;
	v46 =	vld.idx.msk [tilespmem:v36+s14+$0x0], $0xffff  }
0x11e: {  	v48 =	vshll.u32 v48, $0x7;
	v36 =	vor.u32 v16, v49;
	v47 =	vld.idx.msk [tilespmem:v31+s14+$0x0], $0xffff;
	v31 =	vor.u32 v16, v50  }
0x11f: {  	_ =	sdelay $0x3  }
0x120: {  	v17 =	vld.idx.msk [tilespmem:v41+s14+$0x0], $0xffff;
	[tilespmem:v25+s15+$0x0] =	vst.idx.msk $0xffff, v43  }
0x121: {  	[tilespmem:v21+s15+$0x0] =	vst.idx.msk $0xffff, v44  }
0x122: {  	[tilespmem:v24+s15+$0x0] =	vst.idx.msk $0xffff, v45  }
0x123: {  	[tilespmem:v19+s15+$0x0] =	vst.idx.msk $0xffff, v46  }
0x124: {  	[tilespmem:v23+s15+$0x0] =	vst.idx.msk $0xffff, v47  }
0x125: {  	[tilespmem:v18+s15+$0x0] =	vst.idx.msk $0xffff, v17  }
0x126: {  	[tilespmem:v26+s15+$0x0] =	vst.idx.msk $0xffff, v32  }
0x127: {  	[tilespmem:v22+s15+$0x0] =	vst.idx.msk $0xffff, v40  }
0x128: {  	v18 =	vld.idx.msk [tilespmem:v35+s14+$0x0], $0xffff  }
0x129: {  	v17 =	vor.u32 s25, v14;
	v60 =	vld.idx.msk [tilespmem:v28+s14+$0x0], $0xffff  }
0x12a: {  	v59 =	vor.u32 v17, v20;
	v21 =	vld.idx.msk [tilespmem:v29+s14+$0x0], $0xffff  }
0x12b: {  	v61 =	vor.u32 v16, v48;
	v22 =	vld.idx.msk [tilespmem:v37+s14+$0x0], $0xffff  }
0x12c: {  	v24 =	vld.idx.msk [tilespmem:v38+s14+$0x0], $0xffff  }
0x12d: {  	v62 =	vshll.u32 v42, $0x7;
	v26 =	vld.idx.msk [tilespmem:v39+s14+$0x0], $0xffff  }
0x12e: {  	v25 =	vor.u32 v16, v62;
	v27 =	vld.idx.msk [tilespmem:v27+s14+$0x0], $0xffff  }
0x12f: {  	v17 =	vshll.u32 v17, $0x7;
	v19 =	vld.idx.msk [tilespmem:v59+s14+$0x0], $0xffff;
	[tilespmem:v33+s15+$0x0] =	vst.idx.msk $0xffff, v21  }
0x130: {  	v63 =	vshll.u32 v34, $0x7;
	v17 =	vor.u32 v16, v17;
	[tilespmem:v61+s15+$0x0] =	vst.idx.msk $0xffff, v60  }
0x131: {  	v16 =	vor.u32 v16, v63;
	[tilespmem:v36+s15+$0x0] =	vst.idx.msk $0xffff, v18  }
0x132: {  	[tilespmem:v30+s15+$0x0] =	vst.idx.msk $0xffff, v22  }
0x133: {  	[tilespmem:v25+s15+$0x0] =	vst.idx.msk $0xffff, v24  }
0x134: {  	[tilespmem:v31+s15+$0x0] =	vst.idx.msk $0xffff, v26  }
0x135: {  	[tilespmem:v17+s15+$0x0] =	vst.idx.msk $0xffff, v19  }
0x136: {  	[tilespmem:v16+s15+$0x0] =	vst.idx.msk $0xffff, v27  }
0x137: {  	v16 =	vld @!p1 [tilespmem:s22+$0x180];
	_ =	sdelay $0x4  }
0x138: {  	v16 =	vshrl.u32 @!p1 v16, $0x1  }
0x139: {  	[tilespmem:$0x480] =	vst @!p1 v16  }
0x13a: {  	v16 =	vld @!p1 [tilespmem:s22+$0x190];
	_ =	sdelay $0x4  }
0x13b: {  	v16 =	vshrl.u32 @!p1 v16, $0x1  }
0x13c: {  	[tilespmem:$0x490] =	vst @!p1 v16  }
0x13d: {  	v16 =	vld @!p1 [tilespmem:s22+$0x1A0];
	_ =	sdelay $0x4  }
0x13e: {  	v16 =	vshrl.u32 @!p1 v16, $0x1  }
0x13f: {  	[tilespmem:$0x4A0] =	vst @!p1 v16  }
0x140: {  	v16 =	vld @!p1 [tilespmem:s22+$0x1B0];
	_ =	sdelay $0x4  }
0x141: {  	v16 =	vshrl.u32 @!p1 v16, $0x1  }
0x142: {  	[tilespmem:$0x4B0] =	vst @!p1 v16  }
0x143: {  	v16 =	vld @!p1 [tilespmem:s22+$0x1C0];
	_ =	sdelay $0x4  }
0x144: {  	v16 =	vshrl.u32 @!p1 v16, $0x1  }
0x145: {  	[tilespmem:$0x4C0] =	vst @!p1 v16  }
0x146: {  	v16 =	vld @!p1 [tilespmem:s22+$0x1D0];
	_ =	sdelay $0x4  }
0x147: {  	v16 =	vshrl.u32 @!p1 v16, $0x1  }
0x148: {  	[tilespmem:$0x4D0] =	vst @!p1 v16  }
0x149: {  	v16 =	vld @!p1 [tilespmem:s22+$0x1E0];
	_ =	sdelay $0x4  }
0x14a: {  	v16 =	vshrl.u32 @!p1 v16, $0x1  }
0x14b: {  	[tilespmem:$0x4E0] =	vst @!p1 v16  }
0x14c: {  	v16 =	vld @!p1 [tilespmem:s22+$0x1F0];
	_ =	sdelay $0x4  }
0x14d: {  	s24 =	simm.s32 @!p1 $0x480;
	v16 =	vshrl.u32 @!p1 v16, $0x1  }
0x14e: {  	s31 =	sadd.s32 s18, s23;
	s25 =	simm.s32 @!p1 $0x4500;
	s22 =	simm.s32 @!p1 $0x80;
	[tilespmem:$0x4F0] =	vst @!p1 v16  }
0x14f: {  	[tilespmem:s25], [sflag:$0x1] =	stream.indirect.gather @!p1 [hbm4b:s6+s22], $0x80, s24, s22, $0xb8;
	[tilespmem:$0xA500] =	vst v63  }
0x150: {  	s22 =	sshll.u32 s31, $0x10  }
0x151: {  	s22 =	sadd.s32 s19, s22  }
0x152: {  	s21 =	sadd.s32 $0x1, s21;
	s22 =	sshrl.u32 s22, $0x3  }
0x153: {  	p1 =	sne.s32 s21, $0x4;
	s22 =	sadd.s32 s2, s22  }
0x154: {  	[hbm4b:s22+s11] =	stream.strided.scatter [tilespmem:s15], [sflag:$0x2], $0x2000, s16, s11, $0x38;
	[tilespmem:$0xA500] =	vst v63  }
.Ltmp7:
0x155: {  	_ = 	snop;
	(pc) =	sbr.rel @p1 .LBB2_4-.Ltmp7, $4  }
.Ltmp8:
0x156: {  	_ = 	snop;
	(pc) =	sbr.rel @!p1 .LBB2_9-.Ltmp8, $4  }
0x157: {  	_ =	swait.ge [sflag:s9], $0x2000  }
0x158: {  	[sflag:s9] =	ssyncset.done $0x0  }
0x159: {  	[sflag:s9] =	ssyncadd.s32 $0xFFFFE000  }
0x15a: {  	_ = 	snop  }
.LBB2_11:
0x15b: {  	_ =	sfence.sel $0x180000  }
0x15c: {  	[bflag:$0x0] =	sbarrier.arrive $0xFFFF  }
0x15d: {  	p0 =	sne.s32 s3, $0x0;
	_ =	strace $0x9000004A  }
0x15e: {  	s0 =	sadd.s32 @!p0 $0x100000, s1;
	[bflag:$0x2] =	sbarrier.arrive $0xFFFF  }
0x15f: {  	[sflag:s0] =	ssyncadd.tile.s32 @!p0 $0x1;
	_ =	shalt  }
.Lfunc_end2:
_tile_overlayer_lowered:
.L_overlay_start_2:
0x160: {  	(tag) =	ssettag $0x2  }
0x161: {  	s0 =	rddreg [dreg:$0x0];
	s2 =	stileid.u32  }
0x162: {  	s1 =	rddreg [dreg:$0x1];
	p0 =	sne.s32 s2, $0x0  }
0x163: {  	s3 =	rddreg [dreg:$0x2];
	[bflag:$0x3] =	sbarrier.arrive $0xFFFF;
	s2 =	simm.s32 @!p0 $0x1C02  }
0x164: {  	[timem:s3], [sflag:s2] =	dma.local @!p0 [hbm:s0], s1  }
0x165: {  	s0 =	simm.s32 @!p0 $0x2  }
0x166: {  	_ =	swait.ge @!p0 [sflag:s0], s1  }
0x167: {  	s1 =	ssub.s32 @!p0 $0x0, s1;
	[sflag:s0] =	ssyncset.done @!p0 $0x0  }
0x168: {  	[sflag:s0] =	ssyncadd.s32 @!p0 s1  }
0x169: {  	[bflag:$0x3] =	sbarrier.arrive $0xFFFF  }
0x16a: {  	_ =	shalt  }

</sc_bundles>
